<compile_context>
chip_gen: v7x
topology: tpu7x:2x2x1
jax: 0.10.2.dev20260603
libtpu: 0.0.44.dev20260713+nightly
codegen_flags: <defaults>
</compile_context>

<pallas_src>
import functools

import jax
import jax.numpy as jnp
from jax import lax
from jax.experimental import pallas as pl
from jax.experimental.pallas import tpu as pltpu
from jax.experimental.pallas import tpu_sc as plsc

N = 307
U = 100
UP = 112
IN = 3
B = 64
E = 340
ET = E + N
NG = (ET + 15) // 16
ETP = NG * 16
BN = B * N
ROW_BLOCKS = 4
RB = BN // ROW_BLOCKS
NEG = -1e30
UPS = 113
NR = 312
UPW = 227
XRO = 112
SPAN = N * UPW
XSZ = BN * UPW
WIN = 69712



def _tc_pre_body(st_ref, ip_ref, lst_ref, lip_ref, lb_ref, rst_ref, rip_ref,
                 rb_ref, w1ip_ref, b1_ref, w2ip_ref, b2_ref,
                 xlr_ref, p1_ref, p2_ref):
    st = st_ref[...]
    ip = ip_ref[...]
    dot = functools.partial(jnp.dot, preferred_element_type=jnp.float32)
    xlr_ref[:, :UP] = dot(st, lst_ref[...]) + dot(ip, lip_ref[...]) + lb_ref[...]
    xlr_ref[:, XRO:XRO + UP] = (dot(st, rst_ref[...]) + dot(ip, rip_ref[...])
                                + rb_ref[...])
    p1_ref[...] = dot(ip, w1ip_ref[...]) + b1_ref[...]
    p2_ref[...] = dot(ip, w2ip_ref[...]) + b2_ref[...]


def _tc_pre(st2d, ip2d, Lst, Lip, lbp, Rst, Rip, rbp, W1ip, b1p, W2ip, b2p):
    return pl.pallas_call(
        _tc_pre_body,
        grid=(ROW_BLOCKS,),
        in_specs=[
            pl.BlockSpec((RB, U), lambda i: (i, 0)),
            pl.BlockSpec((RB, IN), lambda i: (i, 0)),
            pl.BlockSpec((U, UP), lambda i: (0, 0)),
            pl.BlockSpec((IN, UP), lambda i: (0, 0)),
            pl.BlockSpec((1, UP), lambda i: (0, 0)),
            pl.BlockSpec((U, UP), lambda i: (0, 0)),
            pl.BlockSpec((IN, UP), lambda i: (0, 0)),
            pl.BlockSpec((1, UP), lambda i: (0, 0)),
            pl.BlockSpec((IN, 2 * UP), lambda i: (0, 0)),
            pl.BlockSpec((1, 2 * UP), lambda i: (0, 0)),
            pl.BlockSpec((IN, UP), lambda i: (0, 0)),
            pl.BlockSpec((1, UP), lambda i: (0, 0)),
        ],
        out_specs=[
            pl.BlockSpec((RB, UPW), lambda i: (i, 0)),
            pl.BlockSpec((RB, 2 * UP), lambda i: (i, 0)),
            pl.BlockSpec((RB, UP), lambda i: (i, 0)),
        ],
        out_shape=[
            jax.ShapeDtypeStruct((BN, UPW), jnp.float32),
            jax.ShapeDtypeStruct((BN, 2 * UP), jnp.float32),
            jax.ShapeDtypeStruct((BN, UP), jnp.float32),
        ],
    )(st2d, ip2d, Lst, Lip, lbp, Rst, Rip, rbp, W1ip, b1p, W2ip, b2p)




def _tc_post_body(x1_ref, p1_ref, p2_ref, w1h_ref, w2h_ref, bv_ref, out_ref):
    dot = functools.partial(jnp.dot, preferred_element_type=jnp.float32)
    x1p = x1_ref[...]
    x1 = jnp.concatenate(
        [x1p[k * NR:k * NR + N, :UP] for k in range(B // ROW_BLOCKS)], axis=0)
    st2 = x1 + bv_ref[...]
    v = jax.nn.sigmoid(p1_ref[...] + dot(st2, w1h_ref[...]))
    r = v[:, :UP]
    u = v[:, UP:]
    c = jnp.tanh(p2_ref[...] + dot(r * st2, w2h_ref[...]))
    o = u * st2 + (1.0 - u) * c
    out_ref[...] = o[:, :U]


def _tc_post(x1, P1, P2, W1h, W2h, bvec):
    return pl.pallas_call(
        _tc_post_body,
        grid=(ROW_BLOCKS,),
        in_specs=[
            pl.BlockSpec((B // ROW_BLOCKS * NR, UPS), lambda i: (i, 0)),
            pl.BlockSpec((RB, 2 * UP), lambda i: (i, 0)),
            pl.BlockSpec((RB, UP), lambda i: (i, 0)),
            pl.BlockSpec((UP, 2 * UP), lambda i: (0, 0)),
            pl.BlockSpec((UP, UP), lambda i: (0, 0)),
            pl.BlockSpec((1, UP), lambda i: (0, 0)),
        ],
        out_specs=pl.BlockSpec((RB, U), lambda i: (i, 0)),
        out_shape=jax.ShapeDtypeStruct((BN, U), jnp.float32),
    )(x1, P1, P2, W1h, W2h, bvec)



_info = plsc.get_sparse_core_info()
_NC = _info.num_cores
_NS = _info.num_subcores
_NW = _NC * _NS
_BPW = B // _NW
_DEN = 320


def _sc_edge_body(xlr_hbm, src_hbm, dst_hbm, att_hbm, out_hbm,
                  xlr_v, out_v, src_v, dst_v, att_v, logit_v, e_v,
                  denom_v):
    cid = lax.axis_index("c")
    sid = lax.axis_index("s")
    wid = sid * _NC + cid
    pltpu.sync_copy(src_hbm, src_v)
    pltpu.sync_copy(dst_hbm, dst_v)
    pltpu.sync_copy(att_hbm, att_v)
    zero16 = jnp.zeros((16,), jnp.float32)

    for bi in range(_BPW):
        b = wid * _BPW + bi
        off = jnp.minimum((b * SPAN) // 8 * 8, XSZ - WIN)
        off = pl.multiple_of(off, 8)
        delta = b * SPAN - off
        pltpu.sync_copy(xlr_hbm.at[pl.ds(off, WIN)], xlr_v)

        def group_a(g, gmax):
            sbase = src_v[pl.ds(g * 16, 16)] * UPW + delta
            dbase = dst_v[pl.ds(g * 16, 16)] * UPW + (delta + XRO)

            def chunk_a(cu, accs):
                attc = att_v[pl.ds(cu * 16, 16)]
                bs = sbase + cu * 16
                bd = dbase + cu * 16
                outs = list(accs)
                for j in range(16):
                    xlc = plsc.load_gather(xlr_v, [bs + j])
                    xrc = plsc.load_gather(xlr_v, [bd + j])
                    m = xlc + xrc
                    m = jnp.maximum(m, 0.2 * m)
                    outs[j % 4] = outs[j % 4] + m * attc[j]
                return tuple(outs)

            a0, a1, a2, a3 = plsc.parallel_loop(
                0, UP // 16, carry=(zero16,) * 4)(chunk_a)
            acc = (a0 + a1) + (a2 + a3)
            lane = g * 16 + lax.iota(jnp.int32, 16)
            lg = jnp.where(lane < ET, acc, NEG)
            logit_v[pl.ds(g * 16, 16)] = lg
            return jnp.maximum(gmax, lg)

        gmaxv = plsc.parallel_loop(
            0, NG, unroll=2,
            carry=jnp.full((16,), NEG, jnp.float32))(group_a)
        gmax = jnp.max(gmaxv)

        for i in range(_DEN // 16):
            denom_v[pl.ds(i * 16, 16)] = zero16

        def group_b(g, carry):
            lg = logit_v[pl.ds(g * 16, 16)]
            e16 = jnp.exp(lg - gmax)
            e_v[pl.ds(g * 16, 16)] = e16
            dst16 = dst_v[pl.ds(g * 16, 16)]
            plsc.addupdate_scatter(denom_v, [dst16], e16)
            return carry

        plsc.parallel_loop(0, NG, unroll=2, carry=jnp.int32(0))(group_b)

        def zout(i, carry):
            for j in range(4):
                out_v[pl.ds((i * 4 + j) * 16, 16)] = zero16
            return carry

        plsc.parallel_loop(0, 544, unroll=2, carry=jnp.int32(0))(zout)

        def group_c(g, carry):
            dst16 = dst_v[pl.ds(g * 16, 16)]
            sbase = src_v[pl.ds(g * 16, 16)] * UPW + delta
            dbase = dst16 * UPS
            e16 = e_v[pl.ds(g * 16, 16)]
            den = plsc.load_gather(denom_v, [dst16])
            alpha = e16 / (den + 1e-16)

            def chunk_c(cu, carry2):
                bs = sbase + cu * 16
                bd = dbase + cu * 16
                for j in range(16):
                    xlc = plsc.load_gather(xlr_v, [bs + j])
                    plsc.addupdate_scatter(out_v, [bd + j], alpha * xlc)
                return carry2

            plsc.parallel_loop(0, UP // 16, carry=jnp.int32(0))(chunk_c)
            return carry

        plsc.parallel_loop(0, NG, unroll=2, carry=jnp.int32(0))(group_c)
        pltpu.sync_copy(
            out_v,
            out_hbm.at[pl.ds(pl.multiple_of(b * (NR * UPS), 8), NR * UPS)])


_sc_edge = functools.partial(
    pl.kernel,
    out_type=jax.ShapeDtypeStruct((B * NR * UPS,), jnp.float32),
    mesh=plsc.VectorSubcoreMesh(core_axis_name="c", subcore_axis_name="s"),
    compiler_params=pltpu.CompilerParams(needs_layout_passes=False),
    scratch_types=[
        pltpu.VMEM((WIN,), jnp.float32),
        pltpu.VMEM((NR * UPS,), jnp.float32),
        pltpu.VMEM((ETP,), jnp.int32),
        pltpu.VMEM((ETP,), jnp.int32),
        pltpu.VMEM((UP + 16,), jnp.float32),
        pltpu.VMEM((ETP,), jnp.float32),
        pltpu.VMEM((ETP,), jnp.float32),
        pltpu.VMEM((_DEN,), jnp.float32),
    ],
)(_sc_edge_body)




def kernel(inputs, state, edge_index, bias_1, W_gcn1, b_gcn1, W_gcn2, b_gcn2,
           linl_w, linl_b, linr_w, linr_b, att, gat_bias):
    ip2d = inputs.reshape(BN, IN)
    st2d = state.reshape(BN, U)
    loops = jnp.arange(N, dtype=edge_index.dtype)
    src = jnp.pad(jnp.concatenate([edge_index[0], loops]), (0, ETP - ET))
    dst = jnp.pad(jnp.concatenate([edge_index[1], loops]), (0, ETP - ET))

    pad1 = lambda v: jnp.pad(v, (0, UP - U))
    row1 = lambda v: v.reshape(1, -1)
    Lst = jnp.pad(linl_w[:U], [(0, 0), (0, UP - U)])
    Lip = jnp.pad(linl_w[U:], [(0, 0), (0, UP - U)])
    Rst = jnp.pad(linr_w[:U], [(0, 0), (0, UP - U)])
    Rip = jnp.pad(linr_w[U:], [(0, 0), (0, UP - U)])
    W1h = jnp.concatenate(
        [jnp.pad(W_gcn1[IN:, :U], [(0, UP - U), (0, UP - U)]),
         jnp.pad(W_gcn1[IN:, U:], [(0, UP - U), (0, UP - U)])], axis=1)
    W1ip = jnp.concatenate(
        [jnp.pad(W_gcn1[:IN, :U], [(0, 0), (0, UP - U)]),
         jnp.pad(W_gcn1[:IN, U:], [(0, 0), (0, UP - U)])], axis=1)
    b1p = jnp.concatenate([pad1(b_gcn1[:U]), pad1(b_gcn1[U:])])
    W2h = jnp.pad(W_gcn2[IN:], [(0, UP - U), (0, UP - U)])
    W2ip = jnp.pad(W_gcn2[:IN], [(0, 0), (0, UP - U)])

    XLR, P1, P2 = _tc_pre(st2d, ip2d, Lst, Lip, row1(pad1(linl_b)),
                          Rst, Rip, row1(pad1(linr_b)),
                          W1ip, row1(b1p), W2ip, row1(pad1(b_gcn2)))

    x1 = _sc_edge(XLR.reshape(XSZ),
                  src.astype(jnp.int32), dst.astype(jnp.int32),
                  jnp.pad(att, (0, UP + 16 - U)))

    out = _tc_post(x1.reshape(B * NR, UPS), P1, P2, W1h, W2h,
                   row1(pad1(bias_1 + gat_bias)))
    return out.reshape(B, N * U)

# --- scband reference (transcript-rebuilt; emitter-appended) ---
"""Pipeline reference for scband-tgcncell-67989332295852 (READ-ONLY COPY).

The authoritative reference and input builder live on the scoring server;
editing this copy changes nothing except your own understanding.
"""

import jax, jax.numpy as jnp
import numpy as np

NUM_NODES = 307
NUM_UNITS = 100
INPUT_DIM = 3
BATCH = 64
NUM_EDGES = 340
IN_CH = NUM_UNITS + INPUT_DIM

def _glorot(key, shape):
    s = float(np.sqrt(6.0 / (shape[0] + shape[1])))
    return jax.random.uniform(key, shape, dtype=jnp.float32, minval=-s, maxval=s)

def setup_inputs(seed: int = 0):
    key = jax.random.key(seed)
    ks = jax.random.split(key, 16)
    return {
        "inputs": jax.random.normal(ks[0], (BATCH, NUM_NODES * INPUT_DIM), dtype=jnp.float32),
        "state": jax.random.normal(ks[1], (BATCH, NUM_NODES * NUM_UNITS), dtype=jnp.float32),
        "edge_index": jax.random.randint(ks[2], (2, NUM_EDGES), 0, NUM_NODES, dtype=jnp.int32),
        "bias_1": jnp.zeros((NUM_UNITS,), dtype=jnp.float32),
        "W_gcn1": _glorot(ks[3], (IN_CH, 2 * NUM_UNITS)),
        "b_gcn1": jnp.zeros((2 * NUM_UNITS,), dtype=jnp.float32),
        "W_gcn2": _glorot(ks[4], (IN_CH, NUM_UNITS)),
        "b_gcn2": jnp.zeros((NUM_UNITS,), dtype=jnp.float32),
        "linl_w": _glorot(ks[5], (IN_CH, NUM_UNITS)),
        "linl_b": jnp.zeros((NUM_UNITS,), dtype=jnp.float32),
        "linr_w": _glorot(ks[6], (IN_CH, NUM_UNITS)),
        "linr_b": jnp.zeros((NUM_UNITS,), dtype=jnp.float32),
        "att": _glorot(ks[7], (NUM_UNITS, 1))[:, 0],
        "gat_bias": jnp.zeros((NUM_UNITS,), dtype=jnp.float32),
    }

def _gatv2(x, src, dst, linl_w, linl_b, linr_w, linr_b, att, gat_bias):
    # GATv2Conv, heads=1, negative_slope=0.2, add_self_loops handled by caller
    xl = x @ linl_w + linl_b
    xr = x @ linr_w + linr_b
    m = xl[src] + xr[dst]
    m = jnp.where(m > 0, m, 0.2 * m)
    logits = jnp.sum(m * att, axis=-1)
    mx = jax.ops.segment_max(logits, dst, num_segments=NUM_NODES)
    e = jnp.exp(logits - mx[dst])
    denom = jax.ops.segment_sum(e, dst, num_segments=NUM_NODES)
    alpha = e / (denom[dst] + 1e-16)
    out = jax.ops.segment_sum(alpha[:, None] * xl[src], dst, num_segments=NUM_NODES)
    return out + gat_bias

def _forward(inputs, state, edge_index, bias_1, W_gcn1, b_gcn1, W_gcn2, b_gcn2, linl_w, linl_b, linr_w, linr_b, att, gat_bias):
    B = state.shape[0]
    ip = inputs.reshape(B, NUM_NODES, INPUT_DIM)
    st = state.reshape(B, NUM_NODES, NUM_UNITS)
    # _gc3: concat [state, inputs] -> per-batch GATv2Conv(103, 100) + bias_1
    xs = jnp.concatenate([st, ip], axis=2)
    loops = jnp.arange(NUM_NODES, dtype=edge_index.dtype)
    src = jnp.concatenate([edge_index[0], loops])
    dst = jnp.concatenate([edge_index[1], loops])
    x1 = jax.vmap(lambda xi: _gatv2(xi, src, dst, linl_w, linl_b, linr_w, linr_b, att, gat_bias))(xs)
    x1 = x1 + bias_1
    state2 = x1.reshape(B, NUM_NODES * NUM_UNITS)

    def grulinear(hid_flat, W, b, out_dim):
        h = hid_flat.reshape(B, NUM_NODES, NUM_UNITS)
        cat = jnp.concatenate([ip, h], axis=2).reshape(-1, IN_CH)
        return (cat @ W + b).reshape(B, NUM_NODES, out_dim)

    value = jax.nn.sigmoid(grulinear(state2, W_gcn1, b_gcn1, 2 * NUM_UNITS))
    r, u = jnp.split(value, 2, axis=-1)
    r = r.reshape(-1, NUM_NODES * NUM_UNITS)
    u = u.reshape(-1, NUM_NODES * NUM_UNITS)
    c = jnp.tanh(grulinear(r * state2, W_gcn2, b_gcn2, NUM_UNITS))
    c = c.reshape(-1, NUM_NODES * NUM_UNITS)
    return u * state2 + (1.0 - u) * c

def reference(inputs, state, edge_index, bias_1, W_gcn1, b_gcn1, W_gcn2, b_gcn2, linl_w, linl_b, linr_w, linr_b, att, gat_bias):
    return _forward(inputs, state, edge_index, bias_1, W_gcn1, b_gcn1, W_gcn2, b_gcn2, linl_w, linl_b, linr_w, linr_b, att, gat_bias)

if __name__ == "__main__":
    import jax
    _d = setup_inputs()
    print(jax.jit(kernel)(*tuple(_d.values())))

</pallas_src>

<mosaic_0001>
#map = affine_map<(d0, d1) -> (0)>
module attributes {stable_mosaic.version = 14 : i64} {
  func.func @_sc_edge_body(%arg0: i32, %arg1: i32, %arg2: memref<4460096xf32, #tpu.memory_space<hbm>>, %arg3: memref<656xi32, #tpu.memory_space<hbm>>, %arg4: memref<656xi32, #tpu.memory_space<hbm>>, %arg5: memref<128xf32, #tpu.memory_space<hbm>>, %arg6: memref<2256384xf32, #tpu.memory_space<hbm>>, %arg7: memref<69712xf32, #tpu.memory_space<vmem>>, %arg8: memref<35256xf32, #tpu.memory_space<vmem>>, %arg9: memref<656xi32, #tpu.memory_space<vmem>>, %arg10: memref<656xi32, #tpu.memory_space<vmem>>, %arg11: memref<128xf32, #tpu.memory_space<vmem>>, %arg12: memref<656xf32, #tpu.memory_space<vmem>>, %arg13: memref<656xf32, #tpu.memory_space<vmem>>, %arg14: memref<320xf32, #tpu.memory_space<vmem>>) attributes {dimension_semantics = [#tpu.dimension_semantics<core_parallel>, #tpu.dimension_semantics<subcore_parallel>], iteration_bounds = array<i64: 2, 16>, scalar_prefetch = 0 : i64, scratch_operands = 8 : i64, tpu.core_type = #tpu.core_type<sc_vector_subcore>, window_params = [{transform_indices = #map}, {transform_indices = #map}, {transform_indices = #map}, {transform_indices = #map}, {transform_indices = #map}]} {
    %mul3A = arith.constant 2 : i32
    %mul3A_0 = arith.muli %arg1, %mul3A : i32
    %add3A = arith.addi %mul3A_0, %arg0 : i32
    "tpu.region"() ({
      %run_scoped3A = tpu.sem_alloc : memref<!tpu.dma_semaphore, #tpu.memory_space<semaphore_mem>>
      tpu.enqueue_dma source(%arg3 : memref<656xi32, #tpu.memory_space<hbm>>) target(%arg9 : memref<656xi32, #tpu.memory_space<vmem>>) target_semaphore(%run_scoped3A : memref<!tpu.dma_semaphore, #tpu.memory_space<semaphore_mem>>)
      tpu.wait_dma2 semaphore(%run_scoped3A : memref<!tpu.dma_semaphore, #tpu.memory_space<semaphore_mem>>) src(%arg3 : memref<656xi32, #tpu.memory_space<hbm>>) dst(%arg9 : memref<656xi32, #tpu.memory_space<vmem>>)
      tpu.yield
    }) : () -> ()
    "tpu.region"() ({
      %run_scoped3A = tpu.sem_alloc : memref<!tpu.dma_semaphore, #tpu.memory_space<semaphore_mem>>
      tpu.enqueue_dma source(%arg4 : memref<656xi32, #tpu.memory_space<hbm>>) target(%arg10 : memref<656xi32, #tpu.memory_space<vmem>>) target_semaphore(%run_scoped3A : memref<!tpu.dma_semaphore, #tpu.memory_space<semaphore_mem>>)
      tpu.wait_dma2 semaphore(%run_scoped3A : memref<!tpu.dma_semaphore, #tpu.memory_space<semaphore_mem>>) src(%arg4 : memref<656xi32, #tpu.memory_space<hbm>>) dst(%arg10 : memref<656xi32, #tpu.memory_space<vmem>>)
      tpu.yield
    }) : () -> ()
    "tpu.region"() ({
      %run_scoped3A = tpu.sem_alloc : memref<!tpu.dma_semaphore, #tpu.memory_space<semaphore_mem>>
      tpu.enqueue_dma source(%arg5 : memref<128xf32, #tpu.memory_space<hbm>>) target(%arg11 : memref<128xf32, #tpu.memory_space<vmem>>) target_semaphore(%run_scoped3A : memref<!tpu.dma_semaphore, #tpu.memory_space<semaphore_mem>>)
      tpu.wait_dma2 semaphore(%run_scoped3A : memref<!tpu.dma_semaphore, #tpu.memory_space<semaphore_mem>>) src(%arg5 : memref<128xf32, #tpu.memory_space<hbm>>) dst(%arg11 : memref<128xf32, #tpu.memory_space<vmem>>)
      tpu.yield
    }) : () -> ()
    %broadcast_in_dim3A = arith.constant 0.000000e+00 : f32
    %broadcast_in_dim3A_1 = vector.broadcast %broadcast_in_dim3A : f32 to vector<16xf32>
    %mul3A_2 = arith.constant 2 : i32
    %mul3A_3 = arith.muli %add3A, %mul3A_2 : i32
    %add3A_4 = arith.constant 0 : i32
    %add3A_5 = arith.addi %mul3A_3, %add3A_4 : i32
    %mul3A_6 = arith.constant 69689 : i32
    %mul3A_7 = arith.muli %add3A_5, %mul3A_6 : i32
    %jit3A = arith.constant 8 : i32
    %div3A = arith.divsi %mul3A_7, %jit3A : i32
    %sign3A = arith.constant 0 : i32
    %sign3A_8 = arith.cmpi sgt, %mul3A_7, %sign3A : i32
    %sign3A_9 = arith.extui %sign3A_8 : i1 to i32
    %sign3A_10 = arith.constant 0 : i32
    %sign3A_11 = arith.cmpi slt, %mul3A_7, %sign3A_10 : i32
    %sign3A_12 = arith.extui %sign3A_11 : i1 to i32
    %sign3A_13 = arith.subi %sign3A_9, %sign3A_12 : i32
    %sign3A_14 = arith.constant 0 : i32
    %sign3A_15 = arith.cmpi sgt, %jit3A, %sign3A_14 : i32
    %sign3A_16 = arith.extui %sign3A_15 : i1 to i32
    %sign3A_17 = arith.constant 0 : i32
    %sign3A_18 = arith.cmpi slt, %jit3A, %sign3A_17 : i32
    %sign3A_19 = arith.extui %sign3A_18 : i1 to i32
    %sign3A_20 = arith.subi %sign3A_16, %sign3A_19 : i32
    %ne3A = arith.cmpi ne, %sign3A_13, %sign3A_20 : i32
    %rem3A = arith.remsi %mul3A_7, %jit3A : i32
    %ne3A_21 = arith.constant 0 : i32
    %ne3A_22 = arith.cmpi ne, %rem3A, %ne3A_21 : i32
    %and3A = arith.andi %ne3A, %ne3A_22 : i1
    %sub3A = arith.constant 1 : i32
    %sub3A_23 = arith.subi %div3A, %sub3A : i32
    %select_n3A = arith.select %and3A, %sub3A_23, %div3A : i32
    %mul3A_24 = arith.constant 8 : i32
    %mul3A_25 = arith.muli %select_n3A, %mul3A_24 : i32
    %min3A = arith.constant 4390384 : i32
    %min3A_26 = arith.minsi %mul3A_25, %min3A : i32
    %multiple_of3A = tpu.assume_multiple %min3A_26, 8 : i32
    %mul3A_27 = arith.constant 69689 : i32
    %mul3A_28 = arith.muli %add3A_5, %mul3A_27 : i32
    %sub3A_29 = arith.subi %mul3A_28, %multiple_of3A : i32
    "tpu.region"() ({
      %run_scoped3A = tpu.sem_alloc : memref<!tpu.dma_semaphore, #tpu.memory_space<semaphore_mem>>
      %dma_start3A = tpu.memref_slice %arg2[%multiple_of3A] : memref<4460096xf32, #tpu.memory_space<hbm>> -> memref<69712xf32, #tpu.memory_space<hbm>>
      %dma_start3A_201 = tpu.memref_slice %arg2[%multiple_of3A] : memref<4460096xf32, #tpu.memory_space<hbm>> -> memref<69712xf32, #tpu.memory_space<hbm>>
      tpu.enqueue_dma source(%dma_start3A_201 : memref<69712xf32, #tpu.memory_space<hbm>>) target(%arg7 : memref<69712xf32, #tpu.memory_space<vmem>>) target_semaphore(%run_scoped3A : memref<!tpu.dma_semaphore, #tpu.memory_space<semaphore_mem>>)
      %dma_wait3A = tpu.memref_slice %arg2[%multiple_of3A] : memref<4460096xf32, #tpu.memory_space<hbm>> -> memref<69712xf32, #tpu.memory_space<hbm>>
      %dma_wait3A_202 = tpu.memref_slice %arg2[%multiple_of3A] : memref<4460096xf32, #tpu.memory_space<hbm>> -> memref<69712xf32, #tpu.memory_space<hbm>>
      tpu.wait_dma2 semaphore(%run_scoped3A : memref<!tpu.dma_semaphore, #tpu.memory_space<semaphore_mem>>) src(%dma_wait3A_202 : memref<69712xf32, #tpu.memory_space<hbm>>) dst(%arg7 : memref<69712xf32, #tpu.memory_space<vmem>>)
      tpu.yield
    }) : () -> ()
    %broadcast_in_dim3A_30 = arith.constant -1.000000e+30 : f32
    %broadcast_in_dim3A_31 = vector.broadcast %broadcast_in_dim3A_30 : f32 to vector<16xf32>
    %parallel_loop3A = arith.constant 0 : i32
    %parallel_loop3A_32 = arith.constant 41 : i32
    %parallel_loop3A_33 = arith.constant 1 : i32
    %parallel_loop3A_34 = scf.for %parallel_loop3A_201 = %parallel_loop3A to %parallel_loop3A_32 step %parallel_loop3A_33 iter_args(%parallel_loop3A_202 = %broadcast_in_dim3A_31) -> (vector<16xf32>)  : i32 {
      %parallel_loop3A_203 = arith.constant 16 : i32
      %parallel_loop3A_204 = arith.muli %parallel_loop3A_201, %parallel_loop3A_203 : i32
      %parallel_loop3A_205 = arith.index_cast %parallel_loop3A_204 : i32 to index
      %parallel_loop3A_206 = tpu.vector_load %arg9[%parallel_loop3A_205] {strides = array<i32>} : memref<656xi32, #tpu.memory_space<vmem>>, vector<16xi32>,
      %parallel_loop3A_207 = arith.constant 227 : i32
      %parallel_loop3A_208 = vector.broadcast %parallel_loop3A_207 : i32 to vector<16xi32>
      %parallel_loop3A_209 = arith.muli %parallel_loop3A_206, %parallel_loop3A_208 : vector<16xi32>
      %parallel_loop3A_210 = vector.broadcast %sub3A_29 : i32 to vector<16xi32>
      %parallel_loop3A_211 = arith.addi %parallel_loop3A_209, %parallel_loop3A_210 : vector<16xi32>
      %parallel_loop3A_212 = arith.constant 16 : i32
      %parallel_loop3A_213 = arith.muli %parallel_loop3A_201, %parallel_loop3A_212 : i32
      %parallel_loop3A_214 = arith.index_cast %parallel_loop3A_213 : i32 to index
      %parallel_loop3A_215 = tpu.vector_load %arg10[%parallel_loop3A_214] {strides = array<i32>} : memref<656xi32, #tpu.memory_space<vmem>>, vector<16xi32>,
      %parallel_loop3A_216 = arith.constant 227 : i32
      %parallel_loop3A_217 = vector.broadcast %parallel_loop3A_216 : i32 to vector<16xi32>
      %parallel_loop3A_218 = arith.muli %parallel_loop3A_215, %parallel_loop3A_217 : vector<16xi32>
      %parallel_loop3A_219 = arith.constant 112 : i32
      %parallel_loop3A_220 = arith.addi %sub3A_29, %parallel_loop3A_219 : i32
      %parallel_loop3A_221 = vector.broadcast %parallel_loop3A_220 : i32 to vector<16xi32>
      %parallel_loop3A_222 = arith.addi %parallel_loop3A_218, %parallel_loop3A_221 : vector<16xi32>
      %parallel_loop3A_223 = arith.constant 0 : i32
      %parallel_loop3A_224 = arith.constant 7 : i32
      %parallel_loop3A_225 = arith.constant 1 : i32
      %parallel_loop3A_226:4 = scf.for %parallel_loop3A_246 = %parallel_loop3A_223 to %parallel_loop3A_224 step %parallel_loop3A_225 iter_args(%parallel_loop3A_247 = %broadcast_in_dim3A_1, %parallel_loop3A_248 = %broadcast_in_dim3A_1, %parallel_loop3A_249 = %broadcast_in_dim3A_1, %parallel_loop3A_250 = %broadcast_in_dim3A_1) -> (vector<16xf32>, vector<16xf32>, vector<16xf32>, vector<16xf32>)  : i32 {
        %parallel_loop3A_251 = arith.constant 16 : i32
        %parallel_loop3A_252 = arith.muli %parallel_loop3A_246, %parallel_loop3A_251 : i32
        %parallel_loop3A_253 = arith.index_cast %parallel_loop3A_252 : i32 to index
        %parallel_loop3A_254 = tpu.vector_load %arg11[%parallel_loop3A_253] {strides = array<i32>} : memref<128xf32, #tpu.memory_space<vmem>>, vector<16xf32>,
        %parallel_loop3A_255 = arith.constant 16 : i32
        %parallel_loop3A_256 = arith.muli %parallel_loop3A_246, %parallel_loop3A_255 : i32
        %parallel_loop3A_257 = vector.broadcast %parallel_loop3A_256 : i32 to vector<16xi32>
        %parallel_loop3A_258 = arith.addi %parallel_loop3A_211, %parallel_loop3A_257 : vector<16xi32>
        %parallel_loop3A_259 = arith.constant 16 : i32
        %parallel_loop3A_260 = arith.muli %parallel_loop3A_246, %parallel_loop3A_259 : i32
        %parallel_loop3A_261 = vector.broadcast %parallel_loop3A_260 : i32 to vector<16xi32>
        %parallel_loop3A_262 = arith.addi %parallel_loop3A_222, %parallel_loop3A_261 : vector<16xi32>
        %parallel_loop3A_263 = arith.constant 0 : i32
        %parallel_loop3A_264 = vector.broadcast %parallel_loop3A_263 : i32 to vector<16xi32>
        %parallel_loop3A_265 = arith.addi %parallel_loop3A_258, %parallel_loop3A_264 : vector<16xi32>
        %parallel_loop3A_266 = tpu.vector_load_idx %arg7[%parallel_loop3A_265] : memref<69712xf32, #tpu.memory_space<vmem>>[vector<16xi32>], vector<16xf32>,
        %parallel_loop3A_267 = arith.constant 0 : i32
        %parallel_loop3A_268 = vector.broadcast %parallel_loop3A_267 : i32 to vector<16xi32>
        %parallel_loop3A_269 = arith.addi %parallel_loop3A_262, %parallel_loop3A_268 : vector<16xi32>
        %parallel_loop3A_270 = tpu.vector_load_idx %arg7[%parallel_loop3A_269] : memref<69712xf32, #tpu.memory_space<vmem>>[vector<16xi32>], vector<16xf32>,
        %parallel_loop3A_271 = arith.addf %parallel_loop3A_266, %parallel_loop3A_270 : vector<16xf32>
        %parallel_loop3A_272 = arith.constant 2.000000e-01 : f32
        %parallel_loop3A_273 = vector.broadcast %parallel_loop3A_272 : f32 to vector<16xf32>
        %parallel_loop3A_274 = arith.mulf %parallel_loop3A_273, %parallel_loop3A_271 : vector<16xf32>
        %parallel_loop3A_275 = arith.maximumf %parallel_loop3A_271, %parallel_loop3A_274 : vector<16xf32>
        %parallel_loop3A_276 = vector.extract_strided_slice %parallel_loop3A_254 {offsets = [0], sizes = [1], strides = [1]} : vector<16xf32> to vector<1xf32>
        %parallel_loop3A_277 = vector.extract %parallel_loop3A_276[0] : f32 from vector<1xf32>
        %parallel_loop3A_278 = vector.broadcast %parallel_loop3A_277 : f32 to vector<16xf32>
        %parallel_loop3A_279 = arith.mulf %parallel_loop3A_275, %parallel_loop3A_278 : vector<16xf32>
        %parallel_loop3A_280 = arith.addf %parallel_loop3A_247, %parallel_loop3A_279 : vector<16xf32>
        %parallel_loop3A_281 = arith.constant 1 : i32
        %parallel_loop3A_282 = vector.broadcast %parallel_loop3A_281 : i32 to vector<16xi32>
        %parallel_loop3A_283 = arith.addi %parallel_loop3A_258, %parallel_loop3A_282 : vector<16xi32>
        %parallel_loop3A_284 = tpu.vector_load_idx %arg7[%parallel_loop3A_283] : memref<69712xf32, #tpu.memory_space<vmem>>[vector<16xi32>], vector<16xf32>,
        %parallel_loop3A_285 = arith.constant 1 : i32
        %parallel_loop3A_286 = vector.broadcast %parallel_loop3A_285 : i32 to vector<16xi32>
        %parallel_loop3A_287 = arith.addi %parallel_loop3A_262, %parallel_loop3A_286 : vector<16xi32>
        %parallel_loop3A_288 = tpu.vector_load_idx %arg7[%parallel_loop3A_287] : memref<69712xf32, #tpu.memory_space<vmem>>[vector<16xi32>], vector<16xf32>,
        %parallel_loop3A_289 = arith.addf %parallel_loop3A_284, %parallel_loop3A_288 : vector<16xf32>
        %parallel_loop3A_290 = arith.constant 2.000000e-01 : f32
        %parallel_loop3A_291 = vector.broadcast %parallel_loop3A_290 : f32 to vector<16xf32>
        %parallel_loop3A_292 = arith.mulf %parallel_loop3A_291, %parallel_loop3A_289 : vector<16xf32>
        %parallel_loop3A_293 = arith.maximumf %parallel_loop3A_289, %parallel_loop3A_292 : vector<16xf32>
        %parallel_loop3A_294 = vector.extract_strided_slice %parallel_loop3A_254 {offsets = [1], sizes = [1], strides = [1]} : vector<16xf32> to vector<1xf32>
        %parallel_loop3A_295 = vector.extract %parallel_loop3A_294[0] : f32 from vector<1xf32>
        %parallel_loop3A_296 = vector.broadcast %parallel_loop3A_295 : f32 to vector<16xf32>
        %parallel_loop3A_297 = arith.mulf %parallel_loop3A_293, %parallel_loop3A_296 : vector<16xf32>
        %parallel_loop3A_298 = arith.addf %parallel_loop3A_248, %parallel_loop3A_297 : vector<16xf32>
        %parallel_loop3A_299 = arith.constant 2 : i32
        %parallel_loop3A_300 = vector.broadcast %parallel_loop3A_299 : i32 to vector<16xi32>
        %parallel_loop3A_301 = arith.addi %parallel_loop3A_258, %parallel_loop3A_300 : vector<16xi32>
        %parallel_loop3A_302 = tpu.vector_load_idx %arg7[%parallel_loop3A_301] : memref<69712xf32, #tpu.memory_space<vmem>>[vector<16xi32>], vector<16xf32>,
        %parallel_loop3A_303 = arith.constant 2 : i32
        %parallel_loop3A_304 = vector.broadcast %parallel_loop3A_303 : i32 to vector<16xi32>
        %parallel_loop3A_305 = arith.addi %parallel_loop3A_262, %parallel_loop3A_304 : vector<16xi32>
        %parallel_loop3A_306 = tpu.vector_load_idx %arg7[%parallel_loop3A_305] : memref<69712xf32, #tpu.memory_space<vmem>>[vector<16xi32>], vector<16xf32>,
        %parallel_loop3A_307 = arith.addf %parallel_loop3A_302, %parallel_loop3A_306 : vector<16xf32>
        %parallel_loop3A_308 = arith.constant 2.000000e-01 : f32
        %parallel_loop3A_309 = vector.broadcast %parallel_loop3A_308 : f32 to vector<16xf32>
        %parallel_loop3A_310 = arith.mulf %parallel_loop3A_309, %parallel_loop3A_307 : vector<16xf32>
        %parallel_loop3A_311 = arith.maximumf %parallel_loop3A_307, %parallel_loop3A_310 : vector<16xf32>
        %parallel_loop3A_312 = vector.extract_strided_slice %parallel_loop3A_254 {offsets = [2], sizes = [1], strides = [1]} : vector<16xf32> to vector<1xf32>
        %parallel_loop3A_313 = vector.extract %parallel_loop3A_312[0] : f32 from vector<1xf32>
        %parallel_loop3A_314 = vector.broadcast %parallel_loop3A_313 : f32 to vector<16xf32>
        %parallel_loop3A_315 = arith.mulf %parallel_loop3A_311, %parallel_loop3A_314 : vector<16xf32>
        %parallel_loop3A_316 = arith.addf %parallel_loop3A_249, %parallel_loop3A_315 : vector<16xf32>
        %parallel_loop3A_317 = arith.constant 3 : i32
        %parallel_loop3A_318 = vector.broadcast %parallel_loop3A_317 : i32 to vector<16xi32>
        %parallel_loop3A_319 = arith.addi %parallel_loop3A_258, %parallel_loop3A_318 : vector<16xi32>
        %parallel_loop3A_320 = tpu.vector_load_idx %arg7[%parallel_loop3A_319] : memref<69712xf32, #tpu.memory_space<vmem>>[vector<16xi32>], vector<16xf32>,
        %parallel_loop3A_321 = arith.constant 3 : i32
        %parallel_loop3A_322 = vector.broadcast %parallel_loop3A_321 : i32 to vector<16xi32>
        %parallel_loop3A_323 = arith.addi %parallel_loop3A_262, %parallel_loop3A_322 : vector<16xi32>
        %parallel_loop3A_324 = tpu.vector_load_idx %arg7[%parallel_loop3A_323] : memref<69712xf32, #tpu.memory_space<vmem>>[vector<16xi32>], vector<16xf32>,
        %parallel_loop3A_325 = arith.addf %parallel_loop3A_320, %parallel_loop3A_324 : vector<16xf32>
        %parallel_loop3A_326 = arith.constant 2.000000e-01 : f32
        %parallel_loop3A_327 = vector.broadcast %parallel_loop3A_326 : f32 to vector<16xf32>
        %parallel_loop3A_328 = arith.mulf %parallel_loop3A_327, %parallel_loop3A_325 : vector<16xf32>
        %parallel_loop3A_329 = arith.maximumf %parallel_loop3A_325, %parallel_loop3A_328 : vector<16xf32>
        %parallel_loop3A_330 = vector.extract_strided_slice %parallel_loop3A_254 {offsets = [3], sizes = [1], strides = [1]} : vector<16xf32> to vector<1xf32>
        %parallel_loop3A_331 = vector.extract %parallel_loop3A_330[0] : f32 from vector<1xf32>
        %parallel_loop3A_332 = vector.broadcast %parallel_loop3A_331 : f32 to vector<16xf32>
        %parallel_loop3A_333 = arith.mulf %parallel_loop3A_329, %parallel_loop3A_332 : vector<16xf32>
        %parallel_loop3A_334 = arith.addf %parallel_loop3A_250, %parallel_loop3A_333 : vector<16xf32>
        %parallel_loop3A_335 = arith.constant 4 : i32
        %parallel_loop3A_336 = vector.broadcast %parallel_loop3A_335 : i32 to vector<16xi32>
        %parallel_loop3A_337 = arith.addi %parallel_loop3A_258, %parallel_loop3A_336 : vector<16xi32>
        %parallel_loop3A_338 = tpu.vector_load_idx %arg7[%parallel_loop3A_337] : memref<69712xf32, #tpu.memory_space<vmem>>[vector<16xi32>], vector<16xf32>,
        %parallel_loop3A_339 = arith.constant 4 : i32
        %parallel_loop3A_340 = vector.broadcast %parallel_loop3A_339 : i32 to vector<16xi32>
        %parallel_loop3A_341 = arith.addi %parallel_loop3A_262, %parallel_loop3A_340 : vector<16xi32>
        %parallel_loop3A_342 = tpu.vector_load_idx %arg7[%parallel_loop3A_341] : memref<69712xf32, #tpu.memory_space<vmem>>[vector<16xi32>], vector<16xf32>,
        %parallel_loop3A_343 = arith.addf %parallel_loop3A_338, %parallel_loop3A_342 : vector<16xf32>
        %parallel_loop3A_344 = arith.constant 2.000000e-01 : f32
        %parallel_loop3A_345 = vector.broadcast %parallel_loop3A_344 : f32 to vector<16xf32>
        %parallel_loop3A_346 = arith.mulf %parallel_loop3A_345, %parallel_loop3A_343 : vector<16xf32>
        %parallel_loop3A_347 = arith.maximumf %parallel_loop3A_343, %parallel_loop3A_346 : vector<16xf32>
        %parallel_loop3A_348 = vector.extract_strided_slice %parallel_loop3A_254 {offsets = [4], sizes = [1], strides = [1]} : vector<16xf32> to vector<1xf32>
        %parallel_loop3A_349 = vector.extract %parallel_loop3A_348[0] : f32 from vector<1xf32>
        %parallel_loop3A_350 = vector.broadcast %parallel_loop3A_349 : f32 to vector<16xf32>
        %parallel_loop3A_351 = arith.mulf %parallel_loop3A_347, %parallel_loop3A_350 : vector<16xf32>
        %parallel_loop3A_352 = arith.addf %parallel_loop3A_280, %parallel_loop3A_351 : vector<16xf32>
        %parallel_loop3A_353 = arith.constant 5 : i32
        %parallel_loop3A_354 = vector.broadcast %parallel_loop3A_353 : i32 to vector<16xi32>
        %parallel_loop3A_355 = arith.addi %parallel_loop3A_258, %parallel_loop3A_354 : vector<16xi32>
        %parallel_loop3A_356 = tpu.vector_load_idx %arg7[%parallel_loop3A_355] : memref<69712xf32, #tpu.memory_space<vmem>>[vector<16xi32>], vector<16xf32>,
        %parallel_loop3A_357 = arith.constant 5 : i32
        %parallel_loop3A_358 = vector.broadcast %parallel_loop3A_357 : i32 to vector<16xi32>
        %parallel_loop3A_359 = arith.addi %parallel_loop3A_262, %parallel_loop3A_358 : vector<16xi32>
        %parallel_loop3A_360 = tpu.vector_load_idx %arg7[%parallel_loop3A_359] : memref<69712xf32, #tpu.memory_space<vmem>>[vector<16xi32>], vector<16xf32>,
        %parallel_loop3A_361 = arith.addf %parallel_loop3A_356, %parallel_loop3A_360 : vector<16xf32>
        %parallel_loop3A_362 = arith.constant 2.000000e-01 : f32
        %parallel_loop3A_363 = vector.broadcast %parallel_loop3A_362 : f32 to vector<16xf32>
        %parallel_loop3A_364 = arith.mulf %parallel_loop3A_363, %parallel_loop3A_361 : vector<16xf32>
        %parallel_loop3A_365 = arith.maximumf %parallel_loop3A_361, %parallel_loop3A_364 : vector<16xf32>
        %parallel_loop3A_366 = vector.extract_strided_slice %parallel_loop3A_254 {offsets = [5], sizes = [1], strides = [1]} : vector<16xf32> to vector<1xf32>
        %parallel_loop3A_367 = vector.extract %parallel_loop3A_366[0] : f32 from vector<1xf32>
        %parallel_loop3A_368 = vector.broadcast %parallel_loop3A_367 : f32 to vector<16xf32>
        %parallel_loop3A_369 = arith.mulf %parallel_loop3A_365, %parallel_loop3A_368 : vector<16xf32>
        %parallel_loop3A_370 = arith.addf %parallel_loop3A_298, %parallel_loop3A_369 : vector<16xf32>
        %parallel_loop3A_371 = arith.constant 6 : i32
        %parallel_loop3A_372 = vector.broadcast %parallel_loop3A_371 : i32 to vector<16xi32>
        %parallel_loop3A_373 = arith.addi %parallel_loop3A_258, %parallel_loop3A_372 : vector<16xi32>
        %parallel_loop3A_374 = tpu.vector_load_idx %arg7[%parallel_loop3A_373] : memref<69712xf32, #tpu.memory_space<vmem>>[vector<16xi32>], vector<16xf32>,
        %parallel_loop3A_375 = arith.constant 6 : i32
        %parallel_loop3A_376 = vector.broadcast %parallel_loop3A_375 : i32 to vector<16xi32>
        %parallel_loop3A_377 = arith.addi %parallel_loop3A_262, %parallel_loop3A_376 : vector<16xi32>
        %parallel_loop3A_378 = tpu.vector_load_idx %arg7[%parallel_loop3A_377] : memref<69712xf32, #tpu.memory_space<vmem>>[vector<16xi32>], vector<16xf32>,
        %parallel_loop3A_379 = arith.addf %parallel_loop3A_374, %parallel_loop3A_378 : vector<16xf32>
        %parallel_loop3A_380 = arith.constant 2.000000e-01 : f32
        %parallel_loop3A_381 = vector.broadcast %parallel_loop3A_380 : f32 to vector<16xf32>
        %parallel_loop3A_382 = arith.mulf %parallel_loop3A_381, %parallel_loop3A_379 : vector<16xf32>
        %parallel_loop3A_383 = arith.maximumf %parallel_loop3A_379, %parallel_loop3A_382 : vector<16xf32>
        %parallel_loop3A_384 = vector.extract_strided_slice %parallel_loop3A_254 {offsets = [6], sizes = [1], strides = [1]} : vector<16xf32> to vector<1xf32>
        %parallel_loop3A_385 = vector.extract %parallel_loop3A_384[0] : f32 from vector<1xf32>
        %parallel_loop3A_386 = vector.broadcast %parallel_loop3A_385 : f32 to vector<16xf32>
        %parallel_loop3A_387 = arith.mulf %parallel_loop3A_383, %parallel_loop3A_386 : vector<16xf32>
        %parallel_loop3A_388 = arith.addf %parallel_loop3A_316, %parallel_loop3A_387 : vector<16xf32>
        %parallel_loop3A_389 = arith.constant 7 : i32
        %parallel_loop3A_390 = vector.broadcast %parallel_loop3A_389 : i32 to vector<16xi32>
        %parallel_loop3A_391 = arith.addi %parallel_loop3A_258, %parallel_loop3A_390 : vector<16xi32>
        %parallel_loop3A_392 = tpu.vector_load_idx %arg7[%parallel_loop3A_391] : memref<69712xf32, #tpu.memory_space<vmem>>[vector<16xi32>], vector<16xf32>,
        %parallel_loop3A_393 = arith.constant 7 : i32
        %parallel_loop3A_394 = vector.broadcast %parallel_loop3A_393 : i32 to vector<16xi32>
        %parallel_loop3A_395 = arith.addi %parallel_loop3A_262, %parallel_loop3A_394 : vector<16xi32>
        %parallel_loop3A_396 = tpu.vector_load_idx %arg7[%parallel_loop3A_395] : memref<69712xf32, #tpu.memory_space<vmem>>[vector<16xi32>], vector<16xf32>,
        %parallel_loop3A_397 = arith.addf %parallel_loop3A_392, %parallel_loop3A_396 : vector<16xf32>
        %parallel_loop3A_398 = arith.constant 2.000000e-01 : f32
        %parallel_loop3A_399 = vector.broadcast %parallel_loop3A_398 : f32 to vector<16xf32>
        %parallel_loop3A_400 = arith.mulf %parallel_loop3A_399, %parallel_loop3A_397 : vector<16xf32>
        %parallel_loop3A_401 = arith.maximumf %parallel_loop3A_397, %parallel_loop3A_400 : vector<16xf32>
        %parallel_loop3A_402 = vector.extract_strided_slice %parallel_loop3A_254 {offsets = [7], sizes = [1], strides = [1]} : vector<16xf32> to vector<1xf32>
        %parallel_loop3A_403 = vector.extract %parallel_loop3A_402[0] : f32 from vector<1xf32>
        %parallel_loop3A_404 = vector.broadcast %parallel_loop3A_403 : f32 to vector<16xf32>
        %parallel_loop3A_405 = arith.mulf %parallel_loop3A_401, %parallel_loop3A_404 : vector<16xf32>
        %parallel_loop3A_406 = arith.addf %parallel_loop3A_334, %parallel_loop3A_405 : vector<16xf32>
        %parallel_loop3A_407 = arith.constant 8 : i32
        %parallel_loop3A_408 = vector.broadcast %parallel_loop3A_407 : i32 to vector<16xi32>
        %parallel_loop3A_409 = arith.addi %parallel_loop3A_258, %parallel_loop3A_408 : vector<16xi32>
        %parallel_loop3A_410 = tpu.vector_load_idx %arg7[%parallel_loop3A_409] : memref<69712xf32, #tpu.memory_space<vmem>>[vector<16xi32>], vector<16xf32>,
        %parallel_loop3A_411 = arith.constant 8 : i32
        %parallel_loop3A_412 = vector.broadcast %parallel_loop3A_411 : i32 to vector<16xi32>
        %parallel_loop3A_413 = arith.addi %parallel_loop3A_262, %parallel_loop3A_412 : vector<16xi32>
        %parallel_loop3A_414 = tpu.vector_load_idx %arg7[%parallel_loop3A_413] : memref<69712xf32, #tpu.memory_space<vmem>>[vector<16xi32>], vector<16xf32>,
        %parallel_loop3A_415 = arith.addf %parallel_loop3A_410, %parallel_loop3A_414 : vector<16xf32>
        %parallel_loop3A_416 = arith.constant 2.000000e-01 : f32
        %parallel_loop3A_417 = vector.broadcast %parallel_loop3A_416 : f32 to vector<16xf32>
        %parallel_loop3A_418 = arith.mulf %parallel_loop3A_417, %parallel_loop3A_415 : vector<16xf32>
        %parallel_loop3A_419 = arith.maximumf %parallel_loop3A_415, %parallel_loop3A_418 : vector<16xf32>
        %parallel_loop3A_420 = vector.extract_strided_slice %parallel_loop3A_254 {offsets = [8], sizes = [1], strides = [1]} : vector<16xf32> to vector<1xf32>
        %parallel_loop3A_421 = vector.extract %parallel_loop3A_420[0] : f32 from vector<1xf32>
        %parallel_loop3A_422 = vector.broadcast %parallel_loop3A_421 : f32 to vector<16xf32>
        %parallel_loop3A_423 = arith.mulf %parallel_loop3A_419, %parallel_loop3A_422 : vector<16xf32>
        %parallel_loop3A_424 = arith.addf %parallel_loop3A_352, %parallel_loop3A_423 : vector<16xf32>
        %parallel_loop3A_425 = arith.constant 9 : i32
        %parallel_loop3A_426 = vector.broadcast %parallel_loop3A_425 : i32 to vector<16xi32>
        %parallel_loop3A_427 = arith.addi %parallel_loop3A_258, %parallel_loop3A_426 : vector<16xi32>
        %parallel_loop3A_428 = tpu.vector_load_idx %arg7[%parallel_loop3A_427] : memref<69712xf32, #tpu.memory_space<vmem>>[vector<16xi32>], vector<16xf32>,
        %parallel_loop3A_429 = arith.constant 9 : i32
        %parallel_loop3A_430 = vector.broadcast %parallel_loop3A_429 : i32 to vector<16xi32>
        %parallel_loop3A_431 = arith.addi %parallel_loop3A_262, %parallel_loop3A_430 : vector<16xi32>
        %parallel_loop3A_432 = tpu.vector_load_idx %arg7[%parallel_loop3A_431] : memref<69712xf32, #tpu.memory_space<vmem>>[vector<16xi32>], vector<16xf32>,
        %parallel_loop3A_433 = arith.addf %parallel_loop3A_428, %parallel_loop3A_432 : vector<16xf32>
        %parallel_loop3A_434 = arith.constant 2.000000e-01 : f32
        %parallel_loop3A_435 = vector.broadcast %parallel_loop3A_434 : f32 to vector<16xf32>
        %parallel_loop3A_436 = arith.mulf %parallel_loop3A_435, %parallel_loop3A_433 : vector<16xf32>
        %parallel_loop3A_437 = arith.maximumf %parallel_loop3A_433, %parallel_loop3A_436 : vector<16xf32>
        %parallel_loop3A_438 = vector.extract_strided_slice %parallel_loop3A_254 {offsets = [9], sizes = [1], strides = [1]} : vector<16xf32> to vector<1xf32>
        %parallel_loop3A_439 = vector.extract %parallel_loop3A_438[0] : f32 from vector<1xf32>
        %parallel_loop3A_440 = vector.broadcast %parallel_loop3A_439 : f32 to vector<16xf32>
        %parallel_loop3A_441 = arith.mulf %parallel_loop3A_437, %parallel_loop3A_440 : vector<16xf32>
        %parallel_loop3A_442 = arith.addf %parallel_loop3A_370, %parallel_loop3A_441 : vector<16xf32>
        %parallel_loop3A_443 = arith.constant 10 : i32
        %parallel_loop3A_444 = vector.broadcast %parallel_loop3A_443 : i32 to vector<16xi32>
        %parallel_loop3A_445 = arith.addi %parallel_loop3A_258, %parallel_loop3A_444 : vector<16xi32>
        %parallel_loop3A_446 = tpu.vector_load_idx %arg7[%parallel_loop3A_445] : memref<69712xf32, #tpu.memory_space<vmem>>[vector<16xi32>], vector<16xf32>,
        %parallel_loop3A_447 = arith.constant 10 : i32
        %parallel_loop3A_448 = vector.broadcast %parallel_loop3A_447 : i32 to vector<16xi32>
        %parallel_loop3A_449 = arith.addi %parallel_loop3A_262, %parallel_loop3A_448 : vector<16xi32>
        %parallel_loop3A_450 = tpu.vector_load_idx %arg7[%parallel_loop3A_449] : memref<69712xf32, #tpu.memory_space<vmem>>[vector<16xi32>], vector<16xf32>,
        %parallel_loop3A_451 = arith.addf %parallel_loop3A_446, %parallel_loop3A_450 : vector<16xf32>
        %parallel_loop3A_452 = arith.constant 2.000000e-01 : f32
        %parallel_loop3A_453 = vector.broadcast %parallel_loop3A_452 : f32 to vector<16xf32>
        %parallel_loop3A_454 = arith.mulf %parallel_loop3A_453, %parallel_loop3A_451 : vector<16xf32>
        %parallel_loop3A_455 = arith.maximumf %parallel_loop3A_451, %parallel_loop3A_454 : vector<16xf32>
        %parallel_loop3A_456 = vector.extract_strided_slice %parallel_loop3A_254 {offsets = [10], sizes = [1], strides = [1]} : vector<16xf32> to vector<1xf32>
        %parallel_loop3A_457 = vector.extract %parallel_loop3A_456[0] : f32 from vector<1xf32>
        %parallel_loop3A_458 = vector.broadcast %parallel_loop3A_457 : f32 to vector<16xf32>
        %parallel_loop3A_459 = arith.mulf %parallel_loop3A_455, %parallel_loop3A_458 : vector<16xf32>
        %parallel_loop3A_460 = arith.addf %parallel_loop3A_388, %parallel_loop3A_459 : vector<16xf32>
        %parallel_loop3A_461 = arith.constant 11 : i32
        %parallel_loop3A_462 = vector.broadcast %parallel_loop3A_461 : i32 to vector<16xi32>
        %parallel_loop3A_463 = arith.addi %parallel_loop3A_258, %parallel_loop3A_462 : vector<16xi32>
        %parallel_loop3A_464 = tpu.vector_load_idx %arg7[%parallel_loop3A_463] : memref<69712xf32, #tpu.memory_space<vmem>>[vector<16xi32>], vector<16xf32>,
        %parallel_loop3A_465 = arith.constant 11 : i32
        %parallel_loop3A_466 = vector.broadcast %parallel_loop3A_465 : i32 to vector<16xi32>
        %parallel_loop3A_467 = arith.addi %parallel_loop3A_262, %parallel_loop3A_466 : vector<16xi32>
        %parallel_loop3A_468 = tpu.vector_load_idx %arg7[%parallel_loop3A_467] : memref<69712xf32, #tpu.memory_space<vmem>>[vector<16xi32>], vector<16xf32>,
        %parallel_loop3A_469 = arith.addf %parallel_loop3A_464, %parallel_loop3A_468 : vector<16xf32>
        %parallel_loop3A_470 = arith.constant 2.000000e-01 : f32
        %parallel_loop3A_471 = vector.broadcast %parallel_loop3A_470 : f32 to vector<16xf32>
        %parallel_loop3A_472 = arith.mulf %parallel_loop3A_471, %parallel_loop3A_469 : vector<16xf32>
        %parallel_loop3A_473 = arith.maximumf %parallel_loop3A_469, %parallel_loop3A_472 : vector<16xf32>
        %parallel_loop3A_474 = vector.extract_strided_slice %parallel_loop3A_254 {offsets = [11], sizes = [1], strides = [1]} : vector<16xf32> to vector<1xf32>
        %parallel_loop3A_475 = vector.extract %parallel_loop3A_474[0] : f32 from vector<1xf32>
        %parallel_loop3A_476 = vector.broadcast %parallel_loop3A_475 : f32 to vector<16xf32>
        %parallel_loop3A_477 = arith.mulf %parallel_loop3A_473, %parallel_loop3A_476 : vector<16xf32>
        %parallel_loop3A_478 = arith.addf %parallel_loop3A_406, %parallel_loop3A_477 : vector<16xf32>
        %parallel_loop3A_479 = arith.constant 12 : i32
        %parallel_loop3A_480 = vector.broadcast %parallel_loop3A_479 : i32 to vector<16xi32>
        %parallel_loop3A_481 = arith.addi %parallel_loop3A_258, %parallel_loop3A_480 : vector<16xi32>
        %parallel_loop3A_482 = tpu.vector_load_idx %arg7[%parallel_loop3A_481] : memref<69712xf32, #tpu.memory_space<vmem>>[vector<16xi32>], vector<16xf32>,
        %parallel_loop3A_483 = arith.constant 12 : i32
        %parallel_loop3A_484 = vector.broadcast %parallel_loop3A_483 : i32 to vector<16xi32>
        %parallel_loop3A_485 = arith.addi %parallel_loop3A_262, %parallel_loop3A_484 : vector<16xi32>
        %parallel_loop3A_486 = tpu.vector_load_idx %arg7[%parallel_loop3A_485] : memref<69712xf32, #tpu.memory_space<vmem>>[vector<16xi32>], vector<16xf32>,
        %parallel_loop3A_487 = arith.addf %parallel_loop3A_482, %parallel_loop3A_486 : vector<16xf32>
        %parallel_loop3A_488 = arith.constant 2.000000e-01 : f32
        %parallel_loop3A_489 = vector.broadcast %parallel_loop3A_488 : f32 to vector<16xf32>
        %parallel_loop3A_490 = arith.mulf %parallel_loop3A_489, %parallel_loop3A_487 : vector<16xf32>
        %parallel_loop3A_491 = arith.maximumf %parallel_loop3A_487, %parallel_loop3A_490 : vector<16xf32>
        %parallel_loop3A_492 = vector.extract_strided_slice %parallel_loop3A_254 {offsets = [12], sizes = [1], strides = [1]} : vector<16xf32> to vector<1xf32>
        %parallel_loop3A_493 = vector.extract %parallel_loop3A_492[0] : f32 from vector<1xf32>
        %parallel_loop3A_494 = vector.broadcast %parallel_loop3A_493 : f32 to vector<16xf32>
        %parallel_loop3A_495 = arith.mulf %parallel_loop3A_491, %parallel_loop3A_494 : vector<16xf32>
        %parallel_loop3A_496 = arith.addf %parallel_loop3A_424, %parallel_loop3A_495 : vector<16xf32>
        %parallel_loop3A_497 = arith.constant 13 : i32
        %parallel_loop3A_498 = vector.broadcast %parallel_loop3A_497 : i32 to vector<16xi32>
        %parallel_loop3A_499 = arith.addi %parallel_loop3A_258, %parallel_loop3A_498 : vector<16xi32>
        %parallel_loop3A_500 = tpu.vector_load_idx %arg7[%parallel_loop3A_499] : memref<69712xf32, #tpu.memory_space<vmem>>[vector<16xi32>], vector<16xf32>,
        %parallel_loop3A_501 = arith.constant 13 : i32
        %parallel_loop3A_502 = vector.broadcast %parallel_loop3A_501 : i32 to vector<16xi32>
        %parallel_loop3A_503 = arith.addi %parallel_loop3A_262, %parallel_loop3A_502 : vector<16xi32>
        %parallel_loop3A_504 = tpu.vector_load_idx %arg7[%parallel_loop3A_503] : memref<69712xf32, #tpu.memory_space<vmem>>[vector<16xi32>], vector<16xf32>,
        %parallel_loop3A_505 = arith.addf %parallel_loop3A_500, %parallel_loop3A_504 : vector<16xf32>
        %parallel_loop3A_506 = arith.constant 2.000000e-01 : f32
        %parallel_loop3A_507 = vector.broadcast %parallel_loop3A_506 : f32 to vector<16xf32>
        %parallel_loop3A_508 = arith.mulf %parallel_loop3A_507, %parallel_loop3A_505 : vector<16xf32>
        %parallel_loop3A_509 = arith.maximumf %parallel_loop3A_505, %parallel_loop3A_508 : vector<16xf32>
        %parallel_loop3A_510 = vector.extract_strided_slice %parallel_loop3A_254 {offsets = [13], sizes = [1], strides = [1]} : vector<16xf32> to vector<1xf32>
        %parallel_loop3A_511 = vector.extract %parallel_loop3A_510[0] : f32 from vector<1xf32>
        %parallel_loop3A_512 = vector.broadcast %parallel_loop3A_511 : f32 to vector<16xf32>
        %parallel_loop3A_513 = arith.mulf %parallel_loop3A_509, %parallel_loop3A_512 : vector<16xf32>
        %parallel_loop3A_514 = arith.addf %parallel_loop3A_442, %parallel_loop3A_513 : vector<16xf32>
        %parallel_loop3A_515 = arith.constant 14 : i32
        %parallel_loop3A_516 = vector.broadcast %parallel_loop3A_515 : i32 to vector<16xi32>
        %parallel_loop3A_517 = arith.addi %parallel_loop3A_258, %parallel_loop3A_516 : vector<16xi32>
        %parallel_loop3A_518 = tpu.vector_load_idx %arg7[%parallel_loop3A_517] : memref<69712xf32, #tpu.memory_space<vmem>>[vector<16xi32>], vector<16xf32>,
        %parallel_loop3A_519 = arith.constant 14 : i32
        %parallel_loop3A_520 = vector.broadcast %parallel_loop3A_519 : i32 to vector<16xi32>
        %parallel_loop3A_521 = arith.addi %parallel_loop3A_262, %parallel_loop3A_520 : vector<16xi32>
        %parallel_loop3A_522 = tpu.vector_load_idx %arg7[%parallel_loop3A_521] : memref<69712xf32, #tpu.memory_space<vmem>>[vector<16xi32>], vector<16xf32>,
        %parallel_loop3A_523 = arith.addf %parallel_loop3A_518, %parallel_loop3A_522 : vector<16xf32>
        %parallel_loop3A_524 = arith.constant 2.000000e-01 : f32
        %parallel_loop3A_525 = vector.broadcast %parallel_loop3A_524 : f32 to vector<16xf32>
        %parallel_loop3A_526 = arith.mulf %parallel_loop3A_525, %parallel_loop3A_523 : vector<16xf32>
        %parallel_loop3A_527 = arith.maximumf %parallel_loop3A_523, %parallel_loop3A_526 : vector<16xf32>
        %parallel_loop3A_528 = vector.extract_strided_slice %parallel_loop3A_254 {offsets = [14], sizes = [1], strides = [1]} : vector<16xf32> to vector<1xf32>
        %parallel_loop3A_529 = vector.extract %parallel_loop3A_528[0] : f32 from vector<1xf32>
        %parallel_loop3A_530 = vector.broadcast %parallel_loop3A_529 : f32 to vector<16xf32>
        %parallel_loop3A_531 = arith.mulf %parallel_loop3A_527, %parallel_loop3A_530 : vector<16xf32>
        %parallel_loop3A_532 = arith.addf %parallel_loop3A_460, %parallel_loop3A_531 : vector<16xf32>
        %parallel_loop3A_533 = arith.constant 15 : i32
        %parallel_loop3A_534 = vector.broadcast %parallel_loop3A_533 : i32 to vector<16xi32>
        %parallel_loop3A_535 = arith.addi %parallel_loop3A_258, %parallel_loop3A_534 : vector<16xi32>
        %parallel_loop3A_536 = tpu.vector_load_idx %arg7[%parallel_loop3A_535] : memref<69712xf32, #tpu.memory_space<vmem>>[vector<16xi32>], vector<16xf32>,
        %parallel_loop3A_537 = arith.constant 15 : i32
        %parallel_loop3A_538 = vector.broadcast %parallel_loop3A_537 : i32 to vector<16xi32>
        %parallel_loop3A_539 = arith.addi %parallel_loop3A_262, %parallel_loop3A_538 : vector<16xi32>
        %parallel_loop3A_540 = tpu.vector_load_idx %arg7[%parallel_loop3A_539] : memref<69712xf32, #tpu.memory_space<vmem>>[vector<16xi32>], vector<16xf32>,
        %parallel_loop3A_541 = arith.addf %parallel_loop3A_536, %parallel_loop3A_540 : vector<16xf32>
        %parallel_loop3A_542 = arith.constant 2.000000e-01 : f32
        %parallel_loop3A_543 = vector.broadcast %parallel_loop3A_542 : f32 to vector<16xf32>
        %parallel_loop3A_544 = arith.mulf %parallel_loop3A_543, %parallel_loop3A_541 : vector<16xf32>
        %parallel_loop3A_545 = arith.maximumf %parallel_loop3A_541, %parallel_loop3A_544 : vector<16xf32>
        %parallel_loop3A_546 = vector.extract_strided_slice %parallel_loop3A_254 {offsets = [15], sizes = [1], strides = [1]} : vector<16xf32> to vector<1xf32>
        %parallel_loop3A_547 = vector.extract %parallel_loop3A_546[0] : f32 from vector<1xf32>
        %parallel_loop3A_548 = vector.broadcast %parallel_loop3A_547 : f32 to vector<16xf32>
        %parallel_loop3A_549 = arith.mulf %parallel_loop3A_545, %parallel_loop3A_548 : vector<16xf32>
        %parallel_loop3A_550 = arith.addf %parallel_loop3A_478, %parallel_loop3A_549 : vector<16xf32>
        scf.yield %parallel_loop3A_496, %parallel_loop3A_514, %parallel_loop3A_532, %parallel_loop3A_550 : vector<16xf32>, vector<16xf32>, vector<16xf32>, vector<16xf32>
      } {sc.loop_unroll_factor = 1 : i64, sc.parallel_access}
      %parallel_loop3A_227 = arith.addf %parallel_loop3A_226#0, %parallel_loop3A_226#1 : vector<16xf32>
      %parallel_loop3A_228 = arith.addf %parallel_loop3A_226#2, %parallel_loop3A_226#3 : vector<16xf32>
      %parallel_loop3A_229 = arith.addf %parallel_loop3A_227, %parallel_loop3A_228 : vector<16xf32>
      %parallel_loop3A_230 = arith.constant 16 : i32
      %parallel_loop3A_231 = arith.muli %parallel_loop3A_201, %parallel_loop3A_230 : i32
      %parallel_loop3A_232 = tpu.iota {dimensions = array<i32: 0>} : vector<16xi32>
      %parallel_loop3A_233 = vector.broadcast %parallel_loop3A_231 : i32 to vector<16xi32>
      %parallel_loop3A_234 = arith.addi %parallel_loop3A_233, %parallel_loop3A_232 : vector<16xi32>
      %parallel_loop3A_235 = arith.constant 647 : i32
      %parallel_loop3A_236 = vector.broadcast %parallel_loop3A_235 : i32 to vector<16xi32>
      %parallel_loop3A_237 = arith.cmpi slt, %parallel_loop3A_234, %parallel_loop3A_236 : vector<16xi32>
      %parallel_loop3A_238 = arith.constant -1.000000e+30 : f32
      %parallel_loop3A_239 = vector.broadcast %parallel_loop3A_238 : f32 to vector<16xf32>
      %parallel_loop3A_240 = arith.select %parallel_loop3A_237, %parallel_loop3A_229, %parallel_loop3A_239 : vector<16xi1>, vector<16xf32>
      %parallel_loop3A_241 = arith.constant 16 : i32
      %parallel_loop3A_242 = arith.muli %parallel_loop3A_201, %parallel_loop3A_241 : i32
      %parallel_loop3A_243 = arith.index_cast %parallel_loop3A_242 : i32 to index
      %parallel_loop3A_244 = tpu.vector_load %arg12[%parallel_loop3A_243] {strides = array<i32>} : memref<656xf32, #tpu.memory_space<vmem>>, vector<16xf32>,
      tpu.vector_store %arg12[%parallel_loop3A_243], %parallel_loop3A_240 {strides = array<i32>} : memref<656xf32, #tpu.memory_space<vmem>>, vector<16xf32>,
      %parallel_loop3A_245 = arith.maximumf %parallel_loop3A_202, %parallel_loop3A_240 : vector<16xf32>
      scf.yield %parallel_loop3A_245 : vector<16xf32>
    } {sc.loop_unroll_factor = 2 : i64, sc.parallel_access}
    %reduce_max3A = arith.constant true
    %reduce_max3A_35 = vector.broadcast %reduce_max3A : i1 to vector<16xi1>
    %reduce_max3A_36 = tpu.scan <max>, %parallel_loop3A_34 masked %reduce_max3A_35 : vector<16xf32>, vector<16xi1> -> vector<16xf32>
    %reduce_max3A_37 = vector.extract %reduce_max3A_36[15] : f32 from vector<16xf32>
    %swap3A = arith.constant 0 : index
    %swap3A_38 = tpu.vector_load %arg14[%swap3A] {strides = array<i32>} : memref<320xf32, #tpu.memory_space<vmem>>, vector<16xf32>,
    tpu.vector_store %arg14[%swap3A], %broadcast_in_dim3A_1 {strides = array<i32>} : memref<320xf32, #tpu.memory_space<vmem>>, vector<16xf32>,
    %swap3A_39 = arith.constant 16 : index
    %swap3A_40 = tpu.vector_load %arg14[%swap3A_39] {strides = array<i32>} : memref<320xf32, #tpu.memory_space<vmem>>, vector<16xf32>,
    tpu.vector_store %arg14[%swap3A_39], %broadcast_in_dim3A_1 {strides = array<i32>} : memref<320xf32, #tpu.memory_space<vmem>>, vector<16xf32>,
    %swap3A_41 = arith.constant 32 : index
    %swap3A_42 = tpu.vector_load %arg14[%swap3A_41] {strides = array<i32>} : memref<320xf32, #tpu.memory_space<vmem>>, vector<16xf32>,
    tpu.vector_store %arg14[%swap3A_41], %broadcast_in_dim3A_1 {strides = array<i32>} : memref<320xf32, #tpu.memory_space<vmem>>, vector<16xf32>,
    %swap3A_43 = arith.constant 48 : index
    %swap3A_44 = tpu.vector_load %arg14[%swap3A_43] {strides = array<i32>} : memref<320xf32, #tpu.memory_space<vmem>>, vector<16xf32>,
    tpu.vector_store %arg14[%swap3A_43], %broadcast_in_dim3A_1 {strides = array<i32>} : memref<320xf32, #tpu.memory_space<vmem>>, vector<16xf32>,
    %swap3A_45 = arith.constant 64 : index
    %swap3A_46 = tpu.vector_load %arg14[%swap3A_45] {strides = array<i32>} : memref<320xf32, #tpu.memory_space<vmem>>, vector<16xf32>,
    tpu.vector_store %arg14[%swap3A_45], %broadcast_in_dim3A_1 {strides = array<i32>} : memref<320xf32, #tpu.memory_space<vmem>>, vector<16xf32>,
    %swap3A_47 = arith.constant 80 : index
    %swap3A_48 = tpu.vector_load %arg14[%swap3A_47] {strides = array<i32>} : memref<320xf32, #tpu.memory_space<vmem>>, vector<16xf32>,
    tpu.vector_store %arg14[%swap3A_47], %broadcast_in_dim3A_1 {strides = array<i32>} : memref<320xf32, #tpu.memory_space<vmem>>, vector<16xf32>,
    %swap3A_49 = arith.constant 96 : index
    %swap3A_50 = tpu.vector_load %arg14[%swap3A_49] {strides = array<i32>} : memref<320xf32, #tpu.memory_space<vmem>>, vector<16xf32>,
    tpu.vector_store %arg14[%swap3A_49], %broadcast_in_dim3A_1 {strides = array<i32>} : memref<320xf32, #tpu.memory_space<vmem>>, vector<16xf32>,
    %swap3A_51 = arith.constant 112 : index
    %swap3A_52 = tpu.vector_load %arg14[%swap3A_51] {strides = array<i32>} : memref<320xf32, #tpu.memory_space<vmem>>, vector<16xf32>,
    tpu.vector_store %arg14[%swap3A_51], %broadcast_in_dim3A_1 {strides = array<i32>} : memref<320xf32, #tpu.memory_space<vmem>>, vector<16xf32>,
    %swap3A_53 = arith.constant 128 : index
    %swap3A_54 = tpu.vector_load %arg14[%swap3A_53] {strides = array<i32>} : memref<320xf32, #tpu.memory_space<vmem>>, vector<16xf32>,
    tpu.vector_store %arg14[%swap3A_53], %broadcast_in_dim3A_1 {strides = array<i32>} : memref<320xf32, #tpu.memory_space<vmem>>, vector<16xf32>,
    %swap3A_55 = arith.constant 144 : index
    %swap3A_56 = tpu.vector_load %arg14[%swap3A_55] {strides = array<i32>} : memref<320xf32, #tpu.memory_space<vmem>>, vector<16xf32>,
    tpu.vector_store %arg14[%swap3A_55], %broadcast_in_dim3A_1 {strides = array<i32>} : memref<320xf32, #tpu.memory_space<vmem>>, vector<16xf32>,
    %swap3A_57 = arith.constant 160 : index
    %swap3A_58 = tpu.vector_load %arg14[%swap3A_57] {strides = array<i32>} : memref<320xf32, #tpu.memory_space<vmem>>, vector<16xf32>,
    tpu.vector_store %arg14[%swap3A_57], %broadcast_in_dim3A_1 {strides = array<i32>} : memref<320xf32, #tpu.memory_space<vmem>>, vector<16xf32>,
    %swap3A_59 = arith.constant 176 : index
    %swap3A_60 = tpu.vector_load %arg14[%swap3A_59] {strides = array<i32>} : memref<320xf32, #tpu.memory_space<vmem>>, vector<16xf32>,
    tpu.vector_store %arg14[%swap3A_59], %broadcast_in_dim3A_1 {strides = array<i32>} : memref<320xf32, #tpu.memory_space<vmem>>, vector<16xf32>,
    %swap3A_61 = arith.constant 192 : index
    %swap3A_62 = tpu.vector_load %arg14[%swap3A_61] {strides = array<i32>} : memref<320xf32, #tpu.memory_space<vmem>>, vector<16xf32>,
    tpu.vector_store %arg14[%swap3A_61], %broadcast_in_dim3A_1 {strides = array<i32>} : memref<320xf32, #tpu.memory_space<vmem>>, vector<16xf32>,
    %swap3A_63 = arith.constant 208 : index
    %swap3A_64 = tpu.vector_load %arg14[%swap3A_63] {strides = array<i32>} : memref<320xf32, #tpu.memory_space<vmem>>, vector<16xf32>,
    tpu.vector_store %arg14[%swap3A_63], %broadcast_in_dim3A_1 {strides = array<i32>} : memref<320xf32, #tpu.memory_space<vmem>>, vector<16xf32>,
    %swap3A_65 = arith.constant 224 : index
    %swap3A_66 = tpu.vector_load %arg14[%swap3A_65] {strides = array<i32>} : memref<320xf32, #tpu.memory_space<vmem>>, vector<16xf32>,
    tpu.vector_store %arg14[%swap3A_65], %broadcast_in_dim3A_1 {strides = array<i32>} : memref<320xf32, #tpu.memory_space<vmem>>, vector<16xf32>,
    %swap3A_67 = arith.constant 240 : index
    %swap3A_68 = tpu.vector_load %arg14[%swap3A_67] {strides = array<i32>} : memref<320xf32, #tpu.memory_space<vmem>>, vector<16xf32>,
    tpu.vector_store %arg14[%swap3A_67], %broadcast_in_dim3A_1 {strides = array<i32>} : memref<320xf32, #tpu.memory_space<vmem>>, vector<16xf32>,
    %swap3A_69 = arith.constant 256 : index
    %swap3A_70 = tpu.vector_load %arg14[%swap3A_69] {strides = array<i32>} : memref<320xf32, #tpu.memory_space<vmem>>, vector<16xf32>,
    tpu.vector_store %arg14[%swap3A_69], %broadcast_in_dim3A_1 {strides = array<i32>} : memref<320xf32, #tpu.memory_space<vmem>>, vector<16xf32>,
    %swap3A_71 = arith.constant 272 : index
    %swap3A_72 = tpu.vector_load %arg14[%swap3A_71] {strides = array<i32>} : memref<320xf32, #tpu.memory_space<vmem>>, vector<16xf32>,
    tpu.vector_store %arg14[%swap3A_71], %broadcast_in_dim3A_1 {strides = array<i32>} : memref<320xf32, #tpu.memory_space<vmem>>, vector<16xf32>,
    %swap3A_73 = arith.constant 288 : index
    %swap3A_74 = tpu.vector_load %arg14[%swap3A_73] {strides = array<i32>} : memref<320xf32, #tpu.memory_space<vmem>>, vector<16xf32>,
    tpu.vector_store %arg14[%swap3A_73], %broadcast_in_dim3A_1 {strides = array<i32>} : memref<320xf32, #tpu.memory_space<vmem>>, vector<16xf32>,
    %swap3A_75 = arith.constant 304 : index
    %swap3A_76 = tpu.vector_load %arg14[%swap3A_75] {strides = array<i32>} : memref<320xf32, #tpu.memory_space<vmem>>, vector<16xf32>,
    tpu.vector_store %arg14[%swap3A_75], %broadcast_in_dim3A_1 {strides = array<i32>} : memref<320xf32, #tpu.memory_space<vmem>>, vector<16xf32>,
    %parallel_loop3A_77 = arith.constant 0 : i32
    %parallel_loop3A_78 = arith.constant 41 : i32
    %parallel_loop3A_79 = arith.constant 1 : i32
    %parallel_loop3A_80 = arith.constant 0 : i32
    %parallel_loop3A_81 = scf.for %parallel_loop3A_201 = %parallel_loop3A_77 to %parallel_loop3A_78 step %parallel_loop3A_79 iter_args(%parallel_loop3A_202 = %parallel_loop3A_80) -> (i32)  : i32 {
      %parallel_loop3A_203 = arith.constant 16 : i32
      %parallel_loop3A_204 = arith.muli %parallel_loop3A_201, %parallel_loop3A_203 : i32
      %parallel_loop3A_205 = arith.index_cast %parallel_loop3A_204 : i32 to index
      %parallel_loop3A_206 = tpu.vector_load %arg12[%parallel_loop3A_205] {strides = array<i32>} : memref<656xf32, #tpu.memory_space<vmem>>, vector<16xf32>,
      %parallel_loop3A_207 = vector.broadcast %reduce_max3A_37 : f32 to vector<16xf32>
      %parallel_loop3A_208 = arith.subf %parallel_loop3A_206, %parallel_loop3A_207 : vector<16xf32>
      %parallel_loop3A_209 = math.exp %parallel_loop3A_208 : vector<16xf32>
      %parallel_loop3A_210 = arith.constant 16 : i32
      %parallel_loop3A_211 = arith.muli %parallel_loop3A_201, %parallel_loop3A_210 : i32
      %parallel_loop3A_212 = arith.index_cast %parallel_loop3A_211 : i32 to index
      %parallel_loop3A_213 = tpu.vector_load %arg13[%parallel_loop3A_212] {strides = array<i32>} : memref<656xf32, #tpu.memory_space<vmem>>, vector<16xf32>,
      tpu.vector_store %arg13[%parallel_loop3A_212], %parallel_loop3A_209 {strides = array<i32>} : memref<656xf32, #tpu.memory_space<vmem>>, vector<16xf32>,
      %parallel_loop3A_214 = arith.constant 16 : i32
      %parallel_loop3A_215 = arith.muli %parallel_loop3A_201, %parallel_loop3A_214 : i32
      %parallel_loop3A_216 = arith.index_cast %parallel_loop3A_215 : i32 to index
      %parallel_loop3A_217 = tpu.vector_load %arg10[%parallel_loop3A_216] {strides = array<i32>} : memref<656xi32, #tpu.memory_space<vmem>>, vector<16xi32>,
      tpu.vector_store_idx %arg14[%parallel_loop3A_217], %parallel_loop3A_209 {add = true} : memref<320xf32, #tpu.memory_space<vmem>>[vector<16xi32>], vector<16xf32>,
      scf.yield %parallel_loop3A_202 : i32
    } {sc.loop_unroll_factor = 2 : i64, sc.parallel_access}
    %parallel_loop3A_82 = arith.constant 0 : i32
    %parallel_loop3A_83 = arith.constant 544 : i32
    %parallel_loop3A_84 = arith.constant 1 : i32
    %parallel_loop3A_85 = arith.constant 0 : i32
    %parallel_loop3A_86 = scf.for %parallel_loop3A_201 = %parallel_loop3A_82 to %parallel_loop3A_83 step %parallel_loop3A_84 iter_args(%parallel_loop3A_202 = %parallel_loop3A_85) -> (i32)  : i32 {
      %parallel_loop3A_203 = arith.constant 4 : i32
      %parallel_loop3A_204 = arith.muli %parallel_loop3A_201, %parallel_loop3A_203 : i32
      %parallel_loop3A_205 = arith.constant 0 : i32
      %parallel_loop3A_206 = arith.addi %parallel_loop3A_204, %parallel_loop3A_205 : i32
      %parallel_loop3A_207 = arith.constant 16 : i32
      %parallel_loop3A_208 = arith.muli %parallel_loop3A_206, %parallel_loop3A_207 : i32
      %parallel_loop3A_209 = arith.index_cast %parallel_loop3A_208 : i32 to index
      %parallel_loop3A_210 = tpu.vector_load %arg8[%parallel_loop3A_209] {strides = array<i32>} : memref<35256xf32, #tpu.memory_space<vmem>>, vector<16xf32>,
      tpu.vector_store %arg8[%parallel_loop3A_209], %broadcast_in_dim3A_1 {strides = array<i32>} : memref<35256xf32, #tpu.memory_space<vmem>>, vector<16xf32>,
      %parallel_loop3A_211 = arith.constant 4 : i32
      %parallel_loop3A_212 = arith.muli %parallel_loop3A_201, %parallel_loop3A_211 : i32
      %parallel_loop3A_213 = arith.constant 1 : i32
      %parallel_loop3A_214 = arith.addi %parallel_loop3A_212, %parallel_loop3A_213 : i32
      %parallel_loop3A_215 = arith.constant 16 : i32
      %parallel_loop3A_216 = arith.muli %parallel_loop3A_214, %parallel_loop3A_215 : i32
      %parallel_loop3A_217 = arith.index_cast %parallel_loop3A_216 : i32 to index
      %parallel_loop3A_218 = tpu.vector_load %arg8[%parallel_loop3A_217] {strides = array<i32>} : memref<35256xf32, #tpu.memory_space<vmem>>, vector<16xf32>,
      tpu.vector_store %arg8[%parallel_loop3A_217], %broadcast_in_dim3A_1 {strides = array<i32>} : memref<35256xf32, #tpu.memory_space<vmem>>, vector<16xf32>,
      %parallel_loop3A_219 = arith.constant 4 : i32
      %parallel_loop3A_220 = arith.muli %parallel_loop3A_201, %parallel_loop3A_219 : i32
      %parallel_loop3A_221 = arith.constant 2 : i32
      %parallel_loop3A_222 = arith.addi %parallel_loop3A_220, %parallel_loop3A_221 : i32
      %parallel_loop3A_223 = arith.constant 16 : i32
      %parallel_loop3A_224 = arith.muli %parallel_loop3A_222, %parallel_loop3A_223 : i32
      %parallel_loop3A_225 = arith.index_cast %parallel_loop3A_224 : i32 to index
      %parallel_loop3A_226 = tpu.vector_load %arg8[%parallel_loop3A_225] {strides = array<i32>} : memref<35256xf32, #tpu.memory_space<vmem>>, vector<16xf32>,
      tpu.vector_store %arg8[%parallel_loop3A_225], %broadcast_in_dim3A_1 {strides = array<i32>} : memref<35256xf32, #tpu.memory_space<vmem>>, vector<16xf32>,
      %parallel_loop3A_227 = arith.constant 4 : i32
      %parallel_loop3A_228 = arith.muli %parallel_loop3A_201, %parallel_loop3A_227 : i32
      %parallel_loop3A_229 = arith.constant 3 : i32
      %parallel_loop3A_230 = arith.addi %parallel_loop3A_228, %parallel_loop3A_229 : i32
      %parallel_loop3A_231 = arith.constant 16 : i32
      %parallel_loop3A_232 = arith.muli %parallel_loop3A_230, %parallel_loop3A_231 : i32
      %parallel_loop3A_233 = arith.index_cast %parallel_loop3A_232 : i32 to index
      %parallel_loop3A_234 = tpu.vector_load %arg8[%parallel_loop3A_233] {strides = array<i32>} : memref<35256xf32, #tpu.memory_space<vmem>>, vector<16xf32>,
      tpu.vector_store %arg8[%parallel_loop3A_233], %broadcast_in_dim3A_1 {strides = array<i32>} : memref<35256xf32, #tpu.memory_space<vmem>>, vector<16xf32>,
      scf.yield %parallel_loop3A_202 : i32
    } {sc.loop_unroll_factor = 2 : i64, sc.parallel_access}
    %parallel_loop3A_87 = arith.constant 0 : i32
    %parallel_loop3A_88 = arith.constant 41 : i32
    %parallel_loop3A_89 = arith.constant 1 : i32
    %parallel_loop3A_90 = arith.constant 0 : i32
    %parallel_loop3A_91 = scf.for %parallel_loop3A_201 = %parallel_loop3A_87 to %parallel_loop3A_88 step %parallel_loop3A_89 iter_args(%parallel_loop3A_202 = %parallel_loop3A_90) -> (i32)  : i32 {
      %parallel_loop3A_203 = arith.constant 16 : i32
      %parallel_loop3A_204 = arith.muli %parallel_loop3A_201, %parallel_loop3A_203 : i32
      %parallel_loop3A_205 = arith.index_cast %parallel_loop3A_204 : i32 to index
      %parallel_loop3A_206 = tpu.vector_load %arg10[%parallel_loop3A_205] {strides = array<i32>} : memref<656xi32, #tpu.memory_space<vmem>>, vector<16xi32>,
      %parallel_loop3A_207 = arith.constant 16 : i32
      %parallel_loop3A_208 = arith.muli %parallel_loop3A_201, %parallel_loop3A_207 : i32
      %parallel_loop3A_209 = arith.index_cast %parallel_loop3A_208 : i32 to index
      %parallel_loop3A_210 = tpu.vector_load %arg9[%parallel_loop3A_209] {strides = array<i32>} : memref<656xi32, #tpu.memory_space<vmem>>, vector<16xi32>,
      %parallel_loop3A_211 = arith.constant 227 : i32
      %parallel_loop3A_212 = vector.broadcast %parallel_loop3A_211 : i32 to vector<16xi32>
      %parallel_loop3A_213 = arith.muli %parallel_loop3A_210, %parallel_loop3A_212 : vector<16xi32>
      %parallel_loop3A_214 = vector.broadcast %sub3A_29 : i32 to vector<16xi32>
      %parallel_loop3A_215 = arith.addi %parallel_loop3A_213, %parallel_loop3A_214 : vector<16xi32>
      %parallel_loop3A_216 = arith.constant 113 : i32
      %parallel_loop3A_217 = vector.broadcast %parallel_loop3A_216 : i32 to vector<16xi32>
      %parallel_loop3A_218 = arith.muli %parallel_loop3A_206, %parallel_loop3A_217 : vector<16xi32>
      %parallel_loop3A_219 = arith.constant 16 : i32
      %parallel_loop3A_220 = arith.muli %parallel_loop3A_201, %parallel_loop3A_219 : i32
      %parallel_loop3A_221 = arith.index_cast %parallel_loop3A_220 : i32 to index
      %parallel_loop3A_222 = tpu.vector_load %arg13[%parallel_loop3A_221] {strides = array<i32>} : memref<656xf32, #tpu.memory_space<vmem>>, vector<16xf32>,
      %parallel_loop3A_223 = tpu.vector_load_idx %arg14[%parallel_loop3A_206] : memref<320xf32, #tpu.memory_space<vmem>>[vector<16xi32>], vector<16xf32>,
      %parallel_loop3A_224 = arith.constant 1.000000e-16 : f32
      %parallel_loop3A_225 = vector.broadcast %parallel_loop3A_224 : f32 to vector<16xf32>
      %parallel_loop3A_226 = arith.addf %parallel_loop3A_223, %parallel_loop3A_225 : vector<16xf32>
      %parallel_loop3A_227 = arith.divf %parallel_loop3A_222, %parallel_loop3A_226 : vector<16xf32>
      %parallel_loop3A_228 = arith.constant 0 : i32
      %parallel_loop3A_229 = arith.constant 7 : i32
      %parallel_loop3A_230 = arith.constant 1 : i32
      %parallel_loop3A_231 = arith.constant 0 : i32
      %parallel_loop3A_232 = scf.for %parallel_loop3A_233 = %parallel_loop3A_228 to %parallel_loop3A_229 step %parallel_loop3A_230 iter_args(%parallel_loop3A_234 = %parallel_loop3A_231) -> (i32)  : i32 {
        %parallel_loop3A_235 = arith.constant 16 : i32
        %parallel_loop3A_236 = arith.muli %parallel_loop3A_233, %parallel_loop3A_235 : i32
        %parallel_loop3A_237 = vector.broadcast %parallel_loop3A_236 : i32 to vector<16xi32>
        %parallel_loop3A_238 = arith.addi %parallel_loop3A_215, %parallel_loop3A_237 : vector<16xi32>
        %parallel_loop3A_239 = arith.constant 16 : i32
        %parallel_loop3A_240 = arith.muli %parallel_loop3A_233, %parallel_loop3A_239 : i32
        %parallel_loop3A_241 = vector.broadcast %parallel_loop3A_240 : i32 to vector<16xi32>
        %parallel_loop3A_242 = arith.addi %parallel_loop3A_218, %parallel_loop3A_241 : vector<16xi32>
        %parallel_loop3A_243 = arith.constant 0 : i32
        %parallel_loop3A_244 = vector.broadcast %parallel_loop3A_243 : i32 to vector<16xi32>
        %parallel_loop3A_245 = arith.addi %parallel_loop3A_238, %parallel_loop3A_244 : vector<16xi32>
        %parallel_loop3A_246 = tpu.vector_load_idx %arg7[%parallel_loop3A_245] : memref<69712xf32, #tpu.memory_space<vmem>>[vector<16xi32>], vector<16xf32>,
        %parallel_loop3A_247 = arith.constant 0 : i32
        %parallel_loop3A_248 = vector.broadcast %parallel_loop3A_247 : i32 to vector<16xi32>
        %parallel_loop3A_249 = arith.addi %parallel_loop3A_242, %parallel_loop3A_248 : vector<16xi32>
        %parallel_loop3A_250 = arith.mulf %parallel_loop3A_227, %parallel_loop3A_246 : vector<16xf32>
        tpu.vector_store_idx %arg8[%parallel_loop3A_249], %parallel_loop3A_250 {add = true} : memref<35256xf32, #tpu.memory_space<vmem>>[vector<16xi32>], vector<16xf32>,
        %parallel_loop3A_251 = arith.constant 1 : i32
        %parallel_loop3A_252 = vector.broadcast %parallel_loop3A_251 : i32 to vector<16xi32>
        %parallel_loop3A_253 = arith.addi %parallel_loop3A_238, %parallel_loop3A_252 : vector<16xi32>
        %parallel_loop3A_254 = tpu.vector_load_idx %arg7[%parallel_loop3A_253] : memref<69712xf32, #tpu.memory_space<vmem>>[vector<16xi32>], vector<16xf32>,
        %parallel_loop3A_255 = arith.constant 1 : i32
        %parallel_loop3A_256 = vector.broadcast %parallel_loop3A_255 : i32 to vector<16xi32>
        %parallel_loop3A_257 = arith.addi %parallel_loop3A_242, %parallel_loop3A_256 : vector<16xi32>
        %parallel_loop3A_258 = arith.mulf %parallel_loop3A_227, %parallel_loop3A_254 : vector<16xf32>
        tpu.vector_store_idx %arg8[%parallel_loop3A_257], %parallel_loop3A_258 {add = true} : memref<35256xf32, #tpu.memory_space<vmem>>[vector<16xi32>], vector<16xf32>,
        %parallel_loop3A_259 = arith.constant 2 : i32
        %parallel_loop3A_260 = vector.broadcast %parallel_loop3A_259 : i32 to vector<16xi32>
        %parallel_loop3A_261 = arith.addi %parallel_loop3A_238, %parallel_loop3A_260 : vector<16xi32>
        %parallel_loop3A_262 = tpu.vector_load_idx %arg7[%parallel_loop3A_261] : memref<69712xf32, #tpu.memory_space<vmem>>[vector<16xi32>], vector<16xf32>,
        %parallel_loop3A_263 = arith.constant 2 : i32
        %parallel_loop3A_264 = vector.broadcast %parallel_loop3A_263 : i32 to vector<16xi32>
        %parallel_loop3A_265 = arith.addi %parallel_loop3A_242, %parallel_loop3A_264 : vector<16xi32>
        %parallel_loop3A_266 = arith.mulf %parallel_loop3A_227, %parallel_loop3A_262 : vector<16xf32>
        tpu.vector_store_idx %arg8[%parallel_loop3A_265], %parallel_loop3A_266 {add = true} : memref<35256xf32, #tpu.memory_space<vmem>>[vector<16xi32>], vector<16xf32>,
        %parallel_loop3A_267 = arith.constant 3 : i32
        %parallel_loop3A_268 = vector.broadcast %parallel_loop3A_267 : i32 to vector<16xi32>
        %parallel_loop3A_269 = arith.addi %parallel_loop3A_238, %parallel_loop3A_268 : vector<16xi32>
        %parallel_loop3A_270 = tpu.vector_load_idx %arg7[%parallel_loop3A_269] : memref<69712xf32, #tpu.memory_space<vmem>>[vector<16xi32>], vector<16xf32>,
        %parallel_loop3A_271 = arith.constant 3 : i32
        %parallel_loop3A_272 = vector.broadcast %parallel_loop3A_271 : i32 to vector<16xi32>
        %parallel_loop3A_273 = arith.addi %parallel_loop3A_242, %parallel_loop3A_272 : vector<16xi32>
        %parallel_loop3A_274 = arith.mulf %parallel_loop3A_227, %parallel_loop3A_270 : vector<16xf32>
        tpu.vector_store_idx %arg8[%parallel_loop3A_273], %parallel_loop3A_274 {add = true} : memref<35256xf32, #tpu.memory_space<vmem>>[vector<16xi32>], vector<16xf32>,
        %parallel_loop3A_275 = arith.constant 4 : i32
        %parallel_loop3A_276 = vector.broadcast %parallel_loop3A_275 : i32 to vector<16xi32>
        %parallel_loop3A_277 = arith.addi %parallel_loop3A_238, %parallel_loop3A_276 : vector<16xi32>
        %parallel_loop3A_278 = tpu.vector_load_idx %arg7[%parallel_loop3A_277] : memref<69712xf32, #tpu.memory_space<vmem>>[vector<16xi32>], vector<16xf32>,
        %parallel_loop3A_279 = arith.constant 4 : i32
        %parallel_loop3A_280 = vector.broadcast %parallel_loop3A_279 : i32 to vector<16xi32>
        %parallel_loop3A_281 = arith.addi %parallel_loop3A_242, %parallel_loop3A_280 : vector<16xi32>
        %parallel_loop3A_282 = arith.mulf %parallel_loop3A_227, %parallel_loop3A_278 : vector<16xf32>
        tpu.vector_store_idx %arg8[%parallel_loop3A_281], %parallel_loop3A_282 {add = true} : memref<35256xf32, #tpu.memory_space<vmem>>[vector<16xi32>], vector<16xf32>,
        %parallel_loop3A_283 = arith.constant 5 : i32
        %parallel_loop3A_284 = vector.broadcast %parallel_loop3A_283 : i32 to vector<16xi32>
        %parallel_loop3A_285 = arith.addi %parallel_loop3A_238, %parallel_loop3A_284 : vector<16xi32>
        %parallel_loop3A_286 = tpu.vector_load_idx %arg7[%parallel_loop3A_285] : memref<69712xf32, #tpu.memory_space<vmem>>[vector<16xi32>], vector<16xf32>,
        %parallel_loop3A_287 = arith.constant 5 : i32
        %parallel_loop3A_288 = vector.broadcast %parallel_loop3A_287 : i32 to vector<16xi32>
        %parallel_loop3A_289 = arith.addi %parallel_loop3A_242, %parallel_loop3A_288 : vector<16xi32>
        %parallel_loop3A_290 = arith.mulf %parallel_loop3A_227, %parallel_loop3A_286 : vector<16xf32>
        tpu.vector_store_idx %arg8[%parallel_loop3A_289], %parallel_loop3A_290 {add = true} : memref<35256xf32, #tpu.memory_space<vmem>>[vector<16xi32>], vector<16xf32>,
        %parallel_loop3A_291 = arith.constant 6 : i32
        %parallel_loop3A_292 = vector.broadcast %parallel_loop3A_291 : i32 to vector<16xi32>
        %parallel_loop3A_293 = arith.addi %parallel_loop3A_238, %parallel_loop3A_292 : vector<16xi32>
        %parallel_loop3A_294 = tpu.vector_load_idx %arg7[%parallel_loop3A_293] : memref<69712xf32, #tpu.memory_space<vmem>>[vector<16xi32>], vector<16xf32>,
        %parallel_loop3A_295 = arith.constant 6 : i32
        %parallel_loop3A_296 = vector.broadcast %parallel_loop3A_295 : i32 to vector<16xi32>
        %parallel_loop3A_297 = arith.addi %parallel_loop3A_242, %parallel_loop3A_296 : vector<16xi32>
        %parallel_loop3A_298 = arith.mulf %parallel_loop3A_227, %parallel_loop3A_294 : vector<16xf32>
        tpu.vector_store_idx %arg8[%parallel_loop3A_297], %parallel_loop3A_298 {add = true} : memref<35256xf32, #tpu.memory_space<vmem>>[vector<16xi32>], vector<16xf32>,
        %parallel_loop3A_299 = arith.constant 7 : i32
        %parallel_loop3A_300 = vector.broadcast %parallel_loop3A_299 : i32 to vector<16xi32>
        %parallel_loop3A_301 = arith.addi %parallel_loop3A_238, %parallel_loop3A_300 : vector<16xi32>
        %parallel_loop3A_302 = tpu.vector_load_idx %arg7[%parallel_loop3A_301] : memref<69712xf32, #tpu.memory_space<vmem>>[vector<16xi32>], vector<16xf32>,
        %parallel_loop3A_303 = arith.constant 7 : i32
        %parallel_loop3A_304 = vector.broadcast %parallel_loop3A_303 : i32 to vector<16xi32>
        %parallel_loop3A_305 = arith.addi %parallel_loop3A_242, %parallel_loop3A_304 : vector<16xi32>
        %parallel_loop3A_306 = arith.mulf %parallel_loop3A_227, %parallel_loop3A_302 : vector<16xf32>
        tpu.vector_store_idx %arg8[%parallel_loop3A_305], %parallel_loop3A_306 {add = true} : memref<35256xf32, #tpu.memory_space<vmem>>[vector<16xi32>], vector<16xf32>,
        %parallel_loop3A_307 = arith.constant 8 : i32
        %parallel_loop3A_308 = vector.broadcast %parallel_loop3A_307 : i32 to vector<16xi32>
        %parallel_loop3A_309 = arith.addi %parallel_loop3A_238, %parallel_loop3A_308 : vector<16xi32>
        %parallel_loop3A_310 = tpu.vector_load_idx %arg7[%parallel_loop3A_309] : memref<69712xf32, #tpu.memory_space<vmem>>[vector<16xi32>], vector<16xf32>,
        %parallel_loop3A_311 = arith.constant 8 : i32
        %parallel_loop3A_312 = vector.broadcast %parallel_loop3A_311 : i32 to vector<16xi32>
        %parallel_loop3A_313 = arith.addi %parallel_loop3A_242, %parallel_loop3A_312 : vector<16xi32>
        %parallel_loop3A_314 = arith.mulf %parallel_loop3A_227, %parallel_loop3A_310 : vector<16xf32>
        tpu.vector_store_idx %arg8[%parallel_loop3A_313], %parallel_loop3A_314 {add = true} : memref<35256xf32, #tpu.memory_space<vmem>>[vector<16xi32>], vector<16xf32>,
        %parallel_loop3A_315 = arith.constant 9 : i32
        %parallel_loop3A_316 = vector.broadcast %parallel_loop3A_315 : i32 to vector<16xi32>
        %parallel_loop3A_317 = arith.addi %parallel_loop3A_238, %parallel_loop3A_316 : vector<16xi32>
        %parallel_loop3A_318 = tpu.vector_load_idx %arg7[%parallel_loop3A_317] : memref<69712xf32, #tpu.memory_space<vmem>>[vector<16xi32>], vector<16xf32>,
        %parallel_loop3A_319 = arith.constant 9 : i32
        %parallel_loop3A_320 = vector.broadcast %parallel_loop3A_319 : i32 to vector<16xi32>
        %parallel_loop3A_321 = arith.addi %parallel_loop3A_242, %parallel_loop3A_320 : vector<16xi32>
        %parallel_loop3A_322 = arith.mulf %parallel_loop3A_227, %parallel_loop3A_318 : vector<16xf32>
        tpu.vector_store_idx %arg8[%parallel_loop3A_321], %parallel_loop3A_322 {add = true} : memref<35256xf32, #tpu.memory_space<vmem>>[vector<16xi32>], vector<16xf32>,
        %parallel_loop3A_323 = arith.constant 10 : i32
        %parallel_loop3A_324 = vector.broadcast %parallel_loop3A_323 : i32 to vector<16xi32>
        %parallel_loop3A_325 = arith.addi %parallel_loop3A_238, %parallel_loop3A_324 : vector<16xi32>
        %parallel_loop3A_326 = tpu.vector_load_idx %arg7[%parallel_loop3A_325] : memref<69712xf32, #tpu.memory_space<vmem>>[vector<16xi32>], vector<16xf32>,
        %parallel_loop3A_327 = arith.constant 10 : i32
        %parallel_loop3A_328 = vector.broadcast %parallel_loop3A_327 : i32 to vector<16xi32>
        %parallel_loop3A_329 = arith.addi %parallel_loop3A_242, %parallel_loop3A_328 : vector<16xi32>
        %parallel_loop3A_330 = arith.mulf %parallel_loop3A_227, %parallel_loop3A_326 : vector<16xf32>
        tpu.vector_store_idx %arg8[%parallel_loop3A_329], %parallel_loop3A_330 {add = true} : memref<35256xf32, #tpu.memory_space<vmem>>[vector<16xi32>], vector<16xf32>,
        %parallel_loop3A_331 = arith.constant 11 : i32
        %parallel_loop3A_332 = vector.broadcast %parallel_loop3A_331 : i32 to vector<16xi32>
        %parallel_loop3A_333 = arith.addi %parallel_loop3A_238, %parallel_loop3A_332 : vector<16xi32>
        %parallel_loop3A_334 = tpu.vector_load_idx %arg7[%parallel_loop3A_333] : memref<69712xf32, #tpu.memory_space<vmem>>[vector<16xi32>], vector<16xf32>,
        %parallel_loop3A_335 = arith.constant 11 : i32
        %parallel_loop3A_336 = vector.broadcast %parallel_loop3A_335 : i32 to vector<16xi32>
        %parallel_loop3A_337 = arith.addi %parallel_loop3A_242, %parallel_loop3A_336 : vector<16xi32>
        %parallel_loop3A_338 = arith.mulf %parallel_loop3A_227, %parallel_loop3A_334 : vector<16xf32>
        tpu.vector_store_idx %arg8[%parallel_loop3A_337], %parallel_loop3A_338 {add = true} : memref<35256xf32, #tpu.memory_space<vmem>>[vector<16xi32>], vector<16xf32>,
        %parallel_loop3A_339 = arith.constant 12 : i32
        %parallel_loop3A_340 = vector.broadcast %parallel_loop3A_339 : i32 to vector<16xi32>
        %parallel_loop3A_341 = arith.addi %parallel_loop3A_238, %parallel_loop3A_340 : vector<16xi32>
        %parallel_loop3A_342 = tpu.vector_load_idx %arg7[%parallel_loop3A_341] : memref<69712xf32, #tpu.memory_space<vmem>>[vector<16xi32>], vector<16xf32>,
        %parallel_loop3A_343 = arith.constant 12 : i32
        %parallel_loop3A_344 = vector.broadcast %parallel_loop3A_343 : i32 to vector<16xi32>
        %parallel_loop3A_345 = arith.addi %parallel_loop3A_242, %parallel_loop3A_344 : vector<16xi32>
        %parallel_loop3A_346 = arith.mulf %parallel_loop3A_227, %parallel_loop3A_342 : vector<16xf32>
        tpu.vector_store_idx %arg8[%parallel_loop3A_345], %parallel_loop3A_346 {add = true} : memref<35256xf32, #tpu.memory_space<vmem>>[vector<16xi32>], vector<16xf32>,
        %parallel_loop3A_347 = arith.constant 13 : i32
        %parallel_loop3A_348 = vector.broadcast %parallel_loop3A_347 : i32 to vector<16xi32>
        %parallel_loop3A_349 = arith.addi %parallel_loop3A_238, %parallel_loop3A_348 : vector<16xi32>
        %parallel_loop3A_350 = tpu.vector_load_idx %arg7[%parallel_loop3A_349] : memref<69712xf32, #tpu.memory_space<vmem>>[vector<16xi32>], vector<16xf32>,
        %parallel_loop3A_351 = arith.constant 13 : i32
        %parallel_loop3A_352 = vector.broadcast %parallel_loop3A_351 : i32 to vector<16xi32>
        %parallel_loop3A_353 = arith.addi %parallel_loop3A_242, %parallel_loop3A_352 : vector<16xi32>
        %parallel_loop3A_354 = arith.mulf %parallel_loop3A_227, %parallel_loop3A_350 : vector<16xf32>
        tpu.vector_store_idx %arg8[%parallel_loop3A_353], %parallel_loop3A_354 {add = true} : memref<35256xf32, #tpu.memory_space<vmem>>[vector<16xi32>], vector<16xf32>,
        %parallel_loop3A_355 = arith.constant 14 : i32
        %parallel_loop3A_356 = vector.broadcast %parallel_loop3A_355 : i32 to vector<16xi32>
        %parallel_loop3A_357 = arith.addi %parallel_loop3A_238, %parallel_loop3A_356 : vector<16xi32>
        %parallel_loop3A_358 = tpu.vector_load_idx %arg7[%parallel_loop3A_357] : memref<69712xf32, #tpu.memory_space<vmem>>[vector<16xi32>], vector<16xf32>,
        %parallel_loop3A_359 = arith.constant 14 : i32
        %parallel_loop3A_360 = vector.broadcast %parallel_loop3A_359 : i32 to vector<16xi32>
        %parallel_loop3A_361 = arith.addi %parallel_loop3A_242, %parallel_loop3A_360 : vector<16xi32>
        %parallel_loop3A_362 = arith.mulf %parallel_loop3A_227, %parallel_loop3A_358 : vector<16xf32>
        tpu.vector_store_idx %arg8[%parallel_loop3A_361], %parallel_loop3A_362 {add = true} : memref<35256xf32, #tpu.memory_space<vmem>>[vector<16xi32>], vector<16xf32>,
        %parallel_loop3A_363 = arith.constant 15 : i32
        %parallel_loop3A_364 = vector.broadcast %parallel_loop3A_363 : i32 to vector<16xi32>
        %parallel_loop3A_365 = arith.addi %parallel_loop3A_238, %parallel_loop3A_364 : vector<16xi32>
        %parallel_loop3A_366 = tpu.vector_load_idx %arg7[%parallel_loop3A_365] : memref<69712xf32, #tpu.memory_space<vmem>>[vector<16xi32>], vector<16xf32>,
        %parallel_loop3A_367 = arith.constant 15 : i32
        %parallel_loop3A_368 = vector.broadcast %parallel_loop3A_367 : i32 to vector<16xi32>
        %parallel_loop3A_369 = arith.addi %parallel_loop3A_242, %parallel_loop3A_368 : vector<16xi32>
        %parallel_loop3A_370 = arith.mulf %parallel_loop3A_227, %parallel_loop3A_366 : vector<16xf32>
        tpu.vector_store_idx %arg8[%parallel_loop3A_369], %parallel_loop3A_370 {add = true} : memref<35256xf32, #tpu.memory_space<vmem>>[vector<16xi32>], vector<16xf32>,
        scf.yield %parallel_loop3A_234 : i32
      } {sc.loop_unroll_factor = 1 : i64, sc.parallel_access}
      scf.yield %parallel_loop3A_202 : i32
    } {sc.loop_unroll_factor = 2 : i64, sc.parallel_access}
    %mul3A_92 = arith.constant 35256 : i32
    %mul3A_93 = arith.muli %add3A_5, %mul3A_92 : i32
    %multiple_of3A_94 = tpu.assume_multiple %mul3A_93, 8 : i32
    "tpu.region"() ({
      %run_scoped3A = tpu.sem_alloc : memref<!tpu.dma_semaphore, #tpu.memory_space<semaphore_mem>>
      %dma_start3A = tpu.memref_slice %arg6[%multiple_of3A_94] : memref<2256384xf32, #tpu.memory_space<hbm>> -> memref<35256xf32, #tpu.memory_space<hbm>>
      %dma_start3A_201 = tpu.memref_slice %arg6[%multiple_of3A_94] : memref<2256384xf32, #tpu.memory_space<hbm>> -> memref<35256xf32, #tpu.memory_space<hbm>>
      tpu.enqueue_dma source(%arg8 : memref<35256xf32, #tpu.memory_space<vmem>>) target(%dma_start3A_201 : memref<35256xf32, #tpu.memory_space<hbm>>) target_semaphore(%run_scoped3A : memref<!tpu.dma_semaphore, #tpu.memory_space<semaphore_mem>>)
      %dma_wait3A = tpu.memref_slice %arg6[%multiple_of3A_94] : memref<2256384xf32, #tpu.memory_space<hbm>> -> memref<35256xf32, #tpu.memory_space<hbm>>
      %dma_wait3A_202 = tpu.memref_slice %arg6[%multiple_of3A_94] : memref<2256384xf32, #tpu.memory_space<hbm>> -> memref<35256xf32, #tpu.memory_space<hbm>>
      tpu.wait_dma2 semaphore(%run_scoped3A : memref<!tpu.dma_semaphore, #tpu.memory_space<semaphore_mem>>) src(%arg8 : memref<35256xf32, #tpu.memory_space<vmem>>) dst(%dma_wait3A_202 : memref<35256xf32, #tpu.memory_space<hbm>>)
      tpu.yield
    }) : () -> ()
    %mul3A_95 = arith.constant 2 : i32
    %mul3A_96 = arith.muli %add3A, %mul3A_95 : i32
    %add3A_97 = arith.constant 1 : i32
    %add3A_98 = arith.addi %mul3A_96, %add3A_97 : i32
    %mul3A_99 = arith.constant 69689 : i32
    %mul3A_100 = arith.muli %add3A_98, %mul3A_99 : i32
    %jit3A_101 = arith.constant 8 : i32
    %div3A_102 = arith.divsi %mul3A_100, %jit3A_101 : i32
    %sign3A_103 = arith.constant 0 : i32
    %sign3A_104 = arith.cmpi sgt, %mul3A_100, %sign3A_103 : i32
    %sign3A_105 = arith.extui %sign3A_104 : i1 to i32
    %sign3A_106 = arith.constant 0 : i32
    %sign3A_107 = arith.cmpi slt, %mul3A_100, %sign3A_106 : i32
    %sign3A_108 = arith.extui %sign3A_107 : i1 to i32
    %sign3A_109 = arith.subi %sign3A_105, %sign3A_108 : i32
    %sign3A_110 = arith.constant 0 : i32
    %sign3A_111 = arith.cmpi sgt, %jit3A_101, %sign3A_110 : i32
    %sign3A_112 = arith.extui %sign3A_111 : i1 to i32
    %sign3A_113 = arith.constant 0 : i32
    %sign3A_114 = arith.cmpi slt, %jit3A_101, %sign3A_113 : i32
    %sign3A_115 = arith.extui %sign3A_114 : i1 to i32
    %sign3A_116 = arith.subi %sign3A_112, %sign3A_115 : i32
    %ne3A_117 = arith.cmpi ne, %sign3A_109, %sign3A_116 : i32
    %rem3A_118 = arith.remsi %mul3A_100, %jit3A_101 : i32
    %ne3A_119 = arith.constant 0 : i32
    %ne3A_120 = arith.cmpi ne, %rem3A_118, %ne3A_119 : i32
    %and3A_121 = arith.andi %ne3A_117, %ne3A_120 : i1
    %sub3A_122 = arith.constant 1 : i32
    %sub3A_123 = arith.subi %div3A_102, %sub3A_122 : i32
    %select_n3A_124 = arith.select %and3A_121, %sub3A_123, %div3A_102 : i32
    %mul3A_125 = arith.constant 8 : i32
    %mul3A_126 = arith.muli %select_n3A_124, %mul3A_125 : i32
    %min3A_127 = arith.constant 4390384 : i32
    %min3A_128 = arith.minsi %mul3A_126, %min3A_127 : i32
    %multiple_of3A_129 = tpu.assume_multiple %min3A_128, 8 : i32
    %mul3A_130 = arith.constant 69689 : i32
    %mul3A_131 = arith.muli %add3A_98, %mul3A_130 : i32
    %sub3A_132 = arith.subi %mul3A_131, %multiple_of3A_129 : i32
    "tpu.region"() ({
      %run_scoped3A = tpu.sem_alloc : memref<!tpu.dma_semaphore, #tpu.memory_space<semaphore_mem>>
      %dma_start3A = tpu.memref_slice %arg2[%multiple_of3A_129] : memref<4460096xf32, #tpu.memory_space<hbm>> -> memref<69712xf32, #tpu.memory_space<hbm>>
      %dma_start3A_201 = tpu.memref_slice %arg2[%multiple_of3A_129] : memref<4460096xf32, #tpu.memory_space<hbm>> -> memref<69712xf32, #tpu.memory_space<hbm>>
      tpu.enqueue_dma source(%dma_start3A_201 : memref<69712xf32, #tpu.memory_space<hbm>>) target(%arg7 : memref<69712xf32, #tpu.memory_space<vmem>>) target_semaphore(%run_scoped3A : memref<!tpu.dma_semaphore, #tpu.memory_space<semaphore_mem>>)
      %dma_wait3A = tpu.memref_slice %arg2[%multiple_of3A_129] : memref<4460096xf32, #tpu.memory_space<hbm>> -> memref<69712xf32, #tpu.memory_space<hbm>>
      %dma_wait3A_202 = tpu.memref_slice %arg2[%multiple_of3A_129] : memref<4460096xf32, #tpu.memory_space<hbm>> -> memref<69712xf32, #tpu.memory_space<hbm>>
      tpu.wait_dma2 semaphore(%run_scoped3A : memref<!tpu.dma_semaphore, #tpu.memory_space<semaphore_mem>>) src(%dma_wait3A_202 : memref<69712xf32, #tpu.memory_space<hbm>>) dst(%arg7 : memref<69712xf32, #tpu.memory_space<vmem>>)
      tpu.yield
    }) : () -> ()
    %broadcast_in_dim3A_133 = arith.constant -1.000000e+30 : f32
    %broadcast_in_dim3A_134 = vector.broadcast %broadcast_in_dim3A_133 : f32 to vector<16xf32>
    %parallel_loop3A_135 = arith.constant 0 : i32
    %parallel_loop3A_136 = arith.constant 41 : i32
    %parallel_loop3A_137 = arith.constant 1 : i32
    %parallel_loop3A_138 = scf.for %parallel_loop3A_201 = %parallel_loop3A_135 to %parallel_loop3A_136 step %parallel_loop3A_137 iter_args(%parallel_loop3A_202 = %broadcast_in_dim3A_134) -> (vector<16xf32>)  : i32 {
      %parallel_loop3A_203 = arith.constant 16 : i32
      %parallel_loop3A_204 = arith.muli %parallel_loop3A_201, %parallel_loop3A_203 : i32
      %parallel_loop3A_205 = arith.index_cast %parallel_loop3A_204 : i32 to index
      %parallel_loop3A_206 = tpu.vector_load %arg9[%parallel_loop3A_205] {strides = array<i32>} : memref<656xi32, #tpu.memory_space<vmem>>, vector<16xi32>,
      %parallel_loop3A_207 = arith.constant 227 : i32
      %parallel_loop3A_208 = vector.broadcast %parallel_loop3A_207 : i32 to vector<16xi32>
      %parallel_loop3A_209 = arith.muli %parallel_loop3A_206, %parallel_loop3A_208 : vector<16xi32>
      %parallel_loop3A_210 = vector.broadcast %sub3A_132 : i32 to vector<16xi32>
      %parallel_loop3A_211 = arith.addi %parallel_loop3A_209, %parallel_loop3A_210 : vector<16xi32>
      %parallel_loop3A_212 = arith.constant 16 : i32
      %parallel_loop3A_213 = arith.muli %parallel_loop3A_201, %parallel_loop3A_212 : i32
      %parallel_loop3A_214 = arith.index_cast %parallel_loop3A_213 : i32 to index
      %parallel_loop3A_215 = tpu.vector_load %arg10[%parallel_loop3A_214] {strides = array<i32>} : memref<656xi32, #tpu.memory_space<vmem>>, vector<16xi32>,
      %parallel_loop3A_216 = arith.constant 227 : i32
      %parallel_loop3A_217 = vector.broadcast %parallel_loop3A_216 : i32 to vector<16xi32>
      %parallel_loop3A_218 = arith.muli %parallel_loop3A_215, %parallel_loop3A_217 : vector<16xi32>
      %parallel_loop3A_219 = arith.constant 112 : i32
      %parallel_loop3A_220 = arith.addi %sub3A_132, %parallel_loop3A_219 : i32
      %parallel_loop3A_221 = vector.broadcast %parallel_loop3A_220 : i32 to vector<16xi32>
      %parallel_loop3A_222 = arith.addi %parallel_loop3A_218, %parallel_loop3A_221 : vector<16xi32>
      %parallel_loop3A_223 = arith.constant 0 : i32
      %parallel_loop3A_224 = arith.constant 7 : i32
      %parallel_loop3A_225 = arith.constant 1 : i32
      %parallel_loop3A_226:4 = scf.for %parallel_loop3A_246 = %parallel_loop3A_223 to %parallel_loop3A_224 step %parallel_loop3A_225 iter_args(%parallel_loop3A_247 = %broadcast_in_dim3A_1, %parallel_loop3A_248 = %broadcast_in_dim3A_1, %parallel_loop3A_249 = %broadcast_in_dim3A_1, %parallel_loop3A_250 = %broadcast_in_dim3A_1) -> (vector<16xf32>, vector<16xf32>, vector<16xf32>, vector<16xf32>)  : i32 {
        %parallel_loop3A_251 = arith.constant 16 : i32
        %parallel_loop3A_252 = arith.muli %parallel_loop3A_246, %parallel_loop3A_251 : i32
        %parallel_loop3A_253 = arith.index_cast %parallel_loop3A_252 : i32 to index
        %parallel_loop3A_254 = tpu.vector_load %arg11[%parallel_loop3A_253] {strides = array<i32>} : memref<128xf32, #tpu.memory_space<vmem>>, vector<16xf32>,
        %parallel_loop3A_255 = arith.constant 16 : i32
        %parallel_loop3A_256 = arith.muli %parallel_loop3A_246, %parallel_loop3A_255 : i32
        %parallel_loop3A_257 = vector.broadcast %parallel_loop3A_256 : i32 to vector<16xi32>
        %parallel_loop3A_258 = arith.addi %parallel_loop3A_211, %parallel_loop3A_257 : vector<16xi32>
        %parallel_loop3A_259 = arith.constant 16 : i32
        %parallel_loop3A_260 = arith.muli %parallel_loop3A_246, %parallel_loop3A_259 : i32
        %parallel_loop3A_261 = vector.broadcast %parallel_loop3A_260 : i32 to vector<16xi32>
        %parallel_loop3A_262 = arith.addi %parallel_loop3A_222, %parallel_loop3A_261 : vector<16xi32>
        %parallel_loop3A_263 = arith.constant 0 : i32
        %parallel_loop3A_264 = vector.broadcast %parallel_loop3A_263 : i32 to vector<16xi32>
        %parallel_loop3A_265 = arith.addi %parallel_loop3A_258, %parallel_loop3A_264 : vector<16xi32>
        %parallel_loop3A_266 = tpu.vector_load_idx %arg7[%parallel_loop3A_265] : memref<69712xf32, #tpu.memory_space<vmem>>[vector<16xi32>], vector<16xf32>,
        %parallel_loop3A_267 = arith.constant 0 : i32
        %parallel_loop3A_268 = vector.broadcast %parallel_loop3A_267 : i32 to vector<16xi32>
        %parallel_loop3A_269 = arith.addi %parallel_loop3A_262, %parallel_loop3A_268 : vector<16xi32>
        %parallel_loop3A_270 = tpu.vector_load_idx %arg7[%parallel_loop3A_269] : memref<69712xf32, #tpu.memory_space<vmem>>[vector<16xi32>], vector<16xf32>,
        %parallel_loop3A_271 = arith.addf %parallel_loop3A_266, %parallel_loop3A_270 : vector<16xf32>
        %parallel_loop3A_272 = arith.constant 2.000000e-01 : f32
        %parallel_loop3A_273 = vector.broadcast %parallel_loop3A_272 : f32 to vector<16xf32>
        %parallel_loop3A_274 = arith.mulf %parallel_loop3A_273, %parallel_loop3A_271 : vector<16xf32>
        %parallel_loop3A_275 = arith.maximumf %parallel_loop3A_271, %parallel_loop3A_274 : vector<16xf32>
        %parallel_loop3A_276 = vector.extract_strided_slice %parallel_loop3A_254 {offsets = [0], sizes = [1], strides = [1]} : vector<16xf32> to vector<1xf32>
        %parallel_loop3A_277 = vector.extract %parallel_loop3A_276[0] : f32 from vector<1xf32>
        %parallel_loop3A_278 = vector.broadcast %parallel_loop3A_277 : f32 to vector<16xf32>
        %parallel_loop3A_279 = arith.mulf %parallel_loop3A_275, %parallel_loop3A_278 : vector<16xf32>
        %parallel_loop3A_280 = arith.addf %parallel_loop3A_247, %parallel_loop3A_279 : vector<16xf32>
        %parallel_loop3A_281 = arith.constant 1 : i32
        %parallel_loop3A_282 = vector.broadcast %parallel_loop3A_281 : i32 to vector<16xi32>
        %parallel_loop3A_283 = arith.addi %parallel_loop3A_258, %parallel_loop3A_282 : vector<16xi32>
        %parallel_loop3A_284 = tpu.vector_load_idx %arg7[%parallel_loop3A_283] : memref<69712xf32, #tpu.memory_space<vmem>>[vector<16xi32>], vector<16xf32>,
        %parallel_loop3A_285 = arith.constant 1 : i32
        %parallel_loop3A_286 = vector.broadcast %parallel_loop3A_285 : i32 to vector<16xi32>
        %parallel_loop3A_287 = arith.addi %parallel_loop3A_262, %parallel_loop3A_286 : vector<16xi32>
        %parallel_loop3A_288 = tpu.vector_load_idx %arg7[%parallel_loop3A_287] : memref<69712xf32, #tpu.memory_space<vmem>>[vector<16xi32>], vector<16xf32>,
        %parallel_loop3A_289 = arith.addf %parallel_loop3A_284, %parallel_loop3A_288 : vector<16xf32>
        %parallel_loop3A_290 = arith.constant 2.000000e-01 : f32
        %parallel_loop3A_291 = vector.broadcast %parallel_loop3A_290 : f32 to vector<16xf32>
        %parallel_loop3A_292 = arith.mulf %parallel_loop3A_291, %parallel_loop3A_289 : vector<16xf32>
        %parallel_loop3A_293 = arith.maximumf %parallel_loop3A_289, %parallel_loop3A_292 : vector<16xf32>
        %parallel_loop3A_294 = vector.extract_strided_slice %parallel_loop3A_254 {offsets = [1], sizes = [1], strides = [1]} : vector<16xf32> to vector<1xf32>
        %parallel_loop3A_295 = vector.extract %parallel_loop3A_294[0] : f32 from vector<1xf32>
        %parallel_loop3A_296 = vector.broadcast %parallel_loop3A_295 : f32 to vector<16xf32>
        %parallel_loop3A_297 = arith.mulf %parallel_loop3A_293, %parallel_loop3A_296 : vector<16xf32>
        %parallel_loop3A_298 = arith.addf %parallel_loop3A_248, %parallel_loop3A_297 : vector<16xf32>
        %parallel_loop3A_299 = arith.constant 2 : i32
        %parallel_loop3A_300 = vector.broadcast %parallel_loop3A_299 : i32 to vector<16xi32>
        %parallel_loop3A_301 = arith.addi %parallel_loop3A_258, %parallel_loop3A_300 : vector<16xi32>
        %parallel_loop3A_302 = tpu.vector_load_idx %arg7[%parallel_loop3A_301] : memref<69712xf32, #tpu.memory_space<vmem>>[vector<16xi32>], vector<16xf32>,
        %parallel_loop3A_303 = arith.constant 2 : i32
        %parallel_loop3A_304 = vector.broadcast %parallel_loop3A_303 : i32 to vector<16xi32>
        %parallel_loop3A_305 = arith.addi %parallel_loop3A_262, %parallel_loop3A_304 : vector<16xi32>
        %parallel_loop3A_306 = tpu.vector_load_idx %arg7[%parallel_loop3A_305] : memref<69712xf32, #tpu.memory_space<vmem>>[vector<16xi32>], vector<16xf32>,
        %parallel_loop3A_307 = arith.addf %parallel_loop3A_302, %parallel_loop3A_306 : vector<16xf32>
        %parallel_loop3A_308 = arith.constant 2.000000e-01 : f32
        %parallel_loop3A_309 = vector.broadcast %parallel_loop3A_308 : f32 to vector<16xf32>
        %parallel_loop3A_310 = arith.mulf %parallel_loop3A_309, %parallel_loop3A_307 : vector<16xf32>
        %parallel_loop3A_311 = arith.maximumf %parallel_loop3A_307, %parallel_loop3A_310 : vector<16xf32>
        %parallel_loop3A_312 = vector.extract_strided_slice %parallel_loop3A_254 {offsets = [2], sizes = [1], strides = [1]} : vector<16xf32> to vector<1xf32>
        %parallel_loop3A_313 = vector.extract %parallel_loop3A_312[0] : f32 from vector<1xf32>
        %parallel_loop3A_314 = vector.broadcast %parallel_loop3A_313 : f32 to vector<16xf32>
        %parallel_loop3A_315 = arith.mulf %parallel_loop3A_311, %parallel_loop3A_314 : vector<16xf32>
        %parallel_loop3A_316 = arith.addf %parallel_loop3A_249, %parallel_loop3A_315 : vector<16xf32>
        %parallel_loop3A_317 = arith.constant 3 : i32
        %parallel_loop3A_318 = vector.broadcast %parallel_loop3A_317 : i32 to vector<16xi32>
        %parallel_loop3A_319 = arith.addi %parallel_loop3A_258, %parallel_loop3A_318 : vector<16xi32>
        %parallel_loop3A_320 = tpu.vector_load_idx %arg7[%parallel_loop3A_319] : memref<69712xf32, #tpu.memory_space<vmem>>[vector<16xi32>], vector<16xf32>,
        %parallel_loop3A_321 = arith.constant 3 : i32
        %parallel_loop3A_322 = vector.broadcast %parallel_loop3A_321 : i32 to vector<16xi32>
        %parallel_loop3A_323 = arith.addi %parallel_loop3A_262, %parallel_loop3A_322 : vector<16xi32>
        %parallel_loop3A_324 = tpu.vector_load_idx %arg7[%parallel_loop3A_323] : memref<69712xf32, #tpu.memory_space<vmem>>[vector<16xi32>], vector<16xf32>,
        %parallel_loop3A_325 = arith.addf %parallel_loop3A_320, %parallel_loop3A_324 : vector<16xf32>
        %parallel_loop3A_326 = arith.constant 2.000000e-01 : f32
        %parallel_loop3A_327 = vector.broadcast %parallel_loop3A_326 : f32 to vector<16xf32>
        %parallel_loop3A_328 = arith.mulf %parallel_loop3A_327, %parallel_loop3A_325 : vector<16xf32>
        %parallel_loop3A_329 = arith.maximumf %parallel_loop3A_325, %parallel_loop3A_328 : vector<16xf32>
        %parallel_loop3A_330 = vector.extract_strided_slice %parallel_loop3A_254 {offsets = [3], sizes = [1], strides = [1]} : vector<16xf32> to vector<1xf32>
        %parallel_loop3A_331 = vector.extract %parallel_loop3A_330[0] : f32 from vector<1xf32>
        %parallel_loop3A_332 = vector.broadcast %parallel_loop3A_331 : f32 to vector<16xf32>
        %parallel_loop3A_333 = arith.mulf %parallel_loop3A_329, %parallel_loop3A_332 : vector<16xf32>
        %parallel_loop3A_334 = arith.addf %parallel_loop3A_250, %parallel_loop3A_333 : vector<16xf32>
        %parallel_loop3A_335 = arith.constant 4 : i32
        %parallel_loop3A_336 = vector.broadcast %parallel_loop3A_335 : i32 to vector<16xi32>
        %parallel_loop3A_337 = arith.addi %parallel_loop3A_258, %parallel_loop3A_336 : vector<16xi32>
        %parallel_loop3A_338 = tpu.vector_load_idx %arg7[%parallel_loop3A_337] : memref<69712xf32, #tpu.memory_space<vmem>>[vector<16xi32>], vector<16xf32>,
        %parallel_loop3A_339 = arith.constant 4 : i32
        %parallel_loop3A_340 = vector.broadcast %parallel_loop3A_339 : i32 to vector<16xi32>
        %parallel_loop3A_341 = arith.addi %parallel_loop3A_262, %parallel_loop3A_340 : vector<16xi32>
        %parallel_loop3A_342 = tpu.vector_load_idx %arg7[%parallel_loop3A_341] : memref<69712xf32, #tpu.memory_space<vmem>>[vector<16xi32>], vector<16xf32>,
        %parallel_loop3A_343 = arith.addf %parallel_loop3A_338, %parallel_loop3A_342 : vector<16xf32>
        %parallel_loop3A_344 = arith.constant 2.000000e-01 : f32
        %parallel_loop3A_345 = vector.broadcast %parallel_loop3A_344 : f32 to vector<16xf32>
        %parallel_loop3A_346 = arith.mulf %parallel_loop3A_345, %parallel_loop3A_343 : vector<16xf32>
        %parallel_loop3A_347 = arith.maximumf %parallel_loop3A_343, %parallel_loop3A_346 : vector<16xf32>
        %parallel_loop3A_348 = vector.extract_strided_slice %parallel_loop3A_254 {offsets = [4], sizes = [1], strides = [1]} : vector<16xf32> to vector<1xf32>
        %parallel_loop3A_349 = vector.extract %parallel_loop3A_348[0] : f32 from vector<1xf32>
        %parallel_loop3A_350 = vector.broadcast %parallel_loop3A_349 : f32 to vector<16xf32>
        %parallel_loop3A_351 = arith.mulf %parallel_loop3A_347, %parallel_loop3A_350 : vector<16xf32>
        %parallel_loop3A_352 = arith.addf %parallel_loop3A_280, %parallel_loop3A_351 : vector<16xf32>
        %parallel_loop3A_353 = arith.constant 5 : i32
        %parallel_loop3A_354 = vector.broadcast %parallel_loop3A_353 : i32 to vector<16xi32>
        %parallel_loop3A_355 = arith.addi %parallel_loop3A_258, %parallel_loop3A_354 : vector<16xi32>
        %parallel_loop3A_356 = tpu.vector_load_idx %arg7[%parallel_loop3A_355] : memref<69712xf32, #tpu.memory_space<vmem>>[vector<16xi32>], vector<16xf32>,
        %parallel_loop3A_357 = arith.constant 5 : i32
        %parallel_loop3A_358 = vector.broadcast %parallel_loop3A_357 : i32 to vector<16xi32>
        %parallel_loop3A_359 = arith.addi %parallel_loop3A_262, %parallel_loop3A_358 : vector<16xi32>
        %parallel_loop3A_360 = tpu.vector_load_idx %arg7[%parallel_loop3A_359] : memref<69712xf32, #tpu.memory_space<vmem>>[vector<16xi32>], vector<16xf32>,
        %parallel_loop3A_361 = arith.addf %parallel_loop3A_356, %parallel_loop3A_360 : vector<16xf32>
        %parallel_loop3A_362 = arith.constant 2.000000e-01 : f32
        %parallel_loop3A_363 = vector.broadcast %parallel_loop3A_362 : f32 to vector<16xf32>
        %parallel_loop3A_364 = arith.mulf %parallel_loop3A_363, %parallel_loop3A_361 : vector<16xf32>
        %parallel_loop3A_365 = arith.maximumf %parallel_loop3A_361, %parallel_loop3A_364 : vector<16xf32>
        %parallel_loop3A_366 = vector.extract_strided_slice %parallel_loop3A_254 {offsets = [5], sizes = [1], strides = [1]} : vector<16xf32> to vector<1xf32>
        %parallel_loop3A_367 = vector.extract %parallel_loop3A_366[0] : f32 from vector<1xf32>
        %parallel_loop3A_368 = vector.broadcast %parallel_loop3A_367 : f32 to vector<16xf32>
        %parallel_loop3A_369 = arith.mulf %parallel_loop3A_365, %parallel_loop3A_368 : vector<16xf32>
        %parallel_loop3A_370 = arith.addf %parallel_loop3A_298, %parallel_loop3A_369 : vector<16xf32>
        %parallel_loop3A_371 = arith.constant 6 : i32
        %parallel_loop3A_372 = vector.broadcast %parallel_loop3A_371 : i32 to vector<16xi32>
        %parallel_loop3A_373 = arith.addi %parallel_loop3A_258, %parallel_loop3A_372 : vector<16xi32>
        %parallel_loop3A_374 = tpu.vector_load_idx %arg7[%parallel_loop3A_373] : memref<69712xf32, #tpu.memory_space<vmem>>[vector<16xi32>], vector<16xf32>,
        %parallel_loop3A_375 = arith.constant 6 : i32
        %parallel_loop3A_376 = vector.broadcast %parallel_loop3A_375 : i32 to vector<16xi32>
        %parallel_loop3A_377 = arith.addi %parallel_loop3A_262, %parallel_loop3A_376 : vector<16xi32>
        %parallel_loop3A_378 = tpu.vector_load_idx %arg7[%parallel_loop3A_377] : memref<69712xf32, #tpu.memory_space<vmem>>[vector<16xi32>], vector<16xf32>,
        %parallel_loop3A_379 = arith.addf %parallel_loop3A_374, %parallel_loop3A_378 : vector<16xf32>
        %parallel_loop3A_380 = arith.constant 2.000000e-01 : f32
        %parallel_loop3A_381 = vector.broadcast %parallel_loop3A_380 : f32 to vector<16xf32>
        %parallel_loop3A_382 = arith.mulf %parallel_loop3A_381, %parallel_loop3A_379 : vector<16xf32>
        %parallel_loop3A_383 = arith.maximumf %parallel_loop3A_379, %parallel_loop3A_382 : vector<16xf32>
        %parallel_loop3A_384 = vector.extract_strided_slice %parallel_loop3A_254 {offsets = [6], sizes = [1], strides = [1]} : vector<16xf32> to vector<1xf32>
        %parallel_loop3A_385 = vector.extract %parallel_loop3A_384[0] : f32 from vector<1xf32>
        %parallel_loop3A_386 = vector.broadcast %parallel_loop3A_385 : f32 to vector<16xf32>
        %parallel_loop3A_387 = arith.mulf %parallel_loop3A_383, %parallel_loop3A_386 : vector<16xf32>
        %parallel_loop3A_388 = arith.addf %parallel_loop3A_316, %parallel_loop3A_387 : vector<16xf32>
        %parallel_loop3A_389 = arith.constant 7 : i32
        %parallel_loop3A_390 = vector.broadcast %parallel_loop3A_389 : i32 to vector<16xi32>
        %parallel_loop3A_391 = arith.addi %parallel_loop3A_258, %parallel_loop3A_390 : vector<16xi32>
        %parallel_loop3A_392 = tpu.vector_load_idx %arg7[%parallel_loop3A_391] : memref<69712xf32, #tpu.memory_space<vmem>>[vector<16xi32>], vector<16xf32>,
        %parallel_loop3A_393 = arith.constant 7 : i32
        %parallel_loop3A_394 = vector.broadcast %parallel_loop3A_393 : i32 to vector<16xi32>
        %parallel_loop3A_395 = arith.addi %parallel_loop3A_262, %parallel_loop3A_394 : vector<16xi32>
        %parallel_loop3A_396 = tpu.vector_load_idx %arg7[%parallel_loop3A_395] : memref<69712xf32, #tpu.memory_space<vmem>>[vector<16xi32>], vector<16xf32>,
        %parallel_loop3A_397 = arith.addf %parallel_loop3A_392, %parallel_loop3A_396 : vector<16xf32>
        %parallel_loop3A_398 = arith.constant 2.000000e-01 : f32
        %parallel_loop3A_399 = vector.broadcast %parallel_loop3A_398 : f32 to vector<16xf32>
        %parallel_loop3A_400 = arith.mulf %parallel_loop3A_399, %parallel_loop3A_397 : vector<16xf32>
        %parallel_loop3A_401 = arith.maximumf %parallel_loop3A_397, %parallel_loop3A_400 : vector<16xf32>
        %parallel_loop3A_402 = vector.extract_strided_slice %parallel_loop3A_254 {offsets = [7], sizes = [1], strides = [1]} : vector<16xf32> to vector<1xf32>
        %parallel_loop3A_403 = vector.extract %parallel_loop3A_402[0] : f32 from vector<1xf32>
        %parallel_loop3A_404 = vector.broadcast %parallel_loop3A_403 : f32 to vector<16xf32>
        %parallel_loop3A_405 = arith.mulf %parallel_loop3A_401, %parallel_loop3A_404 : vector<16xf32>
        %parallel_loop3A_406 = arith.addf %parallel_loop3A_334, %parallel_loop3A_405 : vector<16xf32>
        %parallel_loop3A_407 = arith.constant 8 : i32
        %parallel_loop3A_408 = vector.broadcast %parallel_loop3A_407 : i32 to vector<16xi32>
        %parallel_loop3A_409 = arith.addi %parallel_loop3A_258, %parallel_loop3A_408 : vector<16xi32>
        %parallel_loop3A_410 = tpu.vector_load_idx %arg7[%parallel_loop3A_409] : memref<69712xf32, #tpu.memory_space<vmem>>[vector<16xi32>], vector<16xf32>,
        %parallel_loop3A_411 = arith.constant 8 : i32
        %parallel_loop3A_412 = vector.broadcast %parallel_loop3A_411 : i32 to vector<16xi32>
        %parallel_loop3A_413 = arith.addi %parallel_loop3A_262, %parallel_loop3A_412 : vector<16xi32>
        %parallel_loop3A_414 = tpu.vector_load_idx %arg7[%parallel_loop3A_413] : memref<69712xf32, #tpu.memory_space<vmem>>[vector<16xi32>], vector<16xf32>,
        %parallel_loop3A_415 = arith.addf %parallel_loop3A_410, %parallel_loop3A_414 : vector<16xf32>
        %parallel_loop3A_416 = arith.constant 2.000000e-01 : f32
        %parallel_loop3A_417 = vector.broadcast %parallel_loop3A_416 : f32 to vector<16xf32>
        %parallel_loop3A_418 = arith.mulf %parallel_loop3A_417, %parallel_loop3A_415 : vector<16xf32>
        %parallel_loop3A_419 = arith.maximumf %parallel_loop3A_415, %parallel_loop3A_418 : vector<16xf32>
        %parallel_loop3A_420 = vector.extract_strided_slice %parallel_loop3A_254 {offsets = [8], sizes = [1], strides = [1]} : vector<16xf32> to vector<1xf32>
        %parallel_loop3A_421 = vector.extract %parallel_loop3A_420[0] : f32 from vector<1xf32>
        %parallel_loop3A_422 = vector.broadcast %parallel_loop3A_421 : f32 to vector<16xf32>
        %parallel_loop3A_423 = arith.mulf %parallel_loop3A_419, %parallel_loop3A_422 : vector<16xf32>
        %parallel_loop3A_424 = arith.addf %parallel_loop3A_352, %parallel_loop3A_423 : vector<16xf32>
        %parallel_loop3A_425 = arith.constant 9 : i32
        %parallel_loop3A_426 = vector.broadcast %parallel_loop3A_425 : i32 to vector<16xi32>
        %parallel_loop3A_427 = arith.addi %parallel_loop3A_258, %parallel_loop3A_426 : vector<16xi32>
        %parallel_loop3A_428 = tpu.vector_load_idx %arg7[%parallel_loop3A_427] : memref<69712xf32, #tpu.memory_space<vmem>>[vector<16xi32>], vector<16xf32>,
        %parallel_loop3A_429 = arith.constant 9 : i32
        %parallel_loop3A_430 = vector.broadcast %parallel_loop3A_429 : i32 to vector<16xi32>
        %parallel_loop3A_431 = arith.addi %parallel_loop3A_262, %parallel_loop3A_430 : vector<16xi32>
        %parallel_loop3A_432 = tpu.vector_load_idx %arg7[%parallel_loop3A_431] : memref<69712xf32, #tpu.memory_space<vmem>>[vector<16xi32>], vector<16xf32>,
        %parallel_loop3A_433 = arith.addf %parallel_loop3A_428, %parallel_loop3A_432 : vector<16xf32>
        %parallel_loop3A_434 = arith.constant 2.000000e-01 : f32
        %parallel_loop3A_435 = vector.broadcast %parallel_loop3A_434 : f32 to vector<16xf32>
        %parallel_loop3A_436 = arith.mulf %parallel_loop3A_435, %parallel_loop3A_433 : vector<16xf32>
        %parallel_loop3A_437 = arith.maximumf %parallel_loop3A_433, %parallel_loop3A_436 : vector<16xf32>
        %parallel_loop3A_438 = vector.extract_strided_slice %parallel_loop3A_254 {offsets = [9], sizes = [1], strides = [1]} : vector<16xf32> to vector<1xf32>
        %parallel_loop3A_439 = vector.extract %parallel_loop3A_438[0] : f32 from vector<1xf32>
        %parallel_loop3A_440 = vector.broadcast %parallel_loop3A_439 : f32 to vector<16xf32>
        %parallel_loop3A_441 = arith.mulf %parallel_loop3A_437, %parallel_loop3A_440 : vector<16xf32>
        %parallel_loop3A_442 = arith.addf %parallel_loop3A_370, %parallel_loop3A_441 : vector<16xf32>
        %parallel_loop3A_443 = arith.constant 10 : i32
        %parallel_loop3A_444 = vector.broadcast %parallel_loop3A_443 : i32 to vector<16xi32>
        %parallel_loop3A_445 = arith.addi %parallel_loop3A_258, %parallel_loop3A_444 : vector<16xi32>
        %parallel_loop3A_446 = tpu.vector_load_idx %arg7[%parallel_loop3A_445] : memref<69712xf32, #tpu.memory_space<vmem>>[vector<16xi32>], vector<16xf32>,
        %parallel_loop3A_447 = arith.constant 10 : i32
        %parallel_loop3A_448 = vector.broadcast %parallel_loop3A_447 : i32 to vector<16xi32>
        %parallel_loop3A_449 = arith.addi %parallel_loop3A_262, %parallel_loop3A_448 : vector<16xi32>
        %parallel_loop3A_450 = tpu.vector_load_idx %arg7[%parallel_loop3A_449] : memref<69712xf32, #tpu.memory_space<vmem>>[vector<16xi32>], vector<16xf32>,
        %parallel_loop3A_451 = arith.addf %parallel_loop3A_446, %parallel_loop3A_450 : vector<16xf32>
        %parallel_loop3A_452 = arith.constant 2.000000e-01 : f32
        %parallel_loop3A_453 = vector.broadcast %parallel_loop3A_452 : f32 to vector<16xf32>
        %parallel_loop3A_454 = arith.mulf %parallel_loop3A_453, %parallel_loop3A_451 : vector<16xf32>
        %parallel_loop3A_455 = arith.maximumf %parallel_loop3A_451, %parallel_loop3A_454 : vector<16xf32>
        %parallel_loop3A_456 = vector.extract_strided_slice %parallel_loop3A_254 {offsets = [10], sizes = [1], strides = [1]} : vector<16xf32> to vector<1xf32>
        %parallel_loop3A_457 = vector.extract %parallel_loop3A_456[0] : f32 from vector<1xf32>
        %parallel_loop3A_458 = vector.broadcast %parallel_loop3A_457 : f32 to vector<16xf32>
        %parallel_loop3A_459 = arith.mulf %parallel_loop3A_455, %parallel_loop3A_458 : vector<16xf32>
        %parallel_loop3A_460 = arith.addf %parallel_loop3A_388, %parallel_loop3A_459 : vector<16xf32>
        %parallel_loop3A_461 = arith.constant 11 : i32
        %parallel_loop3A_462 = vector.broadcast %parallel_loop3A_461 : i32 to vector<16xi32>
        %parallel_loop3A_463 = arith.addi %parallel_loop3A_258, %parallel_loop3A_462 : vector<16xi32>
        %parallel_loop3A_464 = tpu.vector_load_idx %arg7[%parallel_loop3A_463] : memref<69712xf32, #tpu.memory_space<vmem>>[vector<16xi32>], vector<16xf32>,
        %parallel_loop3A_465 = arith.constant 11 : i32
        %parallel_loop3A_466 = vector.broadcast %parallel_loop3A_465 : i32 to vector<16xi32>
        %parallel_loop3A_467 = arith.addi %parallel_loop3A_262, %parallel_loop3A_466 : vector<16xi32>
        %parallel_loop3A_468 = tpu.vector_load_idx %arg7[%parallel_loop3A_467] : memref<69712xf32, #tpu.memory_space<vmem>>[vector<16xi32>], vector<16xf32>,
        %parallel_loop3A_469 = arith.addf %parallel_loop3A_464, %parallel_loop3A_468 : vector<16xf32>
        %parallel_loop3A_470 = arith.constant 2.000000e-01 : f32
        %parallel_loop3A_471 = vector.broadcast %parallel_loop3A_470 : f32 to vector<16xf32>
        %parallel_loop3A_472 = arith.mulf %parallel_loop3A_471, %parallel_loop3A_469 : vector<16xf32>
        %parallel_loop3A_473 = arith.maximumf %parallel_loop3A_469, %parallel_loop3A_472 : vector<16xf32>
        %parallel_loop3A_474 = vector.extract_strided_slice %parallel_loop3A_254 {offsets = [11], sizes = [1], strides = [1]} : vector<16xf32> to vector<1xf32>
        %parallel_loop3A_475 = vector.extract %parallel_loop3A_474[0] : f32 from vector<1xf32>
        %parallel_loop3A_476 = vector.broadcast %parallel_loop3A_475 : f32 to vector<16xf32>
        %parallel_loop3A_477 = arith.mulf %parallel_loop3A_473, %parallel_loop3A_476 : vector<16xf32>
        %parallel_loop3A_478 = arith.addf %parallel_loop3A_406, %parallel_loop3A_477 : vector<16xf32>
        %parallel_loop3A_479 = arith.constant 12 : i32
        %parallel_loop3A_480 = vector.broadcast %parallel_loop3A_479 : i32 to vector<16xi32>
        %parallel_loop3A_481 = arith.addi %parallel_loop3A_258, %parallel_loop3A_480 : vector<16xi32>
        %parallel_loop3A_482 = tpu.vector_load_idx %arg7[%parallel_loop3A_481] : memref<69712xf32, #tpu.memory_space<vmem>>[vector<16xi32>], vector<16xf32>,
        %parallel_loop3A_483 = arith.constant 12 : i32
        %parallel_loop3A_484 = vector.broadcast %parallel_loop3A_483 : i32 to vector<16xi32>
        %parallel_loop3A_485 = arith.addi %parallel_loop3A_262, %parallel_loop3A_484 : vector<16xi32>
        %parallel_loop3A_486 = tpu.vector_load_idx %arg7[%parallel_loop3A_485] : memref<69712xf32, #tpu.memory_space<vmem>>[vector<16xi32>], vector<16xf32>,
        %parallel_loop3A_487 = arith.addf %parallel_loop3A_482, %parallel_loop3A_486 : vector<16xf32>
        %parallel_loop3A_488 = arith.constant 2.000000e-01 : f32
        %parallel_loop3A_489 = vector.broadcast %parallel_loop3A_488 : f32 to vector<16xf32>
        %parallel_loop3A_490 = arith.mulf %parallel_loop3A_489, %parallel_loop3A_487 : vector<16xf32>
        %parallel_loop3A_491 = arith.maximumf %parallel_loop3A_487, %parallel_loop3A_490 : vector<16xf32>
        %parallel_loop3A_492 = vector.extract_strided_slice %parallel_loop3A_254 {offsets = [12], sizes = [1], strides = [1]} : vector<16xf32> to vector<1xf32>
        %parallel_loop3A_493 = vector.extract %parallel_loop3A_492[0] : f32 from vector<1xf32>
        %parallel_loop3A_494 = vector.broadcast %parallel_loop3A_493 : f32 to vector<16xf32>
        %parallel_loop3A_495 = arith.mulf %parallel_loop3A_491, %parallel_loop3A_494 : vector<16xf32>
        %parallel_loop3A_496 = arith.addf %parallel_loop3A_424, %parallel_loop3A_495 : vector<16xf32>
        %parallel_loop3A_497 = arith.constant 13 : i32
        %parallel_loop3A_498 = vector.broadcast %parallel_loop3A_497 : i32 to vector<16xi32>
        %parallel_loop3A_499 = arith.addi %parallel_loop3A_258, %parallel_loop3A_498 : vector<16xi32>
        %parallel_loop3A_500 = tpu.vector_load_idx %arg7[%parallel_loop3A_499] : memref<69712xf32, #tpu.memory_space<vmem>>[vector<16xi32>], vector<16xf32>,
        %parallel_loop3A_501 = arith.constant 13 : i32
        %parallel_loop3A_502 = vector.broadcast %parallel_loop3A_501 : i32 to vector<16xi32>
        %parallel_loop3A_503 = arith.addi %parallel_loop3A_262, %parallel_loop3A_502 : vector<16xi32>
        %parallel_loop3A_504 = tpu.vector_load_idx %arg7[%parallel_loop3A_503] : memref<69712xf32, #tpu.memory_space<vmem>>[vector<16xi32>], vector<16xf32>,
        %parallel_loop3A_505 = arith.addf %parallel_loop3A_500, %parallel_loop3A_504 : vector<16xf32>
        %parallel_loop3A_506 = arith.constant 2.000000e-01 : f32
        %parallel_loop3A_507 = vector.broadcast %parallel_loop3A_506 : f32 to vector<16xf32>
        %parallel_loop3A_508 = arith.mulf %parallel_loop3A_507, %parallel_loop3A_505 : vector<16xf32>
        %parallel_loop3A_509 = arith.maximumf %parallel_loop3A_505, %parallel_loop3A_508 : vector<16xf32>
        %parallel_loop3A_510 = vector.extract_strided_slice %parallel_loop3A_254 {offsets = [13], sizes = [1], strides = [1]} : vector<16xf32> to vector<1xf32>
        %parallel_loop3A_511 = vector.extract %parallel_loop3A_510[0] : f32 from vector<1xf32>
        %parallel_loop3A_512 = vector.broadcast %parallel_loop3A_511 : f32 to vector<16xf32>
        %parallel_loop3A_513 = arith.mulf %parallel_loop3A_509, %parallel_loop3A_512 : vector<16xf32>
        %parallel_loop3A_514 = arith.addf %parallel_loop3A_442, %parallel_loop3A_513 : vector<16xf32>
        %parallel_loop3A_515 = arith.constant 14 : i32
        %parallel_loop3A_516 = vector.broadcast %parallel_loop3A_515 : i32 to vector<16xi32>
        %parallel_loop3A_517 = arith.addi %parallel_loop3A_258, %parallel_loop3A_516 : vector<16xi32>
        %parallel_loop3A_518 = tpu.vector_load_idx %arg7[%parallel_loop3A_517] : memref<69712xf32, #tpu.memory_space<vmem>>[vector<16xi32>], vector<16xf32>,
        %parallel_loop3A_519 = arith.constant 14 : i32
        %parallel_loop3A_520 = vector.broadcast %parallel_loop3A_519 : i32 to vector<16xi32>
        %parallel_loop3A_521 = arith.addi %parallel_loop3A_262, %parallel_loop3A_520 : vector<16xi32>
        %parallel_loop3A_522 = tpu.vector_load_idx %arg7[%parallel_loop3A_521] : memref<69712xf32, #tpu.memory_space<vmem>>[vector<16xi32>], vector<16xf32>,
        %parallel_loop3A_523 = arith.addf %parallel_loop3A_518, %parallel_loop3A_522 : vector<16xf32>
        %parallel_loop3A_524 = arith.constant 2.000000e-01 : f32
        %parallel_loop3A_525 = vector.broadcast %parallel_loop3A_524 : f32 to vector<16xf32>
        %parallel_loop3A_526 = arith.mulf %parallel_loop3A_525, %parallel_loop3A_523 : vector<16xf32>
        %parallel_loop3A_527 = arith.maximumf %parallel_loop3A_523, %parallel_loop3A_526 : vector<16xf32>
        %parallel_loop3A_528 = vector.extract_strided_slice %parallel_loop3A_254 {offsets = [14], sizes = [1], strides = [1]} : vector<16xf32> to vector<1xf32>
        %parallel_loop3A_529 = vector.extract %parallel_loop3A_528[0] : f32 from vector<1xf32>
        %parallel_loop3A_530 = vector.broadcast %parallel_loop3A_529 : f32 to vector<16xf32>
        %parallel_loop3A_531 = arith.mulf %parallel_loop3A_527, %parallel_loop3A_530 : vector<16xf32>
        %parallel_loop3A_532 = arith.addf %parallel_loop3A_460, %parallel_loop3A_531 : vector<16xf32>
        %parallel_loop3A_533 = arith.constant 15 : i32
        %parallel_loop3A_534 = vector.broadcast %parallel_loop3A_533 : i32 to vector<16xi32>
        %parallel_loop3A_535 = arith.addi %parallel_loop3A_258, %parallel_loop3A_534 : vector<16xi32>
        %parallel_loop3A_536 = tpu.vector_load_idx %arg7[%parallel_loop3A_535] : memref<69712xf32, #tpu.memory_space<vmem>>[vector<16xi32>], vector<16xf32>,
        %parallel_loop3A_537 = arith.constant 15 : i32
        %parallel_loop3A_538 = vector.broadcast %parallel_loop3A_537 : i32 to vector<16xi32>
        %parallel_loop3A_539 = arith.addi %parallel_loop3A_262, %parallel_loop3A_538 : vector<16xi32>
        %parallel_loop3A_540 = tpu.vector_load_idx %arg7[%parallel_loop3A_539] : memref<69712xf32, #tpu.memory_space<vmem>>[vector<16xi32>], vector<16xf32>,
        %parallel_loop3A_541 = arith.addf %parallel_loop3A_536, %parallel_loop3A_540 : vector<16xf32>
        %parallel_loop3A_542 = arith.constant 2.000000e-01 : f32
        %parallel_loop3A_543 = vector.broadcast %parallel_loop3A_542 : f32 to vector<16xf32>
        %parallel_loop3A_544 = arith.mulf %parallel_loop3A_543, %parallel_loop3A_541 : vector<16xf32>
        %parallel_loop3A_545 = arith.maximumf %parallel_loop3A_541, %parallel_loop3A_544 : vector<16xf32>
        %parallel_loop3A_546 = vector.extract_strided_slice %parallel_loop3A_254 {offsets = [15], sizes = [1], strides = [1]} : vector<16xf32> to vector<1xf32>
        %parallel_loop3A_547 = vector.extract %parallel_loop3A_546[0] : f32 from vector<1xf32>
        %parallel_loop3A_548 = vector.broadcast %parallel_loop3A_547 : f32 to vector<16xf32>
        %parallel_loop3A_549 = arith.mulf %parallel_loop3A_545, %parallel_loop3A_548 : vector<16xf32>
        %parallel_loop3A_550 = arith.addf %parallel_loop3A_478, %parallel_loop3A_549 : vector<16xf32>
        scf.yield %parallel_loop3A_496, %parallel_loop3A_514, %parallel_loop3A_532, %parallel_loop3A_550 : vector<16xf32>, vector<16xf32>, vector<16xf32>, vector<16xf32>
      } {sc.loop_unroll_factor = 1 : i64, sc.parallel_access}
      %parallel_loop3A_227 = arith.addf %parallel_loop3A_226#0, %parallel_loop3A_226#1 : vector<16xf32>
      %parallel_loop3A_228 = arith.addf %parallel_loop3A_226#2, %parallel_loop3A_226#3 : vector<16xf32>
      %parallel_loop3A_229 = arith.addf %parallel_loop3A_227, %parallel_loop3A_228 : vector<16xf32>
      %parallel_loop3A_230 = arith.constant 16 : i32
      %parallel_loop3A_231 = arith.muli %parallel_loop3A_201, %parallel_loop3A_230 : i32
      %parallel_loop3A_232 = tpu.iota {dimensions = array<i32: 0>} : vector<16xi32>
      %parallel_loop3A_233 = vector.broadcast %parallel_loop3A_231 : i32 to vector<16xi32>
      %parallel_loop3A_234 = arith.addi %parallel_loop3A_233, %parallel_loop3A_232 : vector<16xi32>
      %parallel_loop3A_235 = arith.constant 647 : i32
      %parallel_loop3A_236 = vector.broadcast %parallel_loop3A_235 : i32 to vector<16xi32>
      %parallel_loop3A_237 = arith.cmpi slt, %parallel_loop3A_234, %parallel_loop3A_236 : vector<16xi32>
      %parallel_loop3A_238 = arith.constant -1.000000e+30 : f32
      %parallel_loop3A_239 = vector.broadcast %parallel_loop3A_238 : f32 to vector<16xf32>
      %parallel_loop3A_240 = arith.select %parallel_loop3A_237, %parallel_loop3A_229, %parallel_loop3A_239 : vector<16xi1>, vector<16xf32>
      %parallel_loop3A_241 = arith.constant 16 : i32
      %parallel_loop3A_242 = arith.muli %parallel_loop3A_201, %parallel_loop3A_241 : i32
      %parallel_loop3A_243 = arith.index_cast %parallel_loop3A_242 : i32 to index
      %parallel_loop3A_244 = tpu.vector_load %arg12[%parallel_loop3A_243] {strides = array<i32>} : memref<656xf32, #tpu.memory_space<vmem>>, vector<16xf32>,
      tpu.vector_store %arg12[%parallel_loop3A_243], %parallel_loop3A_240 {strides = array<i32>} : memref<656xf32, #tpu.memory_space<vmem>>, vector<16xf32>,
      %parallel_loop3A_245 = arith.maximumf %parallel_loop3A_202, %parallel_loop3A_240 : vector<16xf32>
      scf.yield %parallel_loop3A_245 : vector<16xf32>
    } {sc.loop_unroll_factor = 2 : i64, sc.parallel_access}
    %reduce_max3A_139 = arith.constant true
    %reduce_max3A_140 = vector.broadcast %reduce_max3A_139 : i1 to vector<16xi1>
    %reduce_max3A_141 = tpu.scan <max>, %parallel_loop3A_138 masked %reduce_max3A_140 : vector<16xf32>, vector<16xi1> -> vector<16xf32>
    %reduce_max3A_142 = vector.extract %reduce_max3A_141[15] : f32 from vector<16xf32>
    %swap3A_143 = arith.constant 0 : index
    %swap3A_144 = tpu.vector_load %arg14[%swap3A_143] {strides = array<i32>} : memref<320xf32, #tpu.memory_space<vmem>>, vector<16xf32>,
    tpu.vector_store %arg14[%swap3A_143], %broadcast_in_dim3A_1 {strides = array<i32>} : memref<320xf32, #tpu.memory_space<vmem>>, vector<16xf32>,
    %swap3A_145 = arith.constant 16 : index
    %swap3A_146 = tpu.vector_load %arg14[%swap3A_145] {strides = array<i32>} : memref<320xf32, #tpu.memory_space<vmem>>, vector<16xf32>,
    tpu.vector_store %arg14[%swap3A_145], %broadcast_in_dim3A_1 {strides = array<i32>} : memref<320xf32, #tpu.memory_space<vmem>>, vector<16xf32>,
    %swap3A_147 = arith.constant 32 : index
    %swap3A_148 = tpu.vector_load %arg14[%swap3A_147] {strides = array<i32>} : memref<320xf32, #tpu.memory_space<vmem>>, vector<16xf32>,
    tpu.vector_store %arg14[%swap3A_147], %broadcast_in_dim3A_1 {strides = array<i32>} : memref<320xf32, #tpu.memory_space<vmem>>, vector<16xf32>,
    %swap3A_149 = arith.constant 48 : index
    %swap3A_150 = tpu.vector_load %arg14[%swap3A_149] {strides = array<i32>} : memref<320xf32, #tpu.memory_space<vmem>>, vector<16xf32>,
    tpu.vector_store %arg14[%swap3A_149], %broadcast_in_dim3A_1 {strides = array<i32>} : memref<320xf32, #tpu.memory_space<vmem>>, vector<16xf32>,
    %swap3A_151 = arith.constant 64 : index
    %swap3A_152 = tpu.vector_load %arg14[%swap3A_151] {strides = array<i32>} : memref<320xf32, #tpu.memory_space<vmem>>, vector<16xf32>,
    tpu.vector_store %arg14[%swap3A_151], %broadcast_in_dim3A_1 {strides = array<i32>} : memref<320xf32, #tpu.memory_space<vmem>>, vector<16xf32>,
    %swap3A_153 = arith.constant 80 : index
    %swap3A_154 = tpu.vector_load %arg14[%swap3A_153] {strides = array<i32>} : memref<320xf32, #tpu.memory_space<vmem>>, vector<16xf32>,
    tpu.vector_store %arg14[%swap3A_153], %broadcast_in_dim3A_1 {strides = array<i32>} : memref<320xf32, #tpu.memory_space<vmem>>, vector<16xf32>,
    %swap3A_155 = arith.constant 96 : index
    %swap3A_156 = tpu.vector_load %arg14[%swap3A_155] {strides = array<i32>} : memref<320xf32, #tpu.memory_space<vmem>>, vector<16xf32>,
    tpu.vector_store %arg14[%swap3A_155], %broadcast_in_dim3A_1 {strides = array<i32>} : memref<320xf32, #tpu.memory_space<vmem>>, vector<16xf32>,
    %swap3A_157 = arith.constant 112 : index
    %swap3A_158 = tpu.vector_load %arg14[%swap3A_157] {strides = array<i32>} : memref<320xf32, #tpu.memory_space<vmem>>, vector<16xf32>,
    tpu.vector_store %arg14[%swap3A_157], %broadcast_in_dim3A_1 {strides = array<i32>} : memref<320xf32, #tpu.memory_space<vmem>>, vector<16xf32>,
    %swap3A_159 = arith.constant 128 : index
    %swap3A_160 = tpu.vector_load %arg14[%swap3A_159] {strides = array<i32>} : memref<320xf32, #tpu.memory_space<vmem>>, vector<16xf32>,
    tpu.vector_store %arg14[%swap3A_159], %broadcast_in_dim3A_1 {strides = array<i32>} : memref<320xf32, #tpu.memory_space<vmem>>, vector<16xf32>,
    %swap3A_161 = arith.constant 144 : index
    %swap3A_162 = tpu.vector_load %arg14[%swap3A_161] {strides = array<i32>} : memref<320xf32, #tpu.memory_space<vmem>>, vector<16xf32>,
    tpu.vector_store %arg14[%swap3A_161], %broadcast_in_dim3A_1 {strides = array<i32>} : memref<320xf32, #tpu.memory_space<vmem>>, vector<16xf32>,
    %swap3A_163 = arith.constant 160 : index
    %swap3A_164 = tpu.vector_load %arg14[%swap3A_163] {strides = array<i32>} : memref<320xf32, #tpu.memory_space<vmem>>, vector<16xf32>,
    tpu.vector_store %arg14[%swap3A_163], %broadcast_in_dim3A_1 {strides = array<i32>} : memref<320xf32, #tpu.memory_space<vmem>>, vector<16xf32>,
    %swap3A_165 = arith.constant 176 : index
    %swap3A_166 = tpu.vector_load %arg14[%swap3A_165] {strides = array<i32>} : memref<320xf32, #tpu.memory_space<vmem>>, vector<16xf32>,
    tpu.vector_store %arg14[%swap3A_165], %broadcast_in_dim3A_1 {strides = array<i32>} : memref<320xf32, #tpu.memory_space<vmem>>, vector<16xf32>,
    %swap3A_167 = arith.constant 192 : index
    %swap3A_168 = tpu.vector_load %arg14[%swap3A_167] {strides = array<i32>} : memref<320xf32, #tpu.memory_space<vmem>>, vector<16xf32>,
    tpu.vector_store %arg14[%swap3A_167], %broadcast_in_dim3A_1 {strides = array<i32>} : memref<320xf32, #tpu.memory_space<vmem>>, vector<16xf32>,
    %swap3A_169 = arith.constant 208 : index
    %swap3A_170 = tpu.vector_load %arg14[%swap3A_169] {strides = array<i32>} : memref<320xf32, #tpu.memory_space<vmem>>, vector<16xf32>,
    tpu.vector_store %arg14[%swap3A_169], %broadcast_in_dim3A_1 {strides = array<i32>} : memref<320xf32, #tpu.memory_space<vmem>>, vector<16xf32>,
    %swap3A_171 = arith.constant 224 : index
    %swap3A_172 = tpu.vector_load %arg14[%swap3A_171] {strides = array<i32>} : memref<320xf32, #tpu.memory_space<vmem>>, vector<16xf32>,
    tpu.vector_store %arg14[%swap3A_171], %broadcast_in_dim3A_1 {strides = array<i32>} : memref<320xf32, #tpu.memory_space<vmem>>, vector<16xf32>,
    %swap3A_173 = arith.constant 240 : index
    %swap3A_174 = tpu.vector_load %arg14[%swap3A_173] {strides = array<i32>} : memref<320xf32, #tpu.memory_space<vmem>>, vector<16xf32>,
    tpu.vector_store %arg14[%swap3A_173], %broadcast_in_dim3A_1 {strides = array<i32>} : memref<320xf32, #tpu.memory_space<vmem>>, vector<16xf32>,
    %swap3A_175 = arith.constant 256 : index
    %swap3A_176 = tpu.vector_load %arg14[%swap3A_175] {strides = array<i32>} : memref<320xf32, #tpu.memory_space<vmem>>, vector<16xf32>,
    tpu.vector_store %arg14[%swap3A_175], %broadcast_in_dim3A_1 {strides = array<i32>} : memref<320xf32, #tpu.memory_space<vmem>>, vector<16xf32>,
    %swap3A_177 = arith.constant 272 : index
    %swap3A_178 = tpu.vector_load %arg14[%swap3A_177] {strides = array<i32>} : memref<320xf32, #tpu.memory_space<vmem>>, vector<16xf32>,
    tpu.vector_store %arg14[%swap3A_177], %broadcast_in_dim3A_1 {strides = array<i32>} : memref<320xf32, #tpu.memory_space<vmem>>, vector<16xf32>,
    %swap3A_179 = arith.constant 288 : index
    %swap3A_180 = tpu.vector_load %arg14[%swap3A_179] {strides = array<i32>} : memref<320xf32, #tpu.memory_space<vmem>>, vector<16xf32>,
    tpu.vector_store %arg14[%swap3A_179], %broadcast_in_dim3A_1 {strides = array<i32>} : memref<320xf32, #tpu.memory_space<vmem>>, vector<16xf32>,
    %swap3A_181 = arith.constant 304 : index
    %swap3A_182 = tpu.vector_load %arg14[%swap3A_181] {strides = array<i32>} : memref<320xf32, #tpu.memory_space<vmem>>, vector<16xf32>,
    tpu.vector_store %arg14[%swap3A_181], %broadcast_in_dim3A_1 {strides = array<i32>} : memref<320xf32, #tpu.memory_space<vmem>>, vector<16xf32>,
    %parallel_loop3A_183 = arith.constant 0 : i32
    %parallel_loop3A_184 = arith.constant 41 : i32
    %parallel_loop3A_185 = arith.constant 1 : i32
    %parallel_loop3A_186 = arith.constant 0 : i32
    %parallel_loop3A_187 = scf.for %parallel_loop3A_201 = %parallel_loop3A_183 to %parallel_loop3A_184 step %parallel_loop3A_185 iter_args(%parallel_loop3A_202 = %parallel_loop3A_186) -> (i32)  : i32 {
      %parallel_loop3A_203 = arith.constant 16 : i32
      %parallel_loop3A_204 = arith.muli %parallel_loop3A_201, %parallel_loop3A_203 : i32
      %parallel_loop3A_205 = arith.index_cast %parallel_loop3A_204 : i32 to index
      %parallel_loop3A_206 = tpu.vector_load %arg12[%parallel_loop3A_205] {strides = array<i32>} : memref<656xf32, #tpu.memory_space<vmem>>, vector<16xf32>,
      %parallel_loop3A_207 = vector.broadcast %reduce_max3A_142 : f32 to vector<16xf32>
      %parallel_loop3A_208 = arith.subf %parallel_loop3A_206, %parallel_loop3A_207 : vector<16xf32>
      %parallel_loop3A_209 = math.exp %parallel_loop3A_208 : vector<16xf32>
      %parallel_loop3A_210 = arith.constant 16 : i32
      %parallel_loop3A_211 = arith.muli %parallel_loop3A_201, %parallel_loop3A_210 : i32
      %parallel_loop3A_212 = arith.index_cast %parallel_loop3A_211 : i32 to index
      %parallel_loop3A_213 = tpu.vector_load %arg13[%parallel_loop3A_212] {strides = array<i32>} : memref<656xf32, #tpu.memory_space<vmem>>, vector<16xf32>,
      tpu.vector_store %arg13[%parallel_loop3A_212], %parallel_loop3A_209 {strides = array<i32>} : memref<656xf32, #tpu.memory_space<vmem>>, vector<16xf32>,
      %parallel_loop3A_214 = arith.constant 16 : i32
      %parallel_loop3A_215 = arith.muli %parallel_loop3A_201, %parallel_loop3A_214 : i32
      %parallel_loop3A_216 = arith.index_cast %parallel_loop3A_215 : i32 to index
      %parallel_loop3A_217 = tpu.vector_load %arg10[%parallel_loop3A_216] {strides = array<i32>} : memref<656xi32, #tpu.memory_space<vmem>>, vector<16xi32>,
      tpu.vector_store_idx %arg14[%parallel_loop3A_217], %parallel_loop3A_209 {add = true} : memref<320xf32, #tpu.memory_space<vmem>>[vector<16xi32>], vector<16xf32>,
      scf.yield %parallel_loop3A_202 : i32
    } {sc.loop_unroll_factor = 2 : i64, sc.parallel_access}
    %parallel_loop3A_188 = arith.constant 0 : i32
    %parallel_loop3A_189 = arith.constant 544 : i32
    %parallel_loop3A_190 = arith.constant 1 : i32
    %parallel_loop3A_191 = arith.constant 0 : i32
    %parallel_loop3A_192 = scf.for %parallel_loop3A_201 = %parallel_loop3A_188 to %parallel_loop3A_189 step %parallel_loop3A_190 iter_args(%parallel_loop3A_202 = %parallel_loop3A_191) -> (i32)  : i32 {
      %parallel_loop3A_203 = arith.constant 4 : i32
      %parallel_loop3A_204 = arith.muli %parallel_loop3A_201, %parallel_loop3A_203 : i32
      %parallel_loop3A_205 = arith.constant 0 : i32
      %parallel_loop3A_206 = arith.addi %parallel_loop3A_204, %parallel_loop3A_205 : i32
      %parallel_loop3A_207 = arith.constant 16 : i32
      %parallel_loop3A_208 = arith.muli %parallel_loop3A_206, %parallel_loop3A_207 : i32
      %parallel_loop3A_209 = arith.index_cast %parallel_loop3A_208 : i32 to index
      %parallel_loop3A_210 = tpu.vector_load %arg8[%parallel_loop3A_209] {strides = array<i32>} : memref<35256xf32, #tpu.memory_space<vmem>>, vector<16xf32>,
      tpu.vector_store %arg8[%parallel_loop3A_209], %broadcast_in_dim3A_1 {strides = array<i32>} : memref<35256xf32, #tpu.memory_space<vmem>>, vector<16xf32>,
      %parallel_loop3A_211 = arith.constant 4 : i32
      %parallel_loop3A_212 = arith.muli %parallel_loop3A_201, %parallel_loop3A_211 : i32
      %parallel_loop3A_213 = arith.constant 1 : i32
      %parallel_loop3A_214 = arith.addi %parallel_loop3A_212, %parallel_loop3A_213 : i32
      %parallel_loop3A_215 = arith.constant 16 : i32
      %parallel_loop3A_216 = arith.muli %parallel_loop3A_214, %parallel_loop3A_215 : i32
      %parallel_loop3A_217 = arith.index_cast %parallel_loop3A_216 : i32 to index
      %parallel_loop3A_218 = tpu.vector_load %arg8[%parallel_loop3A_217] {strides = array<i32>} : memref<35256xf32, #tpu.memory_space<vmem>>, vector<16xf32>,
      tpu.vector_store %arg8[%parallel_loop3A_217], %broadcast_in_dim3A_1 {strides = array<i32>} : memref<35256xf32, #tpu.memory_space<vmem>>, vector<16xf32>,
      %parallel_loop3A_219 = arith.constant 4 : i32
      %parallel_loop3A_220 = arith.muli %parallel_loop3A_201, %parallel_loop3A_219 : i32
      %parallel_loop3A_221 = arith.constant 2 : i32
      %parallel_loop3A_222 = arith.addi %parallel_loop3A_220, %parallel_loop3A_221 : i32
      %parallel_loop3A_223 = arith.constant 16 : i32
      %parallel_loop3A_224 = arith.muli %parallel_loop3A_222, %parallel_loop3A_223 : i32
      %parallel_loop3A_225 = arith.index_cast %parallel_loop3A_224 : i32 to index
      %parallel_loop3A_226 = tpu.vector_load %arg8[%parallel_loop3A_225] {strides = array<i32>} : memref<35256xf32, #tpu.memory_space<vmem>>, vector<16xf32>,
      tpu.vector_store %arg8[%parallel_loop3A_225], %broadcast_in_dim3A_1 {strides = array<i32>} : memref<35256xf32, #tpu.memory_space<vmem>>, vector<16xf32>,
      %parallel_loop3A_227 = arith.constant 4 : i32
      %parallel_loop3A_228 = arith.muli %parallel_loop3A_201, %parallel_loop3A_227 : i32
      %parallel_loop3A_229 = arith.constant 3 : i32
      %parallel_loop3A_230 = arith.addi %parallel_loop3A_228, %parallel_loop3A_229 : i32
      %parallel_loop3A_231 = arith.constant 16 : i32
      %parallel_loop3A_232 = arith.muli %parallel_loop3A_230, %parallel_loop3A_231 : i32
      %parallel_loop3A_233 = arith.index_cast %parallel_loop3A_232 : i32 to index
      %parallel_loop3A_234 = tpu.vector_load %arg8[%parallel_loop3A_233] {strides = array<i32>} : memref<35256xf32, #tpu.memory_space<vmem>>, vector<16xf32>,
      tpu.vector_store %arg8[%parallel_loop3A_233], %broadcast_in_dim3A_1 {strides = array<i32>} : memref<35256xf32, #tpu.memory_space<vmem>>, vector<16xf32>,
      scf.yield %parallel_loop3A_202 : i32
    } {sc.loop_unroll_factor = 2 : i64, sc.parallel_access}
    %parallel_loop3A_193 = arith.constant 0 : i32
    %parallel_loop3A_194 = arith.constant 41 : i32
    %parallel_loop3A_195 = arith.constant 1 : i32
    %parallel_loop3A_196 = arith.constant 0 : i32
    %parallel_loop3A_197 = scf.for %parallel_loop3A_201 = %parallel_loop3A_193 to %parallel_loop3A_194 step %parallel_loop3A_195 iter_args(%parallel_loop3A_202 = %parallel_loop3A_196) -> (i32)  : i32 {
      %parallel_loop3A_203 = arith.constant 16 : i32
      %parallel_loop3A_204 = arith.muli %parallel_loop3A_201, %parallel_loop3A_203 : i32
      %parallel_loop3A_205 = arith.index_cast %parallel_loop3A_204 : i32 to index
      %parallel_loop3A_206 = tpu.vector_load %arg10[%parallel_loop3A_205] {strides = array<i32>} : memref<656xi32, #tpu.memory_space<vmem>>, vector<16xi32>,
      %parallel_loop3A_207 = arith.constant 16 : i32
      %parallel_loop3A_208 = arith.muli %parallel_loop3A_201, %parallel_loop3A_207 : i32
      %parallel_loop3A_209 = arith.index_cast %parallel_loop3A_208 : i32 to index
      %parallel_loop3A_210 = tpu.vector_load %arg9[%parallel_loop3A_209] {strides = array<i32>} : memref<656xi32, #tpu.memory_space<vmem>>, vector<16xi32>,
      %parallel_loop3A_211 = arith.constant 227 : i32
      %parallel_loop3A_212 = vector.broadcast %parallel_loop3A_211 : i32 to vector<16xi32>
      %parallel_loop3A_213 = arith.muli %parallel_loop3A_210, %parallel_loop3A_212 : vector<16xi32>
      %parallel_loop3A_214 = vector.broadcast %sub3A_132 : i32 to vector<16xi32>
      %parallel_loop3A_215 = arith.addi %parallel_loop3A_213, %parallel_loop3A_214 : vector<16xi32>
      %parallel_loop3A_216 = arith.constant 113 : i32
      %parallel_loop3A_217 = vector.broadcast %parallel_loop3A_216 : i32 to vector<16xi32>
      %parallel_loop3A_218 = arith.muli %parallel_loop3A_206, %parallel_loop3A_217 : vector<16xi32>
      %parallel_loop3A_219 = arith.constant 16 : i32
      %parallel_loop3A_220 = arith.muli %parallel_loop3A_201, %parallel_loop3A_219 : i32
      %parallel_loop3A_221 = arith.index_cast %parallel_loop3A_220 : i32 to index
      %parallel_loop3A_222 = tpu.vector_load %arg13[%parallel_loop3A_221] {strides = array<i32>} : memref<656xf32, #tpu.memory_space<vmem>>, vector<16xf32>,
      %parallel_loop3A_223 = tpu.vector_load_idx %arg14[%parallel_loop3A_206] : memref<320xf32, #tpu.memory_space<vmem>>[vector<16xi32>], vector<16xf32>,
      %parallel_loop3A_224 = arith.constant 1.000000e-16 : f32
      %parallel_loop3A_225 = vector.broadcast %parallel_loop3A_224 : f32 to vector<16xf32>
      %parallel_loop3A_226 = arith.addf %parallel_loop3A_223, %parallel_loop3A_225 : vector<16xf32>
      %parallel_loop3A_227 = arith.divf %parallel_loop3A_222, %parallel_loop3A_226 : vector<16xf32>
      %parallel_loop3A_228 = arith.constant 0 : i32
      %parallel_loop3A_229 = arith.constant 7 : i32
      %parallel_loop3A_230 = arith.constant 1 : i32
      %parallel_loop3A_231 = arith.constant 0 : i32
      %parallel_loop3A_232 = scf.for %parallel_loop3A_233 = %parallel_loop3A_228 to %parallel_loop3A_229 step %parallel_loop3A_230 iter_args(%parallel_loop3A_234 = %parallel_loop3A_231) -> (i32)  : i32 {
        %parallel_loop3A_235 = arith.constant 16 : i32
        %parallel_loop3A_236 = arith.muli %parallel_loop3A_233, %parallel_loop3A_235 : i32
        %parallel_loop3A_237 = vector.broadcast %parallel_loop3A_236 : i32 to vector<16xi32>
        %parallel_loop3A_238 = arith.addi %parallel_loop3A_215, %parallel_loop3A_237 : vector<16xi32>
        %parallel_loop3A_239 = arith.constant 16 : i32
        %parallel_loop3A_240 = arith.muli %parallel_loop3A_233, %parallel_loop3A_239 : i32
        %parallel_loop3A_241 = vector.broadcast %parallel_loop3A_240 : i32 to vector<16xi32>
        %parallel_loop3A_242 = arith.addi %parallel_loop3A_218, %parallel_loop3A_241 : vector<16xi32>
        %parallel_loop3A_243 = arith.constant 0 : i32
        %parallel_loop3A_244 = vector.broadcast %parallel_loop3A_243 : i32 to vector<16xi32>
        %parallel_loop3A_245 = arith.addi %parallel_loop3A_238, %parallel_loop3A_244 : vector<16xi32>
        %parallel_loop3A_246 = tpu.vector_load_idx %arg7[%parallel_loop3A_245] : memref<69712xf32, #tpu.memory_space<vmem>>[vector<16xi32>], vector<16xf32>,
        %parallel_loop3A_247 = arith.constant 0 : i32
        %parallel_loop3A_248 = vector.broadcast %parallel_loop3A_247 : i32 to vector<16xi32>
        %parallel_loop3A_249 = arith.addi %parallel_loop3A_242, %parallel_loop3A_248 : vector<16xi32>
        %parallel_loop3A_250 = arith.mulf %parallel_loop3A_227, %parallel_loop3A_246 : vector<16xf32>
        tpu.vector_store_idx %arg8[%parallel_loop3A_249], %parallel_loop3A_250 {add = true} : memref<35256xf32, #tpu.memory_space<vmem>>[vector<16xi32>], vector<16xf32>,
        %parallel_loop3A_251 = arith.constant 1 : i32
        %parallel_loop3A_252 = vector.broadcast %parallel_loop3A_251 : i32 to vector<16xi32>
        %parallel_loop3A_253 = arith.addi %parallel_loop3A_238, %parallel_loop3A_252 : vector<16xi32>
        %parallel_loop3A_254 = tpu.vector_load_idx %arg7[%parallel_loop3A_253] : memref<69712xf32, #tpu.memory_space<vmem>>[vector<16xi32>], vector<16xf32>,
        %parallel_loop3A_255 = arith.constant 1 : i32
        %parallel_loop3A_256 = vector.broadcast %parallel_loop3A_255 : i32 to vector<16xi32>
        %parallel_loop3A_257 = arith.addi %parallel_loop3A_242, %parallel_loop3A_256 : vector<16xi32>
        %parallel_loop3A_258 = arith.mulf %parallel_loop3A_227, %parallel_loop3A_254 : vector<16xf32>
        tpu.vector_store_idx %arg8[%parallel_loop3A_257], %parallel_loop3A_258 {add = true} : memref<35256xf32, #tpu.memory_space<vmem>>[vector<16xi32>], vector<16xf32>,
        %parallel_loop3A_259 = arith.constant 2 : i32
        %parallel_loop3A_260 = vector.broadcast %parallel_loop3A_259 : i32 to vector<16xi32>
        %parallel_loop3A_261 = arith.addi %parallel_loop3A_238, %parallel_loop3A_260 : vector<16xi32>
        %parallel_loop3A_262 = tpu.vector_load_idx %arg7[%parallel_loop3A_261] : memref<69712xf32, #tpu.memory_space<vmem>>[vector<16xi32>], vector<16xf32>,
        %parallel_loop3A_263 = arith.constant 2 : i32
        %parallel_loop3A_264 = vector.broadcast %parallel_loop3A_263 : i32 to vector<16xi32>
        %parallel_loop3A_265 = arith.addi %parallel_loop3A_242, %parallel_loop3A_264 : vector<16xi32>
        %parallel_loop3A_266 = arith.mulf %parallel_loop3A_227, %parallel_loop3A_262 : vector<16xf32>
        tpu.vector_store_idx %arg8[%parallel_loop3A_265], %parallel_loop3A_266 {add = true} : memref<35256xf32, #tpu.memory_space<vmem>>[vector<16xi32>], vector<16xf32>,
        %parallel_loop3A_267 = arith.constant 3 : i32
        %parallel_loop3A_268 = vector.broadcast %parallel_loop3A_267 : i32 to vector<16xi32>
        %parallel_loop3A_269 = arith.addi %parallel_loop3A_238, %parallel_loop3A_268 : vector<16xi32>
        %parallel_loop3A_270 = tpu.vector_load_idx %arg7[%parallel_loop3A_269] : memref<69712xf32, #tpu.memory_space<vmem>>[vector<16xi32>], vector<16xf32>,
        %parallel_loop3A_271 = arith.constant 3 : i32
        %parallel_loop3A_272 = vector.broadcast %parallel_loop3A_271 : i32 to vector<16xi32>
        %parallel_loop3A_273 = arith.addi %parallel_loop3A_242, %parallel_loop3A_272 : vector<16xi32>
        %parallel_loop3A_274 = arith.mulf %parallel_loop3A_227, %parallel_loop3A_270 : vector<16xf32>
        tpu.vector_store_idx %arg8[%parallel_loop3A_273], %parallel_loop3A_274 {add = true} : memref<35256xf32, #tpu.memory_space<vmem>>[vector<16xi32>], vector<16xf32>,
        %parallel_loop3A_275 = arith.constant 4 : i32
        %parallel_loop3A_276 = vector.broadcast %parallel_loop3A_275 : i32 to vector<16xi32>
        %parallel_loop3A_277 = arith.addi %parallel_loop3A_238, %parallel_loop3A_276 : vector<16xi32>
        %parallel_loop3A_278 = tpu.vector_load_idx %arg7[%parallel_loop3A_277] : memref<69712xf32, #tpu.memory_space<vmem>>[vector<16xi32>], vector<16xf32>,
        %parallel_loop3A_279 = arith.constant 4 : i32
        %parallel_loop3A_280 = vector.broadcast %parallel_loop3A_279 : i32 to vector<16xi32>
        %parallel_loop3A_281 = arith.addi %parallel_loop3A_242, %parallel_loop3A_280 : vector<16xi32>
        %parallel_loop3A_282 = arith.mulf %parallel_loop3A_227, %parallel_loop3A_278 : vector<16xf32>
        tpu.vector_store_idx %arg8[%parallel_loop3A_281], %parallel_loop3A_282 {add = true} : memref<35256xf32, #tpu.memory_space<vmem>>[vector<16xi32>], vector<16xf32>,
        %parallel_loop3A_283 = arith.constant 5 : i32
        %parallel_loop3A_284 = vector.broadcast %parallel_loop3A_283 : i32 to vector<16xi32>
        %parallel_loop3A_285 = arith.addi %parallel_loop3A_238, %parallel_loop3A_284 : vector<16xi32>
        %parallel_loop3A_286 = tpu.vector_load_idx %arg7[%parallel_loop3A_285] : memref<69712xf32, #tpu.memory_space<vmem>>[vector<16xi32>], vector<16xf32>,
        %parallel_loop3A_287 = arith.constant 5 : i32
        %parallel_loop3A_288 = vector.broadcast %parallel_loop3A_287 : i32 to vector<16xi32>
        %parallel_loop3A_289 = arith.addi %parallel_loop3A_242, %parallel_loop3A_288 : vector<16xi32>
        %parallel_loop3A_290 = arith.mulf %parallel_loop3A_227, %parallel_loop3A_286 : vector<16xf32>
        tpu.vector_store_idx %arg8[%parallel_loop3A_289], %parallel_loop3A_290 {add = true} : memref<35256xf32, #tpu.memory_space<vmem>>[vector<16xi32>], vector<16xf32>,
        %parallel_loop3A_291 = arith.constant 6 : i32
        %parallel_loop3A_292 = vector.broadcast %parallel_loop3A_291 : i32 to vector<16xi32>
        %parallel_loop3A_293 = arith.addi %parallel_loop3A_238, %parallel_loop3A_292 : vector<16xi32>
        %parallel_loop3A_294 = tpu.vector_load_idx %arg7[%parallel_loop3A_293] : memref<69712xf32, #tpu.memory_space<vmem>>[vector<16xi32>], vector<16xf32>,
        %parallel_loop3A_295 = arith.constant 6 : i32
        %parallel_loop3A_296 = vector.broadcast %parallel_loop3A_295 : i32 to vector<16xi32>
        %parallel_loop3A_297 = arith.addi %parallel_loop3A_242, %parallel_loop3A_296 : vector<16xi32>
        %parallel_loop3A_298 = arith.mulf %parallel_loop3A_227, %parallel_loop3A_294 : vector<16xf32>
        tpu.vector_store_idx %arg8[%parallel_loop3A_297], %parallel_loop3A_298 {add = true} : memref<35256xf32, #tpu.memory_space<vmem>>[vector<16xi32>], vector<16xf32>,
        %parallel_loop3A_299 = arith.constant 7 : i32
        %parallel_loop3A_300 = vector.broadcast %parallel_loop3A_299 : i32 to vector<16xi32>
        %parallel_loop3A_301 = arith.addi %parallel_loop3A_238, %parallel_loop3A_300 : vector<16xi32>
        %parallel_loop3A_302 = tpu.vector_load_idx %arg7[%parallel_loop3A_301] : memref<69712xf32, #tpu.memory_space<vmem>>[vector<16xi32>], vector<16xf32>,
        %parallel_loop3A_303 = arith.constant 7 : i32
        %parallel_loop3A_304 = vector.broadcast %parallel_loop3A_303 : i32 to vector<16xi32>
        %parallel_loop3A_305 = arith.addi %parallel_loop3A_242, %parallel_loop3A_304 : vector<16xi32>
        %parallel_loop3A_306 = arith.mulf %parallel_loop3A_227, %parallel_loop3A_302 : vector<16xf32>
        tpu.vector_store_idx %arg8[%parallel_loop3A_305], %parallel_loop3A_306 {add = true} : memref<35256xf32, #tpu.memory_space<vmem>>[vector<16xi32>], vector<16xf32>,
        %parallel_loop3A_307 = arith.constant 8 : i32
        %parallel_loop3A_308 = vector.broadcast %parallel_loop3A_307 : i32 to vector<16xi32>
        %parallel_loop3A_309 = arith.addi %parallel_loop3A_238, %parallel_loop3A_308 : vector<16xi32>
        %parallel_loop3A_310 = tpu.vector_load_idx %arg7[%parallel_loop3A_309] : memref<69712xf32, #tpu.memory_space<vmem>>[vector<16xi32>], vector<16xf32>,
        %parallel_loop3A_311 = arith.constant 8 : i32
        %parallel_loop3A_312 = vector.broadcast %parallel_loop3A_311 : i32 to vector<16xi32>
        %parallel_loop3A_313 = arith.addi %parallel_loop3A_242, %parallel_loop3A_312 : vector<16xi32>
        %parallel_loop3A_314 = arith.mulf %parallel_loop3A_227, %parallel_loop3A_310 : vector<16xf32>
        tpu.vector_store_idx %arg8[%parallel_loop3A_313], %parallel_loop3A_314 {add = true} : memref<35256xf32, #tpu.memory_space<vmem>>[vector<16xi32>], vector<16xf32>,
        %parallel_loop3A_315 = arith.constant 9 : i32
        %parallel_loop3A_316 = vector.broadcast %parallel_loop3A_315 : i32 to vector<16xi32>
        %parallel_loop3A_317 = arith.addi %parallel_loop3A_238, %parallel_loop3A_316 : vector<16xi32>
        %parallel_loop3A_318 = tpu.vector_load_idx %arg7[%parallel_loop3A_317] : memref<69712xf32, #tpu.memory_space<vmem>>[vector<16xi32>], vector<16xf32>,
        %parallel_loop3A_319 = arith.constant 9 : i32
        %parallel_loop3A_320 = vector.broadcast %parallel_loop3A_319 : i32 to vector<16xi32>
        %parallel_loop3A_321 = arith.addi %parallel_loop3A_242, %parallel_loop3A_320 : vector<16xi32>
        %parallel_loop3A_322 = arith.mulf %parallel_loop3A_227, %parallel_loop3A_318 : vector<16xf32>
        tpu.vector_store_idx %arg8[%parallel_loop3A_321], %parallel_loop3A_322 {add = true} : memref<35256xf32, #tpu.memory_space<vmem>>[vector<16xi32>], vector<16xf32>,
        %parallel_loop3A_323 = arith.constant 10 : i32
        %parallel_loop3A_324 = vector.broadcast %parallel_loop3A_323 : i32 to vector<16xi32>
        %parallel_loop3A_325 = arith.addi %parallel_loop3A_238, %parallel_loop3A_324 : vector<16xi32>
        %parallel_loop3A_326 = tpu.vector_load_idx %arg7[%parallel_loop3A_325] : memref<69712xf32, #tpu.memory_space<vmem>>[vector<16xi32>], vector<16xf32>,
        %parallel_loop3A_327 = arith.constant 10 : i32
        %parallel_loop3A_328 = vector.broadcast %parallel_loop3A_327 : i32 to vector<16xi32>
        %parallel_loop3A_329 = arith.addi %parallel_loop3A_242, %parallel_loop3A_328 : vector<16xi32>
        %parallel_loop3A_330 = arith.mulf %parallel_loop3A_227, %parallel_loop3A_326 : vector<16xf32>
        tpu.vector_store_idx %arg8[%parallel_loop3A_329], %parallel_loop3A_330 {add = true} : memref<35256xf32, #tpu.memory_space<vmem>>[vector<16xi32>], vector<16xf32>,
        %parallel_loop3A_331 = arith.constant 11 : i32
        %parallel_loop3A_332 = vector.broadcast %parallel_loop3A_331 : i32 to vector<16xi32>
        %parallel_loop3A_333 = arith.addi %parallel_loop3A_238, %parallel_loop3A_332 : vector<16xi32>
        %parallel_loop3A_334 = tpu.vector_load_idx %arg7[%parallel_loop3A_333] : memref<69712xf32, #tpu.memory_space<vmem>>[vector<16xi32>], vector<16xf32>,
        %parallel_loop3A_335 = arith.constant 11 : i32
        %parallel_loop3A_336 = vector.broadcast %parallel_loop3A_335 : i32 to vector<16xi32>
        %parallel_loop3A_337 = arith.addi %parallel_loop3A_242, %parallel_loop3A_336 : vector<16xi32>
        %parallel_loop3A_338 = arith.mulf %parallel_loop3A_227, %parallel_loop3A_334 : vector<16xf32>
        tpu.vector_store_idx %arg8[%parallel_loop3A_337], %parallel_loop3A_338 {add = true} : memref<35256xf32, #tpu.memory_space<vmem>>[vector<16xi32>], vector<16xf32>,
        %parallel_loop3A_339 = arith.constant 12 : i32
        %parallel_loop3A_340 = vector.broadcast %parallel_loop3A_339 : i32 to vector<16xi32>
        %parallel_loop3A_341 = arith.addi %parallel_loop3A_238, %parallel_loop3A_340 : vector<16xi32>
        %parallel_loop3A_342 = tpu.vector_load_idx %arg7[%parallel_loop3A_341] : memref<69712xf32, #tpu.memory_space<vmem>>[vector<16xi32>], vector<16xf32>,
        %parallel_loop3A_343 = arith.constant 12 : i32
        %parallel_loop3A_344 = vector.broadcast %parallel_loop3A_343 : i32 to vector<16xi32>
        %parallel_loop3A_345 = arith.addi %parallel_loop3A_242, %parallel_loop3A_344 : vector<16xi32>
        %parallel_loop3A_346 = arith.mulf %parallel_loop3A_227, %parallel_loop3A_342 : vector<16xf32>
        tpu.vector_store_idx %arg8[%parallel_loop3A_345], %parallel_loop3A_346 {add = true} : memref<35256xf32, #tpu.memory_space<vmem>>[vector<16xi32>], vector<16xf32>,
        %parallel_loop3A_347 = arith.constant 13 : i32
        %parallel_loop3A_348 = vector.broadcast %parallel_loop3A_347 : i32 to vector<16xi32>
        %parallel_loop3A_349 = arith.addi %parallel_loop3A_238, %parallel_loop3A_348 : vector<16xi32>
        %parallel_loop3A_350 = tpu.vector_load_idx %arg7[%parallel_loop3A_349] : memref<69712xf32, #tpu.memory_space<vmem>>[vector<16xi32>], vector<16xf32>,
        %parallel_loop3A_351 = arith.constant 13 : i32
        %parallel_loop3A_352 = vector.broadcast %parallel_loop3A_351 : i32 to vector<16xi32>
        %parallel_loop3A_353 = arith.addi %parallel_loop3A_242, %parallel_loop3A_352 : vector<16xi32>
        %parallel_loop3A_354 = arith.mulf %parallel_loop3A_227, %parallel_loop3A_350 : vector<16xf32>
        tpu.vector_store_idx %arg8[%parallel_loop3A_353], %parallel_loop3A_354 {add = true} : memref<35256xf32, #tpu.memory_space<vmem>>[vector<16xi32>], vector<16xf32>,
        %parallel_loop3A_355 = arith.constant 14 : i32
        %parallel_loop3A_356 = vector.broadcast %parallel_loop3A_355 : i32 to vector<16xi32>
        %parallel_loop3A_357 = arith.addi %parallel_loop3A_238, %parallel_loop3A_356 : vector<16xi32>
        %parallel_loop3A_358 = tpu.vector_load_idx %arg7[%parallel_loop3A_357] : memref<69712xf32, #tpu.memory_space<vmem>>[vector<16xi32>], vector<16xf32>,
        %parallel_loop3A_359 = arith.constant 14 : i32
        %parallel_loop3A_360 = vector.broadcast %parallel_loop3A_359 : i32 to vector<16xi32>
        %parallel_loop3A_361 = arith.addi %parallel_loop3A_242, %parallel_loop3A_360 : vector<16xi32>
        %parallel_loop3A_362 = arith.mulf %parallel_loop3A_227, %parallel_loop3A_358 : vector<16xf32>
        tpu.vector_store_idx %arg8[%parallel_loop3A_361], %parallel_loop3A_362 {add = true} : memref<35256xf32, #tpu.memory_space<vmem>>[vector<16xi32>], vector<16xf32>,
        %parallel_loop3A_363 = arith.constant 15 : i32
        %parallel_loop3A_364 = vector.broadcast %parallel_loop3A_363 : i32 to vector<16xi32>
        %parallel_loop3A_365 = arith.addi %parallel_loop3A_238, %parallel_loop3A_364 : vector<16xi32>
        %parallel_loop3A_366 = tpu.vector_load_idx %arg7[%parallel_loop3A_365] : memref<69712xf32, #tpu.memory_space<vmem>>[vector<16xi32>], vector<16xf32>,
        %parallel_loop3A_367 = arith.constant 15 : i32
        %parallel_loop3A_368 = vector.broadcast %parallel_loop3A_367 : i32 to vector<16xi32>
        %parallel_loop3A_369 = arith.addi %parallel_loop3A_242, %parallel_loop3A_368 : vector<16xi32>
        %parallel_loop3A_370 = arith.mulf %parallel_loop3A_227, %parallel_loop3A_366 : vector<16xf32>
        tpu.vector_store_idx %arg8[%parallel_loop3A_369], %parallel_loop3A_370 {add = true} : memref<35256xf32, #tpu.memory_space<vmem>>[vector<16xi32>], vector<16xf32>,
        scf.yield %parallel_loop3A_234 : i32
      } {sc.loop_unroll_factor = 1 : i64, sc.parallel_access}
      scf.yield %parallel_loop3A_202 : i32
    } {sc.loop_unroll_factor = 2 : i64, sc.parallel_access}
    %mul3A_198 = arith.constant 35256 : i32
    %mul3A_199 = arith.muli %add3A_98, %mul3A_198 : i32
    %multiple_of3A_200 = tpu.assume_multiple %mul3A_199, 8 : i32
    "tpu.region"() ({
      %run_scoped3A = tpu.sem_alloc : memref<!tpu.dma_semaphore, #tpu.memory_space<semaphore_mem>>
      %dma_start3A = tpu.memref_slice %arg6[%multiple_of3A_200] : memref<2256384xf32, #tpu.memory_space<hbm>> -> memref<35256xf32, #tpu.memory_space<hbm>>
      %dma_start3A_201 = tpu.memref_slice %arg6[%multiple_of3A_200] : memref<2256384xf32, #tpu.memory_space<hbm>> -> memref<35256xf32, #tpu.memory_space<hbm>>
      tpu.enqueue_dma source(%arg8 : memref<35256xf32, #tpu.memory_space<vmem>>) target(%dma_start3A_201 : memref<35256xf32, #tpu.memory_space<hbm>>) target_semaphore(%run_scoped3A : memref<!tpu.dma_semaphore, #tpu.memory_space<semaphore_mem>>)
      %dma_wait3A = tpu.memref_slice %arg6[%multiple_of3A_200] : memref<2256384xf32, #tpu.memory_space<hbm>> -> memref<35256xf32, #tpu.memory_space<hbm>>
      %dma_wait3A_202 = tpu.memref_slice %arg6[%multiple_of3A_200] : memref<2256384xf32, #tpu.memory_space<hbm>> -> memref<35256xf32, #tpu.memory_space<hbm>>
      tpu.wait_dma2 semaphore(%run_scoped3A : memref<!tpu.dma_semaphore, #tpu.memory_space<semaphore_mem>>) src(%arg8 : memref<35256xf32, #tpu.memory_space<vmem>>) dst(%dma_wait3A_202 : memref<35256xf32, #tpu.memory_space<hbm>>)
      tpu.yield
    }) : () -> ()
    return
  }
}

module attributes {stable_mosaic.version = 14 : i64} {
  func.func @_tc_pre_body(%arg0: i32, %arg1: memref<4912x100xf32, #tpu.memory_space<vmem>>, %arg2: memref<4912x3xf32, #tpu.memory_space<vmem>>, %arg3: memref<100x112xf32, #tpu.memory_space<vmem>>, %arg4: memref<3x112xf32, #tpu.memory_space<vmem>>, %arg5: memref<1x112xf32, #tpu.memory_space<vmem>>, %arg6: memref<100x112xf32, #tpu.memory_space<vmem>>, %arg7: memref<3x112xf32, #tpu.memory_space<vmem>>, %arg8: memref<1x112xf32, #tpu.memory_space<vmem>>, %arg9: memref<3x224xf32, #tpu.memory_space<vmem>>, %arg10: memref<1x224xf32, #tpu.memory_space<vmem>>, %arg11: memref<3x112xf32, #tpu.memory_space<vmem>>, %arg12: memref<1x112xf32, #tpu.memory_space<vmem>>, %arg13: memref<4912x227xf32, #tpu.memory_space<vmem>>, %arg14: memref<4912x224xf32, #tpu.memory_space<vmem>>, %arg15: memref<4912x112xf32, #tpu.memory_space<vmem>>) attributes {dimension_semantics = [#tpu.dimension_semantics<arbitrary>], iteration_bounds = array<i64: 4>, scalar_prefetch = 0 : i64, scratch_operands = 0 : i64, tpu.core_type = #tpu.core_type<tc>, window_params = [{transform_indices = @transform_0, window_bounds = array<i64: 4912, 100>}, {transform_indices = @transform_1, window_bounds = array<i64: 4912, 3>}, {pipeline_mode = #tpu.pipeline_mode<synchronous>, transform_indices = @transform_2, window_bounds = array<i64: 100, 112>}, {pipeline_mode = #tpu.pipeline_mode<synchronous>, transform_indices = @transform_3, window_bounds = array<i64: 3, 112>}, {pipeline_mode = #tpu.pipeline_mode<synchronous>, transform_indices = @transform_4, window_bounds = array<i64: 1, 112>}, {pipeline_mode = #tpu.pipeline_mode<synchronous>, transform_indices = @transform_5, window_bounds = array<i64: 100, 112>}, {pipeline_mode = #tpu.pipeline_mode<synchronous>, transform_indices = @transform_6, window_bounds = array<i64: 3, 112>}, {pipeline_mode = #tpu.pipeline_mode<synchronous>, transform_indices = @transform_7, window_bounds = array<i64: 1, 112>}, {pipeline_mode = #tpu.pipeline_mode<synchronous>, transform_indices = @transform_8, window_bounds = array<i64: 3, 224>}, {pipeline_mode = #tpu.pipeline_mode<synchronous>, transform_indices = @transform_9, window_bounds = array<i64: 1, 224>}, {pipeline_mode = #tpu.pipeline_mode<synchronous>, transform_indices = @transform_10, window_bounds = array<i64: 3, 112>}, {pipeline_mode = #tpu.pipeline_mode<synchronous>, transform_indices = @transform_11, window_bounds = array<i64: 1, 112>}, {transform_indices = @transform_12, window_bounds = array<i64: 4912, 227>}, {transform_indices = @transform_13, window_bounds = array<i64: 4912, 224>}, {transform_indices = @transform_14, window_bounds = array<i64: 4912, 112>}]} {
    %get3A = arith.constant 0 : index
    %get3A_0 = arith.constant 0 : index
    %get3A_1 = vector.load %arg1[%get3A, %get3A_0] : memref<4912x100xf32, #tpu.memory_space<vmem>>, vector<4912x100xf32>
    %get3A_2 = arith.constant 0 : index
    %get3A_3 = arith.constant 0 : index
    %get3A_4 = vector.load %arg2[%get3A_2, %get3A_3] : memref<4912x3xf32, #tpu.memory_space<vmem>>, vector<4912x3xf32>
    %get3A_5 = arith.constant 0 : index
    %get3A_6 = arith.constant 0 : index
    %get3A_7 = vector.load %arg3[%get3A_5, %get3A_6] : memref<100x112xf32, #tpu.memory_space<vmem>>, vector<100x112xf32>
    %dot_general3A = arith.constant dense<0.000000e+00> : vector<4912x112xf32>
    %dot_general3A_8 = tpu.matmul %get3A_1, %get3A_7, %dot_general3A {dimension_numbers = #tpu.dot_dimension_numbers<[1], [0], [0], [1], [0, 0, 1, 1], [], []>, transpose_lhs_hint = false} : vector<4912x100xf32>, vector<100x112xf32>, vector<4912x112xf32> -> vector<4912x112xf32>
    %get3A_9 = arith.constant 0 : index
    %get3A_10 = arith.constant 0 : index
    %get3A_11 = vector.load %arg4[%get3A_9, %get3A_10] : memref<3x112xf32, #tpu.memory_space<vmem>>, vector<3x112xf32>
    %dot_general3A_12 = arith.constant dense<0.000000e+00> : vector<4912x112xf32>
    %dot_general3A_13 = tpu.matmul %get3A_4, %get3A_11, %dot_general3A_12 {dimension_numbers = #tpu.dot_dimension_numbers<[1], [0], [0], [1], [0, 0, 1, 1], [], []>, transpose_lhs_hint = false} : vector<4912x3xf32>, vector<3x112xf32>, vector<4912x112xf32> -> vector<4912x112xf32>
    %add3A = arith.addf %dot_general3A_8, %dot_general3A_13 : vector<4912x112xf32>
    %get3A_14 = arith.constant 0 : index
    %get3A_15 = arith.constant 0 : index
    %get3A_16 = vector.load %arg5[%get3A_14, %get3A_15] : memref<1x112xf32, #tpu.memory_space<vmem>>, vector<1x112xf32>
    %add3A_17 = vector.broadcast %get3A_16 : vector<1x112xf32> to vector<4912x112xf32>
    %add3A_18 = arith.addf %add3A, %add3A_17 : vector<4912x112xf32>
    %swap3A = arith.constant 0 : index
    %swap3A_19 = arith.constant 0 : index
    %swap3A_20 = vector.load %arg13[%swap3A, %swap3A_19] : memref<4912x227xf32, #tpu.memory_space<vmem>>, vector<4912x112xf32>
    tpu.vector_store %arg13[%swap3A, %swap3A_19], %add3A_18 {strides = array<i32>} : memref<4912x227xf32, #tpu.memory_space<vmem>>, vector<4912x112xf32>,
    %get3A_21 = arith.constant 0 : index
    %get3A_22 = arith.constant 0 : index
    %get3A_23 = vector.load %arg6[%get3A_21, %get3A_22] : memref<100x112xf32, #tpu.memory_space<vmem>>, vector<100x112xf32>
    %dot_general3A_24 = arith.constant dense<0.000000e+00> : vector<4912x112xf32>
    %dot_general3A_25 = tpu.matmul %get3A_1, %get3A_23, %dot_general3A_24 {dimension_numbers = #tpu.dot_dimension_numbers<[1], [0], [0], [1], [0, 0, 1, 1], [], []>, transpose_lhs_hint = false} : vector<4912x100xf32>, vector<100x112xf32>, vector<4912x112xf32> -> vector<4912x112xf32>
    %get3A_26 = arith.constant 0 : index
    %get3A_27 = arith.constant 0 : index
    %get3A_28 = vector.load %arg7[%get3A_26, %get3A_27] : memref<3x112xf32, #tpu.memory_space<vmem>>, vector<3x112xf32>
    %dot_general3A_29 = arith.constant dense<0.000000e+00> : vector<4912x112xf32>
    %dot_general3A_30 = tpu.matmul %get3A_4, %get3A_28, %dot_general3A_29 {dimension_numbers = #tpu.dot_dimension_numbers<[1], [0], [0], [1], [0, 0, 1, 1], [], []>, transpose_lhs_hint = false} : vector<4912x3xf32>, vector<3x112xf32>, vector<4912x112xf32> -> vector<4912x112xf32>
    %add3A_31 = arith.addf %dot_general3A_25, %dot_general3A_30 : vector<4912x112xf32>
    %get3A_32 = arith.constant 0 : index
    %get3A_33 = arith.constant 0 : index
    %get3A_34 = vector.load %arg8[%get3A_32, %get3A_33] : memref<1x112xf32, #tpu.memory_space<vmem>>, vector<1x112xf32>
    %add3A_35 = vector.broadcast %get3A_34 : vector<1x112xf32> to vector<4912x112xf32>
    %add3A_36 = arith.addf %add3A_31, %add3A_35 : vector<4912x112xf32>
    %swap3A_37 = arith.constant 0 : index
    %swap3A_38 = arith.constant 112 : index
    %swap3A_39 = vector.load %arg13[%swap3A_37, %swap3A_38] : memref<4912x227xf32, #tpu.memory_space<vmem>>, vector<4912x112xf32>
    tpu.vector_store %arg13[%swap3A_37, %swap3A_38], %add3A_36 {strides = array<i32>} : memref<4912x227xf32, #tpu.memory_space<vmem>>, vector<4912x112xf32>,
    %get3A_40 = arith.constant 0 : index
    %get3A_41 = arith.constant 0 : index
    %get3A_42 = vector.load %arg9[%get3A_40, %get3A_41] : memref<3x224xf32, #tpu.memory_space<vmem>>, vector<3x224xf32>
    %dot_general3A_43 = arith.constant dense<0.000000e+00> : vector<4912x224xf32>
    %dot_general3A_44 = tpu.matmul %get3A_4, %get3A_42, %dot_general3A_43 {dimension_numbers = #tpu.dot_dimension_numbers<[1], [0], [0], [1], [0, 0, 1, 1], [], []>, transpose_lhs_hint = false} : vector<4912x3xf32>, vector<3x224xf32>, vector<4912x224xf32> -> vector<4912x224xf32>
    %get3A_45 = arith.constant 0 : index
    %get3A_46 = arith.constant 0 : index
    %get3A_47 = vector.load %arg10[%get3A_45, %get3A_46] : memref<1x224xf32, #tpu.memory_space<vmem>>, vector<1x224xf32>
    %add3A_48 = vector.broadcast %get3A_47 : vector<1x224xf32> to vector<4912x224xf32>
    %add3A_49 = arith.addf %dot_general3A_44, %add3A_48 : vector<4912x224xf32>
    %swap3A_50 = arith.constant 0 : index
    %swap3A_51 = arith.constant 0 : index
    %swap3A_52 = vector.load %arg14[%swap3A_50, %swap3A_51] : memref<4912x224xf32, #tpu.memory_space<vmem>>, vector<4912x224xf32>
    tpu.vector_store %arg14[%swap3A_50, %swap3A_51], %add3A_49 {strides = array<i32>} : memref<4912x224xf32, #tpu.memory_space<vmem>>, vector<4912x224xf32>,
    %get3A_53 = arith.constant 0 : index
    %get3A_54 = arith.constant 0 : index
    %get3A_55 = vector.load %arg11[%get3A_53, %get3A_54] : memref<3x112xf32, #tpu.memory_space<vmem>>, vector<3x112xf32>
    %dot_general3A_56 = arith.constant dense<0.000000e+00> : vector<4912x112xf32>
    %dot_general3A_57 = tpu.matmul %get3A_4, %get3A_55, %dot_general3A_56 {dimension_numbers = #tpu.dot_dimension_numbers<[1], [0], [0], [1], [0, 0, 1, 1], [], []>, transpose_lhs_hint = false} : vector<4912x3xf32>, vector<3x112xf32>, vector<4912x112xf32> -> vector<4912x112xf32>
    %get3A_58 = arith.constant 0 : index
    %get3A_59 = arith.constant 0 : index
    %get3A_60 = vector.load %arg12[%get3A_58, %get3A_59] : memref<1x112xf32, #tpu.memory_space<vmem>>, vector<1x112xf32>
    %add3A_61 = vector.broadcast %get3A_60 : vector<1x112xf32> to vector<4912x112xf32>
    %add3A_62 = arith.addf %dot_general3A_57, %add3A_61 : vector<4912x112xf32>
    %swap3A_63 = arith.constant 0 : index
    %swap3A_64 = arith.constant 0 : index
    %swap3A_65 = vector.load %arg15[%swap3A_63, %swap3A_64] : memref<4912x112xf32, #tpu.memory_space<vmem>>, vector<4912x112xf32>
    tpu.vector_store %arg15[%swap3A_63, %swap3A_64], %add3A_62 {strides = array<i32>} : memref<4912x112xf32, #tpu.memory_space<vmem>>, vector<4912x112xf32>,
    return
  }
  func.func @transform_0(%arg0: i32) -> (i32, i32) {
    %c0_i32 = arith.constant 0 : i32
    %c0_i32_0 = arith.constant 0 : i32
    return %arg0, %c0_i32 : i32, i32
  }
  func.func @transform_1(%arg0: i32) -> (i32, i32) {
    %c0_i32 = arith.constant 0 : i32
    %c0_i32_0 = arith.constant 0 : i32
    return %arg0, %c0_i32 : i32, i32
  }
  func.func @transform_2(%arg0: i32) -> (i32, i32) {
    %c0_i32 = arith.constant 0 : i32
    %c0_i32_0 = arith.constant 0 : i32
    %c0_i32_1 = arith.constant 0 : i32
    return %c0_i32, %c0_i32_0 : i32, i32
  }
  func.func @transform_3(%arg0: i32) -> (i32, i32) {
    %c0_i32 = arith.constant 0 : i32
    %c0_i32_0 = arith.constant 0 : i32
    %c0_i32_1 = arith.constant 0 : i32
    return %c0_i32, %c0_i32_0 : i32, i32
  }
  func.func @transform_4(%arg0: i32) -> (i32, i32) {
    %c0_i32 = arith.constant 0 : i32
    %c0_i32_0 = arith.constant 0 : i32
    %c0_i32_1 = arith.constant 0 : i32
    return %c0_i32, %c0_i32_0 : i32, i32
  }
  func.func @transform_5(%arg0: i32) -> (i32, i32) {
    %c0_i32 = arith.constant 0 : i32
    %c0_i32_0 = arith.constant 0 : i32
    %c0_i32_1 = arith.constant 0 : i32
    return %c0_i32, %c0_i32_0 : i32, i32
  }
  func.func @transform_6(%arg0: i32) -> (i32, i32) {
    %c0_i32 = arith.constant 0 : i32
    %c0_i32_0 = arith.constant 0 : i32
    %c0_i32_1 = arith.constant 0 : i32
    return %c0_i32, %c0_i32_0 : i32, i32
  }
  func.func @transform_7(%arg0: i32) -> (i32, i32) {
    %c0_i32 = arith.constant 0 : i32
    %c0_i32_0 = arith.constant 0 : i32
    %c0_i32_1 = arith.constant 0 : i32
    return %c0_i32, %c0_i32_0 : i32, i32
  }
  func.func @transform_8(%arg0: i32) -> (i32, i32) {
    %c0_i32 = arith.constant 0 : i32
    %c0_i32_0 = arith.constant 0 : i32
    %c0_i32_1 = arith.constant 0 : i32
    return %c0_i32, %c0_i32_0 : i32, i32
  }
  func.func @transform_9(%arg0: i32) -> (i32, i32) {
    %c0_i32 = arith.constant 0 : i32
    %c0_i32_0 = arith.constant 0 : i32
    %c0_i32_1 = arith.constant 0 : i32
    return %c0_i32, %c0_i32_0 : i32, i32
  }
  func.func @transform_10(%arg0: i32) -> (i32, i32) {
    %c0_i32 = arith.constant 0 : i32
    %c0_i32_0 = arith.constant 0 : i32
    %c0_i32_1 = arith.constant 0 : i32
    return %c0_i32, %c0_i32_0 : i32, i32
  }
  func.func @transform_11(%arg0: i32) -> (i32, i32) {
    %c0_i32 = arith.constant 0 : i32
    %c0_i32_0 = arith.constant 0 : i32
    %c0_i32_1 = arith.constant 0 : i32
    return %c0_i32, %c0_i32_0 : i32, i32
  }
  func.func @transform_12(%arg0: i32) -> (i32, i32) {
    %c0_i32 = arith.constant 0 : i32
    %c0_i32_0 = arith.constant 0 : i32
    return %arg0, %c0_i32 : i32, i32
  }
  func.func @transform_13(%arg0: i32) -> (i32, i32) {
    %c0_i32 = arith.constant 0 : i32
    %c0_i32_0 = arith.constant 0 : i32
    return %arg0, %c0_i32 : i32, i32
  }
  func.func @transform_14(%arg0: i32) -> (i32, i32) {
    %c0_i32 = arith.constant 0 : i32
    %c0_i32_0 = arith.constant 0 : i32
    return %arg0, %c0_i32 : i32, i32
  }
}

module attributes {stable_mosaic.version = 14 : i64} {
  func.func @_tc_post_body(%arg0: i32, %arg1: memref<4992x113xf32, #tpu.memory_space<vmem>>, %arg2: memref<4912x224xf32, #tpu.memory_space<vmem>>, %arg3: memref<4912x112xf32, #tpu.memory_space<vmem>>, %arg4: memref<112x224xf32, #tpu.memory_space<vmem>>, %arg5: memref<112x112xf32, #tpu.memory_space<vmem>>, %arg6: memref<1x112xf32, #tpu.memory_space<vmem>>, %arg7: memref<4912x100xf32, #tpu.memory_space<vmem>>) attributes {dimension_semantics = [#tpu.dimension_semantics<arbitrary>], iteration_bounds = array<i64: 4>, scalar_prefetch = 0 : i64, scratch_operands = 0 : i64, tpu.core_type = #tpu.core_type<tc>, window_params = [{transform_indices = @transform_0, window_bounds = array<i64: 4992, 113>}, {transform_indices = @transform_1, window_bounds = array<i64: 4912, 224>}, {transform_indices = @transform_2, window_bounds = array<i64: 4912, 112>}, {pipeline_mode = #tpu.pipeline_mode<synchronous>, transform_indices = @transform_3, window_bounds = array<i64: 112, 224>}, {pipeline_mode = #tpu.pipeline_mode<synchronous>, transform_indices = @transform_4, window_bounds = array<i64: 112, 112>}, {pipeline_mode = #tpu.pipeline_mode<synchronous>, transform_indices = @transform_5, window_bounds = array<i64: 1, 112>}, {transform_indices = @transform_6, window_bounds = array<i64: 4912, 100>}]} {
    %get3A = arith.constant 0 : index
    %get3A_0 = arith.constant 0 : index
    %get3A_1 = vector.load %arg1[%get3A, %get3A_0] : memref<4992x113xf32, #tpu.memory_space<vmem>>, vector<4992x113xf32>
    %slice3A = vector.extract_strided_slice %get3A_1 {offsets = [0, 0], sizes = [307, 112], strides = [1, 1]} : vector<4992x113xf32> to vector<307x112xf32>
    %slice3A_2 = vector.extract_strided_slice %get3A_1 {offsets = [312, 0], sizes = [307, 112], strides = [1, 1]} : vector<4992x113xf32> to vector<307x112xf32>
    %slice3A_3 = vector.extract_strided_slice %get3A_1 {offsets = [624, 0], sizes = [307, 112], strides = [1, 1]} : vector<4992x113xf32> to vector<307x112xf32>
    %slice3A_4 = vector.extract_strided_slice %get3A_1 {offsets = [936, 0], sizes = [307, 112], strides = [1, 1]} : vector<4992x113xf32> to vector<307x112xf32>
    %slice3A_5 = vector.extract_strided_slice %get3A_1 {offsets = [1248, 0], sizes = [307, 112], strides = [1, 1]} : vector<4992x113xf32> to vector<307x112xf32>
    %slice3A_6 = vector.extract_strided_slice %get3A_1 {offsets = [1560, 0], sizes = [307, 112], strides = [1, 1]} : vector<4992x113xf32> to vector<307x112xf32>
    %slice3A_7 = vector.extract_strided_slice %get3A_1 {offsets = [1872, 0], sizes = [307, 112], strides = [1, 1]} : vector<4992x113xf32> to vector<307x112xf32>
    %slice3A_8 = vector.extract_strided_slice %get3A_1 {offsets = [2184, 0], sizes = [307, 112], strides = [1, 1]} : vector<4992x113xf32> to vector<307x112xf32>
    %slice3A_9 = vector.extract_strided_slice %get3A_1 {offsets = [2496, 0], sizes = [307, 112], strides = [1, 1]} : vector<4992x113xf32> to vector<307x112xf32>
    %slice3A_10 = vector.extract_strided_slice %get3A_1 {offsets = [2808, 0], sizes = [307, 112], strides = [1, 1]} : vector<4992x113xf32> to vector<307x112xf32>
    %slice3A_11 = vector.extract_strided_slice %get3A_1 {offsets = [3120, 0], sizes = [307, 112], strides = [1, 1]} : vector<4992x113xf32> to vector<307x112xf32>
    %slice3A_12 = vector.extract_strided_slice %get3A_1 {offsets = [3432, 0], sizes = [307, 112], strides = [1, 1]} : vector<4992x113xf32> to vector<307x112xf32>
    %slice3A_13 = vector.extract_strided_slice %get3A_1 {offsets = [3744, 0], sizes = [307, 112], strides = [1, 1]} : vector<4992x113xf32> to vector<307x112xf32>
    %slice3A_14 = vector.extract_strided_slice %get3A_1 {offsets = [4056, 0], sizes = [307, 112], strides = [1, 1]} : vector<4992x113xf32> to vector<307x112xf32>
    %slice3A_15 = vector.extract_strided_slice %get3A_1 {offsets = [4368, 0], sizes = [307, 112], strides = [1, 1]} : vector<4992x113xf32> to vector<307x112xf32>
    %slice3A_16 = vector.extract_strided_slice %get3A_1 {offsets = [4680, 0], sizes = [307, 112], strides = [1, 1]} : vector<4992x113xf32> to vector<307x112xf32>
    %concatenate3A = tpu.concatenate %slice3A, %slice3A_2, %slice3A_3, %slice3A_4, %slice3A_5, %slice3A_6, %slice3A_7, %slice3A_8, %slice3A_9, %slice3A_10, %slice3A_11, %slice3A_12, %slice3A_13, %slice3A_14, %slice3A_15, %slice3A_16 in 0 : vector<307x112xf32>, vector<307x112xf32>, vector<307x112xf32>, vector<307x112xf32>, vector<307x112xf32>, vector<307x112xf32>, vector<307x112xf32>, vector<307x112xf32>, vector<307x112xf32>, vector<307x112xf32>, vector<307x112xf32>, vector<307x112xf32>, vector<307x112xf32>, vector<307x112xf32>, vector<307x112xf32>, vector<307x112xf32> -> vector<4912x112xf32>
    %get3A_17 = arith.constant 0 : index
    %get3A_18 = arith.constant 0 : index
    %get3A_19 = vector.load %arg6[%get3A_17, %get3A_18] : memref<1x112xf32, #tpu.memory_space<vmem>>, vector<1x112xf32>
    %add3A = vector.broadcast %get3A_19 : vector<1x112xf32> to vector<4912x112xf32>
    %add3A_20 = arith.addf %concatenate3A, %add3A : vector<4912x112xf32>
    %get3A_21 = arith.constant 0 : index
    %get3A_22 = arith.constant 0 : index
    %get3A_23 = vector.load %arg2[%get3A_21, %get3A_22] : memref<4912x224xf32, #tpu.memory_space<vmem>>, vector<4912x224xf32>
    %get3A_24 = arith.constant 0 : index
    %get3A_25 = arith.constant 0 : index
    %get3A_26 = vector.load %arg4[%get3A_24, %get3A_25] : memref<112x224xf32, #tpu.memory_space<vmem>>, vector<112x224xf32>
    %dot_general3A = arith.constant dense<0.000000e+00> : vector<4912x224xf32>
    %dot_general3A_27 = tpu.matmul %add3A_20, %get3A_26, %dot_general3A {dimension_numbers = #tpu.dot_dimension_numbers<[1], [0], [0], [1], [0, 0, 1, 1], [], []>, transpose_lhs_hint = false} : vector<4912x112xf32>, vector<112x224xf32>, vector<4912x224xf32> -> vector<4912x224xf32>
    %add3A_28 = arith.addf %get3A_23, %dot_general3A_27 : vector<4912x224xf32>
    %logistic3A = arith.negf %add3A_28 : vector<4912x224xf32>
    %logistic3A_29 = math.exp %logistic3A : vector<4912x224xf32>
    %logistic3A_30 = arith.constant 1.000000e+00 : f32
    %logistic3A_31 = vector.broadcast %logistic3A_30 : f32 to vector<4912x224xf32>
    %logistic3A_32 = arith.addf %logistic3A_31, %logistic3A_29 : vector<4912x224xf32>
    %logistic3A_33 = arith.divf %logistic3A_31, %logistic3A_32 : vector<4912x224xf32>
    %slice3A_34 = vector.extract_strided_slice %logistic3A_33 {offsets = [0, 0], sizes = [4912, 112], strides = [1, 1]} : vector<4912x224xf32> to vector<4912x112xf32>
    %slice3A_35 = vector.extract_strided_slice %logistic3A_33 {offsets = [0, 112], sizes = [4912, 112], strides = [1, 1]} : vector<4912x224xf32> to vector<4912x112xf32>
    %get3A_36 = arith.constant 0 : index
    %get3A_37 = arith.constant 0 : index
    %get3A_38 = vector.load %arg3[%get3A_36, %get3A_37] : memref<4912x112xf32, #tpu.memory_space<vmem>>, vector<4912x112xf32>
    %mul3A = arith.mulf %slice3A_34, %add3A_20 : vector<4912x112xf32>
    %get3A_39 = arith.constant 0 : index
    %get3A_40 = arith.constant 0 : index
    %get3A_41 = vector.load %arg5[%get3A_39, %get3A_40] : memref<112x112xf32, #tpu.memory_space<vmem>>, vector<112x112xf32>
    %dot_general3A_42 = arith.constant dense<0.000000e+00> : vector<4912x112xf32>
    %dot_general3A_43 = tpu.matmul %mul3A, %get3A_41, %dot_general3A_42 {dimension_numbers = #tpu.dot_dimension_numbers<[1], [0], [0], [1], [0, 0, 1, 1], [], []>, transpose_lhs_hint = false} : vector<4912x112xf32>, vector<112x112xf32>, vector<4912x112xf32> -> vector<4912x112xf32>
    %add3A_44 = arith.addf %get3A_38, %dot_general3A_43 : vector<4912x112xf32>
    %tanh3A = math.tanh %add3A_44 : vector<4912x112xf32>
    %mul3A_45 = arith.mulf %slice3A_35, %add3A_20 : vector<4912x112xf32>
    %sub3A = arith.constant 1.000000e+00 : f32
    %sub3A_46 = vector.broadcast %sub3A : f32 to vector<4912x112xf32>
    %sub3A_47 = arith.subf %sub3A_46, %slice3A_35 : vector<4912x112xf32>
    %mul3A_48 = arith.mulf %sub3A_47, %tanh3A : vector<4912x112xf32>
    %add3A_49 = arith.addf %mul3A_45, %mul3A_48 : vector<4912x112xf32>
    %slice3A_50 = vector.extract_strided_slice %add3A_49 {offsets = [0, 0], sizes = [4912, 100], strides = [1, 1]} : vector<4912x112xf32> to vector<4912x100xf32>
    %swap3A = arith.constant 0 : index
    %swap3A_51 = arith.constant 0 : index
    %swap3A_52 = vector.load %arg7[%swap3A, %swap3A_51] : memref<4912x100xf32, #tpu.memory_space<vmem>>, vector<4912x100xf32>
    tpu.vector_store %arg7[%swap3A, %swap3A_51], %slice3A_50 {strides = array<i32>} : memref<4912x100xf32, #tpu.memory_space<vmem>>, vector<4912x100xf32>,
    return
  }
  func.func @transform_0(%arg0: i32) -> (i32, i32) {
    %c0_i32 = arith.constant 0 : i32
    %c0_i32_0 = arith.constant 0 : i32
    return %arg0, %c0_i32 : i32, i32
  }
  func.func @transform_1(%arg0: i32) -> (i32, i32) {
    %c0_i32 = arith.constant 0 : i32
    %c0_i32_0 = arith.constant 0 : i32
    return %arg0, %c0_i32 : i32, i32
  }
  func.func @transform_2(%arg0: i32) -> (i32, i32) {
    %c0_i32 = arith.constant 0 : i32
    %c0_i32_0 = arith.constant 0 : i32
    return %arg0, %c0_i32 : i32, i32
  }
  func.func @transform_3(%arg0: i32) -> (i32, i32) {
    %c0_i32 = arith.constant 0 : i32
    %c0_i32_0 = arith.constant 0 : i32
    %c0_i32_1 = arith.constant 0 : i32
    return %c0_i32, %c0_i32_0 : i32, i32
  }
  func.func @transform_4(%arg0: i32) -> (i32, i32) {
    %c0_i32 = arith.constant 0 : i32
    %c0_i32_0 = arith.constant 0 : i32
    %c0_i32_1 = arith.constant 0 : i32
    return %c0_i32, %c0_i32_0 : i32, i32
  }
  func.func @transform_5(%arg0: i32) -> (i32, i32) {
    %c0_i32 = arith.constant 0 : i32
    %c0_i32_0 = arith.constant 0 : i32
    %c0_i32_1 = arith.constant 0 : i32
    return %c0_i32, %c0_i32_0 : i32, i32
  }
  func.func @transform_6(%arg0: i32) -> (i32, i32) {
    %c0_i32 = arith.constant 0 : i32
    %c0_i32_0 = arith.constant 0 : i32
    return %arg0, %c0_i32 : i32, i32
  }
}

</mosaic_0001>

<sc_bundles>
// kernel: kernel.5.cloned.1.call-start
scs
__scs_entry_jumppad:
0x0: {  	(pc) =	sbr.rel $0x88, $3  }
0x1: {  	(tag) =	ssettag $0x0;
	lr =	simm.s32 $0x1  }
0x2: {  	[smem:$0x3F93] =	sst lr;
	_ =	strace $0xD0000000  }
0x3: {  	_ = 	snop  }
0x4: {  	_ = 	snop  }
0x5: {  	_ = 	snop  }
0x6: {  	_ = 	snop  }
0x7: {  	_ = 	snop  }
__scs_overlays_trampoline_lowered:
0x8: {  	[smem:$0x3FA2] =	sst s0  }
0x9: {  	[smem:$0x3FA3] =	sst s1  }
0xa: {  	[smem:$0x3FA4] =	sst s2  }
0xb: {  	[smem:$0x3FA5] =	sst s3  }
0xc: {  	[smem:$0x3FA6] =	sst s4  }
0xd: {  	[smem:$0x3FA7] =	sst s5  }
0xe: {  	[smem:$0x3FA8] =	sst s6  }
0xf: {  	[smem:$0x3FA9] =	sst s7  }
0x10: {  	[smem:$0x3FAA] =	sst s8  }
0x11: {  	[smem:$0x3FAB] =	sst s9;
	s0 =	simm.s32 @!p0 $0x0  }
0x12: {  	s1 =	sld [smem:$0x3F91];
	s0 =	simm.s32 @p0 $0x1  }
0x13: {  	[smem:$0x3FAC] =	sst s0;
	s0 =	simm.s32 @!p1 $0x0  }
0x14: {  	s2 =	sld [smem:$0x3F90];
	s0 =	simm.s32 @p1 $0x1  }
0x15: {  	[smem:$0x3FAD] =	sst s0;
	s0 =	simm.s32 @!p2 $0x0  }
0x16: {  	s3 =	sld [smem:$0x3FDB];
	s0 =	simm.s32 @p2 $0x1  }
0x17: {  	s4 =	simm.s32 $0x1BF5;
	[smem:$0x3FAF] =	sst s0  }
0x18: {  	s0 =	sld [smem:$0x3F92];
	_ =	swait.ge [sflag:s4], $0x0  }
0x19: {  	s7 =	sld [smem:$0x3F93]  }
0x1a: {  	s8 =	sadd.s32 $0xFFFFE003, lr  }
0x1b: {  	s9 =	sadd.s32 $0xFFFFFEF7, lr;
	s5 =	simm.s32 $0xFFFFFFFF;
	p2 =	slt.u32 s8, $0xFFFFF086  }
0x1c: {  	p1 =	slt.u32 s9, $0xF7A;
	s5 =	simm.s32 @!p2 $0x0  }
0x1d: {  	s5 =	simm.s32 @p1 $0x1;
	p0 =	seq.s32 s7, s2  }
0x1e: {  	s7 =	smul.u32 @!p0 $0xF7A, s2;
	p2 =	seq.s32 @!p0 s5, $0x0  }
0x1f: {  	s9 =	smul.u32 $0xF7A, s1;
	s8 =	simm.s32 @!p0 $0x1BF5;
	p2 =	por !p2, p0  }
0x20: {  	[sflag:s8] =	ssyncset.s32 @!p0 $0xFFFFF086;
	s6 =	sadd.s32 @!p0 s3, s7;
	s7 =	simm.s32 @!p0 $0x108  }
0x21: {  	s3 =	sadd.s32 s3, s9;
	s6 =	sadd.s32 @!p0 $0x88, s6;
	s7 =	simm.s32 @p2 $0x1082  }
0x22: {  	[simem:s7], [sflag:s8] =	dma.local @!p0 [hbm:s6], $0xF7A  }
0x23: {  	s9 =	sor.u32 $0xD0000000, s2;
	s6 =	simm.s32 $0x108;
	_ =	swait.ge @!p0 [sflag:s8], $0x0  }
0x24: {  	s3 =	sadd.s32 $0x88, s3;
	s6 =	simm.s32 @!p1 $0x1082;
	[sflag:s4] =	ssyncset.s32 $0xFFFFF086  }
0x25: {  	[simem:s6], [sflag:s4] =	dma.local [hbm:s3], $0xF7A  }
0x26: {  	[smem:$0x3F93] =	sst s1;
	(tag) =	ssettag s2;
	_ =	strace s9  }
0x27: {  	s1 =	sld [smem:$0x3FA3]  }
0x28: {  	s2 =	sld [smem:$0x3FA4]  }
0x29: {  	s4 =	sld [smem:$0x3FA6]  }
0x2a: {  	p0 =	seq.s32 s5, $0x0;
	s5 =	sld [smem:$0x3FA7]  }
0x2b: {  	s6 =	sld [smem:$0x3FA8]  }
0x2c: {  	s7 =	sld [smem:$0x3FA9]  }
0x2d: {  	s3 =	simm.s32 $0x108;
	s8 =	sld [smem:$0x3FAA]  }
0x2e: {  	s3 =	simm.s32 @!p0 $0x1082;
	s9 =	sld [smem:$0x3FAB]  }
0x2f: {  	lr =	sadd.s32 s0, s3;
	s0 =	sld [smem:$0x3FA2]  }
0x30: {  	s3 =	sld [smem:$0x3FA5]  }
0x31: {  	[smem:$0x3FAE] =	sst s10  }
0x32: {  	s10 =	sld [smem:$0x3FAC];
	_ =	sdelay $0x3  }
0x33: {  	p0 =	seq.s32 s10, $0x1;
	s10 =	sld [smem:$0x3FAE];
	_ =	sdelay $0x3  }
0x34: {  	[smem:$0x3FAE] =	sst s10  }
0x35: {  	s10 =	sld [smem:$0x3FAD];
	_ =	sdelay $0x3  }
0x36: {  	p1 =	seq.s32 s10, $0x1;
	s10 =	sld [smem:$0x3FAE];
	_ =	sdelay $0x3  }
0x37: {  	[smem:$0x3FAE] =	sst s10  }
0x38: {  	s10 =	sld [smem:$0x3FAF]  }
0x39: {  	_ = 	snop;
	(pc) =	sbr.ind lr, $3  }
0x3a: {  	_ = 	snop  }
0x3b: {  	_ = 	snop  }
0x3c: {  	p2 =	seq.s32 s10, $0x1;
	s10 =	sld [smem:$0x3FAE]  }
0x3d: {  	_ =	shalt  }
0x3e: {  	_ =	shalt  }
0x3f: {  	_ =	shalt  }
0x40: {  	_ =	shalt  }
0x41: {  	_ =	shalt  }
0x42: {  	_ =	shalt  }
0x43: {  	_ =	shalt  }
0x44: {  	_ =	shalt  }
0x45: {  	_ =	shalt  }
0x46: {  	_ =	shalt  }
0x47: {  	_ =	shalt  }
0x48: {  	_ =	shalt  }
0x49: {  	_ =	shalt  }
0x4a: {  	_ =	shalt  }
0x4b: {  	_ =	shalt  }
0x4c: {  	_ =	shalt  }
0x4d: {  	_ =	shalt  }
0x4e: {  	_ =	shalt  }
0x4f: {  	_ =	shalt  }
0x50: {  	_ =	shalt  }
0x51: {  	_ =	shalt  }
0x52: {  	_ =	shalt  }
0x53: {  	_ =	shalt  }
0x54: {  	_ =	shalt  }
0x55: {  	_ =	shalt  }
0x56: {  	_ =	shalt  }
0x57: {  	_ =	shalt  }
0x58: {  	_ =	shalt  }
0x59: {  	_ =	shalt  }
0x5a: {  	_ =	shalt  }
0x5b: {  	_ =	shalt  }
0x5c: {  	_ =	shalt  }
0x5d: {  	_ =	shalt  }
0x5e: {  	_ =	shalt  }
0x5f: {  	_ =	shalt  }
0x60: {  	_ =	shalt  }
0x61: {  	_ =	shalt  }
0x62: {  	_ =	shalt  }
0x63: {  	_ =	shalt  }
0x64: {  	_ =	shalt  }
0x65: {  	_ =	shalt  }
0x66: {  	_ =	shalt  }
0x67: {  	_ =	shalt  }
0x68: {  	_ =	shalt  }
0x69: {  	_ =	shalt  }
0x6a: {  	_ =	shalt  }
0x6b: {  	_ =	shalt  }
0x6c: {  	_ =	shalt  }
0x6d: {  	_ =	shalt  }
0x6e: {  	_ =	shalt  }
0x6f: {  	_ =	shalt  }
0x70: {  	_ =	shalt  }
0x71: {  	_ =	shalt  }
0x72: {  	_ =	shalt  }
0x73: {  	_ =	shalt  }
0x74: {  	_ =	shalt  }
0x75: {  	_ =	shalt  }
0x76: {  	_ =	shalt  }
0x77: {  	_ =	shalt  }
0x78: {  	_ =	shalt  }
0x79: {  	_ =	shalt  }
0x7a: {  	_ =	shalt  }
0x7b: {  	_ =	shalt  }
0x7c: {  	_ =	shalt  }
0x7d: {  	_ =	shalt  }
0x7e: {  	_ =	shalt  }
0x7f: {  	_ =	shalt  }
0x80: {  	_ =	shalt  }
0x81: {  	_ =	shalt  }
0x82: {  	_ =	shalt  }
0x83: {  	_ =	shalt  }
0x84: {  	_ =	shalt  }
0x85: {  	_ =	shalt  }
0x86: {  	_ =	shalt  }
0x87: {  	_ =	shalt  }
.Lfunc_end0:
.L_simem_size_0:
called_computation_lowered:
.L_overlay_start_0:
0x88: {  	s2 =	sld [smem:$0x3FD9]  }
0x89: {  	s3 =	sld [smem:$0x3FFE];
	_ =	sdelay $0x1  }
0x8a: {  	s1 =	srdreg.scid  }
0x8b: {  	s0 =	sand.u32 $0x1, s1  }
0x8c: {  	s17 =	sshll.u32 s0, $0xA;
	s2 =	sadd.s32 s3, s2  }
0x8d: {  	s2 =	sadd.s32 s2, s17  }
0x8e: {  	[smem:$0x3FBA] =	sst s2  }
0x8f: {  	_ = 	snop  }
0x90: {  	s2 =	sld [smem:$0x3FD0];
	(tm) =	ssettm $0x1  }
0x91: {  	s18 =	sld [smem:$0x3FFB];
	_ =	sdelay $0x3  }
0x92: {  	_ =	strace s18  }
0x93: {  	s3 =	sld [smem:$0x3FFC];
	_ =	sdelay $0x3  }
0x94: {  	_ =	strace s3  }
0x95: {  	s3 =	sld [smem:$0x3FFD];
	_ =	sdelay $0x3  }
0x96: {  	_ =	strace s3  }
0x97: {  	_ =	strace $0x8FFFFFFF  }
0x98: {  	s19 =	sld [smem:$0x3FDB];
	_ =	sdelay $0x1  }
0x99: {  	s4 =	simm.s32 $_scs_section_size  }
0x9a: {  	s5 =	simm.s32 $_size__tile_overlayer_lowered;
	s6 =	simm.s32 $_tile_overlayer_lowered  }
0x9b: {  	s22 =	simm.s32 $0x1BFF;
	s21 =	sshll.u32 s6, $0x1;
	s3 =	sadd.s32 s4, s19  }
0x9c: {  	s7 =	simm.s32 $0x0;
	s20 =	sshll.u32 s5, $0x1;
	s5 =	sadd.s32 s21, s3  }
0x9d: {  	[timem:s7], [sflag:s22] =	dma.local [hbm:s5], s20  }
0x9e: {  	_ =	swait.ge [sflag:s22], s20  }
0x9f: {  	s4 =	ssub.s32 $0x0, s20;
	[sflag:s22] =	ssyncset.done $0x0  }
0xa0: {  	[sflag:s22] =	ssyncadd.s32 s4;
	_ =	sdelay $0x1  }
0xa1: {  	s23 =	simm.s32 $0x1B8B  }
0xa2: {  	_ =	swait.ge [sflag:s23], $0x1  }
0xa3: {  	[sflag:s23] =	ssyncset.done $0x0  }
0xa4: {  	s25 =	simm.s32 $0x1B8E;
	s24 =	sld [smem:$0x3FFE];
	[sflag:s23] =	ssyncadd.s32 $0xFFFFFFFF  }
0xa5: {  	s26 =	simm.s32 $execute0_lowered;
	[smem:$0x3FD2] =	sst s25  }
0xa6: {  	s5 =	sshll.u32 s26, $0x1;
	_ =	strace $0x80000046;
	[dreg:$0x1] =	wrdreg $0xFFFFFFFF  }
0xa7: {  	s28 =	simm.s32 $_size_execute0_lowered;
	s3 =	sadd.s32 s3, s5;
	[dreg:$0x0] =	wrdreg $0x0  }
0xa8: {  	s5 =	sshll.u32 s28, $0x1;
	[dreg:$0x2] =	wrdreg s3  }
0xa9: {  	[dreg:$0x3] =	wrdreg s5  }
0xaa: {  	[dreg:$0x4] =	wrdreg $0xC0  }
0xab: {  	_ =	task [dreg:s7], $0x5FFFF  }
0xac: {  	[dreg:$0x1] =	wrdreg $0xFFFFFFFF  }
0xad: {  	[dreg:$0x0] =	wrdreg $0x60  }
0xae: {  	[dreg:$0x2] =	wrdreg s24  }
0xaf: {  	[dreg:$0x3] =	wrdreg s2  }
0xb0: {  	[dreg:$0x4] =	wrdreg $0x9  }
0xb1: {  	_ =	task.clear_ibuf [dreg:s7], $0x5FFFF;
	_ =	strace $0x90000046  }
0xb2: {  	s29 =	simm.s32 $0x9;
	_ =	strace $0x80000048  }
0xb3: {  	_ =	swait.ge [sflag:s29], $0x1  }
0xb4: {  	[sflag:s29] =	ssyncadd.s32 $0xFFFFFFFF  }
0xb5: {  	_ =	strace $0x90000048  }
0xb6: {  	_ =	sfence  }
0xb7: {  	s30 =	sld [smem:$0x0];
	_ =	sdelay $0x2  }
0xb8: {  	s31 =	sshll.u32 s1, $0xD;
	s1 =	sshrl.u32 s1, $0x2  }
0xb9: {  	s3 =	sand.u32 $0x4000, s31;
	s1 =	sadd.s32 s1, s30  }
0xba: {  	s0 =	sor.u32 s3, s0;
	s1 =	sshll.u32 s1, $0x11  }
0xbb: {  	s0 =	sor.u32 s1, s0  }
0xbc: {  	s0 =	sadd.s32 $0x8F2B, s0  }
0xbd: {  	[sflag:s0] =	ssyncadd.remote.s32 $0x1  }
0xbe: {  	_ =	sfence.sel $0xFFFF  }
0xbf: {  	[dreg:$0x0] =	wrdreg $0xFFFFFFFF;
	(pc) =	sbr.abs _section_cstart, $3  }
0xc0: {  	[dreg:$0x1] =	wrdreg $0xFFFFFFFF  }
0xc1: {  	_ =	task.clear_ibuf [dreg:s7], $0x2FFFF;
	_ =	strace $0x9FFFFFFF  }
0xc2: {  	(tm) =	ssettm $0x7FFFFFFF  }
0xc3: {  	_ =	shalt  }
tec
execute0_lowered:
.L_overlay_start_1:
0x0: {  	(tag) =	ssettag $0x1  }
0x1: {  	s6 =	rddreg [dreg:$0x0]  }
0x2: {  	s1 =	rddreg [dreg:$0x1]  }
0x3: {  	s0 =	rddreg [dreg:$0x2];
	s3 =	simm.s32 $0x0  }
0x4: {  	s4 =	srdreg.scid;
	s2 =	stileid.u32;
	s17 =	simm.s32 $0x0  }
0x5: {  	[smem:$0x7FF] =	sst s3;
	s5 =	sand.u32 $0x1, s4;
	s7 =	sshll.u32 s2, $0x1  }
0x6: {  	s8 =	sadd.s32 $0x182200, s6;
	s4 =	sadd.s32 $0x2600, s6;
	s7 =	sor.u32 s5, s7  }
0x7: {  	s14 =	sadd.s32 $0x2A00, s6;
	_ =	strace $0x80000047;
	s10 =	smul.u32 $0x22072, s7  }
0x8: {  	v1 =	vlaneseq.u32;
	s9 =	ssub.s32 $0x2, s5;
	s11 =	sshllo.u32 s7, $0x1;
	s7 =	smul.u32 $0x226E, s7  }
0x9: {  	v4 =	vmul.u32 $0xFFFFFFFF, v1;
	s5 =	sadd.s32 $0x2800, s6;
	s12 =	sshrl.u32 s9, $0x1;
	s13 =	smul.u32 $0x11039, s11  }
0xa: {  	s12 =	ssub.s32 s9, s12;
	s11 =	smul.u32 $0x1137, s11;
	s29 =	sshrl.u32 s10, $0x3  }
0xb: {  	v63 =	vadd.s32 $0x287, v4;
	s30 =	sand.u32 $0x6, s10;
	s7 =	sadd.s32 s14, s7;
	s31 =	sand.u32 $0x7FFFF8, s13  }
0xc: {  	[tilespmem:$0x1FFF0] =	vst v63;
	s6 =	sadd.s32 s8, s29;
	s15 =	sor.u32 $0x70, s30;
	v0 =	vmov s30;
	s10 =	smin.u32 s31, $0x42FDF0  }
0xd: {  	s9 =	sadd.s32 s14, s11;
	s11 =	simm.s32 $0x19A80;
	[tilespmem:$0x1FFB0] =	vst v0;
	v60 =	vmov s15;
	s13 =	ssub.s32 s13, s10  }
0xe: {  	s14 =	simm.s32 $0x1A080;
	s10 =	sshrl.u32 s10, $0x3;
	[tilespmem:$0x1FFC0] =	vst v60;
	s16 =	sadd.s32 $0x70, s13;
	v61 =	vmov s13  }
0xf: {  	s15 =	simm.s32 $0x1A700;
	s8 =	sadd.s32 s8, s10;
	s10 =	smax.u32 s12, $0x1;
	[tilespmem:$0x1FFD0] =	vst v61;
	v62 =	vmov s16  }
0x10: {  	vm0 =	vmmov $0x7f;
	s12 =	simm.s32 $0x1;
	s13 =	simm.s32 $0x19D80;
	s16 =	simm.s32 $0x11080;
	[tilespmem:$0x1FFE0] =	vst v62  }
.LBB2_1:
0x11: {  	[tilespmem:s11], [sflag:$0x1] =	stream.linear.gather [hbm4b:s1+s3], $0x300, $0x38;
	[tilespmem:$0x1A880] =	vst v63  }
0x12: {  	_ =	swait.ge [sflag:s12], $0x300  }
0x13: {  	[sflag:s12] =	ssyncset.done $0x0  }
0x14: {  	[sflag:s12] =	ssyncadd.s32 $0xFFFFFD00  }
0x15: {  	[tilespmem:s13], [sflag:$0x1] =	stream.linear.gather [hbm4b:s4+s3], $0x300, $0x38;
	[tilespmem:$0x1A880] =	vst v63  }
0x16: {  	_ =	swait.ge [sflag:s12], $0x300  }
0x17: {  	[sflag:s12] =	ssyncset.done $0x0  }
0x18: {  	[sflag:s12] =	ssyncadd.s32 $0xFFFFFD00  }
0x19: {  	[tilespmem:s14], [sflag:$0x1] =	stream.linear.gather [hbm4b:s5+s3], $0x80, $0x38;
	[tilespmem:$0x1A880] =	vst v63  }
0x1a: {  	_ =	swait.ge [sflag:s12], $0x80  }
0x1b: {  	[sflag:s12] =	ssyncset.done $0x0  }
0x1c: {  	[sflag:s12] =	ssyncadd.s32 $0xFFFFFF80  }
0x1d: {  	[tilespmem:s3], [sflag:$0x1] =	stream.linear.gather [hbm4b:s6+s3], $0x11050, $0x38;
	[tilespmem:$0x1A880] =	vst v63  }
0x1e: {  	_ =	swait.ge [sflag:s12], $0x11050  }
0x1f: {  	v0 =	vimm.f32 $-1.000000020e+30;
	[sflag:s12] =	ssyncset.done $0x0  }
0x20: {  	s18 =	simm.s32 $0x0;
	[tilespmem:$0x1FFA0] =	vst v0;
	[sflag:s12] =	ssyncadd.s32 $0xFFFEEFB0  }
.LBB2_2:
0x21: {  	s19 =	sshll.u32 s18, $0x4  }
0x22: {  	v7 =	vld [tilespmem:s19+$0x19A80]  }
0x23: {  	v8 =	vld [tilespmem:s19+$0x19D80]  }
0x24: {  	v0 =	vld [tilespmem:$0x1FFB0]  }
0x25: {  	v62 =	vld [tilespmem:$0x1FFC0];
	_ =	sdelay $0x1  }
0x26: {  	v7 =	vmul.u32 $0xE3, v7  }
0x27: {  	v8 =	vmul.u32 $0xE3, v8  }
0x28: {  	s20 =	simm.s32 $0x0;
	v7 =	vadd.s32 v0, v7  }
0x29: {  	v8 =	vadd.s32 v62, v8;
	v9 =	vadd.s32 s20, v7  }
0x2a: {  	v13 =	vadd.s32 s20, v8  }
0x2b: {  	v10 =	vadd.s32 $0x2, v9  }
0x2c: {  	s21 =	simm.s32 $0x1A080;
	v11 =	vadd.s32 $0x8, v9  }
0x2d: {  	v14 =	vld [tilespmem:s21+$0x0];
	v12 =	vadd.s32 $0x7, v9  }
0x2e: {  	v16 =	vadd.s32 $0xB, v9;
	v15 =	vld.idx.msk [tilespmem:v9+s3+$0x0], $0xffff  }
0x2f: {  	v17 =	vadd.s32 $0xF, v9;
	v21 =	vld.idx.msk [tilespmem:v13+s3+$0x0], $0xffff  }
0x30: {  	v19 =	vadd.s32 $0xE, v9;
	v18 =	vld.idx.msk [tilespmem:v10+s3+$0x0], $0xffff  }
0x31: {  	v20 =	vadd.s32 $0xA, v9;
	v11 =	vld.idx.msk [tilespmem:v11+s3+$0x0], $0xffff  }
0x32: {  	v22 =	vadd.s32 $0x9, v13;
	v12 =	vld.idx.msk [tilespmem:v12+s3+$0x0], $0xffff  }
0x33: {  	v24 =	vadd.s32 $0x5, v13;
	v16 =	vld.idx.msk [tilespmem:v16+s3+$0x0], $0xffff  }
0x34: {  	v26 =	vadd.s32 $0xB, v13;
	v17 =	vld.idx.msk [tilespmem:v17+s3+$0x0], $0xffff  }
0x35: {  	v28 =	vadd.s32 $0xE, v13;
	v19 =	vld.idx.msk [tilespmem:v19+s3+$0x0], $0xffff  }
0x36: {  	v35 =	vadd.s32 $0x8, v13;
	v20 =	vld.idx.msk [tilespmem:v20+s3+$0x0], $0xffff  }
0x37: {  	v37 =	vadd.s32 $0x1, v9;
	v29 =	vld.idx.msk [tilespmem:v22+s3+$0x0], $0xffff  }
0x38: {  	v39 =	vadd.s32 $0x1, v13;
	v34 =	vld.idx.msk [tilespmem:v24+s3+$0x0], $0xffff  }
0x39: {  	v38 =	vadd.s32 $0xA, v13;
	v36 =	vld.idx.msk [tilespmem:v26+s3+$0x0], $0xffff  }
0x3a: {  	v48 =	vbroadcast v14, $0xA;
	v49 =	vbroadcast v14, $0x4;
	v31 =	vadd.s32 $0x7, v13;
	v28 =	vld.idx.msk [tilespmem:v28+s3+$0x0], $0xffff  }
0x3b: {  	v50 =	vbroadcast v14, $0x6;
	v51 =	vbroadcast v14, $0x1;
	v40 =	vadd.s32 $0xD, v9;
	v35 =	vld.idx.msk [tilespmem:v35+s3+$0x0], $0xffff  }
0x3c: {  	v52 =	vbroadcast v14, $0x2;
	v2 =	vbroadcast v14, $0x5;
	v10 =	vadd.s32 $0xF, v13;
	v37 =	vld.idx.msk [tilespmem:v37+s3+$0x0], $0xffff  }
0x3d: {  	v0 =	vbroadcast v14, $0xB;
	v23 =	vadd.s32 $0xC, v13;
	v22 =	vadd.s32 $0xD, v13;
	v39 =	vld.idx.msk [tilespmem:v39+s3+$0x0], $0xffff  }
0x3e: {  	v27 =	vadd.s32 $0xC, v9;
	v30 =	vadd.s32 $0x3, v9;
	v32 =	vadd.s32 $0x6, v9;
	v63 =	vld.idx.msk [tilespmem:v38+s3+$0x0], $0xffff  }
0x3f: {  	v33 =	vadd.s32 $0x6, v13;
	v41 =	vadd.s32 $0x4, v9;
	v42 =	vadd.s32 $0x4, v13;
	v46 =	vld.idx.msk [tilespmem:v31+s3+$0x0], $0xffff  }
0x40: {  	v26 =	vbroadcast v14, $0x0;
	v40 =	vld.idx.msk [tilespmem:v40+s3+$0x0], $0xffff;
	v15 =	vadd.f32 v21, v15;
	v21 =	vadd.s32 $0x5, v9  }
0x41: {  	v9 =	vadd.s32 $0x9, v9;
	v25 =	vld.idx.msk [tilespmem:v10+s3+$0x0], $0xffff;
	v10 =	vimm.f32 $0.0e+00;
	v11 =	vadd.f32 v35, v11  }
0x42: {  	v44 =	vld.idx.msk [tilespmem:v22+s3+$0x0], $0xffff;
	v22 =	vbroadcast v14, $0xD;
	v37 =	vadd.f32 v39, v37;
	v24 =	vmul.f32 $2.000000030e-01, v15  }
0x43: {  	v19 =	vadd.f32 v28, v19;
	v28 =	vld.idx.msk [tilespmem:v32+s3+$0x0], $0xffff;
	v32 =	vadd.f32 v63, v20;
	v1 =	vmul.f32 $2.000000030e-01, v11  }
0x44: {  	v20 =	vmul.f32 $2.000000030e-01, v37;
	v15 =	vmax.f32 v15, v24;
	v24 =	vbroadcast v14, $0x8  }
0x45: {  	v16 =	vadd.f32 v36, v16;
	v43 =	vmul.f32 v15, v26;
	v15 =	vbroadcast v14, $0xC  }
0x46: {  	v12 =	vadd.f32 v46, v12;
	v45 =	vld.idx.msk [tilespmem:v21+s3+$0x0], $0xffff;
	v26 =	vbroadcast v14, $0xE;
	v21 =	vbroadcast v14, $0x3  }
0x47: {  	v3 =	vld.idx.msk [tilespmem:v9+s3+$0x0], $0xffff;
	v9 =	vbroadcast v14, $0xF;
	v39 =	vmax.f32 v11, v1;
	v17 =	vadd.f32 v25, v17  }
0x48: {  	s31 =	simm.s32 $0x10;
	v25 =	vadd.s32 $0x2, v13;
	v13 =	vadd.s32 $0x3, v13;
	v38 =	vadd.f32 v44, v40  }
0x49: {  	v44 =	vadd.s32 s31, v8;
	v24 =	vmul.f32 v39, v24;
	v31 =	vadd.f32 v43, v10  }
0x4a: {  	v43 =	vbroadcast v14, $0x7;
	v59 =	vadd.s32 $0x9, v44;
	v60 =	vadd.s32 $0xC, v44  }
0x4b: {  	v61 =	vadd.s32 $0xF, v44;
	v36 =	vadd.s32 $0x7, v44;
	v47 =	vmul.f32 $2.000000030e-01, v17  }
0x4c: {  	v63 =	vadd.s32 $0xB, v44;
	v35 =	vadd.s32 $0x1, v44;
	v6 =	vadd.s32 $0xE, v44  }
0x4d: {  	v46 =	vmul.f32 $2.000000030e-01, v38;
	v17 =	vmax.f32 v17, v47;
	v47 =	vbroadcast v14, $0x9;
	v25 =	vld.idx.msk [tilespmem:v25+s3+$0x0], $0xffff  }
0x4e: {  	v23 =	vld.idx.msk [tilespmem:v23+s3+$0x0], $0xffff;
	v34 =	vadd.f32 v34, v45;
	v14 =	vmul.f32 $2.000000030e-01, v16;
	v45 =	vmul.f32 $2.000000030e-01, v32  }
0x4f: {  	v27 =	vld.idx.msk [tilespmem:v27+s3+$0x0], $0xffff;
	v38 =	vmax.f32 v38, v46;
	v46 =	vadd.s32 $0x2, v44;
	v9 =	vmul.f32 v17, v9  }
0x50: {  	v30 =	vld.idx.msk [tilespmem:v30+s3+$0x0], $0xffff;
	v17 =	vmul.f32 $2.000000030e-01, v12;
	v14 =	vmax.f32 v16, v14;
	v16 =	vmax.f32 v37, v20  }
0x51: {  	v11 =	vld.idx.msk [tilespmem:v13+s3+$0x0], $0xffff;
	v37 =	vadd.s32 s31, v7;
	v53 =	vmul.f32 v14, v0;
	v16 =	vmul.f32 v16, v51  }
0x52: {  	v54 =	vadd.s32 $0x6, v37;
	v55 =	vadd.s32 $0xC, v37;
	v13 =	vadd.f32 v25, v18  }
0x53: {  	v57 =	vadd.s32 $0xA, v37;
	v62 =	vadd.s32 $0x5, v37;
	v18 =	vld.idx.msk [tilespmem:v33+s3+$0x0], $0xffff;
	v25 =	vmul.f32 $2.000000030e-01, v34  }
0x54: {  	v58 =	vadd.f32 v16, v10;
	v33 =	vadd.f32 v23, v27;
	v27 =	vmul.f32 $2.000000030e-01, v13  }
0x55: {  	v23 =	vld.idx.msk [tilespmem:v41+s3+$0x0], $0xffff;
	v41 =	vmax.f32 v12, v17;
	v17 =	vmul.f32 $2.000000030e-01, v19;
	v20 =	vmax.f32 v34, v25  }
0x56: {  	v12 =	vld.idx.msk [tilespmem:v42+s3+$0x0], $0xffff;
	v25 =	vadd.f32 v29, v3;
	v13 =	vmax.f32 v13, v27;
	v27 =	vadd.f32 v11, v30  }
0x57: {  	v61 =	vld.idx.msk [tilespmem:v61+s3+$0x0], $0xffff;
	v40 =	vmax.f32 v19, v17;
	v19 =	vadd.s32 $0x2, v37;
	v34 =	vmul.f32 v20, v2  }
0x58: {  	v56 =	vld.idx.msk [tilespmem:v37+s3+$0x0], $0xffff;
	v20 =	vadd.s32 $0x8, v37;
	v14 =	vadd.f32 v18, v28;
	v18 =	vmul.f32 $2.000000030e-01, v27  }
0x59: {  	v2 =	vmax.f32 v32, v45;
	v26 =	vmul.f32 v40, v26;
	v40 =	vld.idx.msk [tilespmem:v55+s3+$0x0], $0xffff;
	v30 =	vadd.s32 $0xF, v37  }
0x5a: {  	s20 =	simm.s32 $0x1A090;
	v2 =	vmul.f32 v2, v48;
	v48 =	vld.idx.msk [tilespmem:v6+s3+$0x0], $0xffff;
	v51 =	vmax.f32 v27, v18;
	v18 =	vadd.s32 $0x7, v37  }
0x5b: {  	v41 =	vmul.f32 v41, v43;
	v17 =	vmul.f32 $2.000000030e-01, v25;
	v23 =	vadd.f32 v12, v23;
	v12 =	vld [tilespmem:s20+$0x0]  }
0x5c: {  	v42 =	vmul.f32 $2.000000030e-01, v33;
	v29 =	vadd.s32 $0x1, v37;
	v52 =	vmul.f32 v13, v52;
	v13 =	vld.idx.msk [tilespmem:v19+s3+$0x0], $0xffff  }
0x5d: {  	v3 =	vadd.s32 $0x8, v44;
	v28 =	vadd.s32 $0xB, v37;
	v17 =	vmax.f32 v25, v17;
	v20 =	vld.idx.msk [tilespmem:v20+s3+$0x0], $0xffff  }
0x5e: {  	v45 =	vadd.s32 $0xD, v37;
	v1 =	vmul.f32 v17, v47;
	v47 =	vadd.s32 $0x5, v44;
	v0 =	vld.idx.msk [tilespmem:v30+s3+$0x0], $0xffff  }
0x5f: {  	v32 =	vadd.s32 $0x3, v44;
	v25 =	vmul.f32 $2.000000030e-01, v14;
	v4 =	vmul.f32 $2.000000030e-01, v23;
	v19 =	vld.idx.msk [tilespmem:v18+s3+$0x0], $0xffff  }
0x60: {  	v11 =	vadd.s32 $0x3, v37;
	v33 =	vmax.f32 v33, v42;
	v34 =	vadd.f32 v34, v58;
	v18 =	vld.idx.msk [tilespmem:v44+s3+$0x0], $0xffff  }
0x61: {  	v27 =	vadd.s32 $0xE, v37;
	v16 =	vmax.f32 v14, v25;
	v4 =	vmax.f32 v23, v4;
	v23 =	vld.idx.msk [tilespmem:v57+s3+$0x0], $0xffff  }
0x62: {  	v52 =	vadd.f32 v52, v10;
	v17 =	vadd.s32 $0x4, v44;
	v50 =	vmul.f32 v16, v50;
	v28 =	vld.idx.msk [tilespmem:v28+s3+$0x0], $0xffff  }
0x63: {  	v14 =	vadd.s32 $0x6, v44;
	v25 =	vadd.s32 $0xA, v44;
	v4 =	vmul.f32 v4, v49;
	v43 =	vld.idx.msk [tilespmem:v47+s3+$0x0], $0xffff  }
0x64: {  	v30 =	vadd.s32 $0x9, v37;
	v57 =	vadd.s32 $0xD, v44;
	v52 =	vadd.f32 v50, v52;
	v47 =	vld.idx.msk [tilespmem:v63+s3+$0x0], $0xffff  }
0x65: {  	v4 =	vadd.f32 v4, v31;
	v49 =	vadd.f32 v18, v56;
	v18 =	vld.idx.msk [tilespmem:v59+s3+$0x0], $0xffff;
	v59 =	vmul.f32 v51, v21  }
0x66: {  	v1 =	vadd.f32 v1, v34;
	v16 =	vadd.s32 $0x4, v37;
	v37 =	vld.idx.msk [tilespmem:v27+s3+$0x0], $0xffff;
	v2 =	vadd.f32 v2, v52  }
0x67: {  	v27 =	vld.idx.msk [tilespmem:v60+s3+$0x0], $0xffff;
	v4 =	vadd.f32 v24, v4;
	v60 =	vmul.f32 $2.000000030e-01, v49;
	v10 =	vadd.f32 v59, v10  }
0x68: {  	v50 =	vld.idx.msk [tilespmem:v3+s3+$0x0], $0xffff;
	v24 =	vmul.f32 v33, v15;
	v15 =	vadd.f32 v26, v2;
	v56 =	vbroadcast v12, $0x0  }
0x69: {  	v44 =	vld.idx.msk [tilespmem:v57+s3+$0x0], $0xffff;
	v31 =	vmax.f32 v49, v60;
	v6 =	vadd.f32 v41, v10;
	v10 =	vmul.f32 v38, v22  }
0x6a: {  	v21 =	vld.idx.msk [tilespmem:v54+s3+$0x0], $0xffff;
	v51 =	vadd.f32 v61, v0;
	v38 =	vadd.f32 v24, v4;
	v34 =	vmul.f32 v31, v56  }
0x6b: {  	s21 =	simm.s32 $0x20;
	v49 =	vld.idx.msk [tilespmem:v62+s3+$0x0], $0xffff;
	v31 =	vadd.f32 v53, v6;
	v22 =	vadd.f32 v10, v1;
	v10 =	vbroadcast v12, $0xC  }
.LBB2_3:
0x6c: {  	p0 =	sne.s32 s21, $0x60  }
0x6d: {  	v0 =	vld.idx.msk [tilespmem:v36+s3+$0x0], $0xffff;
	v26 =	vbroadcast v12, $0x8;
	v24 =	vbroadcast v12, $0xD;
	s20 =	sadd.s32 $0x10, s20;
	v31 =	vadd.f32 v9, v31;
	s22 =	smov.u32 s21;
	s21 =	sadd.s32 $0x10, s21  }
0x6e: {  	v33 =	vbroadcast v12, $0xE;
	v1 =	vld.idx.msk [tilespmem:v45+s3+$0x0], $0xffff;
	v2 =	vmul.f32 $2.000000030e-01, v51  }
0x6f: {  	v39 =	vbroadcast v12, $0xA;
	v34 =	vadd.f32 v34, v38;
	v38 =	vbroadcast v12, $0x3;
	v3 =	vld.idx.msk [tilespmem:v25+s3+$0x0], $0xffff  }
0x70: {  	v42 =	vbroadcast v12, $0x4;
	v41 =	vbroadcast v12, $0x7;
	v4 =	vld.idx.msk [tilespmem:v29+s3+$0x0], $0xffff;
	v2 =	vmax.f32 v51, v2  }
0x71: {  	v45 =	vbroadcast v12, $0x9;
	v6 =	vld.idx.msk [tilespmem:v35+s3+$0x0], $0xffff;
	v35 =	vbroadcast v12, $0x6  }
0x72: {  	v36 =	vbroadcast v12, $0x2;
	v25 =	vbroadcast v12, $0x1;
	v9 =	vadd.f32 v50, v20;
	v29 =	vld.idx.msk [tilespmem:v46+s3+$0x0], $0xffff  }
0x73: {  	v28 =	vadd.f32 v47, v28;
	v37 =	vadd.f32 v48, v37;
	v20 =	vld.idx.msk [tilespmem:v30+s3+$0x0], $0xffff;
	v30 =	vbroadcast v12, $0xB  }
0x74: {  	v0 =	vadd.f32 v0, v19;
	v19 =	vmul.f32 $2.000000030e-01, v9;
	v1 =	vadd.f32 v44, v1  }
0x75: {  	v43 =	vadd.f32 v43, v49;
	v46 =	vbroadcast v12, $0x5;
	v12 =	vbroadcast v12, $0xF;
	v11 =	vld.idx.msk [tilespmem:v11+s3+$0x0], $0xffff  }
0x76: {  	v47 =	vmul.f32 $2.000000030e-01, v28;
	v48 =	vmul.f32 $2.000000030e-01, v1;
	v14 =	vld.idx.msk [tilespmem:v14+s3+$0x0], $0xffff  }
0x77: {  	v44 =	vmax.f32 v9, v19;
	v9 =	vmul.f32 v2, v12;
	v4 =	vadd.f32 v6, v4;
	v6 =	vld.idx.msk [tilespmem:v32+s3+$0x0], $0xffff  }
0x78: {  	v3 =	vadd.f32 v3, v23;
	v2 =	vadd.f32 v29, v13;
	v13 =	vmul.f32 $2.000000030e-01, v0;
	v12 =	vld.idx.msk [tilespmem:v16+s3+$0x0], $0xffff  }
0x79: {  	v40 =	vadd.f32 v27, v40;
	v19 =	vmul.f32 $2.000000030e-01, v43;
	v16 =	vmul.f32 $2.000000030e-01, v4;
	v17 =	vld.idx.msk [tilespmem:v17+s3+$0x0], $0xffff  }
0x7a: {  	v23 =	vmul.f32 $2.000000030e-01, v2;
	v0 =	vmax.f32 v0, v13;
	v13 =	vmax.f32 v28, v47  }
0x7b: {  	v47 =	vmul.f32 $2.000000030e-01, v40;
	v4 =	vmax.f32 v4, v16;
	v16 =	vmul.f32 $2.000000030e-01, v37  }
0x7c: {  	v19 =	vmax.f32 v43, v19;
	v18 =	vadd.f32 v18, v20;
	v2 =	vmax.f32 v2, v23  }
0x7d: {  	v49 =	vmul.f32 v19, v46;
	v6 =	vadd.f32 v6, v11;
	v50 =	vmax.f32 v37, v16  }
0x7e: {  	v51 =	vmul.f32 v13, v30;
	v14 =	vadd.f32 v14, v21;
	v16 =	vmul.f32 $2.000000030e-01, v18  }
0x7f: {  	v4 =	vmul.f32 v4, v25;
	v13 =	vmul.f32 $2.000000030e-01, v6;
	v21 =	vadd.f32 v17, v12  }
0x80: {  	v27 =	vmul.f32 $2.000000030e-01, v3;
	v43 =	vadd.s32 s22, v8;
	v23 =	vadd.s32 s22, v7  }
0x81: {  	v11 =	vadd.s32 $0x3, v23;
	v17 =	vadd.s32 $0x2, v23;
	v6 =	vmax.f32 v6, v13  }
0x82: {  	v19 =	vadd.s32 $0x7, v23;
	v20 =	vadd.s32 $0x8, v23;
	v16 =	vmax.f32 v18, v16  }
0x83: {  	v30 =	vadd.s32 $0xF, v23;
	v25 =	vmul.f32 $2.000000030e-01, v14;
	v18 =	vadd.s32 $0xE, v23  }
0x84: {  	v52 =	vadd.s32 $0x6, v23;
	v53 =	vadd.s32 $0xC, v23;
	v2 =	vmul.f32 v2, v36;
	v12 =	vld [tilespmem:s20+$0x0]  }
0x85: {  	v46 =	vadd.s32 $0xA, v23;
	v28 =	vadd.s32 $0xB, v23;
	v4 =	vadd.f32 v4, v22;
	v32 =	vld.idx.msk [tilespmem:v23+s3+$0x0], $0xffff  }
0x86: {  	v54 =	vadd.s32 $0xC, v43;
	v22 =	vadd.s32 $0x9, v43;
	v13 =	vld.idx.msk [tilespmem:v17+s3+$0x0], $0xffff;
	v17 =	vmax.f32 v14, v25  }
0x87: {  	v36 =	vadd.s32 $0x7, v43;
	v37 =	vadd.s32 $0xF, v43;
	v14 =	vadd.s32 $0x6, v43;
	v20 =	vld.idx.msk [tilespmem:v20+s3+$0x0], $0xffff  }
0x88: {  	v29 =	vadd.s32 $0x1, v23;
	v25 =	vadd.s32 $0xA, v43;
	v55 =	vmul.f32 v17, v35;
	v19 =	vld.idx.msk [tilespmem:v19+s3+$0x0], $0xffff  }
0x89: {  	v58 =	vadd.s32 $0xB, v43;
	v57 =	vadd.s32 $0x5, v23;
	v59 =	vmul.f32 v16, v45;
	v56 =	vld.idx.msk [tilespmem:v43+s3+$0x0], $0xffff  }
0x8a: {  	v60 =	vadd.s32 $0x5, v43;
	v61 =	vadd.s32 $0x8, v43;
	v62 =	vmul.f32 $2.000000030e-01, v21;
	v28 =	vld.idx.msk [tilespmem:v28+s3+$0x0], $0xffff  }
0x8b: {  	v2 =	vadd.f32 v2, v15;
	v16 =	vadd.s32 $0x4, v23;
	v35 =	vadd.s32 $0x1, v43;
	v63 =	vld.idx.msk [tilespmem:v30+s3+$0x0], $0xffff  }
0x8c: {  	v3 =	vmax.f32 v3, v27;
	v17 =	vadd.s32 $0x4, v43;
	v30 =	vadd.s32 $0x9, v23;
	v5 =	vld.idx.msk [tilespmem:v37+s3+$0x0], $0xffff  }
0x8d: {  	v15 =	vadd.s32 $0xE, v43;
	v45 =	vadd.s32 $0xD, v23;
	v37 =	vld.idx.msk [tilespmem:v18+s3+$0x0], $0xffff;
	v18 =	vmax.f32 v21, v62  }
0x8e: {  	v1 =	vmax.f32 v1, v48;
	v62 =	vadd.s32 $0xD, v43;
	v23 =	vld.idx.msk [tilespmem:v46+s3+$0x0], $0xffff;
	v42 =	vmul.f32 v18, v42  }
0x8f: {  	v0 =	vmul.f32 v0, v41;
	v2 =	vadd.f32 v55, v2;
	v48 =	vadd.f32 v56, v32;
	v18 =	vld.idx.msk [tilespmem:v22+s3+$0x0], $0xffff  }
0x90: {  	v3 =	vmul.f32 v3, v39;
	v32 =	vadd.s32 $0x3, v43;
	v22 =	vmax.f32 v40, v47;
	v27 =	vld.idx.msk [tilespmem:v54+s3+$0x0], $0xffff  }
0x91: {  	v6 =	vmul.f32 v6, v38;
	v39 =	vbroadcast v12, $0x0;
	v46 =	vadd.s32 $0x2, v43;
	v43 =	vld.idx.msk [tilespmem:v60+s3+$0x0], $0xffff  }
0x92: {  	v4 =	vadd.f32 v49, v4;
	v2 =	vadd.f32 v3, v2;
	v38 =	vmul.f32 $2.000000030e-01, v48;
	v21 =	vld.idx.msk [tilespmem:v52+s3+$0x0], $0xffff  }
0x93: {  	v3 =	vadd.f32 v6, v31;
	v31 =	vmul.f32 v50, v33;
	v6 =	vadd.f32 v42, v34;
	v47 =	vld.idx.msk [tilespmem:v58+s3+$0x0], $0xffff  }
.Ltmp0:
0x94: {  	v26 =	vmul.f32 v44, v26;
	v4 =	vadd.f32 v59, v4;
	v33 =	vmax.f32 v48, v38;
	v40 =	vld.idx.msk [tilespmem:v53+s3+$0x0], $0xffff;
	(pc) =	sbr.rel @p0 .LBB2_3-.Ltmp0, $4  }
0x95: {  	v1 =	vmul.f32 v1, v24;
	v0 =	vadd.f32 v0, v3;
	v34 =	vmul.f32 v33, v39;
	v48 =	vld.idx.msk [tilespmem:v15+s3+$0x0], $0xffff  }
0x96: {  	v3 =	vadd.f32 v26, v6;
	v6 =	vmul.f32 v22, v10;
	v15 =	vadd.f32 v31, v2;
	v44 =	vld.idx.msk [tilespmem:v62+s3+$0x0], $0xffff  }
0x97: {  	v22 =	vadd.f32 v1, v4;
	v31 =	vadd.f32 v51, v0;
	v49 =	vld.idx.msk [tilespmem:v57+s3+$0x0], $0xffff  }
0x98: {  	v10 =	vbroadcast v12, $0xC;
	v38 =	vadd.f32 v6, v3;
	v51 =	vadd.f32 v5, v63;
	v50 =	vld.idx.msk [tilespmem:v61+s3+$0x0], $0xffff  }
0x99: {  	_ =	sdelay $0x3  }
0x9a: {  	v0 =	vld.idx.msk [tilespmem:v36+s3+$0x0], $0xffff  }
0x9b: {  	v2 =	vld.idx.msk [tilespmem:v45+s3+$0x0], $0xffff  }
0x9c: {  	v1 =	vbroadcast v12, $0x8;
	v4 =	vbroadcast v12, $0xD;
	v7 =	vld.idx.msk [tilespmem:v29+s3+$0x0], $0xffff  }
0x9d: {  	v6 =	vbroadcast v12, $0xE;
	v24 =	vbroadcast v12, $0x3;
	v8 =	vld.idx.msk [tilespmem:v35+s3+$0x0], $0xffff  }
0x9e: {  	v5 =	vadd.f32 v9, v31;
	v26 =	vbroadcast v12, $0xA;
	v29 =	vbroadcast v12, $0x4;
	v33 =	vld.idx.msk [tilespmem:v46+s3+$0x0], $0xffff  }
0x9f: {  	v28 =	vadd.f32 v47, v28;
	v31 =	vbroadcast v12, $0x7;
	v25 =	vld.idx.msk [tilespmem:v25+s3+$0x0], $0xffff;
	v42 =	vbroadcast v12, $0x6  }
0xa0: {  	v45 =	vbroadcast v12, $0x9;
	v30 =	vld.idx.msk [tilespmem:v30+s3+$0x0], $0xffff;
	v46 =	vbroadcast v12, $0xB;
	v27 =	vadd.f32 v27, v40  }
0xa1: {  	v14 =	vld.idx.msk [tilespmem:v14+s3+$0x0], $0xffff;
	v3 =	vmul.f32 $2.000000030e-01, v51;
	v63 =	vadd.f32 v48, v37;
	v43 =	vadd.f32 v43, v49  }
0xa2: {  	v11 =	vld.idx.msk [tilespmem:v11+s3+$0x0], $0xffff;
	v20 =	vadd.f32 v50, v20;
	v50 =	vmul.f32 $2.000000030e-01, v27;
	v0 =	vadd.f32 v0, v19  }
0xa3: {  	v32 =	vld.idx.msk [tilespmem:v32+s3+$0x0], $0xffff;
	v2 =	vadd.f32 v44, v2;
	v44 =	vbroadcast v12, $0xF;
	v7 =	vadd.f32 v8, v7  }
0xa4: {  	v8 =	vbroadcast v12, $0x1;
	v13 =	vadd.f32 v33, v13;
	v23 =	vadd.f32 v25, v23  }
0xa5: {  	v16 =	vld.idx.msk [tilespmem:v16+s3+$0x0], $0xffff;
	v25 =	vmul.f32 $2.000000030e-01, v28;
	v48 =	vmul.f32 $2.000000030e-01, v43;
	v18 =	vadd.f32 v18, v30  }
0xa6: {  	v17 =	vld.idx.msk [tilespmem:v17+s3+$0x0], $0xffff;
	v30 =	vmul.f32 $2.000000030e-01, v63;
	v14 =	vadd.f32 v14, v21;
	v19 =	vmul.f32 $2.000000030e-01, v20  }
0xa7: {  	v3 =	vmax.f32 v51, v3;
	v39 =	vmul.f32 $2.000000030e-01, v7;
	v49 =	vmul.f32 $2.000000030e-01, v13  }
0xa8: {  	v11 =	vadd.f32 v32, v11;
	v21 =	vmul.f32 $2.000000030e-01, v18;
	v52 =	vmul.f32 $2.000000030e-01, v14  }
0xa9: {  	v19 =	vmax.f32 v20, v19;
	v20 =	vbroadcast v12, $0x2;
	v7 =	vmax.f32 v7, v39  }
0xaa: {  	v13 =	vmax.f32 v13, v49;
	v7 =	vmul.f32 v7, v8;
	v8 =	vmul.f32 $2.000000030e-01, v11  }
0xab: {  	v16 =	vadd.f32 v17, v16;
	v3 =	vmul.f32 v3, v44;
	v13 =	vmul.f32 v13, v20  }
0xac: {  	v14 =	vmax.f32 v14, v52;
	v11 =	vmax.f32 v11, v8;
	v8 =	vmax.f32 v18, v21  }
0xad: {  	v51 =	vld [tilespmem:s19+$0x19A90];
	v14 =	vmul.f32 v14, v42;
	v20 =	vmul.f32 v8, v45;
	v8 =	vadd.f32 v13, v15  }
0xae: {  	v9 =	vadd.f32 v34, v38;
	v17 =	vmul.f32 $2.000000030e-01, v23;
	v18 =	vmul.f32 $2.000000030e-01, v16  }
0xaf: {  	v47 =	vmul.f32 $2.000000030e-01, v0;
	v25 =	vmax.f32 v28, v25;
	v14 =	vadd.f32 v14, v8;
	v8 =	vld [tilespmem:$0x1FFB0]  }
0xb0: {  	v28 =	vmul.f32 $2.000000030e-01, v2;
	v15 =	vmax.f32 v23, v17;
	v16 =	vmax.f32 v16, v18  }
0xb1: {  	v33 =	vmax.f32 v43, v48;
	v13 =	vld [tilespmem:s19+$0x19D90];
	v15 =	vmul.f32 v15, v26;
	v16 =	vmul.f32 v16, v29  }
0xb2: {  	v30 =	vmax.f32 v63, v30;
	v12 =	vbroadcast v12, $0x5;
	v17 =	vmul.u32 $0xE3, v51  }
0xb3: {  	v0 =	vmax.f32 v0, v47;
	v14 =	vadd.f32 v15, v14;
	v15 =	vadd.f32 v16, v9;
	v9 =	vld [tilespmem:$0x1FFC0]  }
0xb4: {  	s20 =	simm.s32 $0x0;
	v12 =	vmul.f32 v33, v12;
	v7 =	vadd.f32 v7, v22;
	v8 =	vadd.s32 v8, v17  }
0xb5: {  	v2 =	vmax.f32 v2, v28;
	v11 =	vmul.f32 v11, v24;
	v18 =	vadd.s32 s20, v8  }
0xb6: {  	v7 =	vadd.f32 v12, v7;
	v12 =	vmul.u32 $0xE3, v13;
	v13 =	vadd.s32 $0x2, v18  }
0xb7: {  	v1 =	vmul.f32 v19, v1;
	v5 =	vadd.f32 v11, v5;
	v11 =	vadd.s32 $0x8, v18  }
0xb8: {  	s21 =	simm.s32 $0x1A080;
	v0 =	vmul.f32 v0, v31;
	v9 =	vadd.s32 v9, v12;
	v12 =	vadd.s32 $0x7, v18  }
0xb9: {  	v19 =	vld [tilespmem:s21+$0x0];
	v2 =	vmul.f32 v2, v4;
	v7 =	vadd.f32 v20, v7;
	v20 =	vadd.s32 $0xB, v18  }
0xba: {  	v25 =	vmul.f32 v25, v46;
	v0 =	vadd.f32 v0, v5;
	v54 =	vadd.s32 $0xF, v18;
	v53 =	vld.idx.msk [tilespmem:v18+s3+$0x0], $0xffff  }
0xbb: {  	v2 =	vadd.f32 v2, v7;
	v17 =	vmax.f32 v27, v50;
	v7 =	vadd.s32 $0xE, v18;
	v13 =	vld.idx.msk [tilespmem:v13+s3+$0x0], $0xffff  }
0xbc: {  	v6 =	vmul.f32 v30, v6;
	v10 =	vmul.f32 v17, v10;
	v17 =	vld.idx.msk [tilespmem:v11+s3+$0x0], $0xffff  }
0xbd: {  	v1 =	vadd.f32 v1, v15;
	v0 =	vadd.f32 v25, v0;
	v55 =	vadd.s32 $0xA, v18;
	v12 =	vld.idx.msk [tilespmem:v12+s3+$0x0], $0xffff  }
0xbe: {  	v6 =	vadd.f32 v6, v14;
	v58 =	vadd.s32 $0x5, v18;
	v22 =	vld.idx.msk [tilespmem:v20+s3+$0x0], $0xffff  }
0xbf: {  	v0 =	vadd.f32 v3, v0;
	v27 =	vadd.s32 $0xD, v18;
	v1 =	vadd.f32 v10, v1;
	v4 =	vld.idx.msk [tilespmem:v54+s3+$0x0], $0xffff  }
0xc0: {  	v30 =	vadd.s32 $0x1, v18;
	v23 =	vld.idx.msk [tilespmem:v7+s3+$0x0], $0xffff  }
0xc1: {  	v63 =	vadd.s32 $0x4, v18;
	v0 =	vadd.f32 v0, v6;
	v1 =	vadd.f32 v2, v1;
	v7 =	vld [tilespmem:$0x1FFF0]  }
0xc2: {  	v16 =	vadd.s32 s20, v9;
	v3 =	vld.idx.msk [tilespmem:v55+s3+$0x0], $0xffff  }
0xc3: {  	v14 =	vadd.s32 $0x5, v16;
	v0 =	vadd.f32 v0, v1;
	v1 =	vld.idx.msk [tilespmem:v58+s3+$0x0], $0xffff  }
0xc4: {  	v56 =	vadd.s32 $0xB, v16;
	v27 =	vld.idx.msk [tilespmem:v27+s3+$0x0], $0xffff  }
0xc5: {  	v57 =	vmov s19;
	v61 =	vadd.s32 $0x1, v16;
	v30 =	vld.idx.msk [tilespmem:v30+s3+$0x0], $0xffff  }
0xc6: {  	v47 =	vbroadcast v19, $0xE;
	v49 =	vbroadcast v19, $0x3;
	v29 =	vadd.s32 $0xC, v16;
	v35 =	vld.idx.msk [tilespmem:v63+s3+$0x0], $0xffff  }
0xc7: {  	s31 =	simm.s32 $0x10;
	v51 =	vbroadcast v19, $0x7;
	v52 =	vbroadcast v19, $0x1;
	v45 =	vadd.s32 $0x2, v16;
	v10 =	vld.idx.msk [tilespmem:v16+s3+$0x0], $0xffff  }
0xc8: {  	v50 =	vbroadcast v19, $0xA;
	v42 =	vadd.s32 s31, v8;
	v11 =	vadd.s32 $0xF, v16;
	v14 =	vld.idx.msk [tilespmem:v14+s3+$0x0], $0xffff  }
0xc9: {  	v24 =	vadd.s32 $0x3, v18;
	v25 =	vadd.s32 $0x6, v18;
	v60 =	vadd.s32 $0x6, v16;
	v2 =	vld.idx.msk [tilespmem:v56+s3+$0x0], $0xffff  }
0xca: {  	v26 =	vadd.s32 $0xC, v18;
	v15 =	vadd.s32 $0xE, v16;
	v59 =	vadd.s32 $0x8, v16;
	v33 =	vld.idx.msk [tilespmem:v61+s3+$0x0], $0xffff  }
0xcb: {  	v21 =	vadd.s32 $0x7, v16;
	v28 =	vadd.s32 $0x9, v16;
	v20 =	vadd.s32 $0xD, v16;
	v29 =	vld.idx.msk [tilespmem:v29+s3+$0x0], $0xffff  }
0xcc: {  	v62 =	vadd.s32 $0xA, v16;
	v44 =	vadd.s32 $0x4, v16;
	v18 =	vadd.s32 $0x9, v18;
	v37 =	vld.idx.msk [tilespmem:v45+s3+$0x0], $0xffff  }
0xcd: {  	v54 =	vbroadcast v19, $0xB;
	v63 =	vadd.s32 $0x6, v42;
	v16 =	vadd.s32 $0x3, v16;
	v6 =	vld.idx.msk [tilespmem:v11+s3+$0x0], $0xffff  }
0xce: {  	v32 =	vld.idx.msk [tilespmem:v60+s3+$0x0], $0xffff;
	v60 =	vadd.s32 $0x8, v42;
	v61 =	vadd.s32 $0x7, v42;
	vm1 =	vlt.u32 v57, v7  }
0xcf: {  	v11 =	vimm.f32 $0.0e+00;
	v7 =	vnsel vm1, $0xF149F2CA, v0;
	v5 =	vadd.f32 v10, v53;
	v0 =	vld.idx.msk [tilespmem:v59+s3+$0x0], $0xffff  }
0xd0: {  	v31 =	vld.idx.msk [tilespmem:v20+s3+$0x0], $0xffff;
	v20 =	vbroadcast v19, $0x0;
	v57 =	vadd.s32 $0x2, v42;
	v2 =	vadd.f32 v2, v22  }
0xd1: {  	v10 =	vld.idx.msk [tilespmem:v15+s3+$0x0], $0xffff;
	v22 =	vbroadcast v19, $0x4;
	v1 =	vadd.f32 v14, v1;
	v15 =	vmul.f32 $2.000000030e-01, v5  }
0xd2: {  	v14 =	vbroadcast v19, $0xF;
	v30 =	vadd.f32 v33, v30;
	v4 =	vadd.f32 v6, v4;
	v6 =	vld.idx.msk [tilespmem:v21+s3+$0x0], $0xffff  }
0xd3: {  	v28 =	vld.idx.msk [tilespmem:v28+s3+$0x0], $0xffff;
	v13 =	vadd.f32 v37, v13;
	v53 =	vmul.f32 $2.000000030e-01, v2;
	v5 =	vmax.f32 v5, v15  }
0xd4: {  	v18 =	vld.idx.msk [tilespmem:v18+s3+$0x0], $0xffff;
	v15 =	vbroadcast v19, $0xC;
	v21 =	vbroadcast v19, $0x8;
	v0 =	vadd.f32 v0, v17  }
0xd5: {  	v27 =	vadd.f32 v31, v27;
	v31 =	vbroadcast v19, $0x9;
	v17 =	vld.idx.msk [tilespmem:v62+s3+$0x0], $0xffff;
	v46 =	vmul.f32 $2.000000030e-01, v4  }
0xd6: {  	v16 =	vld.idx.msk [tilespmem:v16+s3+$0x0], $0xffff;
	v5 =	vmul.f32 v5, v20;
	v23 =	vadd.f32 v10, v23;
	v10 =	vmul.f32 $2.000000030e-01, v0  }
0xd7: {  	v20 =	vbroadcast v19, $0xD;
	v4 =	vmax.f32 v4, v46;
	v6 =	vadd.f32 v6, v12;
	v12 =	vld.idx.msk [tilespmem:v26+s3+$0x0], $0xffff  }
0xd8: {  	v2 =	vmax.f32 v2, v53;
	v0 =	vmax.f32 v0, v10;
	v10 =	vmul.f32 v4, v14;
	v14 =	vld.idx.msk [tilespmem:v24+s3+$0x0], $0xffff  }
0xd9: {  	v25 =	vld.idx.msk [tilespmem:v25+s3+$0x0], $0xffff;
	v18 =	vadd.f32 v28, v18;
	v2 =	vmul.f32 v2, v54;
	v26 =	vbroadcast v19, $0x6  }
0xda: {  	v3 =	vadd.f32 v17, v3;
	v17 =	vbroadcast v19, $0x2;
	v24 =	vmul.f32 $2.000000030e-01, v6  }
0xdb: {  	v36 =	vld.idx.msk [tilespmem:v44+s3+$0x0], $0xffff;
	v5 =	vadd.f32 v5, v11;
	v19 =	vbroadcast v19, $0x5;
	v0 =	vmul.f32 v0, v21  }
0xdc: {  	v56 =	vmul.f32 $2.000000030e-01, v3;
	v6 =	vmax.f32 v6, v24;
	v24 =	vmul.f32 $2.000000030e-01, v13  }
0xdd: {  	v29 =	vadd.f32 v29, v12;
	v12 =	vmul.f32 $2.000000030e-01, v30;
	v14 =	vadd.f32 v16, v14  }
0xde: {  	v16 =	vadd.f32 v32, v25;
	v13 =	vmax.f32 v13, v24;
	v24 =	vmul.f32 $2.000000030e-01, v27  }
0xdf: {  	v12 =	vmax.f32 v30, v12;
	v30 =	vmul.f32 $2.000000030e-01, v1;
	v28 =	vmul.f32 $2.000000030e-01, v29  }
0xe0: {  	v25 =	vadd.f32 v36, v35;
	v58 =	vmul.f32 $2.000000030e-01, v16;
	v13 =	vmul.f32 v13, v17  }
0xe1: {  	v3 =	vmax.f32 v3, v56;
	v55 =	vmul.f32 v12, v52;
	v12 =	vmul.f32 $2.000000030e-01, v14  }
0xe2: {  	v17 =	vmul.f32 $2.000000030e-01, v25;
	v1 =	vmax.f32 v1, v30;
	v30 =	vmul.f32 $2.000000030e-01, v23  }
0xe3: {  	v1 =	vmul.f32 v1, v19;
	v19 =	vmul.f32 $2.000000030e-01, v18;
	v59 =	vmax.f32 v14, v12  }
0xe4: {  	s20 =	simm.s32 $0x1A090;
	v21 =	vld.idx.msk [tilespmem:v63+s3+$0x0], $0xffff;
	v14 =	vmax.f32 v16, v58;
	v23 =	vmax.f32 v23, v30;
	v30 =	vadd.s32 s31, v9  }
0xe5: {  	v4 =	vadd.f32 v55, v11;
	v55 =	vadd.s32 $0xC, v42;
	v26 =	vmul.f32 v14, v26;
	v14 =	vld [tilespmem:s20+$0x0]  }
0xe6: {  	v24 =	vmax.f32 v27, v24;
	v52 =	vadd.s32 $0xA, v42;
	v12 =	vmax.f32 v18, v19;
	v18 =	vld.idx.msk [tilespmem:v42+s3+$0x0], $0xffff  }
0xe7: {  	v28 =	vmax.f32 v29, v28;
	v27 =	vadd.s32 $0xF, v30;
	v19 =	vld.idx.msk [tilespmem:v60+s3+$0x0], $0xffff;
	v29 =	vadd.s32 $0xC, v30  }
0xe8: {  	v41 =	vmul.f32 v12, v31;
	v12 =	vmax.f32 v25, v17;
	v25 =	vadd.f32 v13, v11;
	v13 =	vld.idx.msk [tilespmem:v57+s3+$0x0], $0xffff  }
0xe9: {  	v6 =	vmul.f32 v6, v51;
	v17 =	vadd.s32 $0xB, v42;
	v22 =	vmul.f32 v12, v22;
	v16 =	vld.idx.msk [tilespmem:v30+s3+$0x0], $0xffff  }
0xea: {  	v36 =	vadd.s32 $0x1, v42;
	v3 =	vmul.f32 v3, v50;
	v56 =	vadd.s32 $0x5, v30;
	v34 =	vld.idx.msk [tilespmem:v55+s3+$0x0], $0xffff  }
0xeb: {  	v50 =	vadd.s32 $0xD, v42;
	v58 =	vadd.s32 $0xB, v30;
	v5 =	vadd.f32 v22, v5;
	v22 =	vld.idx.msk [tilespmem:v52+s3+$0x0], $0xffff  }
0xec: {  	v63 =	vmul.f32 v28, v15;
	v53 =	vadd.s32 $0x9, v30;
	v1 =	vadd.f32 v1, v4;
	v57 =	vld.idx.msk [tilespmem:v27+s3+$0x0], $0xffff  }
0xed: {  	v23 =	vmul.f32 v23, v47;
	v31 =	vadd.s32 $0xF, v42;
	v25 =	vadd.f32 v26, v25;
	v27 =	vld.idx.msk [tilespmem:v29+s3+$0x0], $0xffff  }
0xee: {  	v60 =	vadd.s32 $0xE, v30;
	v26 =	vld.idx.msk [tilespmem:v17+s3+$0x0], $0xffff;
	v17 =	vmul.f32 v59, v49;
	v62 =	vadd.f32 v16, v18  }
0xef: {  	v44 =	vadd.s32 $0x7, v30;
	v37 =	vadd.s32 $0xA, v30;
	v3 =	vadd.f32 v3, v25;
	v38 =	vld.idx.msk [tilespmem:v56+s3+$0x0], $0xffff  }
0xf0: {  	v46 =	vld.idx.msk [tilespmem:v58+s3+$0x0], $0xffff;
	v11 =	vadd.f32 v17, v11;
	v16 =	vadd.s32 $0xE, v42;
	v25 =	vmul.f32 $2.000000030e-01, v62  }
0xf1: {  	v45 =	vadd.s32 $0x1, v30;
	v59 =	vbroadcast v14, $0x0;
	v18 =	vld.idx.msk [tilespmem:v61+s3+$0x0], $0xffff;
	v61 =	vadd.s32 $0xD, v30  }
0xf2: {  	v54 =	vld.idx.msk [tilespmem:v31+s3+$0x0], $0xffff;
	v25 =	vmax.f32 v62, v25;
	v62 =	vadd.f32 v6, v11;
	v6 =	vadd.s32 $0x5, v42  }
0xf3: {  	v39 =	vadd.s32 $0x3, v30;
	v43 =	vld.idx.msk [tilespmem:v60+s3+$0x0], $0xffff;
	v32 =	vmul.f32 v25, v59;
	v25 =	vadd.s32 $0x8, v30  }
0xf4: {  	v12 =	vadd.s32 $0x3, v42;
	v1 =	vadd.f32 v41, v1;
	v0 =	vadd.f32 v0, v5;
	v17 =	vld.idx.msk [tilespmem:v53+s3+$0x0], $0xffff  }
0xf5: {  	v41 =	vadd.s32 $0x9, v42;
	v49 =	vadd.s32 $0x2, v30;
	v15 =	vadd.f32 v23, v3;
	v31 =	vld.idx.msk [tilespmem:v16+s3+$0x0], $0xffff  }
0xf6: {  	v23 =	vadd.s32 $0x4, v30;
	v33 =	vadd.f32 v63, v0;
	v11 =	vmul.f32 v24, v20;
	v47 =	vld.idx.msk [tilespmem:v61+s3+$0x0], $0xffff  }
0xf7: {  	v52 =	vadd.f32 v57, v54;
	v24 =	vadd.s32 $0x4, v42;
	v16 =	vadd.s32 $0x6, v30;
	v48 =	vld.idx.msk [tilespmem:v6+s3+$0x0], $0xffff;
	[tilespmem:$0x1FF90] =	vst v7  }
0xf8: {  	s21 =	simm.s32 $0x20;
	[tilespmem:s19+$0x1A100] =	vst v7;
	s19 =	sor.u32 $0x10, s19;
	v29 =	vadd.f32 v2, v62;
	v20 =	vadd.f32 v11, v1;
	v11 =	vbroadcast v14, $0xC;
	v51 =	vld.idx.msk [tilespmem:v25+s3+$0x0], $0xffff  }
.LBB2_5:
0xf9: {  	p0 =	sne.s32 s21, $0x60  }
0xfa: {  	v0 =	vld.idx.msk [tilespmem:v44+s3+$0x0], $0xffff;
	v28 =	vbroadcast v14, $0x8;
	v25 =	vbroadcast v14, $0xD;
	s20 =	sadd.s32 $0x10, s20;
	v29 =	vadd.f32 v10, v29;
	s22 =	smov.u32 s21;
	s21 =	sadd.s32 $0x10, s21  }
0xfb: {  	v30 =	vbroadcast v14, $0xE;
	v1 =	vld.idx.msk [tilespmem:v50+s3+$0x0], $0xffff;
	v2 =	vmul.f32 $2.000000030e-01, v52  }
0xfc: {  	v35 =	vbroadcast v14, $0xA;
	v32 =	vadd.f32 v32, v33;
	v33 =	vbroadcast v14, $0x3;
	v3 =	vld.idx.msk [tilespmem:v37+s3+$0x0], $0xffff  }
0xfd: {  	v42 =	vbroadcast v14, $0x4;
	v40 =	vbroadcast v14, $0x7;
	v4 =	vld.idx.msk [tilespmem:v36+s3+$0x0], $0xffff;
	v2 =	vmax.f32 v52, v2  }
0xfe: {  	v6 =	vbroadcast v14, $0x6;
	v5 =	vld.idx.msk [tilespmem:v45+s3+$0x0], $0xffff;
	v45 =	vbroadcast v14, $0x9  }
0xff: {  	v44 =	vbroadcast v14, $0x2;
	v36 =	vbroadcast v14, $0x1;
	v10 =	vadd.f32 v51, v19;
	v37 =	vld.idx.msk [tilespmem:v49+s3+$0x0], $0xffff  }
0x100: {  	v26 =	vadd.f32 v46, v26;
	v31 =	vadd.f32 v43, v31;
	v19 =	vld.idx.msk [tilespmem:v41+s3+$0x0], $0xffff;
	v41 =	vbroadcast v14, $0xB  }
0x101: {  	v0 =	vadd.f32 v0, v18;
	v18 =	vmul.f32 $2.000000030e-01, v10;
	v1 =	vadd.f32 v47, v1  }
0x102: {  	v46 =	vbroadcast v14, $0x5;
	v38 =	vadd.f32 v38, v48;
	v14 =	vbroadcast v14, $0xF;
	v12 =	vld.idx.msk [tilespmem:v12+s3+$0x0], $0xffff  }
0x103: {  	v47 =	vmul.f32 $2.000000030e-01, v26;
	v48 =	vmul.f32 $2.000000030e-01, v1;
	v16 =	vld.idx.msk [tilespmem:v16+s3+$0x0], $0xffff  }
0x104: {  	v43 =	vmax.f32 v10, v18;
	v10 =	vmul.f32 v2, v14;
	v4 =	vadd.f32 v5, v4;
	v5 =	vld.idx.msk [tilespmem:v39+s3+$0x0], $0xffff  }
0x105: {  	v3 =	vadd.f32 v3, v22;
	v14 =	vmul.f32 $2.000000030e-01, v0;
	v2 =	vadd.f32 v37, v13;
	v13 =	vld.idx.msk [tilespmem:v24+s3+$0x0], $0xffff  }
0x106: {  	v34 =	vadd.f32 v27, v34;
	v18 =	vmul.f32 $2.000000030e-01, v4;
	v22 =	vld.idx.msk [tilespmem:v23+s3+$0x0], $0xffff;
	v23 =	vmul.f32 $2.000000030e-01, v38  }
0x107: {  	v0 =	vmax.f32 v0, v14;
	v14 =	vmax.f32 v26, v47;
	v24 =	vmul.f32 $2.000000030e-01, v2  }
0x108: {  	v47 =	vmul.f32 $2.000000030e-01, v34;
	v4 =	vmax.f32 v4, v18;
	v18 =	vmul.f32 $2.000000030e-01, v31  }
0x109: {  	v17 =	vadd.f32 v17, v19;
	v2 =	vmax.f32 v2, v24;
	v23 =	vmax.f32 v38, v23  }
0x10a: {  	v5 =	vadd.f32 v5, v12;
	v46 =	vmul.f32 v23, v46;
	v51 =	vmax.f32 v31, v18  }
0x10b: {  	v52 =	vmul.f32 v14, v41;
	v16 =	vadd.f32 v16, v21;
	v18 =	vmul.f32 $2.000000030e-01, v17  }
0x10c: {  	v4 =	vmul.f32 v4, v36;
	v14 =	vmul.f32 $2.000000030e-01, v5;
	v21 =	vadd.f32 v22, v13  }
0x10d: {  	v27 =	vmul.f32 $2.000000030e-01, v3;
	v38 =	vadd.s32 s22, v9;
	v22 =	vadd.s32 s22, v8  }
0x10e: {  	v13 =	vadd.s32 $0x2, v22;
	v12 =	vadd.s32 $0x3, v22;
	v5 =	vmax.f32 v5, v14  }
0x10f: {  	v17 =	vmax.f32 v17, v18;
	v23 =	vadd.s32 $0x7, v22;
	v19 =	vadd.s32 $0x8, v22  }
0x110: {  	v18 =	vmul.f32 $2.000000030e-01, v16;
	v31 =	vadd.s32 $0xE, v22;
	v39 =	vadd.s32 $0xF, v22  }
0x111: {  	v2 =	vmul.f32 v2, v44;
	v53 =	vadd.s32 $0x6, v22;
	v54 =	vadd.s32 $0xC, v22;
	v14 =	vld [tilespmem:s20+$0x0]  }
0x112: {  	v4 =	vadd.f32 v4, v20;
	v55 =	vadd.s32 $0xA, v22;
	v24 =	vadd.s32 $0xB, v22;
	v49 =	vld.idx.msk [tilespmem:v22+s3+$0x0], $0xffff  }
0x113: {  	v56 =	vadd.s32 $0xC, v38;
	v20 =	vadd.s32 $0x9, v38;
	v26 =	vmax.f32 v16, v18;
	v13 =	vld.idx.msk [tilespmem:v13+s3+$0x0], $0xffff  }
0x114: {  	v44 =	vadd.s32 $0x7, v38;
	v50 =	vadd.s32 $0xF, v38;
	v16 =	vadd.s32 $0x6, v38;
	v19 =	vld.idx.msk [tilespmem:v19+s3+$0x0], $0xffff  }
0x115: {  	v37 =	vadd.s32 $0xA, v38;
	v36 =	vadd.s32 $0x1, v22;
	v6 =	vmul.f32 v26, v6;
	v18 =	vld.idx.msk [tilespmem:v23+s3+$0x0], $0xffff  }
0x116: {  	v59 =	vadd.s32 $0xB, v38;
	v58 =	vadd.s32 $0x5, v22;
	v60 =	vmul.f32 v17, v45;
	v57 =	vld.idx.msk [tilespmem:v38+s3+$0x0], $0xffff  }
0x117: {  	v61 =	vadd.s32 $0x5, v38;
	v62 =	vadd.s32 $0x8, v38;
	v17 =	vmul.f32 $2.000000030e-01, v21;
	v26 =	vld.idx.msk [tilespmem:v24+s3+$0x0], $0xffff  }
0x118: {  	v2 =	vadd.f32 v2, v15;
	v45 =	vadd.s32 $0x1, v38;
	v24 =	vadd.s32 $0x4, v22;
	v63 =	vld.idx.msk [tilespmem:v39+s3+$0x0], $0xffff  }
0x119: {  	v3 =	vmax.f32 v3, v27;
	v41 =	vadd.s32 $0x9, v22;
	v23 =	vadd.s32 $0x4, v38;
	v7 =	vld.idx.msk [tilespmem:v50+s3+$0x0], $0xffff  }
0x11a: {  	v15 =	vadd.s32 $0xE, v38;
	v17 =	vmax.f32 v21, v17;
	v50 =	vadd.s32 $0xD, v22;
	v31 =	vld.idx.msk [tilespmem:v31+s3+$0x0], $0xffff  }
0x11b: {  	v1 =	vmax.f32 v1, v48;
	v42 =	vmul.f32 v17, v42;
	v22 =	vld.idx.msk [tilespmem:v55+s3+$0x0], $0xffff;
	v55 =	vadd.s32 $0xD, v38  }
0x11c: {  	v0 =	vmul.f32 v0, v40;
	v2 =	vadd.f32 v6, v2;
	v48 =	vadd.f32 v57, v49;
	v17 =	vld.idx.msk [tilespmem:v20+s3+$0x0], $0xffff  }
0x11d: {  	v3 =	vmul.f32 v3, v35;
	v6 =	vmax.f32 v34, v47;
	v39 =	vadd.s32 $0x3, v38;
	v27 =	vld.idx.msk [tilespmem:v56+s3+$0x0], $0xffff  }
0x11e: {  	v5 =	vmul.f32 v5, v33;
	v49 =	vadd.s32 $0x2, v38;
	v20 =	vbroadcast v14, $0x0;
	v38 =	vld.idx.msk [tilespmem:v61+s3+$0x0], $0xffff  }
0x11f: {  	v4 =	vadd.f32 v46, v4;
	v2 =	vadd.f32 v3, v2;
	v33 =	vmul.f32 $2.000000030e-01, v48;
	v21 =	vld.idx.msk [tilespmem:v53+s3+$0x0], $0xffff  }
0x120: {  	v3 =	vadd.f32 v5, v29;
	v5 =	vadd.f32 v42, v32;
	v29 =	vmul.f32 v51, v30;
	v46 =	vld.idx.msk [tilespmem:v59+s3+$0x0], $0xffff  }
.Ltmp1:
0x121: {  	v28 =	vmul.f32 v43, v28;
	v4 =	vadd.f32 v60, v4;
	v30 =	vmax.f32 v48, v33;
	v34 =	vld.idx.msk [tilespmem:v54+s3+$0x0], $0xffff;
	(pc) =	sbr.rel @p0 .LBB2_5-.Ltmp1, $4  }
0x122: {  	v1 =	vmul.f32 v1, v25;
	v0 =	vadd.f32 v0, v3;
	v32 =	vmul.f32 v30, v20;
	v43 =	vld.idx.msk [tilespmem:v15+s3+$0x0], $0xffff  }
0x123: {  	v3 =	vadd.f32 v28, v5;
	v5 =	vmul.f32 v6, v11;
	v15 =	vadd.f32 v29, v2;
	v47 =	vld.idx.msk [tilespmem:v55+s3+$0x0], $0xffff  }
0x124: {  	v20 =	vadd.f32 v1, v4;
	v29 =	vadd.f32 v52, v0;
	v48 =	vld.idx.msk [tilespmem:v58+s3+$0x0], $0xffff  }
0x125: {  	v11 =	vbroadcast v14, $0xC;
	v33 =	vadd.f32 v5, v3;
	v52 =	vadd.f32 v7, v63;
	v51 =	vld.idx.msk [tilespmem:v62+s3+$0x0], $0xffff  }
0x126: {  	_ =	sdelay $0x3  }
0x127: {  	v3 =	vld.idx.msk [tilespmem:v44+s3+$0x0], $0xffff  }
0x128: {  	v0 =	vbroadcast v14, $0x8;
	v1 =	vbroadcast v14, $0xD;
	v7 =	vld.idx.msk [tilespmem:v50+s3+$0x0], $0xffff  }
0x129: {  	v2 =	vbroadcast v14, $0xE;
	v5 =	vbroadcast v14, $0x3;
	v25 =	vld.idx.msk [tilespmem:v36+s3+$0x0], $0xffff  }
0x12a: {  	v8 =	vbroadcast v14, $0xA;
	v9 =	vbroadcast v14, $0x4;
	v30 =	vld.idx.msk [tilespmem:v45+s3+$0x0], $0xffff  }
0x12b: {  	v28 =	vbroadcast v14, $0x7;
	v54 =	vbroadcast v14, $0x6;
	v35 =	vld.idx.msk [tilespmem:v49+s3+$0x0], $0xffff  }
0x12c: {  	v6 =	vadd.f32 v10, v29;
	v55 =	vbroadcast v14, $0x9;
	v56 =	vbroadcast v14, $0x1;
	v37 =	vld.idx.msk [tilespmem:v37+s3+$0x0], $0xffff  }
0x12d: {  	v57 =	vbroadcast v14, $0x2;
	v26 =	vadd.f32 v46, v26;
	v40 =	vbroadcast v14, $0xB;
	v41 =	vld.idx.msk [tilespmem:v41+s3+$0x0], $0xffff  }
0x12e: {  	v42 =	vbroadcast v14, $0x5;
	v12 =	vld.idx.msk [tilespmem:v12+s3+$0x0], $0xffff;
	v27 =	vadd.f32 v27, v34;
	v4 =	vmul.f32 $2.000000030e-01, v52  }
0x12f: {  	v59 =	vbroadcast v14, $0xF;
	v62 =	vld.idx.msk [tilespmem:v39+s3+$0x0], $0xffff;
	v31 =	vadd.f32 v43, v31;
	v60 =	vmul.f32 $2.000000030e-01, v26  }
0x130: {  	v16 =	vld.idx.msk [tilespmem:v16+s3+$0x0], $0xffff;
	v46 =	vmul.f32 $2.000000030e-01, v27;
	v4 =	vmax.f32 v52, v4;
	v38 =	vadd.f32 v38, v48  }
0x131: {  	v24 =	vld.idx.msk [tilespmem:v24+s3+$0x0], $0xffff;
	v19 =	vadd.f32 v51, v19;
	v4 =	vmul.f32 v4, v59;
	v3 =	vadd.f32 v3, v18  }
0x132: {  	v39 =	vld.idx.msk [tilespmem:v23+s3+$0x0], $0xffff;
	v45 =	vmax.f32 v26, v60;
	v7 =	vadd.f32 v47, v7;
	v25 =	vadd.f32 v30, v25  }
0x133: {  	v13 =	vadd.f32 v35, v13;
	v22 =	vadd.f32 v37, v22;
	v37 =	vmul.f32 $2.000000030e-01, v38  }
0x134: {  	v47 =	vmul.f32 $2.000000030e-01, v31;
	v17 =	vadd.f32 v17, v41;
	v23 =	vmul.f32 v45, v40  }
0x135: {  	v12 =	vadd.f32 v62, v12;
	v58 =	vmul.f32 $2.000000030e-01, v19;
	v61 =	vmul.f32 $2.000000030e-01, v7  }
0x136: {  	v16 =	vadd.f32 v16, v21;
	v63 =	vmul.f32 $2.000000030e-01, v3;
	v30 =	vmul.f32 $2.000000030e-01, v25  }
0x137: {  	v14 =	vadd.f32 v39, v24;
	v35 =	vmul.f32 $2.000000030e-01, v13;
	v49 =	vmul.f32 $2.000000030e-01, v17  }
0x138: {  	v10 =	vadd.f32 v32, v33;
	v50 =	vmul.f32 $2.000000030e-01, v12;
	v51 =	vmul.f32 $2.000000030e-01, v22  }
0x139: {  	v34 =	vmax.f32 v38, v37;
	v52 =	vmul.f32 $2.000000030e-01, v16;
	v53 =	vmul.f32 $2.000000030e-01, v14  }
0x13a: {  	v18 =	vmax.f32 v19, v58;
	v48 =	vmul.f32 v34, v42;
	v3 =	vmax.f32 v3, v63  }
0x13b: {  	v25 =	vmax.f32 v25, v30;
	v13 =	vmax.f32 v13, v35;
	v30 =	vmax.f32 v31, v47  }
0x13c: {  	v12 =	vmax.f32 v12, v50;
	v17 =	vmax.f32 v17, v49;
	v16 =	vmax.f32 v16, v52  }
0x13d: {  	v14 =	vmax.f32 v14, v53;
	v0 =	vmul.f32 v18, v0;
	v25 =	vmul.f32 v25, v56  }
0x13e: {  	v7 =	vmax.f32 v7, v61;
	v13 =	vmul.f32 v13, v57;
	v16 =	vmul.f32 v16, v54  }
0x13f: {  	v17 =	vmul.f32 v17, v55;
	v54 =	vmax.f32 v22, v51;
	v5 =	vmul.f32 v12, v5  }
0x140: {  	v9 =	vmul.f32 v14, v9;
	v3 =	vmul.f32 v3, v28;
	v13 =	vadd.f32 v13, v15  }
0x141: {  	v56 =	vmax.f32 v27, v46;
	v20 =	vadd.f32 v25, v20;
	v5 =	vadd.f32 v5, v6  }
0x142: {  	v8 =	vmul.f32 v54, v8;
	v9 =	vadd.f32 v9, v10;
	v55 =	vadd.f32 v16, v13  }
0x143: {  	v2 =	vmul.f32 v30, v2;
	v57 =	vadd.f32 v48, v20;
	v3 =	vadd.f32 v3, v5  }
0x144: {  	v6 =	vmul.f32 v56, v11;
	v0 =	vadd.f32 v0, v9;
	v8 =	vadd.f32 v8, v55  }
0x145: {  	v1 =	vmul.f32 v7, v1;
	v58 =	vadd.f32 v17, v57;
	v3 =	vadd.f32 v23, v3  }
0x146: {  	v62 =	vld [tilespmem:$0x1FFA0];
	v0 =	vadd.f32 v6, v0;
	v2 =	vadd.f32 v2, v8  }
0x147: {  	v61 =	vld [tilespmem:$0x1FFF0];
	v1 =	vadd.f32 v1, v58;
	v3 =	vadd.f32 v4, v3  }
0x148: {  	v63 =	vld [tilespmem:$0x1FF90]  }
0x149: {  	v0 =	vadd.f32 v1, v0;
	v59 =	vadd.f32 v3, v2  }
0x14a: {  	p0 =	slt.u32 s18, $0x26  }
.Ltmp2:
0x14b: {  	v60 =	vmov s19;
	v0 =	vadd.f32 v59, v0;
	(pc) =	sbr.rel @p0 .LBB2_2-.Ltmp2, $4  }
0x14c: {  	vm1 =	vlt.u32 v60, v61  }
0x14d: {  	v1 =	vmax.f32 v62, v63;
	v0 =	vnsel vm1, $0xF149F2CA, v0  }
0x14e: {  	[tilespmem:s19+$0x1A100] =	vst v0;
	v0 =	vmax.f32 v1, v0  }
0x14f: {  	s18 =	sadd.s32 $0x2, s18;
	[tilespmem:$0x1FFA0] =	vst v0  }
0x150: {  	v0 =	vld [tilespmem:$0x19D00]  }
0x151: {  	v1 =	vld [tilespmem:$0x1A000]  }
0x152: {  	v2 =	vld [tilespmem:$0x1FFB0]  }
0x153: {  	v4 =	vld [tilespmem:$0x1FFC0];
	_ =	sdelay $0x1  }
0x154: {  	v0 =	vmul.u32 $0xE3, v0  }
0x155: {  	v1 =	vmul.u32 $0xE3, v1  }
0x156: {  	s18 =	simm.s32 $0x0;
	v7 =	vadd.s32 v2, v0  }
0x157: {  	v8 =	vadd.s32 v4, v1;
	v0 =	vadd.s32 s18, v7  }
0x158: {  	v4 =	vadd.s32 s18, v8  }
0x159: {  	v61 =	vadd.s32 $0x2, v0  }
0x15a: {  	s19 =	simm.s32 $0x1A080;
	v3 =	vadd.s32 $0x8, v0  }
0x15b: {  	v5 =	vld [tilespmem:s19+$0x0];
	v62 =	vadd.s32 $0x7, v0  }
0x15c: {  	v9 =	vadd.s32 $0xB, v0;
	v6 =	vld.idx.msk [tilespmem:v0+s3+$0x0], $0xffff  }
0x15d: {  	v10 =	vadd.s32 $0xF, v0;
	v14 =	vld.idx.msk [tilespmem:v4+s3+$0x0], $0xffff  }
0x15e: {  	v11 =	vadd.s32 $0xF, v4;
	v2 =	vld.idx.msk [tilespmem:v61+s3+$0x0], $0xffff  }
0x15f: {  	v12 =	vadd.s32 $0xE, v0;
	v3 =	vld.idx.msk [tilespmem:v3+s3+$0x0], $0xffff  }
0x160: {  	v15 =	vadd.s32 $0x9, v4;
	v1 =	vld.idx.msk [tilespmem:v62+s3+$0x0], $0xffff  }
0x161: {  	v18 =	vadd.s32 $0x5, v4;
	v16 =	vld.idx.msk [tilespmem:v9+s3+$0x0], $0xffff  }
0x162: {  	v31 =	vbroadcast v5, $0x0;
	v41 =	vbroadcast v5, $0xA;
	v19 =	vadd.s32 $0xB, v4;
	v10 =	vld.idx.msk [tilespmem:v10+s3+$0x0], $0xffff  }
0x163: {  	v42 =	vbroadcast v5, $0x4;
	v43 =	vbroadcast v5, $0x7;
	v21 =	vadd.s32 $0xE, v4;
	v11 =	vld.idx.msk [tilespmem:v11+s3+$0x0], $0xffff  }
0x164: {  	v44 =	vbroadcast v5, $0x6;
	v63 =	vbroadcast v5, $0x9;
	v28 =	vadd.s32 $0x8, v4;
	v12 =	vld.idx.msk [tilespmem:v12+s3+$0x0], $0xffff  }
0x165: {  	v59 =	vbroadcast v5, $0x1;
	v45 =	vbroadcast v5, $0x2;
	v23 =	vadd.s32 $0x5, v0;
	v22 =	vld.idx.msk [tilespmem:v15+s3+$0x0], $0xffff  }
0x166: {  	v60 =	vbroadcast v5, $0x5;
	v13 =	vadd.s32 $0xA, v0;
	v27 =	vadd.s32 $0x7, v4;
	v18 =	vld.idx.msk [tilespmem:v18+s3+$0x0], $0xffff  }
0x167: {  	v17 =	vadd.s32 $0xC, v4;
	v20 =	vadd.s32 $0xC, v0;
	v25 =	vadd.s32 $0x3, v0;
	v19 =	vld.idx.msk [tilespmem:v19+s3+$0x0], $0xffff  }
0x168: {  	v26 =	vadd.s32 $0x6, v4;
	v29 =	vadd.s32 $0x1, v0;
	v15 =	vadd.s32 $0xD, v4;
	v34 =	vld.idx.msk [tilespmem:v21+s3+$0x0], $0xffff  }
0x169: {  	v30 =	vadd.s32 $0xA, v4;
	v32 =	vadd.s32 $0x1, v4;
	v33 =	vadd.s32 $0xD, v0;
	v39 =	vld.idx.msk [tilespmem:v28+s3+$0x0], $0xffff  }
0x16a: {  	v35 =	vadd.s32 $0x4, v0;
	v36 =	vadd.s32 $0x4, v4;
	v38 =	vld.idx.msk [tilespmem:v23+s3+$0x0], $0xffff;
	v23 =	vbroadcast v5, $0xD  }
0x16b: {  	v9 =	vimm.f32 $0.0e+00;
	v28 =	vbroadcast v5, $0xE;
	v27 =	vld.idx.msk [tilespmem:v27+s3+$0x0], $0xffff;
	v21 =	vbroadcast v5, $0x3  }
0x16c: {  	v6 =	vadd.f32 v14, v6;
	v14 =	vld.idx.msk [tilespmem:v17+s3+$0x0], $0xffff;
	v17 =	vadd.s32 $0x6, v0;
	v0 =	vadd.s32 $0x9, v0  }
0x16d: {  	v37 =	vld.idx.msk [tilespmem:v15+s3+$0x0], $0xffff;
	v15 =	vbroadcast v5, $0xC;
	v10 =	vadd.f32 v11, v10;
	v11 =	vadd.s32 $0x2, v4  }
0x16e: {  	v20 =	vld.idx.msk [tilespmem:v20+s3+$0x0], $0xffff;
	v4 =	vadd.s32 $0x3, v4;
	v3 =	vadd.f32 v39, v3;
	v16 =	vadd.f32 v19, v16  }
0x16f: {  	v19 =	vld.idx.msk [tilespmem:v30+s3+$0x0], $0xffff;
	v30 =	vbroadcast v5, $0xB;
	v12 =	vadd.f32 v34, v12;
	v24 =	vmul.f32 $2.000000030e-01, v6  }
0x170: {  	v33 =	vld.idx.msk [tilespmem:v33+s3+$0x0], $0xffff;
	v1 =	vadd.f32 v27, v1;
	v40 =	vmul.f32 $2.000000030e-01, v10;
	v27 =	vmul.f32 $2.000000030e-01, v3  }
0x171: {  	v13 =	vld.idx.msk [tilespmem:v13+s3+$0x0], $0xffff;
	v61 =	vmul.f32 $2.000000030e-01, v16;
	v6 =	vmax.f32 v6, v24;
	v24 =	vbroadcast v5, $0x8  }
0x172: {  	v25 =	vld.idx.msk [tilespmem:v25+s3+$0x0], $0xffff;
	v18 =	vadd.f32 v18, v38;
	v5 =	vbroadcast v5, $0xF;
	v6 =	vmul.f32 v6, v31  }
0x173: {  	s31 =	simm.s32 $0x10;
	v10 =	vmax.f32 v10, v40;
	v0 =	vld.idx.msk [tilespmem:v0+s3+$0x0], $0xffff;
	v3 =	vmax.f32 v3, v27;
	v39 =	vadd.f32 v14, v20  }
0x174: {  	v16 =	vmax.f32 v16, v61;
	v40 =	vadd.s32 s31, v8;
	v11 =	vld.idx.msk [tilespmem:v11+s3+$0x0], $0xffff;
	v10 =	vmul.f32 v10, v5  }
0x175: {  	v33 =	vadd.f32 v37, v33;
	v4 =	vld.idx.msk [tilespmem:v4+s3+$0x0], $0xffff;
	v5 =	vmul.f32 $2.000000030e-01, v1;
	v50 =	vmul.f32 v16, v30  }
0x176: {  	v53 =	vadd.s32 $0x9, v40;
	v54 =	vadd.s32 $0xC, v40;
	v31 =	vadd.f32 v6, v9;
	v6 =	vld.idx.msk [tilespmem:v29+s3+$0x0], $0xffff  }
0x177: {  	v37 =	vadd.s32 $0x7, v40;
	v57 =	vadd.s32 $0xB, v40;
	v3 =	vmul.f32 v3, v24;
	v29 =	vld.idx.msk [tilespmem:v32+s3+$0x0], $0xffff  }
0x178: {  	v14 =	vld.idx.msk [tilespmem:v35+s3+$0x0], $0xffff;
	v58 =	vadd.s32 $0x8, v40;
	v46 =	vmul.f32 $2.000000030e-01, v39;
	v38 =	vmul.f32 $2.000000030e-01, v33  }
0x179: {  	v32 =	vadd.s32 $0x5, v40;
	v1 =	vmax.f32 v1, v5;
	v5 =	vld.idx.msk [tilespmem:v36+s3+$0x0], $0xffff;
	v36 =	vadd.s32 $0x1, v40  }
0x17a: {  	v1 =	vmul.f32 v1, v43;
	v0 =	vadd.f32 v22, v0;
	v38 =	vmax.f32 v33, v38  }
0x17b: {  	v2 =	vadd.f32 v11, v2;
	v11 =	vld.idx.msk [tilespmem:v26+s3+$0x0], $0xffff;
	v26 =	vadd.f32 v19, v13;
	v19 =	vmul.f32 $2.000000030e-01, v18  }
0x17c: {  	v33 =	vadd.s32 $0x3, v40;
	v4 =	vadd.f32 v4, v25;
	v6 =	vadd.f32 v29, v6  }
0x17d: {  	v17 =	vld.idx.msk [tilespmem:v17+s3+$0x0], $0xffff;
	v25 =	vadd.s32 $0xA, v40;
	v20 =	vmul.f32 $2.000000030e-01, v2;
	v18 =	vmax.f32 v18, v19  }
0x17e: {  	v5 =	vadd.f32 v5, v14;
	v22 =	vmul.f32 $2.000000030e-01, v26;
	v13 =	vmul.f32 $2.000000030e-01, v6  }
0x17f: {  	v34 =	vmul.f32 v18, v60;
	v18 =	vadd.s32 s31, v7;
	v2 =	vmax.f32 v2, v20  }
0x180: {  	v14 =	vadd.s32 $0x2, v18;
	v19 =	vadd.s32 $0x8, v18;
	v35 =	vadd.s32 $0xE, v18  }
0x181: {  	v55 =	vld.idx.msk [tilespmem:v40+s3+$0x0], $0xffff;
	v30 =	vadd.s32 $0xF, v18;
	v6 =	vmax.f32 v6, v13;
	v13 =	vmul.f32 $2.000000030e-01, v12  }
0x182: {  	v27 =	vadd.s32 $0xB, v18;
	v62 =	vmax.f32 v26, v22;
	v26 =	vld.idx.msk [tilespmem:v54+s3+$0x0], $0xffff;
	v16 =	vadd.f32 v11, v17  }
0x183: {  	v43 =	vmul.f32 v62, v41;
	v41 =	vld.idx.msk [tilespmem:v32+s3+$0x0], $0xffff;
	v48 =	vmax.f32 v12, v13;
	v13 =	vmul.f32 $2.000000030e-01, v4  }
0x184: {  	s18 =	simm.s32 $0x1A090;
	v47 =	vadd.s32 $0x6, v18;
	v49 =	vadd.s32 $0xC, v18;
	v12 =	vmul.f32 $2.000000030e-01, v0;
	v51 =	vld.idx.msk [tilespmem:v18+s3+$0x0], $0xffff  }
0x185: {  	v52 =	vadd.s32 $0xA, v18;
	v20 =	vmul.f32 $2.000000030e-01, v16;
	v4 =	vmax.f32 v4, v13;
	v13 =	vld [tilespmem:s18+$0x0]  }
0x186: {  	v29 =	vadd.s32 $0x1, v18;
	v17 =	vadd.s32 $0x7, v18;
	v0 =	vmax.f32 v0, v12;
	v12 =	vld.idx.msk [tilespmem:v14+s3+$0x0], $0xffff  }
0x187: {  	v2 =	vmul.f32 v2, v45;
	v6 =	vmul.f32 v6, v59;
	v16 =	vmax.f32 v16, v20;
	v20 =	vld.idx.msk [tilespmem:v19+s3+$0x0], $0xffff  }
0x188: {  	v56 =	vadd.s32 $0x5, v18;
	v45 =	vadd.s32 $0xF, v40;
	v59 =	vmul.f32 $2.000000030e-01, v5;
	v27 =	vld.idx.msk [tilespmem:v27+s3+$0x0], $0xffff  }
0x189: {  	v11 =	vadd.s32 $0x3, v18;
	v2 =	vadd.f32 v2, v9;
	v6 =	vadd.f32 v6, v9;
	v60 =	vld.idx.msk [tilespmem:v30+s3+$0x0], $0xffff  }
0x18a: {  	v5 =	vmax.f32 v5, v59;
	v59 =	vadd.s32 $0xE, v40;
	v14 =	vadd.s32 $0x6, v40;
	v35 =	vld.idx.msk [tilespmem:v35+s3+$0x0], $0xffff  }
0x18b: {  	v30 =	vadd.s32 $0x9, v18;
	v22 =	vld.idx.msk [tilespmem:v52+s3+$0x0], $0xffff;
	v52 =	vadd.s32 $0xD, v40;
	v5 =	vmul.f32 v5, v42  }
0x18c: {  	v19 =	vld.idx.msk [tilespmem:v17+s3+$0x0], $0xffff;
	v44 =	vmul.f32 v16, v44;
	v0 =	vmul.f32 v0, v63;
	v17 =	vadd.s32 $0x4, v18  }
0x18d: {  	v16 =	vadd.s32 $0x4, v40;
	v61 =	vld.idx.msk [tilespmem:v45+s3+$0x0], $0xffff;
	v4 =	vmul.f32 v4, v21;
	v6 =	vadd.f32 v34, v6  }
0x18e: {  	v45 =	vadd.s32 $0xD, v18;
	v18 =	vld.idx.msk [tilespmem:v53+s3+$0x0], $0xffff;
	v5 =	vadd.f32 v5, v31;
	v2 =	vadd.f32 v44, v2  }
0x18f: {  	v21 =	vld.idx.msk [tilespmem:v47+s3+$0x0], $0xffff;
	v4 =	vadd.f32 v4, v9;
	v9 =	vmul.f32 v48, v28;
	v0 =	vadd.f32 v0, v6  }
0x190: {  	v47 =	vld.idx.msk [tilespmem:v57+s3+$0x0], $0xffff;
	v42 =	vadd.f32 v55, v51;
	v51 =	vmax.f32 v39, v46;
	v46 =	vadd.s32 $0x2, v40  }
0x191: {  	v39 =	vld.idx.msk [tilespmem:v49+s3+$0x0], $0xffff;
	v3 =	vadd.f32 v3, v5;
	v62 =	vbroadcast v13, $0x0;
	v2 =	vadd.f32 v43, v2  }
0x192: {  	v44 =	vld.idx.msk [tilespmem:v59+s3+$0x0], $0xffff;
	v1 =	vadd.f32 v1, v4;
	v4 =	vmul.f32 v38, v23;
	v63 =	vmul.f32 $2.000000030e-01, v42  }
0x193: {  	v49 =	vld.idx.msk [tilespmem:v56+s3+$0x0], $0xffff;
	v5 =	vmul.f32 v51, v15;
	v51 =	vadd.f32 v61, v60;
	v15 =	vadd.f32 v9, v2  }
0x194: {  	v48 =	vld.idx.msk [tilespmem:v52+s3+$0x0], $0xffff;
	v31 =	vadd.f32 v50, v1;
	v23 =	vadd.f32 v4, v0;
	v28 =	vmax.f32 v42, v63  }
0x195: {  	s19 =	simm.s32 $0x20;
	v50 =	vld.idx.msk [tilespmem:v58+s3+$0x0], $0xffff;
	v9 =	vbroadcast v13, $0xC;
	v38 =	vadd.f32 v5, v3;
	v34 =	vmul.f32 v28, v62  }
.LBB2_8:
0x196: {  	p0 =	sne.s32 s19, $0x60  }
0x197: {  	v0 =	vld.idx.msk [tilespmem:v37+s3+$0x0], $0xffff;
	v28 =	vbroadcast v13, $0x8;
	v24 =	vbroadcast v13, $0xD;
	s18 =	sadd.s32 $0x10, s18;
	v31 =	vadd.f32 v10, v31;
	s20 =	smov.u32 s19;
	s19 =	sadd.s32 $0x10, s19  }
0x198: {  	v32 =	vbroadcast v13, $0xE;
	v1 =	vld.idx.msk [tilespmem:v45+s3+$0x0], $0xffff;
	v2 =	vmul.f32 $2.000000030e-01, v51  }
0x199: {  	v40 =	vbroadcast v13, $0xA;
	v34 =	vadd.f32 v34, v38;
	v38 =	vbroadcast v13, $0x3;
	v3 =	vld.idx.msk [tilespmem:v25+s3+$0x0], $0xffff  }
0x19a: {  	v43 =	vbroadcast v13, $0x4;
	v42 =	vbroadcast v13, $0x7;
	v4 =	vld.idx.msk [tilespmem:v29+s3+$0x0], $0xffff;
	v2 =	vmax.f32 v51, v2  }
0x19b: {  	v6 =	vbroadcast v13, $0x6;
	v5 =	vld.idx.msk [tilespmem:v36+s3+$0x0], $0xffff;
	v36 =	vbroadcast v13, $0x9  }
0x19c: {  	v37 =	vbroadcast v13, $0x2;
	v25 =	vbroadcast v13, $0x1;
	v10 =	vadd.f32 v50, v20;
	v29 =	vld.idx.msk [tilespmem:v46+s3+$0x0], $0xffff  }
0x19d: {  	v27 =	vadd.f32 v47, v27;
	v35 =	vadd.f32 v44, v35;
	v20 =	vld.idx.msk [tilespmem:v30+s3+$0x0], $0xffff;
	v30 =	vbroadcast v13, $0xB  }
0x19e: {  	v0 =	vadd.f32 v0, v19;
	v19 =	vmul.f32 $2.000000030e-01, v10;
	v1 =	vadd.f32 v48, v1  }
0x19f: {  	v45 =	vbroadcast v13, $0x5;
	v41 =	vadd.f32 v41, v49;
	v13 =	vbroadcast v13, $0xF;
	v11 =	vld.idx.msk [tilespmem:v11+s3+$0x0], $0xffff  }
0x1a0: {  	v46 =	vmul.f32 $2.000000030e-01, v27;
	v47 =	vmul.f32 $2.000000030e-01, v1;
	v14 =	vld.idx.msk [tilespmem:v14+s3+$0x0], $0xffff  }
0x1a1: {  	v44 =	vmax.f32 v10, v19;
	v10 =	vmul.f32 v2, v13;
	v4 =	vadd.f32 v5, v4;
	v5 =	vld.idx.msk [tilespmem:v33+s3+$0x0], $0xffff  }
0x1a2: {  	v3 =	vadd.f32 v3, v22;
	v13 =	vmul.f32 $2.000000030e-01, v0;
	v2 =	vadd.f32 v29, v12;
	v12 =	vld.idx.msk [tilespmem:v17+s3+$0x0], $0xffff  }
0x1a3: {  	v39 =	vadd.f32 v26, v39;
	v19 =	vmul.f32 $2.000000030e-01, v41;
	v17 =	vmul.f32 $2.000000030e-01, v4;
	v16 =	vld.idx.msk [tilespmem:v16+s3+$0x0], $0xffff  }
0x1a4: {  	v0 =	vmax.f32 v0, v13;
	v13 =	vmax.f32 v27, v46;
	v22 =	vmul.f32 $2.000000030e-01, v2  }
0x1a5: {  	v46 =	vmul.f32 $2.000000030e-01, v39;
	v4 =	vmax.f32 v4, v17;
	v17 =	vmul.f32 $2.000000030e-01, v35  }
0x1a6: {  	v19 =	vmax.f32 v41, v19;
	v18 =	vadd.f32 v18, v20;
	v2 =	vmax.f32 v2, v22  }
0x1a7: {  	v48 =	vmul.f32 v19, v45;
	v5 =	vadd.f32 v5, v11;
	v49 =	vmax.f32 v35, v17  }
0x1a8: {  	v50 =	vmul.f32 v13, v30;
	v14 =	vadd.f32 v14, v21;
	v17 =	vmul.f32 $2.000000030e-01, v18  }
0x1a9: {  	v4 =	vmul.f32 v4, v25;
	v13 =	vmul.f32 $2.000000030e-01, v5;
	v21 =	vadd.f32 v16, v12  }
0x1aa: {  	v26 =	vmul.f32 $2.000000030e-01, v3;
	v41 =	vadd.s32 s20, v8;
	v22 =	vadd.s32 s20, v7  }
0x1ab: {  	v11 =	vadd.s32 $0x3, v22;
	v12 =	vadd.s32 $0x2, v22;
	v5 =	vmax.f32 v5, v13  }
0x1ac: {  	v19 =	vadd.s32 $0x8, v22;
	v16 =	vadd.s32 $0x7, v22;
	v17 =	vmax.f32 v18, v17  }
0x1ad: {  	v30 =	vadd.s32 $0xF, v22;
	v20 =	vmul.f32 $2.000000030e-01, v14;
	v18 =	vadd.s32 $0xE, v22  }
0x1ae: {  	v51 =	vadd.s32 $0x6, v22;
	v52 =	vadd.s32 $0xC, v22;
	v2 =	vmul.f32 v2, v37;
	v13 =	vld [tilespmem:s18+$0x0]  }
0x1af: {  	v53 =	vadd.s32 $0xA, v22;
	v27 =	vadd.s32 $0xB, v22;
	v4 =	vadd.f32 v4, v23;
	v33 =	vld.idx.msk [tilespmem:v22+s3+$0x0], $0xffff  }
0x1b0: {  	v54 =	vadd.s32 $0xC, v41;
	v23 =	vadd.s32 $0x9, v41;
	v35 =	vmax.f32 v14, v20;
	v12 =	vld.idx.msk [tilespmem:v12+s3+$0x0], $0xffff  }
0x1b1: {  	v45 =	vadd.s32 $0xF, v41;
	v37 =	vadd.s32 $0x7, v41;
	v14 =	vadd.s32 $0x6, v41;
	v20 =	vld.idx.msk [tilespmem:v19+s3+$0x0], $0xffff  }
0x1b2: {  	v25 =	vadd.s32 $0xA, v41;
	v29 =	vadd.s32 $0x1, v22;
	v6 =	vmul.f32 v35, v6;
	v19 =	vld.idx.msk [tilespmem:v16+s3+$0x0], $0xffff  }
0x1b3: {  	v57 =	vadd.s32 $0xB, v41;
	v56 =	vadd.s32 $0x5, v22;
	v58 =	vmul.f32 v17, v36;
	v55 =	vld.idx.msk [tilespmem:v41+s3+$0x0], $0xffff  }
0x1b4: {  	v59 =	vadd.s32 $0x5, v41;
	v60 =	vadd.s32 $0x8, v41;
	v61 =	vmul.f32 $2.000000030e-01, v21;
	v27 =	vld.idx.msk [tilespmem:v27+s3+$0x0], $0xffff  }
0x1b5: {  	v2 =	vadd.f32 v2, v15;
	v36 =	vadd.s32 $0x1, v41;
	v17 =	vadd.s32 $0x4, v22;
	v62 =	vld.idx.msk [tilespmem:v30+s3+$0x0], $0xffff  }
0x1b6: {  	v3 =	vmax.f32 v3, v26;
	v16 =	vadd.s32 $0x4, v41;
	v30 =	vadd.s32 $0x9, v22;
	v63 =	vld.idx.msk [tilespmem:v45+s3+$0x0], $0xffff  }
0x1b7: {  	v15 =	vadd.s32 $0xE, v41;
	v45 =	vadd.s32 $0xD, v22;
	v35 =	vld.idx.msk [tilespmem:v18+s3+$0x0], $0xffff;
	v18 =	vmax.f32 v21, v61  }
0x1b8: {  	v1 =	vmax.f32 v1, v47;
	v22 =	vld.idx.msk [tilespmem:v53+s3+$0x0], $0xffff;
	v53 =	vadd.s32 $0xD, v41;
	v43 =	vmul.f32 v18, v43  }
0x1b9: {  	v0 =	vmul.f32 v0, v42;
	v2 =	vadd.f32 v6, v2;
	v55 =	vadd.f32 v55, v33;
	v18 =	vld.idx.msk [tilespmem:v23+s3+$0x0], $0xffff  }
0x1ba: {  	v3 =	vmul.f32 v3, v40;
	v6 =	vmax.f32 v39, v46;
	v33 =	vadd.s32 $0x3, v41;
	v26 =	vld.idx.msk [tilespmem:v54+s3+$0x0], $0xffff  }
0x1bb: {  	v5 =	vmul.f32 v5, v38;
	v46 =	vadd.s32 $0x2, v41;
	v23 =	vbroadcast v13, $0x0;
	v41 =	vld.idx.msk [tilespmem:v59+s3+$0x0], $0xffff  }
0x1bc: {  	v4 =	vadd.f32 v48, v4;
	v2 =	vadd.f32 v3, v2;
	v38 =	vmul.f32 $2.000000030e-01, v55;
	v21 =	vld.idx.msk [tilespmem:v51+s3+$0x0], $0xffff  }
0x1bd: {  	v3 =	vadd.f32 v5, v31;
	v31 =	vmul.f32 v49, v32;
	v5 =	vadd.f32 v43, v34;
	v47 =	vld.idx.msk [tilespmem:v57+s3+$0x0], $0xffff  }
.Ltmp3:
0x1be: {  	v28 =	vmul.f32 v44, v28;
	v4 =	vadd.f32 v58, v4;
	v32 =	vmax.f32 v55, v38;
	v39 =	vld.idx.msk [tilespmem:v52+s3+$0x0], $0xffff;
	(pc) =	sbr.rel @p0 .LBB2_8-.Ltmp3, $4  }
0x1bf: {  	v1 =	vmul.f32 v1, v24;
	v0 =	vadd.f32 v0, v3;
	v34 =	vmul.f32 v32, v23;
	v44 =	vld.idx.msk [tilespmem:v15+s3+$0x0], $0xffff  }
0x1c0: {  	v3 =	vadd.f32 v28, v5;
	v5 =	vmul.f32 v6, v9;
	v15 =	vadd.f32 v31, v2;
	v48 =	vld.idx.msk [tilespmem:v53+s3+$0x0], $0xffff  }
0x1c1: {  	v23 =	vadd.f32 v1, v4;
	v31 =	vadd.f32 v50, v0;
	v49 =	vld.idx.msk [tilespmem:v56+s3+$0x0], $0xffff  }
0x1c2: {  	v9 =	vbroadcast v13, $0xC;
	v51 =	vadd.f32 v63, v62;
	v38 =	vadd.f32 v5, v3;
	v50 =	vld.idx.msk [tilespmem:v60+s3+$0x0], $0xffff  }
0x1c3: {  	_ =	sdelay $0x2  }
0x1c4: {  	v0 =	vbroadcast v13, $0x8  }
0x1c5: {  	v1 =	vbroadcast v13, $0xD;
	v2 =	vbroadcast v13, $0xE;
	v3 =	vld.idx.msk [tilespmem:v37+s3+$0x0], $0xffff  }
0x1c6: {  	v5 =	vbroadcast v13, $0x3;
	v7 =	vld.idx.msk [tilespmem:v45+s3+$0x0], $0xffff;
	v8 =	vbroadcast v13, $0xA  }
0x1c7: {  	v6 =	vadd.f32 v10, v31;
	v10 =	vbroadcast v13, $0x4;
	v28 =	vld.idx.msk [tilespmem:v29+s3+$0x0], $0xffff;
	v53 =	vbroadcast v13, $0x7  }
0x1c8: {  	v54 =	vbroadcast v13, $0x6;
	v32 =	vld.idx.msk [tilespmem:v36+s3+$0x0], $0xffff;
	v55 =	vbroadcast v13, $0x9  }
0x1c9: {  	v56 =	vbroadcast v13, $0x1;
	v57 =	vld.idx.msk [tilespmem:v46+s3+$0x0], $0xffff;
	v58 =	vbroadcast v13, $0x2  }
0x1ca: {  	v27 =	vadd.f32 v47, v27;
	v25 =	vld.idx.msk [tilespmem:v25+s3+$0x0], $0xffff;
	v40 =	vbroadcast v13, $0xB;
	v42 =	vbroadcast v13, $0x5  }
0x1cb: {  	v30 =	vld.idx.msk [tilespmem:v30+s3+$0x0], $0xffff;
	v26 =	vadd.f32 v26, v39;
	v4 =	vmul.f32 $2.000000030e-01, v51;
	v35 =	vadd.f32 v44, v35  }
0x1cc: {  	v13 =	vbroadcast v13, $0xF;
	v11 =	vld.idx.msk [tilespmem:v11+s3+$0x0], $0xffff;
	v24 =	vadd.f32 v34, v38;
	v3 =	vadd.f32 v3, v19  }
0x1cd: {  	v61 =	vld.idx.msk [tilespmem:v33+s3+$0x0], $0xffff;
	v43 =	vmul.f32 $2.000000030e-01, v27;
	v4 =	vmax.f32 v51, v4;
	v45 =	vmul.f32 $2.000000030e-01, v35  }
0x1ce: {  	v14 =	vld.idx.msk [tilespmem:v14+s3+$0x0], $0xffff;
	v41 =	vadd.f32 v41, v49;
	v4 =	vmul.f32 v4, v13;
	v13 =	vmul.f32 $2.000000030e-01, v3  }
0x1cf: {  	v17 =	vld.idx.msk [tilespmem:v17+s3+$0x0], $0xffff;
	v20 =	vadd.f32 v50, v20;
	v39 =	vmax.f32 v27, v43;
	v43 =	vmul.f32 $2.000000030e-01, v26  }
0x1d0: {  	v7 =	vadd.f32 v48, v7;
	v28 =	vadd.f32 v32, v28;
	v3 =	vmax.f32 v3, v13;
	v13 =	vld.idx.msk [tilespmem:v16+s3+$0x0], $0xffff  }
0x1d1: {  	v12 =	vadd.f32 v57, v12;
	v22 =	vadd.f32 v25, v22;
	v63 =	vmul.f32 $2.000000030e-01, v41  }
0x1d2: {  	v18 =	vadd.f32 v18, v30;
	v11 =	vadd.f32 v61, v11;
	v59 =	vmul.f32 $2.000000030e-01, v20  }
0x1d3: {  	v14 =	vadd.f32 v14, v21;
	v60 =	vmul.f32 $2.000000030e-01, v7;
	v62 =	vmul.f32 $2.000000030e-01, v28  }
0x1d4: {  	v37 =	vmul.f32 $2.000000030e-01, v12;
	v32 =	vmax.f32 v41, v63;
	v47 =	vmul.f32 $2.000000030e-01, v18  }
0x1d5: {  	v48 =	vmul.f32 $2.000000030e-01, v11;
	v49 =	vmul.f32 $2.000000030e-01, v22;
	v13 =	vadd.f32 v13, v17  }
0x1d6: {  	v50 =	vmul.f32 $2.000000030e-01, v14;
	v19 =	vmax.f32 v20, v59;
	v46 =	vmul.f32 v32, v42  }
0x1d7: {  	v25 =	vmax.f32 v28, v62;
	v12 =	vmax.f32 v12, v37;
	v52 =	vmul.f32 $2.000000030e-01, v13  }
0x1d8: {  	v16 =	vmul.f32 v39, v40;
	v28 =	vmax.f32 v35, v45;
	v11 =	vmax.f32 v11, v48  }
0x1d9: {  	v14 =	vmax.f32 v14, v50;
	v0 =	vmul.f32 v19, v0;
	v13 =	vmax.f32 v13, v52  }
0x1da: {  	v25 =	vmul.f32 v25, v56;
	v10 =	vmul.f32 v13, v10;
	v13 =	vimm.f32 $0.0e+00  }
0x1db: {  	v18 =	vmax.f32 v18, v47;
	v12 =	vmul.f32 v12, v58;
	v14 =	vmul.f32 v14, v54;
	[tilespmem:$0x1A700] =	vst v13  }
0x1dc: {  	v7 =	vmax.f32 v7, v60;
	v18 =	vmul.f32 v18, v55;
	v5 =	vmul.f32 v11, v5;
	[tilespmem:$0x1A710] =	vst v13  }
0x1dd: {  	v3 =	vmul.f32 v3, v53;
	v51 =	vadd.f32 v25, v23;
	v12 =	vadd.f32 v12, v15;
	[tilespmem:$0x1A720] =	vst v13  }
0x1de: {  	v2 =	vmul.f32 v28, v2;
	v15 =	vmax.f32 v22, v49;
	v5 =	vadd.f32 v5, v6;
	[tilespmem:$0x1A730] =	vst v13  }
0x1df: {  	v8 =	vmul.f32 v15, v8;
	v11 =	vadd.f32 v14, v12;
	v12 =	vadd.f32 v46, v51;
	[tilespmem:$0x1A740] =	vst v13  }
0x1e0: {  	v1 =	vmul.f32 v7, v1;
	v3 =	vadd.f32 v3, v5;
	[tilespmem:$0x1A750] =	vst v13;
	v10 =	vadd.f32 v10, v24  }
0x1e1: {  	v6 =	vmax.f32 v26, v43;
	v8 =	vadd.f32 v8, v11;
	v5 =	vadd.f32 v18, v12;
	[tilespmem:$0x1A760] =	vst v13  }
0x1e2: {  	v6 =	vmul.f32 v6, v9;
	v3 =	vadd.f32 v16, v3;
	[tilespmem:$0x1A770] =	vst v13;
	v0 =	vadd.f32 v0, v10  }
0x1e3: {  	v2 =	vadd.f32 v2, v8;
	v1 =	vadd.f32 v1, v5;
	[tilespmem:$0x1A780] =	vst v13  }
0x1e4: {  	v3 =	vadd.f32 v4, v3;
	[tilespmem:$0x1A790] =	vst v13;
	v0 =	vadd.f32 v6, v0  }
0x1e5: {  	[tilespmem:$0x1A7A0] =	vst v13  }
0x1e6: {  	v54 =	vld [tilespmem:$0x1FFA0];
	v53 =	vadd.f32 v3, v2;
	[tilespmem:$0x1A7B0] =	vst v13;
	v0 =	vadd.f32 v1, v0  }
0x1e7: {  	[tilespmem:$0x1A7C0] =	vst v13  }
0x1e8: {  	[tilespmem:$0x1A7D0] =	vst v13;
	v0 =	vadd.f32 v53, v0  }
0x1e9: {  	[tilespmem:$0x1A7E0] =	vst v13  }
0x1ea: {  	[tilespmem:$0x1A7F0] =	vst v13;
	v0 =	vnsel vm0, $0xF149F2CA, v0  }
0x1eb: {  	[tilespmem:$0x1A380] =	vst v0;
	v0 =	vmax.f32 v54, v0  }
0x1ec: {  	[tilespmem:$0x1A800] =	vst v13;
	(xrf0) =	vmax.scan.msk.f32 $0xffff, v0  }
0x1ed: {  	[tilespmem:$0x1A810] =	vst v13  }
0x1ee: {  	[tilespmem:$0x1A820] =	vst v13  }
0x1ef: {  	s18 =	simm.s32 $0x1A110;
	[tilespmem:$0x1A830] =	vst v13  }
0x1f0: {  	v55 =	vld [tilespmem:s18+$0x0]  }
0x1f1: {  	v56 =	vld [tilespmem:s18+$0xFFFFFFF0]  }
0x1f2: {  	v57, _, _ =	vpop (xrf0)  }
0x1f3: {  	v6 =	vbroadcast v57, $0xF;
	_ =	sdelay $0x1  }
0x1f4: {  	v0 =	vsub.f32 v55, v6  }
0x1f5: {  	v1 =	vsub.f32 v56, v6  }
0x1f6: {  	v0 =	vmul.f32 $1.442695020e+00, v0  }
0x1f7: {  	s30 =	simm.s32 $0x1A130;
	v1 =	vmul.f32 $1.442695020e+00, v1  }
0x1f8: {  	v58 =	vld [tilespmem:s30+$0x0];
	(erf) = vpow2.f32 v0  }
0x1f9: {  	v59 =	vld [tilespmem:s30+$0xFFFFFFF0];
	(erf) = vpow2.f32 v1;
	_ =	sdelay $0x3  }
0x1fa: {  	v0 =	vsub.f32 v58, v6  }
0x1fb: {  	v1 =	vsub.f32 v59, v6  }
0x1fc: {  	v0 =	vmul.f32 $1.442695020e+00, v0  }
0x1fd: {  	s31 =	simm.s32 $0x1A150;
	v1 =	vmul.f32 $1.442695020e+00, v1  }
0x1fe: {  	v60 =	vld [tilespmem:s31+$0x0];
	v7 =	vpop (erf);
	(erf) = vpow2.f32 v0  }
0x1ff: {  	v61 =	vld [tilespmem:s31+$0xFFFFFFF0];
	s18 =	simm.s32 $0x1A410;
	v8 =	vpop (erf);
	(erf) = vpow2.f32 v1  }
0x200: {  	s19 =	simm.s32 $0x19D90;
	[tilespmem:s18+$0x0] =	vst v7  }
0x201: {  	[tilespmem:s18+$0xFFFFFFF0] =	vst v8;
	v9 =	vld [tilespmem:s19+$0x0]  }
0x202: {  	v10 =	vld [tilespmem:s19+$0xFFFFFFF0]  }
0x203: {  	v62 =	vsub.f32 v60, v6  }
0x204: {  	v63 =	vsub.f32 v61, v6  }
0x205: {  	v12 =	vmul.f32 $1.442695020e+00, v62  }
0x206: {  	s20 =	simm.s32 $0x4;
	s21 =	simm.s32 $0x1A170;
	v11 =	vmul.f32 $1.442695020e+00, v63  }
.LBB2_10:
0x207: {  	v0 =	vld [tilespmem:s21+$0x0];
	(erf) = vpow2.f32 v12;
	v1 =	vpop (erf);
	s18 =	sadd.s32 $0x20, s18;
	v2 =	vmov v10  }
0x208: {  	s20 =	sadd.s32 $0x2, s20;
	v3 =	vld [tilespmem:s21+$0xFFFFFFF0];
	(erf) = vpow2.f32 v11;
	[tilespmem:s18+$0x0] =	vst v1;
	v4 =	vpop (erf)  }
0x209: {  	s19 =	sadd.s32 $0x20, s19;
	p0 =	slt.u32 s20, $0x26;
	[tilespmem:v9+s15+$0x0] =	vst.idx.add.f32.msk $0xffff, v7;
	v7 =	vmov v1  }
0x20a: {  	[tilespmem:s18+$0xFFFFFFF0] =	vst v4;
	v9 =	vld [tilespmem:s19+$0x0]  }
.Ltmp4:
0x20b: {  	v10 =	vld [tilespmem:s19+$0xFFFFFFF0];
	(pc) =	sbr.rel @p0 .LBB2_10-.Ltmp4, $4  }
0x20c: {  	v0 =	vsub.f32 v0, v6;
	[tilespmem:v2+s15+$0x0] =	vst.idx.add.f32.msk $0xffff, v8;
	v8 =	vmov v4  }
0x20d: {  	v1 =	vsub.f32 v3, v6  }
0x20e: {  	v12 =	vmul.f32 $1.442695020e+00, v0  }
0x20f: {  	s21 =	sadd.s32 $0x20, s21;
	v11 =	vmul.f32 $1.442695020e+00, v1  }
0x210: {  	(erf) = vpow2.f32 v12  }
0x211: {  	(erf) = vpow2.f32 v11;
	_ =	sdelay $0x5  }
0x212: {  	v0 =	vpop (erf);
	s18 =	sadd.s32 $0x20, s18  }
0x213: {  	s19 =	sadd.s32 $0x20, s19;
	[tilespmem:s18+$0x0] =	vst v0;
	v1 =	vpop (erf)  }
0x214: {  	[tilespmem:s18+$0xFFFFFFF0] =	vst v1;
	v2 =	vld [tilespmem:s19+$0x0];
	s18 =	sadd.s32 $0x20, s18;
	v3 =	vpop (erf)  }
0x215: {  	v4 =	vld [tilespmem:s19+$0xFFFFFFF0];
	s19 =	sadd.s32 $0x20, s19;
	[tilespmem:s18+$0x0] =	vst v3;
	v5 =	vpop (erf)  }
0x216: {  	[tilespmem:s18+$0xFFFFFFF0] =	vst v5;
	v61 =	vld [tilespmem:s19+$0x0]  }
0x217: {  	v12 =	vld [tilespmem:s19+$0xFFFFFFF0];
	_ =	sdelay $0x2  }
0x218: {  	[tilespmem:v9+s15+$0x0] =	vst.idx.add.f32.msk $0xffff, v7  }
0x219: {  	[tilespmem:v10+s15+$0x0] =	vst.idx.add.f32.msk $0xffff, v8  }
0x21a: {  	[tilespmem:v2+s15+$0x0] =	vst.idx.add.f32.msk $0xffff, v0  }
0x21b: {  	[tilespmem:v4+s15+$0x0] =	vst.idx.add.f32.msk $0xffff, v1  }
0x21c: {  	[tilespmem:v61+s15+$0x0] =	vst.idx.add.f32.msk $0xffff, v3  }
0x21d: {  	[tilespmem:v12+s15+$0x0] =	vst.idx.add.f32.msk $0xffff, v5  }
0x21e: {  	v0 =	vld [tilespmem:$0x1A380];
	_ =	sdelay $0x4  }
0x21f: {  	v0 =	vsub.f32 v0, v6;
	_ =	sdelay $0x1  }
0x220: {  	v0 =	vmul.f32 $1.442695020e+00, v0;
	_ =	sdelay $0x1  }
0x221: {  	(erf) = vpow2.f32 v0;
	_ =	sdelay $0x2  }
0x222: {  	v62 =	vld [tilespmem:$0x1A000];
	_ =	sdelay $0x5  }
0x223: {  	v63 =	vpop (erf)  }
0x224: {  	[tilespmem:$0x1A680] =	vst v63  }
0x225: {  	s18 =	simm.s32 $0x110C0;
	[tilespmem:v62+s15+$0x0] =	vst.idx.add.f32.msk $0xffff, v63  }
0x226: {  	[tilespmem:s18+$0xFFFFFFC0] =	vst v13  }
0x227: {  	[tilespmem:s18+$0x30] =	vst v13  }
0x228: {  	[tilespmem:s18+$0x20] =	vst v13  }
0x229: {  	[tilespmem:s18+$0x10] =	vst v13  }
0x22a: {  	[tilespmem:s18+$0x0] =	vst v13  }
0x22b: {  	[tilespmem:s18+$0xFFFFFFF0] =	vst v13  }
0x22c: {  	s19 =	simm.s32 $0x0;
	[tilespmem:s18+$0xFFFFFFE0] =	vst v13  }
.LBB2_12:
0x22d: {  	s19 =	sadd.s32 $0x2, s19;
	[tilespmem:s18+$0xFFFFFFD0] =	vst v13;
	s18 =	sadd.s32 $0x80, s18  }
0x22e: {  	[tilespmem:s18+$0xFFFFFFC0] =	vst v13;
	p0 =	slt.u32 s19, $0x21E  }
0x22f: {  	[tilespmem:s18+$0x30] =	vst v13  }
.Ltmp5:
0x230: {  	[tilespmem:s18+$0x20] =	vst v13;
	(pc) =	sbr.rel @p0 .LBB2_12-.Ltmp5, $4  }
0x231: {  	[tilespmem:s18+$0x10] =	vst v13  }
0x232: {  	[tilespmem:s18+$0x0] =	vst v13  }
0x233: {  	[tilespmem:s18+$0xFFFFFFF0] =	vst v13  }
0x234: {  	[tilespmem:s18+$0xFFFFFFE0] =	vst v13  }
0x235: {  	[tilespmem:s18+$0xFFFFFFD0] =	vst v13;
	s18 =	simm.s32 $0x0;
	s19 =	simm.s32 $0x0  }
.LBB2_14:
0x236: {  	s20 =	sshll.u32 s19, $0x4  }
0x237: {  	v0 =	vld [tilespmem:s20+$0x19D80];
	_ =	sdelay $0x7  }
0x238: {  	v1 =	vld.idx.msk [tilespmem:v0+s15+$0x0], $0xffff  }
0x239: {  	v2 =	vld [tilespmem:s20+$0x19A80];
	_ =	sdelay $0x1  }
0x23a: {  	v52 =	vld [tilespmem:$0x1FFB0];
	_ =	sdelay $0x1  }
0x23b: {  	v1 =	vadd.f32 $1.000000020e-16, v1  }
0x23c: {  	v2 =	vmul.u32 $0xE3, v2  }
0x23d: {  	(erf) = vrcp.f32 v1  }
0x23e: {  	v15 =	vadd.s32 v52, v2  }
0x23f: {  	v14 =	vadd.s32 s18, v15;
	_ =	sdelay $0x2  }
0x240: {  	v53 =	vld [tilespmem:s20+$0x1A400];
	_ =	sdelay $0x1  }
0x241: {  	v18 =	vmul.u32 $0x71, v0;
	v54 =	vld.idx.msk [tilespmem:v14+s3+$0x0], $0xffff;
	_ =	sdelay $0x1  }
0x242: {  	v11 =	vadd.s32 s18, v18;
	v55 =	vpop (erf)  }
0x243: {  	v56 =	vadd.s32 $0x1, v14;
	v6 =	vmul.f32 v55, v53;
	_ =	sdelay $0x1  }
0x244: {  	v0 =	vmul.f32 v54, v6;
	_ =	sdelay $0x1  }
0x245: {  	[tilespmem:v11+s16+$0x0] =	vst.idx.add.f32.msk $0xffff, v0  }
0x246: {  	v0 =	vld.idx.msk [tilespmem:v56+s3+$0x0], $0xffff;
	_ =	sdelay $0x1  }
0x247: {  	v57 =	vadd.s32 $0x1, v11  }
0x248: {  	v58 =	vadd.s32 $0x2, v14;
	_ =	sdelay $0x1  }
0x249: {  	v0 =	vmul.f32 v0, v6;
	_ =	sdelay $0x1  }
0x24a: {  	[tilespmem:v57+s16+$0x0] =	vst.idx.add.f32.msk $0xffff, v0  }
0x24b: {  	v0 =	vld.idx.msk [tilespmem:v58+s3+$0x0], $0xffff;
	_ =	sdelay $0x1  }
0x24c: {  	v59 =	vadd.s32 $0x2, v11  }
0x24d: {  	v60 =	vadd.s32 $0x3, v14  }
0x24e: {  	s21 =	simm.s32 $0x10  }
0x24f: {  	v8 =	vadd.s32 s21, v15;
	v0 =	vmul.f32 v0, v6;
	_ =	sdelay $0x1  }
0x250: {  	[tilespmem:v59+s16+$0x0] =	vst.idx.add.f32.msk $0xffff, v0  }
0x251: {  	v0 =	vld.idx.msk [tilespmem:v60+s3+$0x0], $0xffff;
	_ =	sdelay $0x1  }
0x252: {  	v61 =	vadd.s32 $0x3, v11;
	v3 =	vld.idx.msk [tilespmem:v8+s3+$0x0], $0xffff  }
0x253: {  	v62 =	vadd.s32 $0x4, v14  }
0x254: {  	v7 =	vadd.s32 s21, v18  }
0x255: {  	v4 =	vadd.s32 $0x1, v8;
	v0 =	vmul.f32 v0, v6;
	_ =	sdelay $0x1  }
0x256: {  	v63 =	vmul.f32 v3, v6;
	[tilespmem:v61+s16+$0x0] =	vst.idx.add.f32.msk $0xffff, v0  }
0x257: {  	v0 =	vld.idx.msk [tilespmem:v62+s3+$0x0], $0xffff  }
0x258: {  	[tilespmem:v7+s16+$0x0] =	vst.idx.add.f32.msk $0xffff, v63  }
0x259: {  	v28 =	vadd.s32 $0x4, v11;
	v30 =	vld.idx.msk [tilespmem:v4+s3+$0x0], $0xffff  }
0x25a: {  	v29 =	vadd.s32 $0x5, v14  }
0x25b: {  	v4 =	vadd.s32 $0x1, v7  }
0x25c: {  	v5 =	vadd.s32 $0x2, v8;
	v0 =	vmul.f32 v0, v6;
	_ =	sdelay $0x1  }
0x25d: {  	v31 =	vmul.f32 v30, v6;
	[tilespmem:v28+s16+$0x0] =	vst.idx.add.f32.msk $0xffff, v0  }
0x25e: {  	v0 =	vld.idx.msk [tilespmem:v29+s3+$0x0], $0xffff  }
0x25f: {  	[tilespmem:v4+s16+$0x0] =	vst.idx.add.f32.msk $0xffff, v31  }
0x260: {  	v32 =	vadd.s32 $0x5, v11;
	v34 =	vld.idx.msk [tilespmem:v5+s3+$0x0], $0xffff  }
0x261: {  	v33 =	vadd.s32 $0x6, v14  }
0x262: {  	v4 =	vadd.s32 $0x2, v7  }
0x263: {  	v35 =	vadd.s32 $0x3, v8;
	v0 =	vmul.f32 v0, v6  }
0x264: {  	s29 =	simm.s32 $0x20  }
0x265: {  	v10 =	vadd.s32 s29, v15;
	v36 =	vmul.f32 v34, v6;
	[tilespmem:v32+s16+$0x0] =	vst.idx.add.f32.msk $0xffff, v0  }
0x266: {  	v1 =	vld.idx.msk [tilespmem:v33+s3+$0x0], $0xffff  }
0x267: {  	[tilespmem:v4+s16+$0x0] =	vst.idx.add.f32.msk $0xffff, v36  }
0x268: {  	v37 =	vadd.s32 $0x6, v11;
	v0 =	vld.idx.msk [tilespmem:v35+s3+$0x0], $0xffff  }
0x269: {  	v38 =	vadd.s32 $0x7, v14  }
0x26a: {  	v5 =	vadd.s32 $0x3, v7;
	v4 =	vld.idx.msk [tilespmem:v10+s3+$0x0], $0xffff  }
0x26b: {  	v39 =	vadd.s32 $0x4, v8;
	v1 =	vmul.f32 v1, v6  }
0x26c: {  	v9 =	vadd.s32 s29, v18  }
0x26d: {  	v40 =	vadd.s32 $0x1, v10;
	v0 =	vmul.f32 v0, v6;
	[tilespmem:v37+s16+$0x0] =	vst.idx.add.f32.msk $0xffff, v1  }
0x26e: {  	v2 =	vld.idx.msk [tilespmem:v38+s3+$0x0], $0xffff  }
0x26f: {  	v4 =	vmul.f32 v4, v6;
	[tilespmem:v5+s16+$0x0] =	vst.idx.add.f32.msk $0xffff, v0  }
0x270: {  	v12 =	vadd.s32 $0x7, v11;
	v1 =	vld.idx.msk [tilespmem:v39+s3+$0x0], $0xffff  }
0x271: {  	v41 =	vadd.s32 $0x8, v14;
	[tilespmem:v9+s16+$0x0] =	vst.idx.add.f32.msk $0xffff, v4  }
0x272: {  	v4 =	vadd.s32 $0x4, v7;
	v3 =	vld.idx.msk [tilespmem:v40+s3+$0x0], $0xffff  }
0x273: {  	v5 =	vadd.s32 $0x5, v8;
	v2 =	vmul.f32 v2, v6  }
0x274: {  	v42 =	vadd.s32 $0x1, v9  }
0x275: {  	v1 =	vmul.f32 v1, v6;
	[tilespmem:v12+s16+$0x0] =	vst.idx.add.f32.msk $0xffff, v2;
	v12 =	vadd.s32 $0x2, v10  }
0x276: {  	v0 =	vld.idx.msk [tilespmem:v41+s3+$0x0], $0xffff  }
0x277: {  	v43 =	vmul.f32 v3, v6;
	[tilespmem:v4+s16+$0x0] =	vst.idx.add.f32.msk $0xffff, v1  }
0x278: {  	v13 =	vadd.s32 $0x8, v11;
	v4 =	vld.idx.msk [tilespmem:v5+s3+$0x0], $0xffff  }
0x279: {  	v44 =	vadd.s32 $0x9, v14;
	[tilespmem:v42+s16+$0x0] =	vst.idx.add.f32.msk $0xffff, v43  }
0x27a: {  	v45 =	vadd.s32 $0x5, v7;
	v2 =	vld.idx.msk [tilespmem:v12+s3+$0x0], $0xffff  }
0x27b: {  	v5 =	vadd.s32 $0x6, v8;
	v0 =	vmul.f32 v0, v6  }
0x27c: {  	v46 =	vadd.s32 $0x2, v9  }
0x27d: {  	v4 =	vmul.f32 v4, v6;
	v12 =	vadd.s32 $0x3, v10;
	[tilespmem:v13+s16+$0x0] =	vst.idx.add.f32.msk $0xffff, v0  }
0x27e: {  	s30 =	simm.s32 $0x30;
	v0 =	vld.idx.msk [tilespmem:v44+s3+$0x0], $0xffff  }
0x27f: {  	[tilespmem:v45+s16+$0x0] =	vst.idx.add.f32.msk $0xffff, v4;
	v13 =	vadd.s32 s30, v15;
	v47 =	vmul.f32 v2, v6  }
0x280: {  	v16 =	vadd.s32 $0x9, v11;
	v4 =	vld.idx.msk [tilespmem:v5+s3+$0x0], $0xffff  }
0x281: {  	v48 =	vadd.s32 $0xA, v14;
	[tilespmem:v46+s16+$0x0] =	vst.idx.add.f32.msk $0xffff, v47  }
0x282: {  	v49 =	vadd.s32 $0x6, v7;
	v3 =	vld.idx.msk [tilespmem:v12+s3+$0x0], $0xffff  }
0x283: {  	v5 =	vadd.s32 $0x7, v8;
	v0 =	vmul.f32 v0, v6  }
0x284: {  	v50 =	vadd.s32 $0x3, v9;
	v17 =	vld.idx.msk [tilespmem:v13+s3+$0x0], $0xffff  }
0x285: {  	v4 =	vmul.f32 v4, v6;
	[tilespmem:v16+s16+$0x0] =	vst.idx.add.f32.msk $0xffff, v0;
	v16 =	vadd.s32 $0x4, v10  }
0x286: {  	v0 =	vld.idx.msk [tilespmem:v48+s3+$0x0], $0xffff  }
0x287: {  	v12 =	vadd.s32 s30, v18;
	[tilespmem:v49+s16+$0x0] =	vst.idx.add.f32.msk $0xffff, v4;
	v51 =	vmul.f32 v3, v6  }
0x288: {  	v19 =	vadd.s32 $0xA, v11;
	v4 =	vld.idx.msk [tilespmem:v5+s3+$0x0], $0xffff  }
0x289: {  	v5 =	vadd.s32 $0x1, v13;
	[tilespmem:v50+s16+$0x0] =	vst.idx.add.f32.msk $0xffff, v51  }
0x28a: {  	v52 =	vadd.s32 $0xB, v14;
	v2 =	vld.idx.msk [tilespmem:v16+s3+$0x0], $0xffff;
	v16 =	vmul.f32 v17, v6  }
0x28b: {  	v53 =	vadd.s32 $0x7, v7;
	v0 =	vmul.f32 v0, v6  }
0x28c: {  	[tilespmem:v12+s16+$0x0] =	vst.idx.add.f32.msk $0xffff, v16  }
0x28d: {  	v54 =	vadd.s32 $0x8, v8;
	[tilespmem:v19+s16+$0x0] =	vst.idx.add.f32.msk $0xffff, v0  }
0x28e: {  	v17 =	vadd.s32 $0x4, v9;
	v4 =	vmul.f32 v4, v6;
	v5 =	vld.idx.msk [tilespmem:v5+s3+$0x0], $0xffff  }
0x28f: {  	v16 =	vadd.s32 $0x5, v10;
	v3 =	vld.idx.msk [tilespmem:v52+s3+$0x0], $0xffff  }
0x290: {  	[tilespmem:v53+s16+$0x0] =	vst.idx.add.f32.msk $0xffff, v4;
	v4 =	vadd.s32 $0x1, v12  }
0x291: {  	v19 =	vadd.s32 $0xB, v11;
	v55 =	vmul.f32 v2, v6  }
0x292: {  	v20 =	vadd.s32 $0x2, v13;
	v0 =	vld.idx.msk [tilespmem:v54+s3+$0x0], $0xffff  }
0x293: {  	v56 =	vadd.s32 $0xC, v14;
	[tilespmem:v17+s16+$0x0] =	vst.idx.add.f32.msk $0xffff, v55;
	v5 =	vmul.f32 v5, v6  }
0x294: {  	v58 =	vld.idx.msk [tilespmem:v16+s3+$0x0], $0xffff;
	v57 =	vmul.f32 v3, v6  }
0x295: {  	v16 =	vadd.s32 $0x8, v7;
	[tilespmem:v4+s16+$0x0] =	vst.idx.add.f32.msk $0xffff, v5  }
0x296: {  	v59 =	vadd.s32 $0x9, v8;
	[tilespmem:v19+s16+$0x0] =	vst.idx.add.f32.msk $0xffff, v57  }
0x297: {  	v17 =	vadd.s32 $0x5, v9;
	v5 =	vld.idx.msk [tilespmem:v20+s3+$0x0], $0xffff  }
0x298: {  	v0 =	vmul.f32 v0, v6;
	v4 =	vadd.s32 $0x6, v10;
	v2 =	vld.idx.msk [tilespmem:v56+s3+$0x0], $0xffff  }
0x299: {  	v20 =	vadd.s32 $0x2, v12  }
0x29a: {  	v19 =	vadd.s32 $0xC, v11;
	v3 =	vmul.f32 v58, v6;
	[tilespmem:v16+s16+$0x0] =	vst.idx.add.f32.msk $0xffff, v0  }
0x29b: {  	s31 =	simm.s32 $0x40;
	v60 =	vadd.s32 $0xD, v14;
	v1 =	vld.idx.msk [tilespmem:v59+s3+$0x0], $0xffff  }
0x29c: {  	v16 =	vadd.s32 s31, v15;
	[tilespmem:v17+s16+$0x0] =	vst.idx.add.f32.msk $0xffff, v3;
	v62 =	vmul.f32 v5, v6  }
0x29d: {  	v61 =	vadd.s32 $0x3, v13;
	v4 =	vld.idx.msk [tilespmem:v4+s3+$0x0], $0xffff;
	v2 =	vmul.f32 v2, v6  }
0x29e: {  	v17 =	vadd.s32 $0x9, v7;
	[tilespmem:v20+s16+$0x0] =	vst.idx.add.f32.msk $0xffff, v62  }
0x29f: {  	v5 =	vadd.s32 $0xA, v8;
	[tilespmem:v19+s16+$0x0] =	vst.idx.add.f32.msk $0xffff, v2  }
0x2a0: {  	v26 =	vadd.s32 $0x6, v9;
	v0 =	vld.idx.msk [tilespmem:v60+s3+$0x0], $0xffff  }
0x2a1: {  	v25 =	vadd.s32 $0x7, v10;
	v19 =	vld.idx.msk [tilespmem:v16+s3+$0x0], $0xffff;
	v1 =	vmul.f32 v1, v6  }
0x2a2: {  	v23 =	vadd.s32 $0xD, v11;
	v21 =	vld.idx.msk [tilespmem:v61+s3+$0x0], $0xffff  }
0x2a3: {  	v22 =	vadd.s32 $0xE, v14;
	v63 =	vmul.f32 v4, v6;
	[tilespmem:v17+s16+$0x0] =	vst.idx.add.f32.msk $0xffff, v1  }
0x2a4: {  	v17 =	vadd.s32 s31, v18;
	v20 =	vld.idx.msk [tilespmem:v5+s3+$0x0], $0xffff  }
0x2a5: {  	s21 =	simm.s32 $0x50;
	v24 =	vadd.s32 $0x3, v12;
	[tilespmem:v26+s16+$0x0] =	vst.idx.add.f32.msk $0xffff, v63;
	v26 =	vmul.f32 v0, v6  }
.LBB2_15:
0x2a6: {  	p0 =	sne.s32 s21, $0x60;
	v0 =	vadd.s32 $0x4, v13;
	v1 =	vld.idx.msk [tilespmem:v25+s3+$0x0], $0xffff  }
0x2a7: {  	v2 =	vmul.f32 v19, v6;
	v3 =	vadd.s32 $0xA, v7;
	[tilespmem:v23+s16+$0x0] =	vst.idx.add.f32.msk $0xffff, v26  }
0x2a8: {  	v5 =	vadd.s32 $0xB, v8;
	v4 =	vmul.f32 v21, v6;
	v19 =	vld.idx.msk [tilespmem:v22+s3+$0x0], $0xffff  }
0x2a9: {  	[tilespmem:v17+s16+$0x0] =	vst.idx.add.f32.msk $0xffff, v2;
	v2 =	vadd.s32 $0x1, v16  }
0x2aa: {  	v20 =	vmul.f32 v20, v6;
	[tilespmem:v24+s16+$0x0] =	vst.idx.add.f32.msk $0xffff, v4;
	v4 =	vadd.s32 $0x7, v9  }
0x2ab: {  	v21 =	vadd.s32 $0xE, v11;
	v0 =	vld.idx.msk [tilespmem:v0+s3+$0x0], $0xffff  }
0x2ac: {  	[tilespmem:v3+s16+$0x0] =	vst.idx.add.f32.msk $0xffff, v20;
	v3 =	vadd.s32 $0xF, v14;
	v14 =	vmovc v8;
	v8 =	vmovc v10;
	v10 =	vmov v13;
	v13 =	vmov v16  }
0x2ad: {  	v1 =	vmul.f32 v1, v6;
	v16 =	vadd.s32 $0x8, v8;
	v5 =	vld.idx.msk [tilespmem:v5+s3+$0x0], $0xffff  }
0x2ae: {  	v20 =	vadd.s32 $0x4, v12;
	v19 =	vmul.f32 v19, v6;
	v2 =	vld.idx.msk [tilespmem:v2+s3+$0x0], $0xffff  }
0x2af: {  	v22 =	vadd.s32 $0x5, v10;
	[tilespmem:v4+s16+$0x0] =	vst.idx.add.f32.msk $0xffff, v1  }
0x2b0: {  	v1 =	vadd.s32 $0xB, v7;
	[tilespmem:v21+s16+$0x0] =	vst.idx.add.f32.msk $0xffff, v19  }
0x2b1: {  	v4 =	vadd.s32 $0xC, v14;
	v0 =	vmul.f32 v0, v6;
	v3 =	vld.idx.msk [tilespmem:v3+s3+$0x0], $0xffff  }
0x2b2: {  	v19 =	vadd.s32 $0x1, v17;
	v16 =	vld.idx.msk [tilespmem:v16+s3+$0x0], $0xffff  }
0x2b3: {  	v21 =	vadd.s32 $0x2, v13;
	[tilespmem:v20+s16+$0x0] =	vst.idx.add.f32.msk $0xffff, v0;
	v0 =	vmul.f32 v5, v6  }
0x2b4: {  	v20 =	vadd.s32 $0xF, v11;
	v11 =	vmovc v7;
	v7 =	vmovc v9;
	v9 =	vmov v12;
	v12 =	vmov v17;
	v5 =	vld.idx.msk [tilespmem:v22+s3+$0x0], $0xffff  }
0x2b5: {  	v2 =	vmul.f32 v2, v6;
	v17 =	vadd.s32 $0x8, v7;
	[tilespmem:v1+s16+$0x0] =	vst.idx.add.f32.msk $0xffff, v0  }
0x2b6: {  	v0 =	vadd.s32 $0x9, v8;
	v1 =	vld.idx.msk [tilespmem:v4+s3+$0x0], $0xffff  }
0x2b7: {  	v3 =	vmul.f32 v3, v6;
	[tilespmem:v19+s16+$0x0] =	vst.idx.add.f32.msk $0xffff, v2;
	v2 =	vadd.s32 $0x5, v9  }
0x2b8: {  	v19 =	vadd.s32 $0x6, v10;
	v16 =	vmul.f32 v16, v6;
	v4 =	vld.idx.msk [tilespmem:v21+s3+$0x0], $0xffff  }
0x2b9: {  	v21 =	vadd.s32 $0xC, v11;
	[tilespmem:v20+s16+$0x0] =	vst.idx.add.f32.msk $0xffff, v3  }
0x2ba: {  	v3 =	vmul.f32 v5, v6;
	v5 =	vadd.s32 $0xD, v14;
	[tilespmem:v17+s16+$0x0] =	vst.idx.add.f32.msk $0xffff, v16  }
0x2bb: {  	v16 =	vadd.s32 s21, v15;
	v0 =	vld.idx.msk [tilespmem:v0+s3+$0x0], $0xffff  }
0x2bc: {  	v17 =	vadd.s32 $0x2, v12;
	v1 =	vmul.f32 v1, v6;
	[tilespmem:v2+s16+$0x0] =	vst.idx.add.f32.msk $0xffff, v3  }
0x2bd: {  	v2 =	vadd.s32 $0x3, v13;
	v3 =	vld.idx.msk [tilespmem:v19+s3+$0x0], $0xffff  }
0x2be: {  	v20 =	vadd.s32 $0x9, v7;
	[tilespmem:v21+s16+$0x0] =	vst.idx.add.f32.msk $0xffff, v1  }
0x2bf: {  	v1 =	vmul.f32 v4, v6;
	v4 =	vadd.s32 $0xA, v8;
	v5 =	vld.idx.msk [tilespmem:v5+s3+$0x0], $0xffff  }
0x2c0: {  	v26 =	vadd.s32 $0x6, v9;
	v19 =	vld.idx.msk [tilespmem:v16+s3+$0x0], $0xffff  }
.Ltmp6:
0x2c1: {  	v25 =	vadd.s32 $0x7, v10;
	v0 =	vmul.f32 v0, v6;
	[tilespmem:v17+s16+$0x0] =	vst.idx.add.f32.msk $0xffff, v1;
	(pc) =	sbr.rel @p0 .LBB2_15-.Ltmp6, $4  }
0x2c2: {  	v23 =	vadd.s32 $0xD, v11;
	v21 =	vld.idx.msk [tilespmem:v2+s3+$0x0], $0xffff  }
0x2c3: {  	v22 =	vadd.s32 $0xE, v14;
	v1 =	vmul.f32 v3, v6;
	[tilespmem:v20+s16+$0x0] =	vst.idx.add.f32.msk $0xffff, v0  }
0x2c4: {  	v17 =	vadd.s32 s21, v18;
	v20 =	vld.idx.msk [tilespmem:v4+s3+$0x0], $0xffff  }
0x2c5: {  	v24 =	vadd.s32 $0x3, v12;
	s21 =	sadd.s32 $0x10, s21;
	[tilespmem:v26+s16+$0x0] =	vst.idx.add.f32.msk $0xffff, v1;
	v26 =	vmul.f32 v5, v6  }
0x2c6: {  	_ =	sdelay $0x3  }
0x2c7: {  	v0 =	vadd.s32 $0x4, v13;
	v1 =	vld.idx.msk [tilespmem:v25+s3+$0x0], $0xffff  }
0x2c8: {  	v2 =	vmul.f32 v19, v6;
	v3 =	vadd.s32 $0xA, v7;
	[tilespmem:v23+s16+$0x0] =	vst.idx.add.f32.msk $0xffff, v26  }
0x2c9: {  	v56 =	vadd.s32 $0x1, v16;
	v4 =	vmul.f32 v21, v6;
	v15 =	vld.idx.msk [tilespmem:v22+s3+$0x0], $0xffff  }
0x2ca: {  	v5 =	vadd.s32 $0xB, v8;
	[tilespmem:v17+s16+$0x0] =	vst.idx.add.f32.msk $0xffff, v2  }
0x2cb: {  	[tilespmem:v24+s16+$0x0] =	vst.idx.add.f32.msk $0xffff, v4;
	v4 =	vadd.s32 $0x7, v9;
	v18 =	vmul.f32 v20, v6  }
0x2cc: {  	v19 =	vadd.s32 $0xE, v11;
	v0 =	vld.idx.msk [tilespmem:v0+s3+$0x0], $0xffff  }
0x2cd: {  	v57 =	vadd.s32 $0xF, v14;
	v14 =	vadd.s32 $0x8, v10;
	[tilespmem:v3+s16+$0x0] =	vst.idx.add.f32.msk $0xffff, v18  }
0x2ce: {  	v1 =	vmul.f32 v1, v6;
	v2 =	vld.idx.msk [tilespmem:v56+s3+$0x0], $0xffff  }
0x2cf: {  	v18 =	vadd.s32 $0x4, v12;
	v5 =	vld.idx.msk [tilespmem:v5+s3+$0x0], $0xffff;
	v15 =	vmul.f32 v15, v6  }
0x2d0: {  	v20 =	vadd.s32 $0x5, v13;
	[tilespmem:v4+s16+$0x0] =	vst.idx.add.f32.msk $0xffff, v1  }
0x2d1: {  	v58 =	vadd.s32 $0xB, v7;
	[tilespmem:v19+s16+$0x0] =	vst.idx.add.f32.msk $0xffff, v15  }
0x2d2: {  	v4 =	vadd.s32 $0xC, v8;
	v14 =	vld.idx.msk [tilespmem:v14+s3+$0x0], $0xffff;
	v0 =	vmul.f32 v0, v6  }
0x2d3: {  	v15 =	vadd.s32 $0x1, v17;
	v3 =	vld.idx.msk [tilespmem:v57+s3+$0x0], $0xffff  }
0x2d4: {  	v19 =	vadd.s32 $0x2, v16;
	v59 =	vmul.f32 v5, v6;
	[tilespmem:v18+s16+$0x0] =	vst.idx.add.f32.msk $0xffff, v0  }
0x2d5: {  	v11 =	vadd.s32 $0xF, v11;
	v5 =	vld.idx.msk [tilespmem:v20+s3+$0x0], $0xffff  }
0x2d6: {  	v2 =	vmul.f32 v2, v6;
	v18 =	vadd.s32 $0x8, v9;
	[tilespmem:v58+s16+$0x0] =	vst.idx.add.f32.msk $0xffff, v59  }
0x2d7: {  	v60 =	vadd.s32 $0x9, v10;
	v1 =	vld.idx.msk [tilespmem:v4+s3+$0x0], $0xffff  }
0x2d8: {  	v61 =	vadd.s32 $0x5, v12;
	[tilespmem:v15+s16+$0x0] =	vst.idx.add.f32.msk $0xffff, v2;
	v3 =	vmul.f32 v3, v6  }
0x2d9: {  	v15 =	vadd.s32 $0x6, v13;
	v14 =	vmul.f32 v14, v6;
	v4 =	vld.idx.msk [tilespmem:v19+s3+$0x0], $0xffff  }
0x2da: {  	v19 =	vadd.s32 $0xC, v7;
	[tilespmem:v11+s16+$0x0] =	vst.idx.add.f32.msk $0xffff, v3  }
0x2db: {  	[tilespmem:v18+s16+$0x0] =	vst.idx.add.f32.msk $0xffff, v14;
	v62 =	vmul.f32 v5, v6  }
0x2dc: {  	v11 =	vadd.s32 $0x2, v17;
	v0 =	vld.idx.msk [tilespmem:v60+s3+$0x0], $0xffff  }
0x2dd: {  	v5 =	vadd.s32 $0xD, v8;
	v1 =	vmul.f32 v1, v6;
	[tilespmem:v61+s16+$0x0] =	vst.idx.add.f32.msk $0xffff, v62  }
0x2de: {  	v63 =	vadd.s32 $0x3, v16;
	v3 =	vld.idx.msk [tilespmem:v15+s3+$0x0], $0xffff  }
0x2df: {  	v14 =	vadd.s32 $0x9, v9;
	v28 =	vmul.f32 v4, v6;
	[tilespmem:v19+s16+$0x0] =	vst.idx.add.f32.msk $0xffff, v1  }
0x2e0: {  	v4 =	vadd.s32 $0xA, v10;
	v19 =	vld [tilespmem:s20+$0x19A90]  }
0x2e1: {  	v15 =	vadd.s32 $0x6, v12;
	[tilespmem:v11+s16+$0x0] =	vst.idx.add.f32.msk $0xffff, v28  }
0x2e2: {  	v5 =	vld.idx.msk [tilespmem:v5+s3+$0x0], $0xffff;
	v0 =	vmul.f32 v0, v6  }
0x2e3: {  	v29 =	vadd.s32 $0x7, v13;
	v2 =	vld.idx.msk [tilespmem:v63+s3+$0x0], $0xffff  }
0x2e4: {  	v11 =	vadd.s32 $0xD, v7;
	[tilespmem:v14+s16+$0x0] =	vst.idx.add.f32.msk $0xffff, v0;
	v3 =	vmul.f32 v3, v6  }
0x2e5: {  	v14 =	vadd.s32 $0x3, v17;
	v4 =	vld.idx.msk [tilespmem:v4+s3+$0x0], $0xffff  }
0x2e6: {  	v30 =	vadd.s32 $0xE, v8;
	[tilespmem:v15+s16+$0x0] =	vst.idx.add.f32.msk $0xffff, v3  }
0x2e7: {  	v31 =	vmul.f32 v5, v6;
	v5 =	vadd.s32 $0x4, v16;
	v15 =	vld [tilespmem:s20+$0x19D90]  }
0x2e8: {  	v18 =	vadd.s32 $0xA, v9;
	v2 =	vmul.f32 v2, v6;
	v1 =	vld.idx.msk [tilespmem:v29+s3+$0x0], $0xffff  }
0x2e9: {  	v32 =	vadd.s32 $0xB, v10;
	[tilespmem:v11+s16+$0x0] =	vst.idx.add.f32.msk $0xffff, v31  }
0x2ea: {  	[tilespmem:v14+s16+$0x0] =	vst.idx.add.f32.msk $0xffff, v2  }
0x2eb: {  	v0 =	vld.idx.msk [tilespmem:v30+s3+$0x0], $0xffff;
	v33 =	vmul.f32 v4, v6;
	v4 =	vadd.s32 $0x7, v12  }
0x2ec: {  	v34 =	vadd.s32 $0x8, v13;
	v5 =	vld.idx.msk [tilespmem:v5+s3+$0x0], $0xffff  }
0x2ed: {  	v11 =	vadd.s32 $0xE, v7;
	[tilespmem:v18+s16+$0x0] =	vst.idx.add.f32.msk $0xffff, v33  }
0x2ee: {  	v8 =	vadd.s32 $0xF, v8;
	v3 =	vld.idx.msk [tilespmem:v32+s3+$0x0], $0xffff;
	v1 =	vmul.f32 v1, v6  }
0x2ef: {  	v18 =	vadd.s32 $0x4, v17;
	v14 =	vld.idx.msk [tilespmem:v15+s15+$0x0], $0xffff  }
0x2f0: {  	v20 =	vadd.s32 $0x5, v16;
	v0 =	vmul.f32 v0, v6;
	[tilespmem:v4+s16+$0x0] =	vst.idx.add.f32.msk $0xffff, v1  }
0x2f1: {  	v2 =	vld.idx.msk [tilespmem:v34+s3+$0x0], $0xffff  }
0x2f2: {  	[tilespmem:v11+s16+$0x0] =	vst.idx.add.f32.msk $0xffff, v0;
	v36 =	vmul.f32 v5, v6  }
0x2f3: {  	v35 =	vadd.s32 $0xB, v9;
	v5 =	vld.idx.msk [tilespmem:v8+s3+$0x0], $0xffff  }
0x2f4: {  	v4 =	vadd.s32 $0xC, v10;
	[tilespmem:v18+s16+$0x0] =	vst.idx.add.f32.msk $0xffff, v36  }
0x2f5: {  	v37 =	vadd.s32 $0x8, v12;
	v8 =	vadd.f32 $1.000000020e-16, v14;
	v18 =	vld.idx.msk [tilespmem:v20+s3+$0x0], $0xffff  }
0x2f6: {  	v11 =	vmul.u32 $0xE3, v19;
	v19 =	vadd.s32 $0x9, v13;
	v3 =	vmul.f32 v3, v6;
	v20 =	vld [tilespmem:s20+$0x1A410]  }
0x2f7: {  	v7 =	vadd.s32 $0xF, v7;
	(erf) = vrcp.f32 v8;
	v8 =	vld [tilespmem:$0x1FFB0]  }
0x2f8: {  	v38 =	vmul.f32 v2, v6;
	[tilespmem:v35+s16+$0x0] =	vst.idx.add.f32.msk $0xffff, v3  }
0x2f9: {  	v40 =	vadd.s32 $0x5, v17;
	v39 =	vld.idx.msk [tilespmem:v4+s3+$0x0], $0xffff  }
0x2fa: {  	v4 =	vmul.f32 v5, v6;
	v5 =	vadd.s32 $0x6, v16;
	[tilespmem:v37+s16+$0x0] =	vst.idx.add.f32.msk $0xffff, v38  }
0x2fb: {  	v41 =	vadd.s32 $0xC, v9;
	v1 =	vld.idx.msk [tilespmem:v19+s3+$0x0], $0xffff  }
0x2fc: {  	s26 =	simm.s32 $0x0;
	[tilespmem:v7+s16+$0x0] =	vst.idx.add.f32.msk $0xffff, v4;
	v4 =	vmul.f32 v18, v6;
	v18 =	vadd.s32 $0xD, v10;
	v14 =	vadd.s32 v8, v11  }
0x2fd: {  	v11 =	vadd.s32 s26, v14  }
0x2fe: {  	v19 =	vadd.s32 $0x9, v12;
	[tilespmem:v40+s16+$0x0] =	vst.idx.add.f32.msk $0xffff, v4;
	v2 =	vmul.f32 v39, v6  }
0x2ff: {  	v4 =	vld.idx.msk [tilespmem:v5+s3+$0x0], $0xffff  }
0x300: {  	v42 =	vadd.s32 $0xA, v13;
	[tilespmem:v41+s16+$0x0] =	vst.idx.add.f32.msk $0xffff, v2;
	v5 =	vpop (erf)  }
0x301: {  	v43 =	vmul.f32 v1, v6;
	v2 =	vld.idx.msk [tilespmem:v18+s3+$0x0], $0xffff;
	v7 =	vmul.f32 v5, v20;
	v5 =	vadd.s32 $0x6, v17  }
0x302: {  	v15 =	vmul.u32 $0x71, v15;
	v18 =	vadd.s32 $0x7, v16;
	v21 =	vld.idx.msk [tilespmem:v11+s3+$0x0], $0xffff  }
0x303: {  	[tilespmem:v19+s16+$0x0] =	vst.idx.add.f32.msk $0xffff, v43;
	v19 =	vadd.s32 $0xD, v9  }
0x304: {  	v8 =	vadd.s32 s26, v15;
	v4 =	vmul.f32 v4, v6  }
0x305: {  	v44 =	vadd.s32 $0x1, v11;
	v3 =	vld.idx.msk [tilespmem:v42+s3+$0x0], $0xffff  }
0x306: {  	v20 =	vadd.s32 $0xE, v10;
	v2 =	vmul.f32 v2, v6;
	[tilespmem:v5+s16+$0x0] =	vst.idx.add.f32.msk $0xffff, v4  }
0x307: {  	v46 =	vadd.s32 $0xA, v12;
	v45 =	vmul.f32 v21, v7;
	v5 =	vld.idx.msk [tilespmem:v18+s3+$0x0], $0xffff  }
0x308: {  	v4 =	vadd.s32 $0xB, v13;
	[tilespmem:v19+s16+$0x0] =	vst.idx.add.f32.msk $0xffff, v2  }
0x309: {  	[tilespmem:v8+s16+$0x0] =	vst.idx.add.f32.msk $0xffff, v45  }
0x30a: {  	v47 =	vmul.f32 v3, v6;
	v1 =	vld.idx.msk [tilespmem:v44+s3+$0x0], $0xffff  }
0x30b: {  	v19 =	vld.idx.msk [tilespmem:v20+s3+$0x0], $0xffff;
	v20 =	vadd.s32 $0x7, v17  }
0x30c: {  	v18 =	vadd.s32 $0x1, v8;
	[tilespmem:v46+s16+$0x0] =	vst.idx.add.f32.msk $0xffff, v47  }
0x30d: {  	v48 =	vadd.s32 $0x2, v11;
	v4 =	vld.idx.msk [tilespmem:v4+s3+$0x0], $0xffff  }
0x30e: {  	v49 =	vadd.s32 $0x8, v16;
	v5 =	vmul.f32 v5, v6  }
0x30f: {  	v51 =	vadd.s32 $0xB, v12;
	v1 =	vmul.f32 v1, v7  }
0x310: {  	v50 =	vadd.s32 $0xE, v9;
	[tilespmem:v20+s16+$0x0] =	vst.idx.add.f32.msk $0xffff, v5  }
0x311: {  	v5 =	vadd.s32 $0xC, v13;
	[tilespmem:v18+s16+$0x0] =	vst.idx.add.f32.msk $0xffff, v1  }
0x312: {  	v10 =	vadd.s32 $0xF, v10;
	v52 =	vmul.f32 v4, v6;
	v3 =	vld.idx.msk [tilespmem:v48+s3+$0x0], $0xffff  }
0x313: {  	v0 =	vld.idx.msk [tilespmem:v49+s3+$0x0], $0xffff;
	v18 =	vmul.f32 v19, v6  }
0x314: {  	v19 =	vadd.s32 $0x2, v8;
	[tilespmem:v51+s16+$0x0] =	vst.idx.add.f32.msk $0xffff, v52  }
0x315: {  	v4 =	vadd.s32 $0x3, v11;
	[tilespmem:v50+s16+$0x0] =	vst.idx.add.f32.msk $0xffff, v18  }
0x316: {  	v20 =	vadd.s32 $0x8, v17;
	v5 =	vld.idx.msk [tilespmem:v5+s3+$0x0], $0xffff  }
0x317: {  	v53 =	vadd.s32 $0x9, v16;
	s28 =	simm.s32 $0x10;
	v18 =	vld.idx.msk [tilespmem:v10+s3+$0x0], $0xffff;
	v54 =	vmul.f32 v3, v7  }
0x318: {  	v10 =	vadd.s32 s28, v14  }
0x319: {  	v56 =	vadd.s32 $0xC, v12;
	v0 =	vmul.f32 v0, v6;
	[tilespmem:v19+s16+$0x0] =	vst.idx.add.f32.msk $0xffff, v54  }
0x31a: {  	v55 =	vadd.s32 $0xF, v9;
	v4 =	vld.idx.msk [tilespmem:v4+s3+$0x0], $0xffff  }
0x31b: {  	v57 =	vadd.s32 $0xD, v13;
	[tilespmem:v20+s16+$0x0] =	vst.idx.add.f32.msk $0xffff, v0  }
0x31c: {  	v1 =	vld.idx.msk [tilespmem:v53+s3+$0x0], $0xffff;
	v58 =	vmul.f32 v5, v6;
	v9 =	vmul.f32 v18, v6;
	v18 =	vadd.s32 $0x3, v8  }
0x31d: {  	v5 =	vadd.s32 $0x4, v11;
	v20 =	vld.idx.msk [tilespmem:v10+s3+$0x0], $0xffff  }
0x31e: {  	v19 =	vadd.s32 $0x9, v17;
	[tilespmem:v56+s16+$0x0] =	vst.idx.add.f32.msk $0xffff, v58  }
0x31f: {  	v59 =	vadd.s32 $0xA, v16;
	[tilespmem:v55+s16+$0x0] =	vst.idx.add.f32.msk $0xffff, v9;
	v60 =	vmul.f32 v4, v7  }
0x320: {  	v0 =	vld.idx.msk [tilespmem:v57+s3+$0x0], $0xffff;
	v9 =	vadd.s32 s28, v15  }
0x321: {  	v1 =	vmul.f32 v1, v6;
	v4 =	vadd.s32 $0x1, v10;
	[tilespmem:v18+s16+$0x0] =	vst.idx.add.f32.msk $0xffff, v60  }
0x322: {  	v61 =	vadd.s32 $0xD, v12;
	v5 =	vld.idx.msk [tilespmem:v5+s3+$0x0], $0xffff  }
0x323: {  	v62 =	vadd.s32 $0xE, v13;
	[tilespmem:v19+s16+$0x0] =	vst.idx.add.f32.msk $0xffff, v1;
	v18 =	vmul.f32 v20, v7  }
0x324: {  	v19 =	vadd.s32 $0x4, v8;
	v2 =	vld.idx.msk [tilespmem:v59+s3+$0x0], $0xffff  }
0x325: {  	v0 =	vmul.f32 v0, v6;
	[tilespmem:v9+s16+$0x0] =	vst.idx.add.f32.msk $0xffff, v18;
	v18 =	vadd.s32 $0x5, v11  }
0x326: {  	v20 =	vadd.s32 $0xA, v17;
	v4 =	vld.idx.msk [tilespmem:v4+s3+$0x0], $0xffff  }
0x327: {  	v63 =	vadd.s32 $0xB, v16;
	[tilespmem:v61+s16+$0x0] =	vst.idx.add.f32.msk $0xffff, v0;
	v28 =	vmul.f32 v5, v7  }
0x328: {  	v1 =	vld.idx.msk [tilespmem:v62+s3+$0x0], $0xffff;
	v5 =	vadd.s32 $0x1, v9  }
0x329: {  	v21 =	vadd.s32 $0x2, v10;
	v2 =	vmul.f32 v2, v6;
	[tilespmem:v19+s16+$0x0] =	vst.idx.add.f32.msk $0xffff, v28  }
0x32a: {  	v29 =	vadd.s32 $0xE, v12;
	v18 =	vld.idx.msk [tilespmem:v18+s3+$0x0], $0xffff  }
0x32b: {  	v30 =	vadd.s32 $0xF, v13;
	[tilespmem:v20+s16+$0x0] =	vst.idx.add.f32.msk $0xffff, v2;
	v4 =	vmul.f32 v4, v7  }
0x32c: {  	v13 =	vadd.s32 $0x5, v8;
	v0 =	vld.idx.msk [tilespmem:v63+s3+$0x0], $0xffff  }
0x32d: {  	v1 =	vmul.f32 v1, v6;
	[tilespmem:v5+s16+$0x0] =	vst.idx.add.f32.msk $0xffff, v4;
	v4 =	vadd.s32 $0x6, v11  }
0x32e: {  	v5 =	vadd.s32 $0xB, v17;
	v19 =	vld.idx.msk [tilespmem:v21+s3+$0x0], $0xffff  }
0x32f: {  	v31 =	vadd.s32 $0xC, v16;
	[tilespmem:v29+s16+$0x0] =	vst.idx.add.f32.msk $0xffff, v1;
	v32 =	vmul.f32 v18, v7  }
0x330: {  	v2 =	vld.idx.msk [tilespmem:v30+s3+$0x0], $0xffff;
	v18 =	vadd.s32 $0x2, v9  }
0x331: {  	v33 =	vadd.s32 $0x3, v10;
	v0 =	vmul.f32 v0, v6;
	[tilespmem:v13+s16+$0x0] =	vst.idx.add.f32.msk $0xffff, v32  }
0x332: {  	s29 =	simm.s32 $0x20;
	v12 =	vadd.s32 $0xF, v12;
	v4 =	vld.idx.msk [tilespmem:v4+s3+$0x0], $0xffff  }
0x333: {  	[tilespmem:v5+s16+$0x0] =	vst.idx.add.f32.msk $0xffff, v0;
	v13 =	vadd.s32 s29, v14;
	v34 =	vmul.f32 v19, v7  }
0x334: {  	v5 =	vadd.s32 $0x6, v8;
	v1 =	vld.idx.msk [tilespmem:v31+s3+$0x0], $0xffff  }
0x335: {  	v35 =	vadd.s32 $0x7, v11;
	v2 =	vmul.f32 v2, v6;
	[tilespmem:v18+s16+$0x0] =	vst.idx.add.f32.msk $0xffff, v34  }
0x336: {  	v18 =	vadd.s32 $0xC, v17;
	v3 =	vld.idx.msk [tilespmem:v33+s3+$0x0], $0xffff  }
0x337: {  	v36 =	vadd.s32 $0xD, v16;
	[tilespmem:v12+s16+$0x0] =	vst.idx.add.f32.msk $0xffff, v2;
	v4 =	vmul.f32 v4, v7  }
0x338: {  	v20 =	vadd.s32 $0x3, v9;
	v19 =	vld.idx.msk [tilespmem:v13+s3+$0x0], $0xffff  }
0x339: {  	v1 =	vmul.f32 v1, v6;
	[tilespmem:v5+s16+$0x0] =	vst.idx.add.f32.msk $0xffff, v4;
	v4 =	vadd.s32 $0x4, v10  }
0x33a: {  	v12 =	vadd.s32 s29, v15;
	v0 =	vld.idx.msk [tilespmem:v35+s3+$0x0], $0xffff  }
0x33b: {  	v38 =	vadd.s32 $0x1, v13;
	[tilespmem:v18+s16+$0x0] =	vst.idx.add.f32.msk $0xffff, v1;
	v37 =	vmul.f32 v3, v7  }
0x33c: {  	v5 =	vadd.s32 $0x7, v8;
	v2 =	vld.idx.msk [tilespmem:v36+s3+$0x0], $0xffff  }
0x33d: {  	v39 =	vadd.s32 $0x8, v11;
	v18 =	vmul.f32 v19, v7;
	[tilespmem:v20+s16+$0x0] =	vst.idx.add.f32.msk $0xffff, v37  }
0x33e: {  	v19 =	vadd.s32 $0xD, v17;
	v4 =	vld.idx.msk [tilespmem:v4+s3+$0x0], $0xffff  }
0x33f: {  	v20 =	vadd.s32 $0xE, v16;
	[tilespmem:v12+s16+$0x0] =	vst.idx.add.f32.msk $0xffff, v18;
	v0 =	vmul.f32 v0, v7  }
0x340: {  	v18 =	vadd.s32 $0x4, v9;
	v3 =	vld.idx.msk [tilespmem:v38+s3+$0x0], $0xffff  }
0x341: {  	v21 =	vadd.s32 $0x5, v10;
	v2 =	vmul.f32 v2, v6;
	[tilespmem:v5+s16+$0x0] =	vst.idx.add.f32.msk $0xffff, v0  }
0x342: {  	v40 =	vadd.s32 $0x1, v12;
	v1 =	vld.idx.msk [tilespmem:v39+s3+$0x0], $0xffff  }
0x343: {  	[tilespmem:v19+s16+$0x0] =	vst.idx.add.f32.msk $0xffff, v2;
	v41 =	vmul.f32 v4, v7;
	v4 =	vadd.s32 $0x2, v13  }
0x344: {  	v19 =	vadd.s32 $0x8, v8;
	v5 =	vld.idx.msk [tilespmem:v20+s3+$0x0], $0xffff  }
0x345: {  	v43 =	vadd.s32 $0x9, v11;
	v42 =	vmul.f32 v3, v7;
	[tilespmem:v18+s16+$0x0] =	vst.idx.add.f32.msk $0xffff, v41  }
0x346: {  	v18 =	vadd.s32 $0xE, v17;
	v20 =	vld.idx.msk [tilespmem:v21+s3+$0x0], $0xffff  }
0x347: {  	v16 =	vadd.s32 $0xF, v16;
	[tilespmem:v40+s16+$0x0] =	vst.idx.add.f32.msk $0xffff, v42;
	v44 =	vmul.f32 v1, v7  }
0x348: {  	v45 =	vadd.s32 $0x5, v9;
	v2 =	vld.idx.msk [tilespmem:v4+s3+$0x0], $0xffff  }
0x349: {  	v4 =	vmul.f32 v5, v6;
	v5 =	vadd.s32 $0x6, v10;
	[tilespmem:v19+s16+$0x0] =	vst.idx.add.f32.msk $0xffff, v44  }
0x34a: {  	v46 =	vadd.s32 $0x2, v12;
	v0 =	vld.idx.msk [tilespmem:v43+s3+$0x0], $0xffff  }
0x34b: {  	[tilespmem:v18+s16+$0x0] =	vst.idx.add.f32.msk $0xffff, v4;
	v18 =	vadd.s32 $0x3, v13;
	v4 =	vmul.f32 v20, v7  }
0x34c: {  	v19 =	vld.idx.msk [tilespmem:v16+s3+$0x0], $0xffff;
	v20 =	vadd.s32 $0x9, v8  }
0x34d: {  	v48 =	vadd.s32 $0xA, v11;
	[tilespmem:v45+s16+$0x0] =	vst.idx.add.f32.msk $0xffff, v4;
	v47 =	vmul.f32 v2, v7  }
0x34e: {  	s30 =	simm.s32 $0x30;
	v4 =	vadd.s32 $0xF, v17;
	v5 =	vld.idx.msk [tilespmem:v5+s3+$0x0], $0xffff  }
0x34f: {  	v16 =	vadd.s32 s30, v14;
	[tilespmem:v46+s16+$0x0] =	vst.idx.add.f32.msk $0xffff, v47;
	v0 =	vmul.f32 v0, v7  }
0x350: {  	v49 =	vadd.s32 $0x6, v9;
	v3 =	vld.idx.msk [tilespmem:v18+s3+$0x0], $0xffff  }
0x351: {  	v17 =	vadd.s32 $0x7, v10;
	v6 =	vmul.f32 v19, v6;
	[tilespmem:v20+s16+$0x0] =	vst.idx.add.f32.msk $0xffff, v0  }
0x352: {  	v50 =	vadd.s32 $0x3, v12;
	v0 =	vld.idx.msk [tilespmem:v48+s3+$0x0], $0xffff  }
0x353: {  	[tilespmem:v4+s16+$0x0] =	vst.idx.add.f32.msk $0xffff, v6;
	v4 =	vmul.f32 v5, v7;
	v5 =	vadd.s32 $0x4, v13  }
0x354: {  	v18 =	vld.idx.msk [tilespmem:v16+s3+$0x0], $0xffff;
	v19 =	vadd.s32 $0xA, v8  }
0x355: {  	v52 =	vadd.s32 $0xB, v11;
	[tilespmem:v49+s16+$0x0] =	vst.idx.add.f32.msk $0xffff, v4;
	v51 =	vmul.f32 v3, v7  }
0x356: {  	v6 =	vadd.s32 s30, v15;
	v4 =	vld.idx.msk [tilespmem:v17+s3+$0x0], $0xffff  }
0x357: {  	v17 =	vadd.s32 $0x1, v16;
	[tilespmem:v50+s16+$0x0] =	vst.idx.add.f32.msk $0xffff, v51;
	v0 =	vmul.f32 v0, v7  }
0x358: {  	v53 =	vadd.s32 $0x7, v9;
	v2 =	vld.idx.msk [tilespmem:v5+s3+$0x0], $0xffff  }
0x359: {  	v54 =	vadd.s32 $0x8, v10;
	v5 =	vmul.f32 v18, v7;
	[tilespmem:v19+s16+$0x0] =	vst.idx.add.f32.msk $0xffff, v0  }
0x35a: {  	v18 =	vadd.s32 $0x4, v12;
	v3 =	vld.idx.msk [tilespmem:v52+s3+$0x0], $0xffff  }
0x35b: {  	[tilespmem:v6+s16+$0x0] =	vst.idx.add.f32.msk $0xffff, v5;
	v5 =	vadd.s32 $0x5, v13;
	v4 =	vmul.f32 v4, v7  }
0x35c: {  	v19 =	vadd.s32 $0xB, v8;
	v17 =	vld.idx.msk [tilespmem:v17+s3+$0x0], $0xffff  }
0x35d: {  	v56 =	vadd.s32 $0xC, v11;
	[tilespmem:v53+s16+$0x0] =	vst.idx.add.f32.msk $0xffff, v4;
	v55 =	vmul.f32 v2, v7  }
0x35e: {  	v4 =	vadd.s32 $0x1, v6;
	v0 =	vld.idx.msk [tilespmem:v54+s3+$0x0], $0xffff  }
0x35f: {  	v20 =	vadd.s32 $0x2, v16;
	[tilespmem:v18+s16+$0x0] =	vst.idx.add.f32.msk $0xffff, v55;
	v57 =	vmul.f32 v3, v7  }
0x360: {  	v58 =	vld.idx.msk [tilespmem:v5+s3+$0x0], $0xffff;
	v5 =	vadd.s32 $0x8, v9  }
0x361: {  	v59 =	vadd.s32 $0x9, v10;
	v17 =	vmul.f32 v17, v7;
	[tilespmem:v19+s16+$0x0] =	vst.idx.add.f32.msk $0xffff, v57  }
0x362: {  	s31 =	simm.s32 $0x40;
	v18 =	vadd.s32 $0x5, v12;
	v2 =	vld.idx.msk [tilespmem:v56+s3+$0x0], $0xffff  }
0x363: {  	[tilespmem:v4+s16+$0x0] =	vst.idx.add.f32.msk $0xffff, v17;
	v17 =	vadd.s32 s31, v14;
	v0 =	vmul.f32 v0, v7  }
0x364: {  	v4 =	vadd.s32 $0x6, v13;
	v19 =	vld.idx.msk [tilespmem:v20+s3+$0x0], $0xffff  }
0x365: {  	v20 =	vadd.s32 $0xC, v8;
	v3 =	vmul.f32 v58, v7;
	[tilespmem:v5+s16+$0x0] =	vst.idx.add.f32.msk $0xffff, v0  }
0x366: {  	v60 =	vadd.s32 $0xD, v11;
	v1 =	vld.idx.msk [tilespmem:v59+s3+$0x0], $0xffff  }
0x367: {  	v5 =	vadd.s32 $0x2, v6;
	[tilespmem:v18+s16+$0x0] =	vst.idx.add.f32.msk $0xffff, v3  }
0x368: {  	v61 =	vadd.s32 $0x3, v16;
	v2 =	vmul.f32 v2, v7;
	v25 =	vld.idx.msk [tilespmem:v17+s3+$0x0], $0xffff  }
0x369: {  	v18 =	vadd.s32 $0x9, v9;
	v4 =	vld.idx.msk [tilespmem:v4+s3+$0x0], $0xffff  }
0x36a: {  	v62 =	vmul.f32 v19, v7;
	v19 =	vadd.s32 $0xA, v10;
	[tilespmem:v20+s16+$0x0] =	vst.idx.add.f32.msk $0xffff, v2  }
0x36b: {  	v22 =	vadd.s32 $0x6, v12;
	v0 =	vld.idx.msk [tilespmem:v60+s3+$0x0], $0xffff  }
0x36c: {  	v23 =	vadd.s32 $0x7, v13;
	[tilespmem:v5+s16+$0x0] =	vst.idx.add.f32.msk $0xffff, v62;
	v1 =	vmul.f32 v1, v7  }
0x36d: {  	v21 =	vadd.s32 $0xD, v8;
	v24 =	vld.idx.msk [tilespmem:v61+s3+$0x0], $0xffff  }
0x36e: {  	v20 =	vadd.s32 $0xE, v11;
	v63 =	vmul.f32 v4, v7;
	[tilespmem:v18+s16+$0x0] =	vst.idx.add.f32.msk $0xffff, v1  }
0x36f: {  	v18 =	vadd.s32 s31, v15;
	v19 =	vld.idx.msk [tilespmem:v19+s3+$0x0], $0xffff  }
0x370: {  	s20 =	simm.s32 $0x50;
	v26 =	vadd.s32 $0x3, v6;
	[tilespmem:v22+s16+$0x0] =	vst.idx.add.f32.msk $0xffff, v63;
	v22 =	vmul.f32 v0, v7  }
.LBB2_17:
0x371: {  	p0 =	sne.s32 s20, $0x60;
	v0 =	vadd.s32 $0x4, v16;
	v1 =	vld.idx.msk [tilespmem:v23+s3+$0x0], $0xffff  }
0x372: {  	v2 =	vmul.f32 v25, v7;
	v3 =	vadd.s32 $0xA, v9;
	[tilespmem:v21+s16+$0x0] =	vst.idx.add.f32.msk $0xffff, v22  }
0x373: {  	v5 =	vadd.s32 $0xB, v10;
	v4 =	vmul.f32 v24, v7;
	v20 =	vld.idx.msk [tilespmem:v20+s3+$0x0], $0xffff  }
0x374: {  	[tilespmem:v18+s16+$0x0] =	vst.idx.add.f32.msk $0xffff, v2;
	v2 =	vadd.s32 $0x1, v17  }
0x375: {  	v19 =	vmul.f32 v19, v7;
	[tilespmem:v26+s16+$0x0] =	vst.idx.add.f32.msk $0xffff, v4;
	v4 =	vadd.s32 $0x7, v12  }
0x376: {  	v21 =	vadd.s32 $0xE, v8;
	v0 =	vld.idx.msk [tilespmem:v0+s3+$0x0], $0xffff  }
0x377: {  	[tilespmem:v3+s16+$0x0] =	vst.idx.add.f32.msk $0xffff, v19;
	v3 =	vadd.s32 $0xF, v11;
	v11 =	vmovc v10;
	v10 =	vmovc v13;
	v13 =	vmov v16;
	v16 =	vmov v17  }
0x378: {  	v1 =	vmul.f32 v1, v7;
	v17 =	vadd.s32 $0x8, v10;
	v5 =	vld.idx.msk [tilespmem:v5+s3+$0x0], $0xffff  }
0x379: {  	v19 =	vadd.s32 $0x4, v6;
	v20 =	vmul.f32 v20, v7;
	v2 =	vld.idx.msk [tilespmem:v2+s3+$0x0], $0xffff  }
0x37a: {  	v22 =	vadd.s32 $0x5, v13;
	[tilespmem:v4+s16+$0x0] =	vst.idx.add.f32.msk $0xffff, v1  }
0x37b: {  	v1 =	vadd.s32 $0xB, v9;
	[tilespmem:v21+s16+$0x0] =	vst.idx.add.f32.msk $0xffff, v20  }
0x37c: {  	v4 =	vadd.s32 $0xC, v11;
	v0 =	vmul.f32 v0, v7;
	v3 =	vld.idx.msk [tilespmem:v3+s3+$0x0], $0xffff  }
0x37d: {  	v20 =	vadd.s32 $0x1, v18;
	v17 =	vld.idx.msk [tilespmem:v17+s3+$0x0], $0xffff  }
0x37e: {  	v21 =	vadd.s32 $0x2, v16;
	[tilespmem:v19+s16+$0x0] =	vst.idx.add.f32.msk $0xffff, v0;
	v0 =	vmul.f32 v5, v7  }
0x37f: {  	v19 =	vadd.s32 $0xF, v8;
	v8 =	vmovc v9;
	v9 =	vmovc v12;
	v12 =	vmov v6;
	v6 =	vmov v18;
	v5 =	vld.idx.msk [tilespmem:v22+s3+$0x0], $0xffff  }
0x380: {  	v2 =	vmul.f32 v2, v7;
	v18 =	vadd.s32 $0x8, v9;
	[tilespmem:v1+s16+$0x0] =	vst.idx.add.f32.msk $0xffff, v0  }
0x381: {  	v0 =	vadd.s32 $0x9, v10;
	v1 =	vld.idx.msk [tilespmem:v4+s3+$0x0], $0xffff  }
0x382: {  	v3 =	vmul.f32 v3, v7;
	[tilespmem:v20+s16+$0x0] =	vst.idx.add.f32.msk $0xffff, v2;
	v2 =	vadd.s32 $0x5, v12  }
0x383: {  	v20 =	vadd.s32 $0x6, v13;
	v17 =	vmul.f32 v17, v7;
	v4 =	vld.idx.msk [tilespmem:v21+s3+$0x0], $0xffff  }
0x384: {  	v21 =	vadd.s32 $0xC, v8;
	[tilespmem:v19+s16+$0x0] =	vst.idx.add.f32.msk $0xffff, v3  }
0x385: {  	v3 =	vmul.f32 v5, v7;
	v5 =	vadd.s32 $0xD, v11;
	[tilespmem:v18+s16+$0x0] =	vst.idx.add.f32.msk $0xffff, v17  }
0x386: {  	v17 =	vadd.s32 s20, v14;
	v0 =	vld.idx.msk [tilespmem:v0+s3+$0x0], $0xffff  }
0x387: {  	v18 =	vadd.s32 $0x2, v6;
	v1 =	vmul.f32 v1, v7;
	[tilespmem:v2+s16+$0x0] =	vst.idx.add.f32.msk $0xffff, v3  }
0x388: {  	v2 =	vadd.s32 $0x3, v16;
	v3 =	vld.idx.msk [tilespmem:v20+s3+$0x0], $0xffff  }
0x389: {  	v19 =	vadd.s32 $0x9, v9;
	[tilespmem:v21+s16+$0x0] =	vst.idx.add.f32.msk $0xffff, v1  }
0x38a: {  	v1 =	vmul.f32 v4, v7;
	v4 =	vadd.s32 $0xA, v10;
	v5 =	vld.idx.msk [tilespmem:v5+s3+$0x0], $0xffff  }
0x38b: {  	v22 =	vadd.s32 $0x6, v12;
	v25 =	vld.idx.msk [tilespmem:v17+s3+$0x0], $0xffff  }
.Ltmp7:
0x38c: {  	v23 =	vadd.s32 $0x7, v13;
	v0 =	vmul.f32 v0, v7;
	[tilespmem:v18+s16+$0x0] =	vst.idx.add.f32.msk $0xffff, v1;
	(pc) =	sbr.rel @p0 .LBB2_17-.Ltmp7, $4  }
0x38d: {  	v21 =	vadd.s32 $0xD, v8;
	v24 =	vld.idx.msk [tilespmem:v2+s3+$0x0], $0xffff  }
0x38e: {  	v20 =	vadd.s32 $0xE, v11;
	v1 =	vmul.f32 v3, v7;
	[tilespmem:v19+s16+$0x0] =	vst.idx.add.f32.msk $0xffff, v0  }
0x38f: {  	v18 =	vadd.s32 s20, v15;
	v19 =	vld.idx.msk [tilespmem:v4+s3+$0x0], $0xffff  }
0x390: {  	v26 =	vadd.s32 $0x3, v6;
	s20 =	sadd.s32 $0x10, s20;
	[tilespmem:v22+s16+$0x0] =	vst.idx.add.f32.msk $0xffff, v1;
	v22 =	vmul.f32 v5, v7  }
0x391: {  	v0 =	vadd.s32 $0x1, v17;
	_ =	sdelay $0x1  }
0x392: {  	v1 =	vmul.f32 v25, v7;
	_ =	sdelay $0x1  }
0x393: {  	[tilespmem:v18+s16+$0x0] =	vst.idx.add.f32.msk $0xffff, v1  }
0x394: {  	v0 =	vld.idx.msk [tilespmem:v0+s3+$0x0], $0xffff;
	_ =	sdelay $0x1  }
0x395: {  	v14 =	vadd.s32 $0x1, v18  }
0x396: {  	v2 =	vadd.s32 $0x2, v17;
	_ =	sdelay $0x1  }
0x397: {  	v0 =	vmul.f32 v0, v7;
	_ =	sdelay $0x1  }
0x398: {  	[tilespmem:v14+s16+$0x0] =	vst.idx.add.f32.msk $0xffff, v0  }
0x399: {  	v0 =	vld.idx.msk [tilespmem:v2+s3+$0x0], $0xffff;
	_ =	sdelay $0x1  }
0x39a: {  	v15 =	vadd.s32 $0x2, v18  }
0x39b: {  	v25 =	vadd.s32 $0x3, v17;
	_ =	sdelay $0x1  }
0x39c: {  	v0 =	vmul.f32 v0, v7;
	_ =	sdelay $0x1  }
0x39d: {  	[tilespmem:v15+s16+$0x0] =	vst.idx.add.f32.msk $0xffff, v0  }
0x39e: {  	v1 =	vld.idx.msk [tilespmem:v25+s3+$0x0], $0xffff  }
0x39f: {  	v27 =	vadd.s32 $0x4, v16  }
0x3a0: {  	v3 =	vadd.s32 $0x3, v18  }
0x3a1: {  	v4 =	vadd.s32 $0x4, v17;
	v28 =	vmul.f32 v24, v7;
	_ =	sdelay $0x1  }
0x3a2: {  	[tilespmem:v26+s16+$0x0] =	vst.idx.add.f32.msk $0xffff, v28;
	v1 =	vmul.f32 v1, v7  }
0x3a3: {  	v0 =	vld.idx.msk [tilespmem:v27+s3+$0x0], $0xffff  }
0x3a4: {  	[tilespmem:v3+s16+$0x0] =	vst.idx.add.f32.msk $0xffff, v1  }
0x3a5: {  	v29 =	vadd.s32 $0x4, v6;
	v3 =	vld.idx.msk [tilespmem:v4+s3+$0x0], $0xffff  }
0x3a6: {  	v30 =	vadd.s32 $0x5, v16  }
0x3a7: {  	v31 =	vadd.s32 $0x4, v18  }
0x3a8: {  	v5 =	vadd.s32 $0x5, v17;
	v0 =	vmul.f32 v0, v7;
	_ =	sdelay $0x1  }
0x3a9: {  	[tilespmem:v29+s16+$0x0] =	vst.idx.add.f32.msk $0xffff, v0;
	v32 =	vmul.f32 v3, v7  }
0x3aa: {  	v0 =	vld.idx.msk [tilespmem:v30+s3+$0x0], $0xffff  }
0x3ab: {  	[tilespmem:v31+s16+$0x0] =	vst.idx.add.f32.msk $0xffff, v32  }
0x3ac: {  	v33 =	vadd.s32 $0x5, v6;
	v35 =	vld.idx.msk [tilespmem:v5+s3+$0x0], $0xffff  }
0x3ad: {  	v34 =	vadd.s32 $0x6, v16  }
0x3ae: {  	v36 =	vadd.s32 $0x5, v18  }
0x3af: {  	v37 =	vadd.s32 $0x6, v17;
	v0 =	vmul.f32 v0, v7;
	_ =	sdelay $0x1  }
0x3b0: {  	[tilespmem:v33+s16+$0x0] =	vst.idx.add.f32.msk $0xffff, v0;
	v38 =	vmul.f32 v35, v7  }
0x3b1: {  	v0 =	vld.idx.msk [tilespmem:v34+s3+$0x0], $0xffff  }
0x3b2: {  	[tilespmem:v36+s16+$0x0] =	vst.idx.add.f32.msk $0xffff, v38  }
0x3b3: {  	v39 =	vadd.s32 $0x6, v6;
	v41 =	vld.idx.msk [tilespmem:v37+s3+$0x0], $0xffff  }
0x3b4: {  	v40 =	vadd.s32 $0x7, v16  }
0x3b5: {  	v42 =	vadd.s32 $0x6, v18  }
0x3b6: {  	v14 =	vadd.s32 $0x7, v17;
	v0 =	vmul.f32 v0, v7  }
0x3b7: {  	v43 =	vld.idx.msk [tilespmem:v23+s3+$0x0], $0xffff  }
0x3b8: {  	[tilespmem:v39+s16+$0x0] =	vst.idx.add.f32.msk $0xffff, v0;
	v45 =	vmul.f32 v41, v7  }
0x3b9: {  	v44 =	vadd.s32 $0x7, v12;
	v1 =	vld.idx.msk [tilespmem:v40+s3+$0x0], $0xffff  }
0x3ba: {  	v46 =	vadd.s32 $0x8, v13;
	[tilespmem:v42+s16+$0x0] =	vst.idx.add.f32.msk $0xffff, v45  }
0x3bb: {  	v47 =	vadd.s32 $0x7, v6;
	v14 =	vld.idx.msk [tilespmem:v14+s3+$0x0], $0xffff  }
0x3bc: {  	v49 =	vadd.s32 $0x8, v16;
	v48 =	vmul.f32 v43, v7  }
0x3bd: {  	v51 =	vadd.s32 $0x7, v18  }
0x3be: {  	v52 =	vadd.s32 $0x8, v17;
	[tilespmem:v44+s16+$0x0] =	vst.idx.add.f32.msk $0xffff, v48;
	v50 =	vmul.f32 v1, v7  }
0x3bf: {  	v3 =	vld.idx.msk [tilespmem:v46+s3+$0x0], $0xffff  }
0x3c0: {  	[tilespmem:v47+s16+$0x0] =	vst.idx.add.f32.msk $0xffff, v50;
	v54 =	vmul.f32 v14, v7  }
0x3c1: {  	v53 =	vadd.s32 $0x8, v12;
	v2 =	vld.idx.msk [tilespmem:v49+s3+$0x0], $0xffff  }
0x3c2: {  	v55 =	vadd.s32 $0x9, v13;
	[tilespmem:v51+s16+$0x0] =	vst.idx.add.f32.msk $0xffff, v54  }
0x3c3: {  	v56 =	vadd.s32 $0x8, v6;
	v4 =	vld.idx.msk [tilespmem:v52+s3+$0x0], $0xffff  }
0x3c4: {  	v57 =	vadd.s32 $0x9, v16;
	[tilespmem:v21+s16+$0x0] =	vst.idx.add.f32.msk $0xffff, v22;
	v3 =	vmul.f32 v3, v7  }
0x3c5: {  	v59 =	vadd.s32 $0x8, v18;
	v62 =	vld.idx.msk [tilespmem:v20+s3+$0x0], $0xffff  }
0x3c6: {  	v60 =	vadd.s32 $0x9, v17;
	[tilespmem:v53+s16+$0x0] =	vst.idx.add.f32.msk $0xffff, v3;
	v58 =	vmul.f32 v2, v7  }
0x3c7: {  	v15 =	vadd.s32 $0xA, v9;
	v3 =	vld.idx.msk [tilespmem:v55+s3+$0x0], $0xffff  }
0x3c8: {  	v61 =	vadd.s32 $0xB, v10;
	[tilespmem:v56+s16+$0x0] =	vst.idx.add.f32.msk $0xffff, v58;
	v4 =	vmul.f32 v4, v7  }
0x3c9: {  	v63 =	vadd.s32 $0x9, v12;
	v5 =	vld.idx.msk [tilespmem:v57+s3+$0x0], $0xffff  }
0x3ca: {  	v24 =	vadd.s32 $0xA, v13;
	v19 =	vmul.f32 v19, v7;
	[tilespmem:v59+s16+$0x0] =	vst.idx.add.f32.msk $0xffff, v4  }
0x3cb: {  	v25 =	vadd.s32 $0x9, v6;
	v14 =	vld.idx.msk [tilespmem:v60+s3+$0x0], $0xffff  }
0x3cc: {  	v26 =	vadd.s32 $0xA, v16;
	[tilespmem:v15+s16+$0x0] =	vst.idx.add.f32.msk $0xffff, v19;
	v3 =	vmul.f32 v3, v7  }
0x3cd: {  	v27 =	vadd.s32 $0x9, v18;
	v0 =	vld.idx.msk [tilespmem:v61+s3+$0x0], $0xffff  }
0x3ce: {  	v29 =	vadd.s32 $0xA, v17;
	[tilespmem:v63+s16+$0x0] =	vst.idx.add.f32.msk $0xffff, v3;
	v28 =	vmul.f32 v5, v7  }
0x3cf: {  	v30 =	vadd.s32 $0xE, v8;
	v2 =	vld.idx.msk [tilespmem:v24+s3+$0x0], $0xffff  }
0x3d0: {  	v11 =	vadd.s32 $0xF, v11;
	[tilespmem:v25+s16+$0x0] =	vst.idx.add.f32.msk $0xffff, v28;
	v31 =	vmul.f32 v14, v7  }
0x3d1: {  	v32 =	vadd.s32 $0xA, v12;
	v33 =	vld.idx.msk [tilespmem:v26+s3+$0x0], $0xffff  }
0x3d2: {  	v34 =	vadd.s32 $0xB, v13;
	v1 =	vmul.f32 v62, v7;
	[tilespmem:v27+s16+$0x0] =	vst.idx.add.f32.msk $0xffff, v31  }
0x3d3: {  	v35 =	vadd.s32 $0xA, v6;
	v5 =	vld.idx.msk [tilespmem:v29+s3+$0x0], $0xffff  }
0x3d4: {  	v37 =	vadd.s32 $0xB, v16;
	[tilespmem:v30+s16+$0x0] =	vst.idx.add.f32.msk $0xffff, v1;
	v36 =	vmul.f32 v2, v7  }
0x3d5: {  	v38 =	vadd.s32 $0xA, v18;
	v11 =	vld.idx.msk [tilespmem:v11+s3+$0x0], $0xffff  }
0x3d6: {  	v40 =	vadd.s32 $0xB, v17;
	[tilespmem:v32+s16+$0x0] =	vst.idx.add.f32.msk $0xffff, v36;
	v39 =	vmul.f32 v33, v7  }
0x3d7: {  	v41 =	vadd.s32 $0xB, v9;
	v15 =	vld.idx.msk [tilespmem:v34+s3+$0x0], $0xffff  }
0x3d8: {  	v42 =	vadd.s32 $0xC, v10;
	[tilespmem:v35+s16+$0x0] =	vst.idx.add.f32.msk $0xffff, v39;
	v43 =	vmul.f32 v5, v7  }
0x3d9: {  	v44 =	vadd.s32 $0xB, v12;
	v2 =	vld.idx.msk [tilespmem:v37+s3+$0x0], $0xffff  }
0x3da: {  	v0 =	vmul.f32 v0, v7;
	v45 =	vadd.s32 $0xC, v13;
	[tilespmem:v38+s16+$0x0] =	vst.idx.add.f32.msk $0xffff, v43  }
0x3db: {  	v46 =	vadd.s32 $0xB, v6;
	v4 =	vld.idx.msk [tilespmem:v40+s3+$0x0], $0xffff  }
0x3dc: {  	v48 =	vadd.s32 $0xC, v16;
	[tilespmem:v41+s16+$0x0] =	vst.idx.add.f32.msk $0xffff, v0;
	v47 =	vmul.f32 v15, v7  }
0x3dd: {  	v50 =	vadd.s32 $0xB, v18;
	v49 =	vld.idx.msk [tilespmem:v42+s3+$0x0], $0xffff  }
0x3de: {  	v52 =	vadd.s32 $0xC, v17;
	[tilespmem:v44+s16+$0x0] =	vst.idx.add.f32.msk $0xffff, v47;
	v51 =	vmul.f32 v2, v7  }
0x3df: {  	v53 =	vadd.s32 $0xC, v9;
	v5 =	vld.idx.msk [tilespmem:v45+s3+$0x0], $0xffff  }
0x3e0: {  	v54 =	vadd.s32 $0xD, v10;
	[tilespmem:v46+s16+$0x0] =	vst.idx.add.f32.msk $0xffff, v51;
	v55 =	vmul.f32 v4, v7  }
0x3e1: {  	v56 =	vadd.s32 $0xC, v12;
	v57 =	vld.idx.msk [tilespmem:v48+s3+$0x0], $0xffff  }
0x3e2: {  	v58 =	vmul.f32 v49, v7;
	v59 =	vadd.s32 $0xD, v13;
	[tilespmem:v50+s16+$0x0] =	vst.idx.add.f32.msk $0xffff, v55  }
0x3e3: {  	v60 =	vadd.s32 $0xC, v6;
	v2 =	vld.idx.msk [tilespmem:v52+s3+$0x0], $0xffff  }
0x3e4: {  	v62 =	vadd.s32 $0xD, v16;
	[tilespmem:v53+s16+$0x0] =	vst.idx.add.f32.msk $0xffff, v58;
	v61 =	vmul.f32 v5, v7  }
0x3e5: {  	v63 =	vadd.s32 $0xC, v18;
	v14 =	vld.idx.msk [tilespmem:v54+s3+$0x0], $0xffff  }
0x3e6: {  	v25 =	vadd.s32 $0xD, v17;
	[tilespmem:v56+s16+$0x0] =	vst.idx.add.f32.msk $0xffff, v61;
	v24 =	vmul.f32 v57, v7  }
0x3e7: {  	v26 =	vadd.s32 $0xD, v9;
	v15 =	vld.idx.msk [tilespmem:v59+s3+$0x0], $0xffff  }
0x3e8: {  	v27 =	vadd.s32 $0xE, v10;
	[tilespmem:v60+s16+$0x0] =	vst.idx.add.f32.msk $0xffff, v24;
	v28 =	vmul.f32 v2, v7  }
0x3e9: {  	v29 =	vadd.s32 $0xD, v12;
	v30 =	vld.idx.msk [tilespmem:v62+s3+$0x0], $0xffff  }
0x3ea: {  	v32 =	vadd.s32 $0xE, v13;
	v31 =	vmul.f32 v14, v7;
	[tilespmem:v63+s16+$0x0] =	vst.idx.add.f32.msk $0xffff, v28  }
0x3eb: {  	v33 =	vadd.s32 $0xD, v6;
	v3 =	vld.idx.msk [tilespmem:v25+s3+$0x0], $0xffff  }
0x3ec: {  	v35 =	vadd.s32 $0xE, v16;
	[tilespmem:v26+s16+$0x0] =	vst.idx.add.f32.msk $0xffff, v31;
	v34 =	vmul.f32 v15, v7  }
0x3ed: {  	v37 =	vadd.s32 $0xD, v18;
	v36 =	vld.idx.msk [tilespmem:v27+s3+$0x0], $0xffff  }
0x3ee: {  	v39 =	vadd.s32 $0xE, v17;
	[tilespmem:v29+s16+$0x0] =	vst.idx.add.f32.msk $0xffff, v34;
	v38 =	vmul.f32 v30, v7  }
0x3ef: {  	v40 =	vadd.s32 $0xE, v9;
	v14 =	vld.idx.msk [tilespmem:v32+s3+$0x0], $0xffff  }
0x3f0: {  	v41 =	vadd.s32 $0xF, v10;
	[tilespmem:v33+s16+$0x0] =	vst.idx.add.f32.msk $0xffff, v38;
	v42 =	vmul.f32 v3, v7  }
0x3f1: {  	v43 =	vadd.s32 $0xE, v12;
	v44 =	vld.idx.msk [tilespmem:v35+s3+$0x0], $0xffff  }
0x3f2: {  	v46 =	vadd.s32 $0xF, v13;
	v45 =	vmul.f32 v36, v7;
	[tilespmem:v37+s16+$0x0] =	vst.idx.add.f32.msk $0xffff, v42  }
0x3f3: {  	v47 =	vadd.s32 $0xE, v6;
	v2 =	vld.idx.msk [tilespmem:v39+s3+$0x0], $0xffff  }
0x3f4: {  	v49 =	vadd.s32 $0xF, v16;
	[tilespmem:v40+s16+$0x0] =	vst.idx.add.f32.msk $0xffff, v45;
	v48 =	vmul.f32 v14, v7  }
0x3f5: {  	v10 =	vld.idx.msk [tilespmem:v41+s3+$0x0], $0xffff;
	v50 =	vadd.s32 $0xE, v18  }
0x3f6: {  	v52 =	vadd.s32 $0xF, v17;
	[tilespmem:v43+s16+$0x0] =	vst.idx.add.f32.msk $0xffff, v48;
	v51 =	vmul.f32 v44, v7  }
0x3f7: {  	v4 =	vld.idx.msk [tilespmem:v46+s3+$0x0], $0xffff  }
0x3f8: {  	[tilespmem:v47+s16+$0x0] =	vst.idx.add.f32.msk $0xffff, v51;
	v53 =	vmul.f32 v2, v7  }
0x3f9: {  	v54 =	vadd.s32 $0xF, v8;
	v55 =	vld.idx.msk [tilespmem:v49+s3+$0x0], $0xffff  }
0x3fa: {  	v56 =	vadd.s32 $0xF, v9;
	[tilespmem:v50+s16+$0x0] =	vst.idx.add.f32.msk $0xffff, v53  }
0x3fb: {  	v57 =	vadd.s32 $0xF, v12;
	v3 =	vld.idx.msk [tilespmem:v52+s3+$0x0], $0xffff  }
0x3fc: {  	v58 =	vmul.f32 v11, v7;
	v59 =	vadd.s32 $0xF, v6  }
0x3fd: {  	p0 =	slt.u32 s19, $0x26;
	v61 =	vadd.s32 $0xF, v18;
	v60 =	vmul.f32 v10, v7  }
.Ltmp8:
0x3fe: {  	[tilespmem:v54+s16+$0x0] =	vst.idx.add.f32.msk $0xffff, v58;
	v62 =	vmul.f32 v4, v7;
	(pc) =	sbr.rel @p0 .LBB2_14-.Ltmp8, $4  }
0x3ff: {  	[tilespmem:v56+s16+$0x0] =	vst.idx.add.f32.msk $0xffff, v60;
	v2 =	vmul.f32 v55, v7  }
0x400: {  	[tilespmem:v57+s16+$0x0] =	vst.idx.add.f32.msk $0xffff, v62;
	v63 =	vmul.f32 v3, v7  }
0x401: {  	s20 =	sadd.s32 $0x2, s19;
	[tilespmem:v59+s16+$0x0] =	vst.idx.add.f32.msk $0xffff, v2  }
0x402: {  	s19 =	smov.u32 s20;
	[tilespmem:v61+s16+$0x0] =	vst.idx.add.f32.msk $0xffff, v63  }
0x403: {  	v0 =	vld [tilespmem:$0x1A000];
	_ =	sdelay $0x7  }
0x404: {  	v1 =	vld.idx.msk [tilespmem:v0+s15+$0x0], $0xffff  }
0x405: {  	v2 =	vld [tilespmem:$0x19D00];
	_ =	sdelay $0x1  }
0x406: {  	v52 =	vld [tilespmem:$0x1FFB0];
	_ =	sdelay $0x1  }
0x407: {  	v1 =	vadd.f32 $1.000000020e-16, v1  }
0x408: {  	v2 =	vmul.u32 $0xE3, v2  }
0x409: {  	(erf) = vrcp.f32 v1  }
0x40a: {  	s18 =	simm.s32 $0x0;
	v15 =	vadd.s32 v52, v2  }
0x40b: {  	v12 =	vadd.s32 s18, v15;
	_ =	sdelay $0x2  }
0x40c: {  	v53 =	vld [tilespmem:$0x1A680];
	_ =	sdelay $0x1  }
0x40d: {  	v16 =	vmul.u32 $0x71, v0;
	v54 =	vld.idx.msk [tilespmem:v12+s3+$0x0], $0xffff;
	_ =	sdelay $0x1  }
0x40e: {  	v7 =	vadd.s32 s18, v16;
	v55 =	vpop (erf)  }
0x40f: {  	v56 =	vadd.s32 $0x1, v12;
	v6 =	vmul.f32 v55, v53;
	_ =	sdelay $0x1  }
0x410: {  	v0 =	vmul.f32 v54, v6;
	_ =	sdelay $0x1  }
0x411: {  	[tilespmem:v7+s16+$0x0] =	vst.idx.add.f32.msk $0xffff, v0  }
0x412: {  	v0 =	vld.idx.msk [tilespmem:v56+s3+$0x0], $0xffff;
	_ =	sdelay $0x1  }
0x413: {  	v57 =	vadd.s32 $0x1, v7  }
0x414: {  	v58 =	vadd.s32 $0x2, v12;
	_ =	sdelay $0x1  }
0x415: {  	v0 =	vmul.f32 v0, v6;
	_ =	sdelay $0x1  }
0x416: {  	[tilespmem:v57+s16+$0x0] =	vst.idx.add.f32.msk $0xffff, v0  }
0x417: {  	v0 =	vld.idx.msk [tilespmem:v58+s3+$0x0], $0xffff;
	_ =	sdelay $0x1  }
0x418: {  	v59 =	vadd.s32 $0x2, v7  }
0x419: {  	v60 =	vadd.s32 $0x3, v12  }
0x41a: {  	s28 =	simm.s32 $0x10  }
0x41b: {  	v9 =	vadd.s32 s28, v15;
	v0 =	vmul.f32 v0, v6;
	_ =	sdelay $0x1  }
0x41c: {  	[tilespmem:v59+s16+$0x0] =	vst.idx.add.f32.msk $0xffff, v0  }
0x41d: {  	v0 =	vld.idx.msk [tilespmem:v60+s3+$0x0], $0xffff;
	_ =	sdelay $0x1  }
0x41e: {  	v61 =	vadd.s32 $0x3, v7;
	v3 =	vld.idx.msk [tilespmem:v9+s3+$0x0], $0xffff  }
0x41f: {  	v62 =	vadd.s32 $0x4, v12  }
0x420: {  	v8 =	vadd.s32 s28, v16  }
0x421: {  	v4 =	vadd.s32 $0x1, v9;
	v0 =	vmul.f32 v0, v6;
	_ =	sdelay $0x1  }
0x422: {  	v63 =	vmul.f32 v3, v6;
	[tilespmem:v61+s16+$0x0] =	vst.idx.add.f32.msk $0xffff, v0  }
0x423: {  	v0 =	vld.idx.msk [tilespmem:v62+s3+$0x0], $0xffff  }
0x424: {  	[tilespmem:v8+s16+$0x0] =	vst.idx.add.f32.msk $0xffff, v63  }
0x425: {  	v28 =	vadd.s32 $0x4, v7;
	v30 =	vld.idx.msk [tilespmem:v4+s3+$0x0], $0xffff  }
0x426: {  	v29 =	vadd.s32 $0x5, v12  }
0x427: {  	v4 =	vadd.s32 $0x1, v8  }
0x428: {  	v5 =	vadd.s32 $0x2, v9;
	v0 =	vmul.f32 v0, v6;
	_ =	sdelay $0x1  }
0x429: {  	v31 =	vmul.f32 v30, v6;
	[tilespmem:v28+s16+$0x0] =	vst.idx.add.f32.msk $0xffff, v0  }
0x42a: {  	v0 =	vld.idx.msk [tilespmem:v29+s3+$0x0], $0xffff  }
0x42b: {  	[tilespmem:v4+s16+$0x0] =	vst.idx.add.f32.msk $0xffff, v31  }
0x42c: {  	v32 =	vadd.s32 $0x5, v7;
	v34 =	vld.idx.msk [tilespmem:v5+s3+$0x0], $0xffff  }
0x42d: {  	v33 =	vadd.s32 $0x6, v12  }
0x42e: {  	v4 =	vadd.s32 $0x2, v8  }
0x42f: {  	v35 =	vadd.s32 $0x3, v9;
	v0 =	vmul.f32 v0, v6  }
0x430: {  	s29 =	simm.s32 $0x20  }
0x431: {  	v11 =	vadd.s32 s29, v15;
	v36 =	vmul.f32 v34, v6;
	[tilespmem:v32+s16+$0x0] =	vst.idx.add.f32.msk $0xffff, v0  }
0x432: {  	v1 =	vld.idx.msk [tilespmem:v33+s3+$0x0], $0xffff  }
0x433: {  	[tilespmem:v4+s16+$0x0] =	vst.idx.add.f32.msk $0xffff, v36  }
0x434: {  	v37 =	vadd.s32 $0x6, v7;
	v0 =	vld.idx.msk [tilespmem:v35+s3+$0x0], $0xffff  }
0x435: {  	v38 =	vadd.s32 $0x7, v12  }
0x436: {  	v5 =	vadd.s32 $0x3, v8;
	v4 =	vld.idx.msk [tilespmem:v11+s3+$0x0], $0xffff  }
0x437: {  	v39 =	vadd.s32 $0x4, v9;
	v1 =	vmul.f32 v1, v6  }
0x438: {  	v10 =	vadd.s32 s29, v16  }
0x439: {  	v40 =	vadd.s32 $0x1, v11;
	v0 =	vmul.f32 v0, v6;
	[tilespmem:v37+s16+$0x0] =	vst.idx.add.f32.msk $0xffff, v1  }
0x43a: {  	v2 =	vld.idx.msk [tilespmem:v38+s3+$0x0], $0xffff  }
0x43b: {  	v4 =	vmul.f32 v4, v6;
	[tilespmem:v5+s16+$0x0] =	vst.idx.add.f32.msk $0xffff, v0  }
0x43c: {  	v13 =	vadd.s32 $0x7, v7;
	v1 =	vld.idx.msk [tilespmem:v39+s3+$0x0], $0xffff  }
0x43d: {  	v41 =	vadd.s32 $0x8, v12;
	[tilespmem:v10+s16+$0x0] =	vst.idx.add.f32.msk $0xffff, v4  }
0x43e: {  	v4 =	vadd.s32 $0x4, v8;
	v3 =	vld.idx.msk [tilespmem:v40+s3+$0x0], $0xffff  }
0x43f: {  	v5 =	vadd.s32 $0x5, v9;
	v2 =	vmul.f32 v2, v6  }
0x440: {  	v42 =	vadd.s32 $0x1, v10  }
0x441: {  	v1 =	vmul.f32 v1, v6;
	[tilespmem:v13+s16+$0x0] =	vst.idx.add.f32.msk $0xffff, v2;
	v13 =	vadd.s32 $0x2, v11  }
0x442: {  	v0 =	vld.idx.msk [tilespmem:v41+s3+$0x0], $0xffff  }
0x443: {  	v43 =	vmul.f32 v3, v6;
	[tilespmem:v4+s16+$0x0] =	vst.idx.add.f32.msk $0xffff, v1  }
0x444: {  	v14 =	vadd.s32 $0x8, v7;
	v4 =	vld.idx.msk [tilespmem:v5+s3+$0x0], $0xffff  }
0x445: {  	v44 =	vadd.s32 $0x9, v12;
	[tilespmem:v42+s16+$0x0] =	vst.idx.add.f32.msk $0xffff, v43  }
0x446: {  	v45 =	vadd.s32 $0x5, v8;
	v2 =	vld.idx.msk [tilespmem:v13+s3+$0x0], $0xffff  }
0x447: {  	v5 =	vadd.s32 $0x6, v9;
	v0 =	vmul.f32 v0, v6  }
0x448: {  	v46 =	vadd.s32 $0x2, v10  }
0x449: {  	v4 =	vmul.f32 v4, v6;
	[tilespmem:v14+s16+$0x0] =	vst.idx.add.f32.msk $0xffff, v0;
	v14 =	vadd.s32 $0x3, v11  }
0x44a: {  	s30 =	simm.s32 $0x30;
	v0 =	vld.idx.msk [tilespmem:v44+s3+$0x0], $0xffff  }
0x44b: {  	v13 =	vadd.s32 s30, v15;
	[tilespmem:v45+s16+$0x0] =	vst.idx.add.f32.msk $0xffff, v4;
	v47 =	vmul.f32 v2, v6  }
0x44c: {  	v17 =	vadd.s32 $0x9, v7;
	v4 =	vld.idx.msk [tilespmem:v5+s3+$0x0], $0xffff  }
0x44d: {  	v48 =	vadd.s32 $0xA, v12;
	[tilespmem:v46+s16+$0x0] =	vst.idx.add.f32.msk $0xffff, v47  }
0x44e: {  	v49 =	vadd.s32 $0x6, v8;
	v3 =	vld.idx.msk [tilespmem:v14+s3+$0x0], $0xffff  }
0x44f: {  	v5 =	vadd.s32 $0x7, v9;
	v0 =	vmul.f32 v0, v6  }
0x450: {  	v50 =	vadd.s32 $0x3, v10;
	v18 =	vld.idx.msk [tilespmem:v13+s3+$0x0], $0xffff  }
0x451: {  	v4 =	vmul.f32 v4, v6;
	[tilespmem:v17+s16+$0x0] =	vst.idx.add.f32.msk $0xffff, v0;
	v17 =	vadd.s32 $0x4, v11  }
0x452: {  	v0 =	vld.idx.msk [tilespmem:v48+s3+$0x0], $0xffff  }
0x453: {  	v14 =	vadd.s32 s30, v16;
	[tilespmem:v49+s16+$0x0] =	vst.idx.add.f32.msk $0xffff, v4;
	v51 =	vmul.f32 v3, v6  }
0x454: {  	v19 =	vadd.s32 $0xA, v7;
	v4 =	vld.idx.msk [tilespmem:v5+s3+$0x0], $0xffff  }
0x455: {  	v5 =	vadd.s32 $0x1, v13;
	[tilespmem:v50+s16+$0x0] =	vst.idx.add.f32.msk $0xffff, v51  }
0x456: {  	v52 =	vadd.s32 $0xB, v12;
	v2 =	vld.idx.msk [tilespmem:v17+s3+$0x0], $0xffff;
	v17 =	vmul.f32 v18, v6  }
0x457: {  	v53 =	vadd.s32 $0x7, v8;
	v0 =	vmul.f32 v0, v6  }
0x458: {  	v54 =	vadd.s32 $0x8, v9;
	[tilespmem:v14+s16+$0x0] =	vst.idx.add.f32.msk $0xffff, v17  }
0x459: {  	v18 =	vadd.s32 $0x4, v10;
	[tilespmem:v19+s16+$0x0] =	vst.idx.add.f32.msk $0xffff, v0  }
0x45a: {  	v4 =	vmul.f32 v4, v6;
	v17 =	vadd.s32 $0x5, v11;
	v5 =	vld.idx.msk [tilespmem:v5+s3+$0x0], $0xffff  }
0x45b: {  	v3 =	vld.idx.msk [tilespmem:v52+s3+$0x0], $0xffff  }
0x45c: {  	[tilespmem:v53+s16+$0x0] =	vst.idx.add.f32.msk $0xffff, v4;
	v4 =	vadd.s32 $0x1, v14;
	v55 =	vmul.f32 v2, v6  }
0x45d: {  	v19 =	vadd.s32 $0xB, v7;
	v0 =	vld.idx.msk [tilespmem:v54+s3+$0x0], $0xffff  }
0x45e: {  	v56 =	vadd.s32 $0xC, v12;
	[tilespmem:v18+s16+$0x0] =	vst.idx.add.f32.msk $0xffff, v55  }
0x45f: {  	v58 =	vld.idx.msk [tilespmem:v17+s3+$0x0], $0xffff;
	v17 =	vadd.s32 $0x8, v8;
	v5 =	vmul.f32 v5, v6  }
0x460: {  	v20 =	vadd.s32 $0x2, v13;
	v57 =	vmul.f32 v3, v6  }
0x461: {  	v59 =	vadd.s32 $0x9, v9;
	[tilespmem:v4+s16+$0x0] =	vst.idx.add.f32.msk $0xffff, v5  }
0x462: {  	v18 =	vadd.s32 $0x5, v10;
	v0 =	vmul.f32 v0, v6;
	[tilespmem:v19+s16+$0x0] =	vst.idx.add.f32.msk $0xffff, v57  }
0x463: {  	s31 =	simm.s32 $0x40;
	v4 =	vadd.s32 $0x6, v11;
	v2 =	vld.idx.msk [tilespmem:v56+s3+$0x0], $0xffff  }
0x464: {  	[tilespmem:v17+s16+$0x0] =	vst.idx.add.f32.msk $0xffff, v0;
	v17 =	vadd.s32 s31, v15  }
0x465: {  	v5 =	vld.idx.msk [tilespmem:v20+s3+$0x0], $0xffff;
	v19 =	vadd.s32 $0xC, v7;
	v3 =	vmul.f32 v58, v6  }
0x466: {  	v60 =	vadd.s32 $0xD, v12;
	v1 =	vld.idx.msk [tilespmem:v59+s3+$0x0], $0xffff  }
0x467: {  	v20 =	vadd.s32 $0x2, v14;
	[tilespmem:v18+s16+$0x0] =	vst.idx.add.f32.msk $0xffff, v3  }
0x468: {  	v61 =	vadd.s32 $0x3, v13;
	v4 =	vld.idx.msk [tilespmem:v4+s3+$0x0], $0xffff;
	v2 =	vmul.f32 v2, v6  }
0x469: {  	v18 =	vadd.s32 $0x9, v8;
	v25 =	vld.idx.msk [tilespmem:v17+s3+$0x0], $0xffff  }
0x46a: {  	v62 =	vmul.f32 v5, v6;
	v5 =	vadd.s32 $0xA, v9;
	[tilespmem:v19+s16+$0x0] =	vst.idx.add.f32.msk $0xffff, v2  }
0x46b: {  	v22 =	vadd.s32 $0x6, v10;
	v0 =	vld.idx.msk [tilespmem:v60+s3+$0x0], $0xffff  }
0x46c: {  	v23 =	vadd.s32 $0x7, v11;
	[tilespmem:v20+s16+$0x0] =	vst.idx.add.f32.msk $0xffff, v62;
	v1 =	vmul.f32 v1, v6  }
0x46d: {  	v21 =	vadd.s32 $0xD, v7;
	v24 =	vld.idx.msk [tilespmem:v61+s3+$0x0], $0xffff  }
0x46e: {  	v20 =	vadd.s32 $0xE, v12;
	v63 =	vmul.f32 v4, v6;
	[tilespmem:v18+s16+$0x0] =	vst.idx.add.f32.msk $0xffff, v1  }
0x46f: {  	v18 =	vadd.s32 s31, v16;
	v19 =	vld.idx.msk [tilespmem:v5+s3+$0x0], $0xffff  }
0x470: {  	s18 =	simm.s32 $0x50;
	v26 =	vadd.s32 $0x3, v14;
	[tilespmem:v22+s16+$0x0] =	vst.idx.add.f32.msk $0xffff, v63;
	v22 =	vmul.f32 v0, v6  }
.LBB2_20:
0x471: {  	p0 =	sne.s32 s18, $0x60;
	v0 =	vadd.s32 $0x4, v13;
	v1 =	vld.idx.msk [tilespmem:v23+s3+$0x0], $0xffff  }
0x472: {  	v2 =	vmul.f32 v25, v6;
	v3 =	vadd.s32 $0xA, v8;
	[tilespmem:v21+s16+$0x0] =	vst.idx.add.f32.msk $0xffff, v22  }
0x473: {  	v5 =	vadd.s32 $0xB, v9;
	v4 =	vmul.f32 v24, v6;
	v20 =	vld.idx.msk [tilespmem:v20+s3+$0x0], $0xffff  }
0x474: {  	[tilespmem:v18+s16+$0x0] =	vst.idx.add.f32.msk $0xffff, v2;
	v2 =	vadd.s32 $0x1, v17  }
0x475: {  	v19 =	vmul.f32 v19, v6;
	[tilespmem:v26+s16+$0x0] =	vst.idx.add.f32.msk $0xffff, v4;
	v4 =	vadd.s32 $0x7, v10  }
0x476: {  	v21 =	vadd.s32 $0xE, v7;
	v0 =	vld.idx.msk [tilespmem:v0+s3+$0x0], $0xffff  }
0x477: {  	[tilespmem:v3+s16+$0x0] =	vst.idx.add.f32.msk $0xffff, v19;
	v3 =	vadd.s32 $0xF, v12;
	v12 =	vmovc v9;
	v9 =	vmovc v11;
	v11 =	vmov v13;
	v13 =	vmov v17  }
0x478: {  	v1 =	vmul.f32 v1, v6;
	v17 =	vadd.s32 $0x8, v9;
	v5 =	vld.idx.msk [tilespmem:v5+s3+$0x0], $0xffff  }
0x479: {  	v19 =	vadd.s32 $0x4, v14;
	v20 =	vmul.f32 v20, v6;
	v2 =	vld.idx.msk [tilespmem:v2+s3+$0x0], $0xffff  }
0x47a: {  	v22 =	vadd.s32 $0x5, v11;
	[tilespmem:v4+s16+$0x0] =	vst.idx.add.f32.msk $0xffff, v1  }
0x47b: {  	v1 =	vadd.s32 $0xB, v8;
	[tilespmem:v21+s16+$0x0] =	vst.idx.add.f32.msk $0xffff, v20  }
0x47c: {  	v4 =	vadd.s32 $0xC, v12;
	v0 =	vmul.f32 v0, v6;
	v3 =	vld.idx.msk [tilespmem:v3+s3+$0x0], $0xffff  }
0x47d: {  	v20 =	vadd.s32 $0x1, v18;
	v17 =	vld.idx.msk [tilespmem:v17+s3+$0x0], $0xffff  }
0x47e: {  	v21 =	vadd.s32 $0x2, v13;
	[tilespmem:v19+s16+$0x0] =	vst.idx.add.f32.msk $0xffff, v0;
	v0 =	vmul.f32 v5, v6  }
0x47f: {  	v19 =	vadd.s32 $0xF, v7;
	v7 =	vmovc v8;
	v8 =	vmovc v10;
	v10 =	vmov v14;
	v14 =	vmov v18;
	v5 =	vld.idx.msk [tilespmem:v22+s3+$0x0], $0xffff  }
0x480: {  	v2 =	vmul.f32 v2, v6;
	v18 =	vadd.s32 $0x8, v8;
	[tilespmem:v1+s16+$0x0] =	vst.idx.add.f32.msk $0xffff, v0  }
0x481: {  	v0 =	vadd.s32 $0x9, v9;
	v1 =	vld.idx.msk [tilespmem:v4+s3+$0x0], $0xffff  }
0x482: {  	v3 =	vmul.f32 v3, v6;
	[tilespmem:v20+s16+$0x0] =	vst.idx.add.f32.msk $0xffff, v2;
	v2 =	vadd.s32 $0x5, v10  }
0x483: {  	v20 =	vadd.s32 $0x6, v11;
	v17 =	vmul.f32 v17, v6;
	v4 =	vld.idx.msk [tilespmem:v21+s3+$0x0], $0xffff  }
0x484: {  	v21 =	vadd.s32 $0xC, v7;
	[tilespmem:v19+s16+$0x0] =	vst.idx.add.f32.msk $0xffff, v3  }
0x485: {  	v3 =	vmul.f32 v5, v6;
	v5 =	vadd.s32 $0xD, v12;
	[tilespmem:v18+s16+$0x0] =	vst.idx.add.f32.msk $0xffff, v17  }
0x486: {  	v17 =	vadd.s32 s18, v15;
	v0 =	vld.idx.msk [tilespmem:v0+s3+$0x0], $0xffff  }
0x487: {  	v18 =	vadd.s32 $0x2, v14;
	v1 =	vmul.f32 v1, v6;
	[tilespmem:v2+s16+$0x0] =	vst.idx.add.f32.msk $0xffff, v3  }
0x488: {  	v2 =	vadd.s32 $0x3, v13;
	v3 =	vld.idx.msk [tilespmem:v20+s3+$0x0], $0xffff  }
0x489: {  	v19 =	vadd.s32 $0x9, v8;
	[tilespmem:v21+s16+$0x0] =	vst.idx.add.f32.msk $0xffff, v1  }
0x48a: {  	v1 =	vmul.f32 v4, v6;
	v4 =	vadd.s32 $0xA, v9;
	v5 =	vld.idx.msk [tilespmem:v5+s3+$0x0], $0xffff  }
0x48b: {  	v22 =	vadd.s32 $0x6, v10;
	v25 =	vld.idx.msk [tilespmem:v17+s3+$0x0], $0xffff  }
.Ltmp9:
0x48c: {  	v23 =	vadd.s32 $0x7, v11;
	v0 =	vmul.f32 v0, v6;
	[tilespmem:v18+s16+$0x0] =	vst.idx.add.f32.msk $0xffff, v1;
	(pc) =	sbr.rel @p0 .LBB2_20-.Ltmp9, $4  }
0x48d: {  	v21 =	vadd.s32 $0xD, v7;
	v24 =	vld.idx.msk [tilespmem:v2+s3+$0x0], $0xffff  }
0x48e: {  	v20 =	vadd.s32 $0xE, v12;
	v1 =	vmul.f32 v3, v6;
	[tilespmem:v19+s16+$0x0] =	vst.idx.add.f32.msk $0xffff, v0  }
0x48f: {  	v18 =	vadd.s32 s18, v16;
	v19 =	vld.idx.msk [tilespmem:v4+s3+$0x0], $0xffff  }
0x490: {  	v26 =	vadd.s32 $0x3, v14;
	s18 =	sadd.s32 $0x10, s18;
	[tilespmem:v22+s16+$0x0] =	vst.idx.add.f32.msk $0xffff, v1;
	v22 =	vmul.f32 v5, v6  }
0x491: {  	v0 =	vadd.s32 $0x1, v17;
	_ =	sdelay $0x1  }
0x492: {  	v1 =	vmul.f32 v25, v6;
	_ =	sdelay $0x1  }
0x493: {  	[tilespmem:v18+s16+$0x0] =	vst.idx.add.f32.msk $0xffff, v1  }
0x494: {  	v0 =	vld.idx.msk [tilespmem:v0+s3+$0x0], $0xffff;
	_ =	sdelay $0x1  }
0x495: {  	v15 =	vadd.s32 $0x1, v18  }
0x496: {  	v2 =	vadd.s32 $0x2, v17;
	_ =	sdelay $0x1  }
0x497: {  	v0 =	vmul.f32 v0, v6;
	_ =	sdelay $0x1  }
0x498: {  	[tilespmem:v15+s16+$0x0] =	vst.idx.add.f32.msk $0xffff, v0  }
0x499: {  	v0 =	vld.idx.msk [tilespmem:v2+s3+$0x0], $0xffff;
	_ =	sdelay $0x1  }
0x49a: {  	v16 =	vadd.s32 $0x2, v18  }
0x49b: {  	v25 =	vadd.s32 $0x3, v17;
	_ =	sdelay $0x1  }
0x49c: {  	v0 =	vmul.f32 v0, v6;
	_ =	sdelay $0x1  }
0x49d: {  	[tilespmem:v16+s16+$0x0] =	vst.idx.add.f32.msk $0xffff, v0  }
0x49e: {  	v1 =	vld.idx.msk [tilespmem:v25+s3+$0x0], $0xffff  }
0x49f: {  	v27 =	vadd.s32 $0x4, v13  }
0x4a0: {  	v3 =	vadd.s32 $0x3, v18  }
0x4a1: {  	v4 =	vadd.s32 $0x4, v17;
	v28 =	vmul.f32 v24, v6;
	_ =	sdelay $0x1  }
0x4a2: {  	[tilespmem:v26+s16+$0x0] =	vst.idx.add.f32.msk $0xffff, v28;
	v1 =	vmul.f32 v1, v6  }
0x4a3: {  	v0 =	vld.idx.msk [tilespmem:v27+s3+$0x0], $0xffff  }
0x4a4: {  	[tilespmem:v3+s16+$0x0] =	vst.idx.add.f32.msk $0xffff, v1  }
0x4a5: {  	v29 =	vadd.s32 $0x4, v14;
	v3 =	vld.idx.msk [tilespmem:v4+s3+$0x0], $0xffff  }
0x4a6: {  	v30 =	vadd.s32 $0x5, v13  }
0x4a7: {  	v31 =	vadd.s32 $0x4, v18  }
0x4a8: {  	v5 =	vadd.s32 $0x5, v17;
	v0 =	vmul.f32 v0, v6;
	_ =	sdelay $0x1  }
0x4a9: {  	[tilespmem:v29+s16+$0x0] =	vst.idx.add.f32.msk $0xffff, v0;
	v32 =	vmul.f32 v3, v6  }
0x4aa: {  	v0 =	vld.idx.msk [tilespmem:v30+s3+$0x0], $0xffff  }
0x4ab: {  	[tilespmem:v31+s16+$0x0] =	vst.idx.add.f32.msk $0xffff, v32  }
0x4ac: {  	v33 =	vadd.s32 $0x5, v14;
	v35 =	vld.idx.msk [tilespmem:v5+s3+$0x0], $0xffff  }
0x4ad: {  	v34 =	vadd.s32 $0x6, v13  }
0x4ae: {  	v36 =	vadd.s32 $0x5, v18  }
0x4af: {  	v37 =	vadd.s32 $0x6, v17;
	v0 =	vmul.f32 v0, v6;
	_ =	sdelay $0x1  }
0x4b0: {  	[tilespmem:v33+s16+$0x0] =	vst.idx.add.f32.msk $0xffff, v0;
	v38 =	vmul.f32 v35, v6  }
0x4b1: {  	v0 =	vld.idx.msk [tilespmem:v34+s3+$0x0], $0xffff  }
0x4b2: {  	[tilespmem:v36+s16+$0x0] =	vst.idx.add.f32.msk $0xffff, v38  }
0x4b3: {  	v39 =	vadd.s32 $0x6, v14;
	v41 =	vld.idx.msk [tilespmem:v37+s3+$0x0], $0xffff  }
0x4b4: {  	v40 =	vadd.s32 $0x7, v13  }
0x4b5: {  	v42 =	vadd.s32 $0x6, v18  }
0x4b6: {  	v15 =	vadd.s32 $0x7, v17;
	v0 =	vmul.f32 v0, v6  }
0x4b7: {  	v43 =	vld.idx.msk [tilespmem:v23+s3+$0x0], $0xffff  }
0x4b8: {  	[tilespmem:v39+s16+$0x0] =	vst.idx.add.f32.msk $0xffff, v0;
	v45 =	vmul.f32 v41, v6  }
0x4b9: {  	v44 =	vadd.s32 $0x7, v10;
	v1 =	vld.idx.msk [tilespmem:v40+s3+$0x0], $0xffff  }
0x4ba: {  	v46 =	vadd.s32 $0x8, v11;
	[tilespmem:v42+s16+$0x0] =	vst.idx.add.f32.msk $0xffff, v45  }
0x4bb: {  	v47 =	vadd.s32 $0x7, v14;
	v15 =	vld.idx.msk [tilespmem:v15+s3+$0x0], $0xffff  }
0x4bc: {  	v49 =	vadd.s32 $0x8, v13;
	v48 =	vmul.f32 v43, v6  }
0x4bd: {  	v51 =	vadd.s32 $0x7, v18  }
0x4be: {  	v52 =	vadd.s32 $0x8, v17;
	[tilespmem:v44+s16+$0x0] =	vst.idx.add.f32.msk $0xffff, v48;
	v50 =	vmul.f32 v1, v6  }
0x4bf: {  	v3 =	vld.idx.msk [tilespmem:v46+s3+$0x0], $0xffff  }
0x4c0: {  	[tilespmem:v47+s16+$0x0] =	vst.idx.add.f32.msk $0xffff, v50;
	v54 =	vmul.f32 v15, v6  }
0x4c1: {  	v53 =	vadd.s32 $0x8, v10;
	v2 =	vld.idx.msk [tilespmem:v49+s3+$0x0], $0xffff  }
0x4c2: {  	v55 =	vadd.s32 $0x9, v11;
	[tilespmem:v51+s16+$0x0] =	vst.idx.add.f32.msk $0xffff, v54  }
0x4c3: {  	v56 =	vadd.s32 $0x8, v14;
	v4 =	vld.idx.msk [tilespmem:v52+s3+$0x0], $0xffff  }
0x4c4: {  	v57 =	vadd.s32 $0x9, v13;
	[tilespmem:v21+s16+$0x0] =	vst.idx.add.f32.msk $0xffff, v22;
	v3 =	vmul.f32 v3, v6  }
0x4c5: {  	v59 =	vadd.s32 $0x8, v18;
	v62 =	vld.idx.msk [tilespmem:v20+s3+$0x0], $0xffff  }
0x4c6: {  	v60 =	vadd.s32 $0x9, v17;
	[tilespmem:v53+s16+$0x0] =	vst.idx.add.f32.msk $0xffff, v3;
	v58 =	vmul.f32 v2, v6  }
0x4c7: {  	v16 =	vadd.s32 $0xA, v8;
	v3 =	vld.idx.msk [tilespmem:v55+s3+$0x0], $0xffff  }
0x4c8: {  	v61 =	vadd.s32 $0xB, v9;
	[tilespmem:v56+s16+$0x0] =	vst.idx.add.f32.msk $0xffff, v58;
	v4 =	vmul.f32 v4, v6  }
0x4c9: {  	v63 =	vadd.s32 $0x9, v10;
	v5 =	vld.idx.msk [tilespmem:v57+s3+$0x0], $0xffff  }
0x4ca: {  	v24 =	vadd.s32 $0xA, v11;
	v19 =	vmul.f32 v19, v6;
	[tilespmem:v59+s16+$0x0] =	vst.idx.add.f32.msk $0xffff, v4  }
0x4cb: {  	v25 =	vadd.s32 $0x9, v14;
	v15 =	vld.idx.msk [tilespmem:v60+s3+$0x0], $0xffff  }
0x4cc: {  	v26 =	vadd.s32 $0xA, v13;
	[tilespmem:v16+s16+$0x0] =	vst.idx.add.f32.msk $0xffff, v19;
	v3 =	vmul.f32 v3, v6  }
0x4cd: {  	v27 =	vadd.s32 $0x9, v18;
	v0 =	vld.idx.msk [tilespmem:v61+s3+$0x0], $0xffff  }
0x4ce: {  	v29 =	vadd.s32 $0xA, v17;
	[tilespmem:v63+s16+$0x0] =	vst.idx.add.f32.msk $0xffff, v3;
	v28 =	vmul.f32 v5, v6  }
0x4cf: {  	v30 =	vadd.s32 $0xE, v7;
	v2 =	vld.idx.msk [tilespmem:v24+s3+$0x0], $0xffff  }
0x4d0: {  	v12 =	vadd.s32 $0xF, v12;
	[tilespmem:v25+s16+$0x0] =	vst.idx.add.f32.msk $0xffff, v28;
	v31 =	vmul.f32 v15, v6  }
0x4d1: {  	v32 =	vadd.s32 $0xA, v10;
	v33 =	vld.idx.msk [tilespmem:v26+s3+$0x0], $0xffff  }
0x4d2: {  	v34 =	vadd.s32 $0xB, v11;
	v1 =	vmul.f32 v62, v6;
	[tilespmem:v27+s16+$0x0] =	vst.idx.add.f32.msk $0xffff, v31  }
0x4d3: {  	v35 =	vadd.s32 $0xA, v14;
	v5 =	vld.idx.msk [tilespmem:v29+s3+$0x0], $0xffff  }
0x4d4: {  	v37 =	vadd.s32 $0xB, v13;
	[tilespmem:v30+s16+$0x0] =	vst.idx.add.f32.msk $0xffff, v1;
	v36 =	vmul.f32 v2, v6  }
0x4d5: {  	v38 =	vadd.s32 $0xA, v18;
	v12 =	vld.idx.msk [tilespmem:v12+s3+$0x0], $0xffff  }
0x4d6: {  	v40 =	vadd.s32 $0xB, v17;
	[tilespmem:v32+s16+$0x0] =	vst.idx.add.f32.msk $0xffff, v36;
	v39 =	vmul.f32 v33, v6  }
0x4d7: {  	v41 =	vadd.s32 $0xB, v8;
	v16 =	vld.idx.msk [tilespmem:v34+s3+$0x0], $0xffff  }
0x4d8: {  	v42 =	vadd.s32 $0xC, v9;
	[tilespmem:v35+s16+$0x0] =	vst.idx.add.f32.msk $0xffff, v39;
	v43 =	vmul.f32 v5, v6  }
0x4d9: {  	v44 =	vadd.s32 $0xB, v10;
	v2 =	vld.idx.msk [tilespmem:v37+s3+$0x0], $0xffff  }
0x4da: {  	v0 =	vmul.f32 v0, v6;
	v45 =	vadd.s32 $0xC, v11;
	[tilespmem:v38+s16+$0x0] =	vst.idx.add.f32.msk $0xffff, v43  }
0x4db: {  	v46 =	vadd.s32 $0xB, v14;
	v4 =	vld.idx.msk [tilespmem:v40+s3+$0x0], $0xffff  }
0x4dc: {  	v48 =	vadd.s32 $0xC, v13;
	[tilespmem:v41+s16+$0x0] =	vst.idx.add.f32.msk $0xffff, v0;
	v47 =	vmul.f32 v16, v6  }
0x4dd: {  	v50 =	vadd.s32 $0xB, v18;
	v49 =	vld.idx.msk [tilespmem:v42+s3+$0x0], $0xffff  }
0x4de: {  	v52 =	vadd.s32 $0xC, v17;
	[tilespmem:v44+s16+$0x0] =	vst.idx.add.f32.msk $0xffff, v47;
	v51 =	vmul.f32 v2, v6  }
0x4df: {  	v53 =	vadd.s32 $0xC, v8;
	v5 =	vld.idx.msk [tilespmem:v45+s3+$0x0], $0xffff  }
0x4e0: {  	v54 =	vadd.s32 $0xD, v9;
	[tilespmem:v46+s16+$0x0] =	vst.idx.add.f32.msk $0xffff, v51;
	v55 =	vmul.f32 v4, v6  }
0x4e1: {  	v56 =	vadd.s32 $0xC, v10;
	v57 =	vld.idx.msk [tilespmem:v48+s3+$0x0], $0xffff  }
0x4e2: {  	v58 =	vmul.f32 v49, v6;
	v59 =	vadd.s32 $0xD, v11;
	[tilespmem:v50+s16+$0x0] =	vst.idx.add.f32.msk $0xffff, v55  }
0x4e3: {  	v60 =	vadd.s32 $0xC, v14;
	v2 =	vld.idx.msk [tilespmem:v52+s3+$0x0], $0xffff  }
0x4e4: {  	v62 =	vadd.s32 $0xD, v13;
	[tilespmem:v53+s16+$0x0] =	vst.idx.add.f32.msk $0xffff, v58;
	v61 =	vmul.f32 v5, v6  }
0x4e5: {  	v63 =	vadd.s32 $0xC, v18;
	v15 =	vld.idx.msk [tilespmem:v54+s3+$0x0], $0xffff  }
0x4e6: {  	v25 =	vadd.s32 $0xD, v17;
	[tilespmem:v56+s16+$0x0] =	vst.idx.add.f32.msk $0xffff, v61;
	v24 =	vmul.f32 v57, v6  }
0x4e7: {  	v26 =	vadd.s32 $0xD, v8;
	v16 =	vld.idx.msk [tilespmem:v59+s3+$0x0], $0xffff  }
0x4e8: {  	v27 =	vadd.s32 $0xE, v9;
	[tilespmem:v60+s16+$0x0] =	vst.idx.add.f32.msk $0xffff, v24;
	v28 =	vmul.f32 v2, v6  }
0x4e9: {  	v29 =	vadd.s32 $0xD, v10;
	v30 =	vld.idx.msk [tilespmem:v62+s3+$0x0], $0xffff  }
0x4ea: {  	v32 =	vadd.s32 $0xE, v11;
	v31 =	vmul.f32 v15, v6;
	[tilespmem:v63+s16+$0x0] =	vst.idx.add.f32.msk $0xffff, v28  }
0x4eb: {  	v33 =	vadd.s32 $0xD, v14;
	v3 =	vld.idx.msk [tilespmem:v25+s3+$0x0], $0xffff  }
0x4ec: {  	v35 =	vadd.s32 $0xE, v13;
	[tilespmem:v26+s16+$0x0] =	vst.idx.add.f32.msk $0xffff, v31;
	v34 =	vmul.f32 v16, v6  }
0x4ed: {  	v37 =	vadd.s32 $0xD, v18;
	v36 =	vld.idx.msk [tilespmem:v27+s3+$0x0], $0xffff  }
0x4ee: {  	v39 =	vadd.s32 $0xE, v17;
	[tilespmem:v29+s16+$0x0] =	vst.idx.add.f32.msk $0xffff, v34;
	v38 =	vmul.f32 v30, v6  }
0x4ef: {  	v40 =	vadd.s32 $0xE, v8;
	v15 =	vld.idx.msk [tilespmem:v32+s3+$0x0], $0xffff  }
0x4f0: {  	v41 =	vadd.s32 $0xF, v9;
	[tilespmem:v33+s16+$0x0] =	vst.idx.add.f32.msk $0xffff, v38;
	v42 =	vmul.f32 v3, v6  }
0x4f1: {  	v43 =	vadd.s32 $0xE, v10;
	v44 =	vld.idx.msk [tilespmem:v35+s3+$0x0], $0xffff  }
0x4f2: {  	v46 =	vadd.s32 $0xF, v11;
	v45 =	vmul.f32 v36, v6;
	[tilespmem:v37+s16+$0x0] =	vst.idx.add.f32.msk $0xffff, v42  }
0x4f3: {  	v47 =	vadd.s32 $0xE, v14;
	v2 =	vld.idx.msk [tilespmem:v39+s3+$0x0], $0xffff  }
0x4f4: {  	v49 =	vadd.s32 $0xF, v13;
	[tilespmem:v40+s16+$0x0] =	vst.idx.add.f32.msk $0xffff, v45;
	v48 =	vmul.f32 v15, v6  }
0x4f5: {  	v9 =	vld.idx.msk [tilespmem:v41+s3+$0x0], $0xffff;
	v50 =	vadd.s32 $0xE, v18  }
0x4f6: {  	v52 =	vadd.s32 $0xF, v17;
	[tilespmem:v43+s16+$0x0] =	vst.idx.add.f32.msk $0xffff, v48;
	v51 =	vmul.f32 v44, v6  }
0x4f7: {  	v4 =	vld.idx.msk [tilespmem:v46+s3+$0x0], $0xffff  }
0x4f8: {  	[tilespmem:v47+s16+$0x0] =	vst.idx.add.f32.msk $0xffff, v51;
	v53 =	vmul.f32 v2, v6  }
0x4f9: {  	v54 =	vadd.s32 $0xF, v7;
	v55 =	vld.idx.msk [tilespmem:v49+s3+$0x0], $0xffff  }
0x4fa: {  	v56 =	vadd.s32 $0xF, v8;
	[tilespmem:v50+s16+$0x0] =	vst.idx.add.f32.msk $0xffff, v53  }
0x4fb: {  	v57 =	vadd.s32 $0xF, v10;
	v3 =	vld.idx.msk [tilespmem:v52+s3+$0x0], $0xffff  }
0x4fc: {  	v58 =	vmul.f32 v12, v6;
	v59 =	vadd.s32 $0xF, v14  }
0x4fd: {  	v60 =	vadd.s32 $0xF, v18;
	v9 =	vmul.f32 v9, v6  }
0x4fe: {  	[tilespmem:v54+s16+$0x0] =	vst.idx.add.f32.msk $0xffff, v58;
	v61 =	vmul.f32 v4, v6  }
0x4ff: {  	[tilespmem:v56+s16+$0x0] =	vst.idx.add.f32.msk $0xffff, v9;
	v2 =	vmul.f32 v55, v6  }
0x500: {  	[tilespmem:v57+s16+$0x0] =	vst.idx.add.f32.msk $0xffff, v61;
	v62 =	vmul.f32 v3, v6  }
0x501: {  	[tilespmem:v59+s16+$0x0] =	vst.idx.add.f32.msk $0xffff, v2  }
0x502: {  	s18 =	simm.s32 $0x0;
	[tilespmem:v60+s16+$0x0] =	vst.idx.add.f32.msk $0xffff, v62  }
0x503: {  	[hbm4b:s7+s18] =	stream.linear.scatter [tilespmem:s16], [sflag:$0x1], $0x89B8, $0x38;
	[tilespmem:$0x1A880] =	vst v63  }
0x504: {  	_ =	swait.ge [sflag:s12], $0x89B8  }
0x505: {  	[sflag:s12] =	ssyncset.done $0x0  }
0x506: {  	[sflag:s12] =	ssyncadd.s32 $0xFFFF7648  }
0x507: {  	[tilespmem:s18], [sflag:$0x1] =	stream.linear.gather [hbm4b:s8+s18], $0x11050, $0x38;
	[tilespmem:$0x1A880] =	vst v63  }
0x508: {  	_ =	swait.ge [sflag:s12], $0x11050  }
0x509: {  	v63 =	vimm.f32 $-1.000000020e+30;
	[sflag:s12] =	ssyncset.done $0x0  }
0x50a: {  	s19 =	simm.s32 $0x0;
	[tilespmem:$0x1FF80] =	vst v63;
	[sflag:s12] =	ssyncadd.s32 $0xFFFEEFB0  }
.LBB2_22:
0x50b: {  	s20 =	sshll.u32 s19, $0x4  }
0x50c: {  	v0 =	vld [tilespmem:s20+$0x19A80]  }
0x50d: {  	v1 =	vld [tilespmem:s20+$0x19D80]  }
0x50e: {  	v2 =	vld [tilespmem:$0x1FFD0]  }
0x50f: {  	v4 =	vld [tilespmem:$0x1FFE0];
	_ =	sdelay $0x1  }
0x510: {  	v0 =	vmul.u32 $0xE3, v0  }
0x511: {  	v1 =	vmul.u32 $0xE3, v1  }
0x512: {  	v7 =	vadd.s32 v2, v0  }
0x513: {  	v8 =	vadd.s32 v4, v1;
	v0 =	vadd.s32 s18, v7  }
0x514: {  	v4 =	vadd.s32 s18, v8  }
0x515: {  	v61 =	vadd.s32 $0x2, v0  }
0x516: {  	s21 =	simm.s32 $0x1A080;
	v3 =	vadd.s32 $0x8, v0  }
0x517: {  	v5 =	vld [tilespmem:s21+$0x0];
	v62 =	vadd.s32 $0x7, v0  }
0x518: {  	v10 =	vadd.s32 $0xB, v0;
	v9 =	vld.idx.msk [tilespmem:v0+s3+$0x0], $0xffff  }
0x519: {  	v11 =	vadd.s32 $0xF, v0;
	v15 =	vld.idx.msk [tilespmem:v4+s3+$0x0], $0xffff  }
0x51a: {  	v12 =	vadd.s32 $0xF, v4;
	v2 =	vld.idx.msk [tilespmem:v61+s3+$0x0], $0xffff  }
0x51b: {  	v13 =	vadd.s32 $0xE, v0;
	v3 =	vld.idx.msk [tilespmem:v3+s3+$0x0], $0xffff  }
0x51c: {  	v14 =	vadd.s32 $0xA, v0;
	v1 =	vld.idx.msk [tilespmem:v62+s3+$0x0], $0xffff  }
0x51d: {  	v16 =	vadd.s32 $0x9, v4;
	v17 =	vld.idx.msk [tilespmem:v10+s3+$0x0], $0xffff  }
0x51e: {  	v18 =	vadd.s32 $0xC, v4;
	v11 =	vld.idx.msk [tilespmem:v11+s3+$0x0], $0xffff  }
0x51f: {  	v19 =	vadd.s32 $0x5, v4;
	v12 =	vld.idx.msk [tilespmem:v12+s3+$0x0], $0xffff  }
0x520: {  	v20 =	vadd.s32 $0xB, v4;
	v13 =	vld.idx.msk [tilespmem:v13+s3+$0x0], $0xffff  }
0x521: {  	v31 =	vbroadcast v5, $0x0;
	v42 =	vbroadcast v5, $0xA;
	v24 =	vadd.s32 $0xD, v4;
	v14 =	vld.idx.msk [tilespmem:v14+s3+$0x0], $0xffff  }
0x522: {  	v43 =	vbroadcast v5, $0x4;
	v44 =	vbroadcast v5, $0x7;
	v26 =	vadd.s32 $0x8, v4;
	v16 =	vld.idx.msk [tilespmem:v16+s3+$0x0], $0xffff  }
0x523: {  	v63 =	vbroadcast v5, $0x9;
	v45 =	vbroadcast v5, $0x1;
	v28 =	vadd.s32 $0x7, v4;
	v18 =	vld.idx.msk [tilespmem:v18+s3+$0x0], $0xffff  }
0x524: {  	s31 =	simm.s32 $0x10;
	v46 =	vbroadcast v5, $0x2;
	v53 =	vbroadcast v5, $0xB;
	v35 =	vadd.s32 $0xD, v0;
	v19 =	vld.idx.msk [tilespmem:v19+s3+$0x0], $0xffff  }
0x525: {  	v47 =	vadd.s32 s31, v8;
	v21 =	vadd.s32 $0xC, v0;
	v22 =	vadd.s32 $0xE, v4;
	v20 =	vld.idx.msk [tilespmem:v20+s3+$0x0], $0xffff  }
0x526: {  	v23 =	vadd.s32 $0x3, v0;
	v25 =	vadd.s32 $0x6, v0;
	v34 =	vadd.s32 $0x1, v4;
	v38 =	vld.idx.msk [tilespmem:v24+s3+$0x0], $0xffff  }
0x527: {  	v27 =	vadd.s32 $0x6, v4;
	v30 =	vadd.s32 $0x1, v0;
	v32 =	vadd.s32 $0xA, v4;
	v40 =	vld.idx.msk [tilespmem:v26+s3+$0x0], $0xffff  }
0x528: {  	v36 =	vadd.s32 $0x4, v0;
	v37 =	vadd.s32 $0x4, v4;
	v55 =	vadd.s32 $0xC, v47;
	v28 =	vld.idx.msk [tilespmem:v28+s3+$0x0], $0xffff  }
0x529: {  	v59 =	vadd.s32 $0xB, v47;
	v35 =	vld.idx.msk [tilespmem:v35+s3+$0x0], $0xffff;
	v9 =	vadd.f32 v15, v9;
	v15 =	vadd.s32 $0x5, v0  }
0x52a: {  	v60 =	vadd.s32 $0x8, v47;
	v10 =	vimm.f32 $0.0e+00;
	v33 =	vld.idx.msk [tilespmem:v21+s3+$0x0], $0xffff;
	v0 =	vadd.s32 $0x9, v0  }
0x52b: {  	v34 =	vld.idx.msk [tilespmem:v34+s3+$0x0], $0xffff;
	v11 =	vadd.f32 v12, v11;
	v12 =	vadd.s32 $0x2, v4;
	v29 =	vmul.f32 $2.000000030e-01, v9  }
0x52c: {  	v24 =	vbroadcast v5, $0x8;
	v26 =	vbroadcast v5, $0xE;
	v23 =	vld.idx.msk [tilespmem:v23+s3+$0x0], $0xffff;
	v4 =	vadd.s32 $0x3, v4  }
0x52d: {  	v3 =	vadd.f32 v40, v3;
	v17 =	vadd.f32 v20, v17;
	v9 =	vmax.f32 v9, v29;
	v29 =	vld.idx.msk [tilespmem:v22+s3+$0x0], $0xffff  }
0x52e: {  	v21 =	vbroadcast v5, $0x3;
	v1 =	vadd.f32 v28, v1;
	v38 =	vadd.f32 v38, v35;
	v39 =	vld.idx.msk [tilespmem:v15+s3+$0x0], $0xffff  }
0x52f: {  	v33 =	vadd.f32 v18, v33;
	v41 =	vmul.f32 $2.000000030e-01, v11;
	v28 =	vmul.f32 $2.000000030e-01, v3;
	v0 =	vld.idx.msk [tilespmem:v0+s3+$0x0], $0xffff  }
0x530: {  	v35 =	vadd.s32 $0x1, v47;
	v54 =	vmul.f32 $2.000000030e-01, v17;
	v9 =	vmul.f32 v9, v31;
	v12 =	vld.idx.msk [tilespmem:v12+s3+$0x0], $0xffff  }
0x531: {  	v22 =	vbroadcast v5, $0xD;
	v15 =	vbroadcast v5, $0xC;
	v11 =	vmax.f32 v11, v41;
	v4 =	vld.idx.msk [tilespmem:v4+s3+$0x0], $0xffff  }
0x532: {  	v3 =	vmax.f32 v3, v28;
	v17 =	vmax.f32 v17, v54;
	v31 =	vadd.f32 v9, v10;
	v9 =	vld.idx.msk [tilespmem:v30+s3+$0x0], $0xffff  }
0x533: {  	v20 =	vld.idx.msk [tilespmem:v32+s3+$0x0], $0xffff;
	v54 =	vadd.s32 $0x9, v47;
	v41 =	vadd.s32 $0x5, v47;
	v50 =	vmul.f32 v17, v53  }
0x534: {  	v3 =	vmul.f32 v3, v24;
	v30 =	vbroadcast v5, $0x6;
	v13 =	vadd.f32 v29, v13  }
0x535: {  	v29 =	vbroadcast v5, $0x5;
	v5 =	vbroadcast v5, $0xF;
	v19 =	vadd.f32 v19, v39  }
0x536: {  	v39 =	vmul.f32 $2.000000030e-01, v38;
	v0 =	vadd.f32 v16, v0;
	v2 =	vadd.f32 v12, v2  }
0x537: {  	v28 =	vmul.f32 $2.000000030e-01, v13;
	v4 =	vadd.f32 v4, v23;
	v34 =	vadd.f32 v34, v9  }
0x538: {  	v9 =	vmul.f32 v11, v5;
	v5 =	vmul.f32 $2.000000030e-01, v1;
	v11 =	vld.idx.msk [tilespmem:v27+s3+$0x0], $0xffff;
	v27 =	vadd.f32 v20, v14  }
0x539: {  	v14 =	vld.idx.msk [tilespmem:v36+s3+$0x0], $0xffff;
	v18 =	vmul.f32 $2.000000030e-01, v19;
	v36 =	vadd.s32 $0x7, v47;
	v38 =	vmax.f32 v38, v39  }
0x53a: {  	v20 =	vmul.f32 $2.000000030e-01, v2;
	v48 =	vmax.f32 v13, v28;
	v13 =	vmul.f32 $2.000000030e-01, v0  }
0x53b: {  	v12 =	vmul.f32 $2.000000030e-01, v34;
	v1 =	vmax.f32 v1, v5;
	v18 =	vmax.f32 v19, v18  }
0x53c: {  	v23 =	vmul.f32 $2.000000030e-01, v27;
	v2 =	vmax.f32 v2, v20;
	v40 =	vmul.f32 v18, v29  }
0x53d: {  	v57 =	vld.idx.msk [tilespmem:v47+s3+$0x0], $0xffff;
	v18 =	vadd.s32 s31, v7;
	v0 =	vmax.f32 v0, v13;
	v1 =	vmul.f32 v1, v44  }
0x53e: {  	v25 =	vld.idx.msk [tilespmem:v25+s3+$0x0], $0xffff;
	v12 =	vmax.f32 v34, v12;
	v34 =	vmul.f32 $2.000000030e-01, v33;
	v20 =	vadd.s32 $0x8, v18  }
0x53f: {  	v5 =	vld.idx.msk [tilespmem:v37+s3+$0x0], $0xffff;
	v19 =	vadd.s32 $0x7, v18;
	v17 =	vmul.f32 v12, v45;
	v12 =	vmul.f32 $2.000000030e-01, v4  }
0x540: {  	s21 =	simm.s32 $0x1A090;
	v32 =	vadd.s32 $0xE, v18;
	v28 =	vadd.s32 $0xB, v18;
	v6 =	vmax.f32 v27, v23;
	v27 =	vld.idx.msk [tilespmem:v55+s3+$0x0], $0xffff  }
0x541: {  	v37 =	vadd.s32 $0xF, v18;
	v49 =	vadd.s32 $0x6, v18;
	v4 =	vmax.f32 v4, v12;
	v12 =	vld [tilespmem:s21+$0x0]  }
0x542: {  	v51 =	vadd.s32 $0xC, v18;
	v2 =	vmul.f32 v2, v46;
	v52 =	vadd.s32 $0xA, v18;
	v46 =	vld.idx.msk [tilespmem:v18+s3+$0x0], $0xffff  }
0x543: {  	v29 =	vadd.s32 $0x1, v18;
	v58 =	vadd.s32 $0x5, v18;
	v0 =	vmul.f32 v0, v63;
	v20 =	vld.idx.msk [tilespmem:v20+s3+$0x0], $0xffff  }
0x544: {  	v16 =	vadd.f32 v11, v25;
	v11 =	vadd.s32 $0x3, v18;
	v45 =	vadd.s32 $0xF, v47;
	v19 =	vld.idx.msk [tilespmem:v19+s3+$0x0], $0xffff  }
0x545: {  	v6 =	vmul.f32 v6, v42;
	v2 =	vadd.f32 v2, v10;
	v33 =	vmax.f32 v33, v34;
	v28 =	vld.idx.msk [tilespmem:v28+s3+$0x0], $0xffff  }
0x546: {  	v5 =	vadd.f32 v5, v14;
	v14 =	vadd.s32 $0x2, v18;
	v25 =	vmul.f32 $2.000000030e-01, v16;
	v62 =	vld.idx.msk [tilespmem:v37+s3+$0x0], $0xffff  }
0x547: {  	v53 =	vadd.f32 v17, v10;
	v17 =	vadd.s32 $0x4, v47;
	v4 =	vmul.f32 v4, v21;
	v37 =	vld.idx.msk [tilespmem:v32+s3+$0x0], $0xffff  }
0x548: {  	v16 =	vmax.f32 v16, v25;
	v25 =	vadd.s32 $0xA, v47;
	v61 =	vmul.f32 $2.000000030e-01, v5;
	v23 =	vld.idx.msk [tilespmem:v52+s3+$0x0], $0xffff  }
0x549: {  	v52 =	vadd.s32 $0xD, v47;
	v32 =	vadd.s32 $0x3, v47;
	v21 =	vld.idx.msk [tilespmem:v49+s3+$0x0], $0xffff;
	v56 =	vmul.f32 v16, v30  }
0x54a: {  	v16 =	vadd.s32 $0x4, v18;
	v30 =	vadd.s32 $0x9, v18;
	v63 =	vld.idx.msk [tilespmem:v45+s3+$0x0], $0xffff;
	v45 =	vadd.s32 $0xD, v18  }
0x54b: {  	v49 =	vld.idx.msk [tilespmem:v58+s3+$0x0], $0xffff;
	v4 =	vadd.f32 v4, v10;
	v5 =	vmax.f32 v5, v61;
	v61 =	vadd.s32 $0xE, v47  }
0x54c: {  	v13 =	vld.idx.msk [tilespmem:v14+s3+$0x0], $0xffff;
	v14 =	vadd.s32 $0x6, v47;
	v5 =	vmul.f32 v5, v43;
	v2 =	vadd.f32 v56, v2  }
0x54d: {  	v18 =	vld.idx.msk [tilespmem:v54+s3+$0x0], $0xffff;
	v55 =	vbroadcast v12, $0x0;
	v1 =	vadd.f32 v1, v4;
	v4 =	vmul.f32 v38, v22  }
0x54e: {  	v43 =	vld.idx.msk [tilespmem:v41+s3+$0x0], $0xffff;
	v39 =	vadd.f32 v57, v46;
	v57 =	vadd.f32 v40, v53;
	v46 =	vadd.s32 $0x2, v47  }
0x54f: {  	v47 =	vld.idx.msk [tilespmem:v59+s3+$0x0], $0xffff;
	v2 =	vadd.f32 v6, v2;
	v5 =	vadd.f32 v5, v31;
	v6 =	vmul.f32 v48, v26  }
0x550: {  	v40 =	vld.idx.msk [tilespmem:v51+s3+$0x0], $0xffff;
	v31 =	vadd.f32 v50, v1;
	v56 =	vmul.f32 $2.000000030e-01, v39;
	v0 =	vadd.f32 v0, v57  }
0x551: {  	v44 =	vld.idx.msk [tilespmem:v52+s3+$0x0], $0xffff;
	v51 =	vadd.f32 v63, v62;
	v3 =	vadd.f32 v3, v5;
	v5 =	vmul.f32 v33, v15  }
0x552: {  	v50 =	vld.idx.msk [tilespmem:v60+s3+$0x0], $0xffff;
	v15 =	vadd.f32 v6, v2;
	v10 =	vmax.f32 v39, v56;
	v22 =	vadd.f32 v4, v0  }
0x553: {  	s22 =	simm.s32 $0x20;
	v48 =	vld.idx.msk [tilespmem:v61+s3+$0x0], $0xffff;
	v34 =	vmul.f32 v10, v55;
	v10 =	vbroadcast v12, $0xC;
	v38 =	vadd.f32 v5, v3  }
.LBB2_23:
0x554: {  	p0 =	sne.s32 s22, $0x60  }
0x555: {  	v0 =	vld.idx.msk [tilespmem:v36+s3+$0x0], $0xffff;
	v26 =	vbroadcast v12, $0x8;
	v24 =	vbroadcast v12, $0xD;
	s21 =	sadd.s32 $0x10, s21;
	v31 =	vadd.f32 v9, v31;
	s23 =	smov.u32 s22;
	s22 =	sadd.s32 $0x10, s22  }
0x556: {  	v33 =	vbroadcast v12, $0xE;
	v1 =	vld.idx.msk [tilespmem:v45+s3+$0x0], $0xffff;
	v2 =	vmul.f32 $2.000000030e-01, v51  }
0x557: {  	v39 =	vbroadcast v12, $0xA;
	v34 =	vadd.f32 v34, v38;
	v38 =	vbroadcast v12, $0x3;
	v3 =	vld.idx.msk [tilespmem:v25+s3+$0x0], $0xffff  }
0x558: {  	v42 =	vbroadcast v12, $0x4;
	v41 =	vbroadcast v12, $0x7;
	v4 =	vld.idx.msk [tilespmem:v29+s3+$0x0], $0xffff;
	v2 =	vmax.f32 v51, v2  }
0x559: {  	v6 =	vbroadcast v12, $0x6;
	v5 =	vld.idx.msk [tilespmem:v35+s3+$0x0], $0xffff;
	v35 =	vbroadcast v12, $0x9  }
0x55a: {  	v36 =	vbroadcast v12, $0x2;
	v25 =	vbroadcast v12, $0x1;
	v9 =	vadd.f32 v50, v20;
	v29 =	vld.idx.msk [tilespmem:v46+s3+$0x0], $0xffff  }
0x55b: {  	v28 =	vadd.f32 v47, v28;
	v37 =	vadd.f32 v48, v37;
	v20 =	vld.idx.msk [tilespmem:v30+s3+$0x0], $0xffff;
	v30 =	vbroadcast v12, $0xB  }
0x55c: {  	v0 =	vadd.f32 v0, v19;
	v19 =	vmul.f32 $2.000000030e-01, v9;
	v1 =	vadd.f32 v44, v1  }
0x55d: {  	v45 =	vbroadcast v12, $0x5;
	v43 =	vadd.f32 v43, v49;
	v12 =	vbroadcast v12, $0xF;
	v11 =	vld.idx.msk [tilespmem:v11+s3+$0x0], $0xffff  }
0x55e: {  	v46 =	vmul.f32 $2.000000030e-01, v28;
	v47 =	vmul.f32 $2.000000030e-01, v1;
	v14 =	vld.idx.msk [tilespmem:v14+s3+$0x0], $0xffff  }
0x55f: {  	v44 =	vmax.f32 v9, v19;
	v9 =	vmul.f32 v2, v12;
	v4 =	vadd.f32 v5, v4;
	v5 =	vld.idx.msk [tilespmem:v32+s3+$0x0], $0xffff  }
0x560: {  	v3 =	vadd.f32 v3, v23;
	v2 =	vadd.f32 v29, v13;
	v13 =	vmul.f32 $2.000000030e-01, v0;
	v12 =	vld.idx.msk [tilespmem:v16+s3+$0x0], $0xffff  }
0x561: {  	v40 =	vadd.f32 v27, v40;
	v19 =	vmul.f32 $2.000000030e-01, v43;
	v16 =	vmul.f32 $2.000000030e-01, v4;
	v17 =	vld.idx.msk [tilespmem:v17+s3+$0x0], $0xffff  }
0x562: {  	v23 =	vmul.f32 $2.000000030e-01, v2;
	v0 =	vmax.f32 v0, v13;
	v13 =	vmax.f32 v28, v46  }
0x563: {  	v46 =	vmul.f32 $2.000000030e-01, v40;
	v4 =	vmax.f32 v4, v16;
	v16 =	vmul.f32 $2.000000030e-01, v37  }
0x564: {  	v19 =	vmax.f32 v43, v19;
	v18 =	vadd.f32 v18, v20;
	v2 =	vmax.f32 v2, v23  }
0x565: {  	v48 =	vmul.f32 v19, v45;
	v5 =	vadd.f32 v5, v11;
	v49 =	vmax.f32 v37, v16  }
0x566: {  	v50 =	vmul.f32 v13, v30;
	v14 =	vadd.f32 v14, v21;
	v16 =	vmul.f32 $2.000000030e-01, v18  }
0x567: {  	v4 =	vmul.f32 v4, v25;
	v13 =	vmul.f32 $2.000000030e-01, v5;
	v21 =	vadd.f32 v17, v12  }
0x568: {  	v27 =	vmul.f32 $2.000000030e-01, v3;
	v43 =	vadd.s32 s23, v8;
	v23 =	vadd.s32 s23, v7  }
0x569: {  	v11 =	vadd.s32 $0x3, v23;
	v17 =	vadd.s32 $0x2, v23;
	v5 =	vmax.f32 v5, v13  }
0x56a: {  	v19 =	vadd.s32 $0x7, v23;
	v20 =	vadd.s32 $0x8, v23;
	v16 =	vmax.f32 v18, v16  }
0x56b: {  	v30 =	vadd.s32 $0xF, v23;
	v25 =	vmul.f32 $2.000000030e-01, v14;
	v18 =	vadd.s32 $0xE, v23  }
0x56c: {  	v51 =	vadd.s32 $0x6, v23;
	v52 =	vadd.s32 $0xC, v23;
	v2 =	vmul.f32 v2, v36;
	v12 =	vld [tilespmem:s21+$0x0]  }
0x56d: {  	v53 =	vadd.s32 $0xA, v23;
	v28 =	vadd.s32 $0xB, v23;
	v4 =	vadd.f32 v4, v22;
	v32 =	vld.idx.msk [tilespmem:v23+s3+$0x0], $0xffff  }
0x56e: {  	v54 =	vadd.s32 $0xC, v43;
	v22 =	vadd.s32 $0x9, v43;
	v13 =	vld.idx.msk [tilespmem:v17+s3+$0x0], $0xffff;
	v17 =	vmax.f32 v14, v25  }
0x56f: {  	v36 =	vadd.s32 $0x7, v43;
	v37 =	vadd.s32 $0xF, v43;
	v14 =	vadd.s32 $0x6, v43;
	v20 =	vld.idx.msk [tilespmem:v20+s3+$0x0], $0xffff  }
0x570: {  	v29 =	vadd.s32 $0x1, v23;
	v25 =	vadd.s32 $0xA, v43;
	v6 =	vmul.f32 v17, v6;
	v19 =	vld.idx.msk [tilespmem:v19+s3+$0x0], $0xffff  }
0x571: {  	v57 =	vadd.s32 $0xB, v43;
	v56 =	vadd.s32 $0x5, v23;
	v58 =	vmul.f32 v16, v35;
	v55 =	vld.idx.msk [tilespmem:v43+s3+$0x0], $0xffff  }
0x572: {  	v59 =	vadd.s32 $0x5, v43;
	v60 =	vadd.s32 $0x8, v43;
	v61 =	vmul.f32 $2.000000030e-01, v21;
	v28 =	vld.idx.msk [tilespmem:v28+s3+$0x0], $0xffff  }
0x573: {  	v2 =	vadd.f32 v2, v15;
	v35 =	vadd.s32 $0x1, v43;
	v16 =	vadd.s32 $0x4, v23;
	v62 =	vld.idx.msk [tilespmem:v30+s3+$0x0], $0xffff  }
0x574: {  	v3 =	vmax.f32 v3, v27;
	v17 =	vadd.s32 $0x4, v43;
	v30 =	vadd.s32 $0x9, v23;
	v63 =	vld.idx.msk [tilespmem:v37+s3+$0x0], $0xffff  }
0x575: {  	v45 =	vadd.s32 $0xD, v23;
	v15 =	vadd.s32 $0xE, v43;
	v37 =	vld.idx.msk [tilespmem:v18+s3+$0x0], $0xffff;
	v18 =	vmax.f32 v21, v61  }
0x576: {  	v1 =	vmax.f32 v1, v47;
	v23 =	vld.idx.msk [tilespmem:v53+s3+$0x0], $0xffff;
	v53 =	vadd.s32 $0xD, v43;
	v42 =	vmul.f32 v18, v42  }
0x577: {  	v0 =	vmul.f32 v0, v41;
	v2 =	vadd.f32 v6, v2;
	v55 =	vadd.f32 v55, v32;
	v18 =	vld.idx.msk [tilespmem:v22+s3+$0x0], $0xffff  }
0x578: {  	v3 =	vmul.f32 v3, v39;
	v6 =	vmax.f32 v40, v46;
	v32 =	vadd.s32 $0x3, v43;
	v27 =	vld.idx.msk [tilespmem:v54+s3+$0x0], $0xffff  }
0x579: {  	v5 =	vmul.f32 v5, v38;
	v46 =	vadd.s32 $0x2, v43;
	v22 =	vbroadcast v12, $0x0;
	v43 =	vld.idx.msk [tilespmem:v59+s3+$0x0], $0xffff  }
0x57a: {  	v4 =	vadd.f32 v48, v4;
	v2 =	vadd.f32 v3, v2;
	v38 =	vmul.f32 $2.000000030e-01, v55;
	v21 =	vld.idx.msk [tilespmem:v51+s3+$0x0], $0xffff  }
0x57b: {  	v3 =	vadd.f32 v5, v31;
	v31 =	vmul.f32 v49, v33;
	v5 =	vadd.f32 v42, v34;
	v47 =	vld.idx.msk [tilespmem:v57+s3+$0x0], $0xffff  }
.Ltmp10:
0x57c: {  	v26 =	vmul.f32 v44, v26;
	v4 =	vadd.f32 v58, v4;
	v33 =	vmax.f32 v55, v38;
	v40 =	vld.idx.msk [tilespmem:v52+s3+$0x0], $0xffff;
	(pc) =	sbr.rel @p0 .LBB2_23-.Ltmp10, $4  }
0x57d: {  	v1 =	vmul.f32 v1, v24;
	v0 =	vadd.f32 v0, v3;
	v34 =	vmul.f32 v33, v22;
	v48 =	vld.idx.msk [tilespmem:v15+s3+$0x0], $0xffff  }
0x57e: {  	v3 =	vadd.f32 v26, v5;
	v5 =	vmul.f32 v6, v10;
	v15 =	vadd.f32 v31, v2;
	v44 =	vld.idx.msk [tilespmem:v53+s3+$0x0], $0xffff  }
0x57f: {  	v22 =	vadd.f32 v1, v4;
	v31 =	vadd.f32 v50, v0;
	v49 =	vld.idx.msk [tilespmem:v56+s3+$0x0], $0xffff  }
0x580: {  	v10 =	vbroadcast v12, $0xC;
	v51 =	vadd.f32 v63, v62;
	v38 =	vadd.f32 v5, v3;
	v50 =	vld.idx.msk [tilespmem:v60+s3+$0x0], $0xffff  }
0x581: {  	_ =	sdelay $0x3  }
0x582: {  	v0 =	vld.idx.msk [tilespmem:v36+s3+$0x0], $0xffff  }
0x583: {  	v2 =	vld.idx.msk [tilespmem:v45+s3+$0x0], $0xffff  }
0x584: {  	v1 =	vbroadcast v12, $0x8;
	v4 =	vbroadcast v12, $0xD;
	v7 =	vld.idx.msk [tilespmem:v29+s3+$0x0], $0xffff  }
0x585: {  	v6 =	vbroadcast v12, $0xE;
	v24 =	vbroadcast v12, $0x3;
	v8 =	vld.idx.msk [tilespmem:v35+s3+$0x0], $0xffff  }
0x586: {  	v5 =	vadd.f32 v9, v31;
	v26 =	vbroadcast v12, $0xA;
	v29 =	vbroadcast v12, $0x4;
	v33 =	vld.idx.msk [tilespmem:v46+s3+$0x0], $0xffff  }
0x587: {  	v28 =	vadd.f32 v47, v28;
	v31 =	vbroadcast v12, $0x7;
	v25 =	vld.idx.msk [tilespmem:v25+s3+$0x0], $0xffff;
	v42 =	vbroadcast v12, $0x6  }
0x588: {  	v45 =	vbroadcast v12, $0x9;
	v30 =	vld.idx.msk [tilespmem:v30+s3+$0x0], $0xffff;
	v46 =	vbroadcast v12, $0xB;
	v27 =	vadd.f32 v27, v40  }
0x589: {  	v14 =	vld.idx.msk [tilespmem:v14+s3+$0x0], $0xffff;
	v3 =	vmul.f32 $2.000000030e-01, v51;
	v63 =	vadd.f32 v48, v37;
	v43 =	vadd.f32 v43, v49  }
0x58a: {  	v11 =	vld.idx.msk [tilespmem:v11+s3+$0x0], $0xffff;
	v20 =	vadd.f32 v50, v20;
	v50 =	vmul.f32 $2.000000030e-01, v27;
	v0 =	vadd.f32 v0, v19  }
0x58b: {  	v32 =	vld.idx.msk [tilespmem:v32+s3+$0x0], $0xffff;
	v2 =	vadd.f32 v44, v2;
	v44 =	vbroadcast v12, $0xF;
	v7 =	vadd.f32 v8, v7  }
0x58c: {  	v8 =	vbroadcast v12, $0x1;
	v13 =	vadd.f32 v33, v13;
	v23 =	vadd.f32 v25, v23  }
0x58d: {  	v16 =	vld.idx.msk [tilespmem:v16+s3+$0x0], $0xffff;
	v25 =	vmul.f32 $2.000000030e-01, v28;
	v48 =	vmul.f32 $2.000000030e-01, v43;
	v18 =	vadd.f32 v18, v30  }
0x58e: {  	v17 =	vld.idx.msk [tilespmem:v17+s3+$0x0], $0xffff;
	v30 =	vmul.f32 $2.000000030e-01, v63;
	v14 =	vadd.f32 v14, v21;
	v19 =	vmul.f32 $2.000000030e-01, v20  }
0x58f: {  	v3 =	vmax.f32 v51, v3;
	v39 =	vmul.f32 $2.000000030e-01, v7;
	v49 =	vmul.f32 $2.000000030e-01, v13  }
0x590: {  	v11 =	vadd.f32 v32, v11;
	v21 =	vmul.f32 $2.000000030e-01, v18;
	v52 =	vmul.f32 $2.000000030e-01, v14  }
0x591: {  	v19 =	vmax.f32 v20, v19;
	v20 =	vbroadcast v12, $0x2;
	v7 =	vmax.f32 v7, v39  }
0x592: {  	v13 =	vmax.f32 v13, v49;
	v7 =	vmul.f32 v7, v8;
	v8 =	vmul.f32 $2.000000030e-01, v11  }
0x593: {  	v16 =	vadd.f32 v17, v16;
	v3 =	vmul.f32 v3, v44;
	v13 =	vmul.f32 v13, v20  }
0x594: {  	v14 =	vmax.f32 v14, v52;
	v11 =	vmax.f32 v11, v8;
	v8 =	vmax.f32 v18, v21  }
0x595: {  	v51 =	vld [tilespmem:s20+$0x19A90];
	v14 =	vmul.f32 v14, v42;
	v20 =	vmul.f32 v8, v45;
	v8 =	vadd.f32 v13, v15  }
0x596: {  	v9 =	vadd.f32 v34, v38;
	v17 =	vmul.f32 $2.000000030e-01, v23;
	v18 =	vmul.f32 $2.000000030e-01, v16  }
0x597: {  	v47 =	vmul.f32 $2.000000030e-01, v0;
	v25 =	vmax.f32 v28, v25;
	v14 =	vadd.f32 v14, v8;
	v8 =	vld [tilespmem:$0x1FFD0]  }
0x598: {  	v28 =	vmul.f32 $2.000000030e-01, v2;
	v15 =	vmax.f32 v23, v17;
	v16 =	vmax.f32 v16, v18  }
0x599: {  	v33 =	vmax.f32 v43, v48;
	v13 =	vld [tilespmem:s20+$0x19D90];
	v15 =	vmul.f32 v15, v26;
	v16 =	vmul.f32 v16, v29  }
0x59a: {  	v30 =	vmax.f32 v63, v30;
	v12 =	vbroadcast v12, $0x5;
	v17 =	vmul.u32 $0xE3, v51  }
0x59b: {  	v0 =	vmax.f32 v0, v47;
	v14 =	vadd.f32 v15, v14;
	v15 =	vadd.f32 v16, v9;
	v9 =	vld [tilespmem:$0x1FFE0]  }
0x59c: {  	s21 =	simm.s32 $0x0;
	v12 =	vmul.f32 v33, v12;
	v7 =	vadd.f32 v7, v22;
	v8 =	vadd.s32 v8, v17  }
0x59d: {  	v2 =	vmax.f32 v2, v28;
	v11 =	vmul.f32 v11, v24;
	v18 =	vadd.s32 s21, v8  }
0x59e: {  	v7 =	vadd.f32 v12, v7;
	v12 =	vmul.u32 $0xE3, v13;
	v13 =	vadd.s32 $0x2, v18  }
0x59f: {  	v1 =	vmul.f32 v19, v1;
	v5 =	vadd.f32 v11, v5;
	v11 =	vadd.s32 $0x8, v18  }
0x5a0: {  	s22 =	simm.s32 $0x1A080;
	v0 =	vmul.f32 v0, v31;
	v9 =	vadd.s32 v9, v12;
	v12 =	vadd.s32 $0x7, v18  }
0x5a1: {  	v19 =	vld [tilespmem:s22+$0x0];
	v2 =	vmul.f32 v2, v4;
	v7 =	vadd.f32 v20, v7;
	v20 =	vadd.s32 $0xB, v18  }
0x5a2: {  	v25 =	vmul.f32 v25, v46;
	v0 =	vadd.f32 v0, v5;
	v54 =	vadd.s32 $0xF, v18;
	v53 =	vld.idx.msk [tilespmem:v18+s3+$0x0], $0xffff  }
0x5a3: {  	v2 =	vadd.f32 v2, v7;
	v17 =	vmax.f32 v27, v50;
	v7 =	vadd.s32 $0xE, v18;
	v13 =	vld.idx.msk [tilespmem:v13+s3+$0x0], $0xffff  }
0x5a4: {  	v6 =	vmul.f32 v30, v6;
	v10 =	vmul.f32 v17, v10;
	v17 =	vld.idx.msk [tilespmem:v11+s3+$0x0], $0xffff  }
0x5a5: {  	v1 =	vadd.f32 v1, v15;
	v0 =	vadd.f32 v25, v0;
	v55 =	vadd.s32 $0xA, v18;
	v12 =	vld.idx.msk [tilespmem:v12+s3+$0x0], $0xffff  }
0x5a6: {  	v6 =	vadd.f32 v6, v14;
	v58 =	vadd.s32 $0x5, v18;
	v22 =	vld.idx.msk [tilespmem:v20+s3+$0x0], $0xffff  }
0x5a7: {  	v0 =	vadd.f32 v3, v0;
	v27 =	vadd.s32 $0xD, v18;
	v1 =	vadd.f32 v10, v1;
	v4 =	vld.idx.msk [tilespmem:v54+s3+$0x0], $0xffff  }
0x5a8: {  	v30 =	vadd.s32 $0x1, v18;
	v23 =	vld.idx.msk [tilespmem:v7+s3+$0x0], $0xffff  }
0x5a9: {  	v63 =	vadd.s32 $0x4, v18;
	v0 =	vadd.f32 v0, v6;
	v1 =	vadd.f32 v2, v1;
	v7 =	vld [tilespmem:$0x1FFF0]  }
0x5aa: {  	v16 =	vadd.s32 s21, v9;
	v3 =	vld.idx.msk [tilespmem:v55+s3+$0x0], $0xffff  }
0x5ab: {  	v14 =	vadd.s32 $0x5, v16;
	v0 =	vadd.f32 v0, v1;
	v1 =	vld.idx.msk [tilespmem:v58+s3+$0x0], $0xffff  }
0x5ac: {  	v56 =	vadd.s32 $0xB, v16;
	v27 =	vld.idx.msk [tilespmem:v27+s3+$0x0], $0xffff  }
0x5ad: {  	v57 =	vmov s20;
	v61 =	vadd.s32 $0x1, v16;
	v30 =	vld.idx.msk [tilespmem:v30+s3+$0x0], $0xffff  }
0x5ae: {  	v47 =	vbroadcast v19, $0xE;
	v49 =	vbroadcast v19, $0x3;
	v29 =	vadd.s32 $0xC, v16;
	v35 =	vld.idx.msk [tilespmem:v63+s3+$0x0], $0xffff  }
0x5af: {  	s31 =	simm.s32 $0x10;
	v51 =	vbroadcast v19, $0x7;
	v52 =	vbroadcast v19, $0x1;
	v45 =	vadd.s32 $0x2, v16;
	v10 =	vld.idx.msk [tilespmem:v16+s3+$0x0], $0xffff  }
0x5b0: {  	v50 =	vbroadcast v19, $0xA;
	v42 =	vadd.s32 s31, v8;
	v11 =	vadd.s32 $0xF, v16;
	v14 =	vld.idx.msk [tilespmem:v14+s3+$0x0], $0xffff  }
0x5b1: {  	v24 =	vadd.s32 $0x3, v18;
	v25 =	vadd.s32 $0x6, v18;
	v60 =	vadd.s32 $0x6, v16;
	v2 =	vld.idx.msk [tilespmem:v56+s3+$0x0], $0xffff  }
0x5b2: {  	v26 =	vadd.s32 $0xC, v18;
	v15 =	vadd.s32 $0xE, v16;
	v59 =	vadd.s32 $0x8, v16;
	v33 =	vld.idx.msk [tilespmem:v61+s3+$0x0], $0xffff  }
0x5b3: {  	v21 =	vadd.s32 $0x7, v16;
	v28 =	vadd.s32 $0x9, v16;
	v20 =	vadd.s32 $0xD, v16;
	v29 =	vld.idx.msk [tilespmem:v29+s3+$0x0], $0xffff  }
0x5b4: {  	v62 =	vadd.s32 $0xA, v16;
	v44 =	vadd.s32 $0x4, v16;
	v18 =	vadd.s32 $0x9, v18;
	v37 =	vld.idx.msk [tilespmem:v45+s3+$0x0], $0xffff  }
0x5b5: {  	v54 =	vbroadcast v19, $0xB;
	v63 =	vadd.s32 $0x6, v42;
	v16 =	vadd.s32 $0x3, v16;
	v6 =	vld.idx.msk [tilespmem:v11+s3+$0x0], $0xffff  }
0x5b6: {  	v32 =	vld.idx.msk [tilespmem:v60+s3+$0x0], $0xffff;
	v60 =	vadd.s32 $0x8, v42;
	v61 =	vadd.s32 $0x7, v42;
	vm1 =	vlt.u32 v57, v7  }
0x5b7: {  	v11 =	vimm.f32 $0.0e+00;
	v7 =	vnsel vm1, $0xF149F2CA, v0;
	v5 =	vadd.f32 v10, v53;
	v0 =	vld.idx.msk [tilespmem:v59+s3+$0x0], $0xffff  }
0x5b8: {  	v31 =	vld.idx.msk [tilespmem:v20+s3+$0x0], $0xffff;
	v20 =	vbroadcast v19, $0x0;
	v57 =	vadd.s32 $0x2, v42;
	v2 =	vadd.f32 v2, v22  }
0x5b9: {  	v10 =	vld.idx.msk [tilespmem:v15+s3+$0x0], $0xffff;
	v22 =	vbroadcast v19, $0x4;
	v1 =	vadd.f32 v14, v1;
	v15 =	vmul.f32 $2.000000030e-01, v5  }
0x5ba: {  	v14 =	vbroadcast v19, $0xF;
	v30 =	vadd.f32 v33, v30;
	v4 =	vadd.f32 v6, v4;
	v6 =	vld.idx.msk [tilespmem:v21+s3+$0x0], $0xffff  }
0x5bb: {  	v28 =	vld.idx.msk [tilespmem:v28+s3+$0x0], $0xffff;
	v13 =	vadd.f32 v37, v13;
	v53 =	vmul.f32 $2.000000030e-01, v2;
	v5 =	vmax.f32 v5, v15  }
0x5bc: {  	v18 =	vld.idx.msk [tilespmem:v18+s3+$0x0], $0xffff;
	v15 =	vbroadcast v19, $0xC;
	v21 =	vbroadcast v19, $0x8;
	v0 =	vadd.f32 v0, v17  }
0x5bd: {  	v27 =	vadd.f32 v31, v27;
	v31 =	vbroadcast v19, $0x9;
	v17 =	vld.idx.msk [tilespmem:v62+s3+$0x0], $0xffff;
	v46 =	vmul.f32 $2.000000030e-01, v4  }
0x5be: {  	v16 =	vld.idx.msk [tilespmem:v16+s3+$0x0], $0xffff;
	v5 =	vmul.f32 v5, v20;
	v23 =	vadd.f32 v10, v23;
	v10 =	vmul.f32 $2.000000030e-01, v0  }
0x5bf: {  	v20 =	vbroadcast v19, $0xD;
	v4 =	vmax.f32 v4, v46;
	v6 =	vadd.f32 v6, v12;
	v12 =	vld.idx.msk [tilespmem:v26+s3+$0x0], $0xffff  }
0x5c0: {  	v2 =	vmax.f32 v2, v53;
	v0 =	vmax.f32 v0, v10;
	v10 =	vmul.f32 v4, v14;
	v14 =	vld.idx.msk [tilespmem:v24+s3+$0x0], $0xffff  }
0x5c1: {  	v25 =	vld.idx.msk [tilespmem:v25+s3+$0x0], $0xffff;
	v18 =	vadd.f32 v28, v18;
	v2 =	vmul.f32 v2, v54;
	v26 =	vbroadcast v19, $0x6  }
0x5c2: {  	v3 =	vadd.f32 v17, v3;
	v17 =	vbroadcast v19, $0x2;
	v24 =	vmul.f32 $2.000000030e-01, v6  }
0x5c3: {  	v36 =	vld.idx.msk [tilespmem:v44+s3+$0x0], $0xffff;
	v5 =	vadd.f32 v5, v11;
	v19 =	vbroadcast v19, $0x5;
	v0 =	vmul.f32 v0, v21  }
0x5c4: {  	v56 =	vmul.f32 $2.000000030e-01, v3;
	v6 =	vmax.f32 v6, v24;
	v24 =	vmul.f32 $2.000000030e-01, v13  }
0x5c5: {  	v29 =	vadd.f32 v29, v12;
	v12 =	vmul.f32 $2.000000030e-01, v30;
	v14 =	vadd.f32 v16, v14  }
0x5c6: {  	v16 =	vadd.f32 v32, v25;
	v13 =	vmax.f32 v13, v24;
	v24 =	vmul.f32 $2.000000030e-01, v27  }
0x5c7: {  	v12 =	vmax.f32 v30, v12;
	v30 =	vmul.f32 $2.000000030e-01, v1;
	v28 =	vmul.f32 $2.000000030e-01, v29  }
0x5c8: {  	v25 =	vadd.f32 v36, v35;
	v58 =	vmul.f32 $2.000000030e-01, v16;
	v13 =	vmul.f32 v13, v17  }
0x5c9: {  	v3 =	vmax.f32 v3, v56;
	v55 =	vmul.f32 v12, v52;
	v12 =	vmul.f32 $2.000000030e-01, v14  }
0x5ca: {  	v17 =	vmul.f32 $2.000000030e-01, v25;
	v1 =	vmax.f32 v1, v30;
	v30 =	vmul.f32 $2.000000030e-01, v23  }
0x5cb: {  	v1 =	vmul.f32 v1, v19;
	v19 =	vmul.f32 $2.000000030e-01, v18;
	v59 =	vmax.f32 v14, v12  }
0x5cc: {  	s21 =	simm.s32 $0x1A090;
	v21 =	vld.idx.msk [tilespmem:v63+s3+$0x0], $0xffff;
	v14 =	vmax.f32 v16, v58;
	v23 =	vmax.f32 v23, v30;
	v30 =	vadd.s32 s31, v9  }
0x5cd: {  	v4 =	vadd.f32 v55, v11;
	v55 =	vadd.s32 $0xC, v42;
	v26 =	vmul.f32 v14, v26;
	v14 =	vld [tilespmem:s21+$0x0]  }
0x5ce: {  	v24 =	vmax.f32 v27, v24;
	v52 =	vadd.s32 $0xA, v42;
	v12 =	vmax.f32 v18, v19;
	v18 =	vld.idx.msk [tilespmem:v42+s3+$0x0], $0xffff  }
0x5cf: {  	v28 =	vmax.f32 v29, v28;
	v27 =	vadd.s32 $0xF, v30;
	v19 =	vld.idx.msk [tilespmem:v60+s3+$0x0], $0xffff;
	v29 =	vadd.s32 $0xC, v30  }
0x5d0: {  	v41 =	vmul.f32 v12, v31;
	v12 =	vmax.f32 v25, v17;
	v25 =	vadd.f32 v13, v11;
	v13 =	vld.idx.msk [tilespmem:v57+s3+$0x0], $0xffff  }
0x5d1: {  	v6 =	vmul.f32 v6, v51;
	v17 =	vadd.s32 $0xB, v42;
	v22 =	vmul.f32 v12, v22;
	v16 =	vld.idx.msk [tilespmem:v30+s3+$0x0], $0xffff  }
0x5d2: {  	v36 =	vadd.s32 $0x1, v42;
	v3 =	vmul.f32 v3, v50;
	v56 =	vadd.s32 $0x5, v30;
	v34 =	vld.idx.msk [tilespmem:v55+s3+$0x0], $0xffff  }
0x5d3: {  	v50 =	vadd.s32 $0xD, v42;
	v58 =	vadd.s32 $0xB, v30;
	v5 =	vadd.f32 v22, v5;
	v22 =	vld.idx.msk [tilespmem:v52+s3+$0x0], $0xffff  }
0x5d4: {  	v63 =	vmul.f32 v28, v15;
	v53 =	vadd.s32 $0x9, v30;
	v1 =	vadd.f32 v1, v4;
	v57 =	vld.idx.msk [tilespmem:v27+s3+$0x0], $0xffff  }
0x5d5: {  	v23 =	vmul.f32 v23, v47;
	v31 =	vadd.s32 $0xF, v42;
	v25 =	vadd.f32 v26, v25;
	v27 =	vld.idx.msk [tilespmem:v29+s3+$0x0], $0xffff  }
0x5d6: {  	v60 =	vadd.s32 $0xE, v30;
	v26 =	vld.idx.msk [tilespmem:v17+s3+$0x0], $0xffff;
	v17 =	vmul.f32 v59, v49;
	v62 =	vadd.f32 v16, v18  }
0x5d7: {  	v44 =	vadd.s32 $0x7, v30;
	v37 =	vadd.s32 $0xA, v30;
	v3 =	vadd.f32 v3, v25;
	v38 =	vld.idx.msk [tilespmem:v56+s3+$0x0], $0xffff  }
0x5d8: {  	v46 =	vld.idx.msk [tilespmem:v58+s3+$0x0], $0xffff;
	v11 =	vadd.f32 v17, v11;
	v16 =	vadd.s32 $0xE, v42;
	v25 =	vmul.f32 $2.000000030e-01, v62  }
0x5d9: {  	v45 =	vadd.s32 $0x1, v30;
	v59 =	vbroadcast v14, $0x0;
	v18 =	vld.idx.msk [tilespmem:v61+s3+$0x0], $0xffff;
	v61 =	vadd.s32 $0xD, v30  }
0x5da: {  	v54 =	vld.idx.msk [tilespmem:v31+s3+$0x0], $0xffff;
	v25 =	vmax.f32 v62, v25;
	v62 =	vadd.f32 v6, v11;
	v6 =	vadd.s32 $0x5, v42  }
0x5db: {  	v39 =	vadd.s32 $0x3, v30;
	v43 =	vld.idx.msk [tilespmem:v60+s3+$0x0], $0xffff;
	v32 =	vmul.f32 v25, v59;
	v25 =	vadd.s32 $0x8, v30  }
0x5dc: {  	v12 =	vadd.s32 $0x3, v42;
	v1 =	vadd.f32 v41, v1;
	v0 =	vadd.f32 v0, v5;
	v17 =	vld.idx.msk [tilespmem:v53+s3+$0x0], $0xffff  }
0x5dd: {  	v41 =	vadd.s32 $0x9, v42;
	v49 =	vadd.s32 $0x2, v30;
	v15 =	vadd.f32 v23, v3;
	v31 =	vld.idx.msk [tilespmem:v16+s3+$0x0], $0xffff  }
0x5de: {  	v23 =	vadd.s32 $0x4, v30;
	v33 =	vadd.f32 v63, v0;
	v11 =	vmul.f32 v24, v20;
	v47 =	vld.idx.msk [tilespmem:v61+s3+$0x0], $0xffff  }
0x5df: {  	v52 =	vadd.f32 v57, v54;
	v24 =	vadd.s32 $0x4, v42;
	v16 =	vadd.s32 $0x6, v30;
	v48 =	vld.idx.msk [tilespmem:v6+s3+$0x0], $0xffff;
	[tilespmem:$0x1FF70] =	vst v7  }
0x5e0: {  	s22 =	simm.s32 $0x20;
	[tilespmem:s20+$0x1A100] =	vst v7;
	s20 =	sor.u32 $0x10, s20;
	v29 =	vadd.f32 v2, v62;
	v20 =	vadd.f32 v11, v1;
	v11 =	vbroadcast v14, $0xC;
	v51 =	vld.idx.msk [tilespmem:v25+s3+$0x0], $0xffff  }
.LBB2_25:
0x5e1: {  	p0 =	sne.s32 s22, $0x60  }
0x5e2: {  	v0 =	vld.idx.msk [tilespmem:v44+s3+$0x0], $0xffff;
	v28 =	vbroadcast v14, $0x8;
	v25 =	vbroadcast v14, $0xD;
	s21 =	sadd.s32 $0x10, s21;
	v29 =	vadd.f32 v10, v29;
	s23 =	smov.u32 s22;
	s22 =	sadd.s32 $0x10, s22  }
0x5e3: {  	v30 =	vbroadcast v14, $0xE;
	v1 =	vld.idx.msk [tilespmem:v50+s3+$0x0], $0xffff;
	v2 =	vmul.f32 $2.000000030e-01, v52  }
0x5e4: {  	v35 =	vbroadcast v14, $0xA;
	v32 =	vadd.f32 v32, v33;
	v33 =	vbroadcast v14, $0x3;
	v3 =	vld.idx.msk [tilespmem:v37+s3+$0x0], $0xffff  }
0x5e5: {  	v42 =	vbroadcast v14, $0x4;
	v40 =	vbroadcast v14, $0x7;
	v4 =	vld.idx.msk [tilespmem:v36+s3+$0x0], $0xffff;
	v2 =	vmax.f32 v52, v2  }
0x5e6: {  	v6 =	vbroadcast v14, $0x6;
	v5 =	vld.idx.msk [tilespmem:v45+s3+$0x0], $0xffff;
	v45 =	vbroadcast v14, $0x9  }
0x5e7: {  	v44 =	vbroadcast v14, $0x2;
	v36 =	vbroadcast v14, $0x1;
	v10 =	vadd.f32 v51, v19;
	v37 =	vld.idx.msk [tilespmem:v49+s3+$0x0], $0xffff  }
0x5e8: {  	v26 =	vadd.f32 v46, v26;
	v31 =	vadd.f32 v43, v31;
	v19 =	vld.idx.msk [tilespmem:v41+s3+$0x0], $0xffff;
	v41 =	vbroadcast v14, $0xB  }
0x5e9: {  	v0 =	vadd.f32 v0, v18;
	v18 =	vmul.f32 $2.000000030e-01, v10;
	v1 =	vadd.f32 v47, v1  }
0x5ea: {  	v46 =	vbroadcast v14, $0x5;
	v38 =	vadd.f32 v38, v48;
	v14 =	vbroadcast v14, $0xF;
	v12 =	vld.idx.msk [tilespmem:v12+s3+$0x0], $0xffff  }
0x5eb: {  	v47 =	vmul.f32 $2.000000030e-01, v26;
	v48 =	vmul.f32 $2.000000030e-01, v1;
	v16 =	vld.idx.msk [tilespmem:v16+s3+$0x0], $0xffff  }
0x5ec: {  	v43 =	vmax.f32 v10, v18;
	v10 =	vmul.f32 v2, v14;
	v4 =	vadd.f32 v5, v4;
	v5 =	vld.idx.msk [tilespmem:v39+s3+$0x0], $0xffff  }
0x5ed: {  	v3 =	vadd.f32 v3, v22;
	v14 =	vmul.f32 $2.000000030e-01, v0;
	v2 =	vadd.f32 v37, v13;
	v13 =	vld.idx.msk [tilespmem:v24+s3+$0x0], $0xffff  }
0x5ee: {  	v34 =	vadd.f32 v27, v34;
	v18 =	vmul.f32 $2.000000030e-01, v4;
	v22 =	vld.idx.msk [tilespmem:v23+s3+$0x0], $0xffff;
	v23 =	vmul.f32 $2.000000030e-01, v38  }
0x5ef: {  	v0 =	vmax.f32 v0, v14;
	v14 =	vmax.f32 v26, v47;
	v24 =	vmul.f32 $2.000000030e-01, v2  }
0x5f0: {  	v47 =	vmul.f32 $2.000000030e-01, v34;
	v4 =	vmax.f32 v4, v18;
	v18 =	vmul.f32 $2.000000030e-01, v31  }
0x5f1: {  	v17 =	vadd.f32 v17, v19;
	v2 =	vmax.f32 v2, v24;
	v23 =	vmax.f32 v38, v23  }
0x5f2: {  	v5 =	vadd.f32 v5, v12;
	v46 =	vmul.f32 v23, v46;
	v51 =	vmax.f32 v31, v18  }
0x5f3: {  	v52 =	vmul.f32 v14, v41;
	v16 =	vadd.f32 v16, v21;
	v18 =	vmul.f32 $2.000000030e-01, v17  }
0x5f4: {  	v4 =	vmul.f32 v4, v36;
	v14 =	vmul.f32 $2.000000030e-01, v5;
	v21 =	vadd.f32 v22, v13  }
0x5f5: {  	v27 =	vmul.f32 $2.000000030e-01, v3;
	v38 =	vadd.s32 s23, v9;
	v22 =	vadd.s32 s23, v8  }
0x5f6: {  	v13 =	vadd.s32 $0x2, v22;
	v12 =	vadd.s32 $0x3, v22;
	v5 =	vmax.f32 v5, v14  }
0x5f7: {  	v17 =	vmax.f32 v17, v18;
	v23 =	vadd.s32 $0x7, v22;
	v19 =	vadd.s32 $0x8, v22  }
0x5f8: {  	v18 =	vmul.f32 $2.000000030e-01, v16;
	v31 =	vadd.s32 $0xE, v22;
	v39 =	vadd.s32 $0xF, v22  }
0x5f9: {  	v2 =	vmul.f32 v2, v44;
	v53 =	vadd.s32 $0x6, v22;
	v54 =	vadd.s32 $0xC, v22;
	v14 =	vld [tilespmem:s21+$0x0]  }
0x5fa: {  	v4 =	vadd.f32 v4, v20;
	v55 =	vadd.s32 $0xA, v22;
	v24 =	vadd.s32 $0xB, v22;
	v49 =	vld.idx.msk [tilespmem:v22+s3+$0x0], $0xffff  }
0x5fb: {  	v56 =	vadd.s32 $0xC, v38;
	v20 =	vadd.s32 $0x9, v38;
	v26 =	vmax.f32 v16, v18;
	v13 =	vld.idx.msk [tilespmem:v13+s3+$0x0], $0xffff  }
0x5fc: {  	v44 =	vadd.s32 $0x7, v38;
	v50 =	vadd.s32 $0xF, v38;
	v16 =	vadd.s32 $0x6, v38;
	v19 =	vld.idx.msk [tilespmem:v19+s3+$0x0], $0xffff  }
0x5fd: {  	v37 =	vadd.s32 $0xA, v38;
	v36 =	vadd.s32 $0x1, v22;
	v6 =	vmul.f32 v26, v6;
	v18 =	vld.idx.msk [tilespmem:v23+s3+$0x0], $0xffff  }
0x5fe: {  	v59 =	vadd.s32 $0xB, v38;
	v58 =	vadd.s32 $0x5, v22;
	v60 =	vmul.f32 v17, v45;
	v57 =	vld.idx.msk [tilespmem:v38+s3+$0x0], $0xffff  }
0x5ff: {  	v61 =	vadd.s32 $0x5, v38;
	v62 =	vadd.s32 $0x8, v38;
	v17 =	vmul.f32 $2.000000030e-01, v21;
	v26 =	vld.idx.msk [tilespmem:v24+s3+$0x0], $0xffff  }
0x600: {  	v2 =	vadd.f32 v2, v15;
	v45 =	vadd.s32 $0x1, v38;
	v24 =	vadd.s32 $0x4, v22;
	v63 =	vld.idx.msk [tilespmem:v39+s3+$0x0], $0xffff  }
0x601: {  	v3 =	vmax.f32 v3, v27;
	v41 =	vadd.s32 $0x9, v22;
	v23 =	vadd.s32 $0x4, v38;
	v7 =	vld.idx.msk [tilespmem:v50+s3+$0x0], $0xffff  }
0x602: {  	v15 =	vadd.s32 $0xE, v38;
	v17 =	vmax.f32 v21, v17;
	v50 =	vadd.s32 $0xD, v22;
	v31 =	vld.idx.msk [tilespmem:v31+s3+$0x0], $0xffff  }
0x603: {  	v1 =	vmax.f32 v1, v48;
	v42 =	vmul.f32 v17, v42;
	v22 =	vld.idx.msk [tilespmem:v55+s3+$0x0], $0xffff;
	v55 =	vadd.s32 $0xD, v38  }
0x604: {  	v0 =	vmul.f32 v0, v40;
	v2 =	vadd.f32 v6, v2;
	v48 =	vadd.f32 v57, v49;
	v17 =	vld.idx.msk [tilespmem:v20+s3+$0x0], $0xffff  }
0x605: {  	v3 =	vmul.f32 v3, v35;
	v6 =	vmax.f32 v34, v47;
	v39 =	vadd.s32 $0x3, v38;
	v27 =	vld.idx.msk [tilespmem:v56+s3+$0x0], $0xffff  }
0x606: {  	v5 =	vmul.f32 v5, v33;
	v49 =	vadd.s32 $0x2, v38;
	v20 =	vbroadcast v14, $0x0;
	v38 =	vld.idx.msk [tilespmem:v61+s3+$0x0], $0xffff  }
0x607: {  	v4 =	vadd.f32 v46, v4;
	v2 =	vadd.f32 v3, v2;
	v33 =	vmul.f32 $2.000000030e-01, v48;
	v21 =	vld.idx.msk [tilespmem:v53+s3+$0x0], $0xffff  }
0x608: {  	v3 =	vadd.f32 v5, v29;
	v5 =	vadd.f32 v42, v32;
	v29 =	vmul.f32 v51, v30;
	v46 =	vld.idx.msk [tilespmem:v59+s3+$0x0], $0xffff  }
.Ltmp11:
0x609: {  	v28 =	vmul.f32 v43, v28;
	v4 =	vadd.f32 v60, v4;
	v30 =	vmax.f32 v48, v33;
	v34 =	vld.idx.msk [tilespmem:v54+s3+$0x0], $0xffff;
	(pc) =	sbr.rel @p0 .LBB2_25-.Ltmp11, $4  }
0x60a: {  	v1 =	vmul.f32 v1, v25;
	v0 =	vadd.f32 v0, v3;
	v32 =	vmul.f32 v30, v20;
	v43 =	vld.idx.msk [tilespmem:v15+s3+$0x0], $0xffff  }
0x60b: {  	v3 =	vadd.f32 v28, v5;
	v5 =	vmul.f32 v6, v11;
	v15 =	vadd.f32 v29, v2;
	v47 =	vld.idx.msk [tilespmem:v55+s3+$0x0], $0xffff  }
0x60c: {  	v20 =	vadd.f32 v1, v4;
	v29 =	vadd.f32 v52, v0;
	v48 =	vld.idx.msk [tilespmem:v58+s3+$0x0], $0xffff  }
0x60d: {  	v11 =	vbroadcast v14, $0xC;
	v33 =	vadd.f32 v5, v3;
	v52 =	vadd.f32 v7, v63;
	v51 =	vld.idx.msk [tilespmem:v62+s3+$0x0], $0xffff  }
0x60e: {  	_ =	sdelay $0x3  }
0x60f: {  	v3 =	vld.idx.msk [tilespmem:v44+s3+$0x0], $0xffff  }
0x610: {  	v0 =	vbroadcast v14, $0x8;
	v1 =	vbroadcast v14, $0xD;
	v7 =	vld.idx.msk [tilespmem:v50+s3+$0x0], $0xffff  }
0x611: {  	v2 =	vbroadcast v14, $0xE;
	v5 =	vbroadcast v14, $0x3;
	v25 =	vld.idx.msk [tilespmem:v36+s3+$0x0], $0xffff  }
0x612: {  	v8 =	vbroadcast v14, $0xA;
	v9 =	vbroadcast v14, $0x4;
	v30 =	vld.idx.msk [tilespmem:v45+s3+$0x0], $0xffff  }
0x613: {  	v28 =	vbroadcast v14, $0x7;
	v54 =	vbroadcast v14, $0x6;
	v35 =	vld.idx.msk [tilespmem:v49+s3+$0x0], $0xffff  }
0x614: {  	v6 =	vadd.f32 v10, v29;
	v55 =	vbroadcast v14, $0x9;
	v56 =	vbroadcast v14, $0x1;
	v37 =	vld.idx.msk [tilespmem:v37+s3+$0x0], $0xffff  }
0x615: {  	v57 =	vbroadcast v14, $0x2;
	v26 =	vadd.f32 v46, v26;
	v40 =	vbroadcast v14, $0xB;
	v41 =	vld.idx.msk [tilespmem:v41+s3+$0x0], $0xffff  }
0x616: {  	v42 =	vbroadcast v14, $0x5;
	v12 =	vld.idx.msk [tilespmem:v12+s3+$0x0], $0xffff;
	v27 =	vadd.f32 v27, v34;
	v4 =	vmul.f32 $2.000000030e-01, v52  }
0x617: {  	v59 =	vbroadcast v14, $0xF;
	v62 =	vld.idx.msk [tilespmem:v39+s3+$0x0], $0xffff;
	v31 =	vadd.f32 v43, v31;
	v60 =	vmul.f32 $2.000000030e-01, v26  }
0x618: {  	v16 =	vld.idx.msk [tilespmem:v16+s3+$0x0], $0xffff;
	v46 =	vmul.f32 $2.000000030e-01, v27;
	v4 =	vmax.f32 v52, v4;
	v38 =	vadd.f32 v38, v48  }
0x619: {  	v24 =	vld.idx.msk [tilespmem:v24+s3+$0x0], $0xffff;
	v19 =	vadd.f32 v51, v19;
	v4 =	vmul.f32 v4, v59;
	v3 =	vadd.f32 v3, v18  }
0x61a: {  	v39 =	vld.idx.msk [tilespmem:v23+s3+$0x0], $0xffff;
	v45 =	vmax.f32 v26, v60;
	v7 =	vadd.f32 v47, v7;
	v25 =	vadd.f32 v30, v25  }
0x61b: {  	v13 =	vadd.f32 v35, v13;
	v22 =	vadd.f32 v37, v22;
	v37 =	vmul.f32 $2.000000030e-01, v38  }
0x61c: {  	v47 =	vmul.f32 $2.000000030e-01, v31;
	v17 =	vadd.f32 v17, v41;
	v23 =	vmul.f32 v45, v40  }
0x61d: {  	v12 =	vadd.f32 v62, v12;
	v58 =	vmul.f32 $2.000000030e-01, v19;
	v61 =	vmul.f32 $2.000000030e-01, v7  }
0x61e: {  	v16 =	vadd.f32 v16, v21;
	v63 =	vmul.f32 $2.000000030e-01, v3;
	v30 =	vmul.f32 $2.000000030e-01, v25  }
0x61f: {  	v14 =	vadd.f32 v39, v24;
	v35 =	vmul.f32 $2.000000030e-01, v13;
	v49 =	vmul.f32 $2.000000030e-01, v17  }
0x620: {  	v10 =	vadd.f32 v32, v33;
	v50 =	vmul.f32 $2.000000030e-01, v12;
	v51 =	vmul.f32 $2.000000030e-01, v22  }
0x621: {  	v34 =	vmax.f32 v38, v37;
	v52 =	vmul.f32 $2.000000030e-01, v16;
	v53 =	vmul.f32 $2.000000030e-01, v14  }
0x622: {  	v18 =	vmax.f32 v19, v58;
	v48 =	vmul.f32 v34, v42;
	v3 =	vmax.f32 v3, v63  }
0x623: {  	v25 =	vmax.f32 v25, v30;
	v13 =	vmax.f32 v13, v35;
	v30 =	vmax.f32 v31, v47  }
0x624: {  	v12 =	vmax.f32 v12, v50;
	v17 =	vmax.f32 v17, v49;
	v16 =	vmax.f32 v16, v52  }
0x625: {  	v14 =	vmax.f32 v14, v53;
	v0 =	vmul.f32 v18, v0;
	v25 =	vmul.f32 v25, v56  }
0x626: {  	v7 =	vmax.f32 v7, v61;
	v13 =	vmul.f32 v13, v57;
	v16 =	vmul.f32 v16, v54  }
0x627: {  	v17 =	vmul.f32 v17, v55;
	v54 =	vmax.f32 v22, v51;
	v5 =	vmul.f32 v12, v5  }
0x628: {  	v9 =	vmul.f32 v14, v9;
	v3 =	vmul.f32 v3, v28;
	v13 =	vadd.f32 v13, v15  }
0x629: {  	v56 =	vmax.f32 v27, v46;
	v20 =	vadd.f32 v25, v20;
	v5 =	vadd.f32 v5, v6  }
0x62a: {  	v8 =	vmul.f32 v54, v8;
	v9 =	vadd.f32 v9, v10;
	v55 =	vadd.f32 v16, v13  }
0x62b: {  	v2 =	vmul.f32 v30, v2;
	v57 =	vadd.f32 v48, v20;
	v3 =	vadd.f32 v3, v5  }
0x62c: {  	v6 =	vmul.f32 v56, v11;
	v0 =	vadd.f32 v0, v9;
	v8 =	vadd.f32 v8, v55  }
0x62d: {  	v1 =	vmul.f32 v7, v1;
	v58 =	vadd.f32 v17, v57;
	v3 =	vadd.f32 v23, v3  }
0x62e: {  	v62 =	vld [tilespmem:$0x1FF80];
	v0 =	vadd.f32 v6, v0;
	v2 =	vadd.f32 v2, v8  }
0x62f: {  	v61 =	vld [tilespmem:$0x1FFF0];
	v1 =	vadd.f32 v1, v58;
	v3 =	vadd.f32 v4, v3  }
0x630: {  	v63 =	vld [tilespmem:$0x1FF70]  }
0x631: {  	v0 =	vadd.f32 v1, v0;
	v59 =	vadd.f32 v3, v2  }
0x632: {  	p0 =	slt.u32 s19, $0x26  }
.Ltmp12:
0x633: {  	v60 =	vmov s20;
	v0 =	vadd.f32 v59, v0;
	(pc) =	sbr.rel @p0 .LBB2_22-.Ltmp12, $4  }
0x634: {  	vm1 =	vlt.u32 v60, v61  }
0x635: {  	v1 =	vmax.f32 v62, v63;
	v0 =	vnsel vm1, $0xF149F2CA, v0  }
0x636: {  	[tilespmem:s20+$0x1A100] =	vst v0;
	v0 =	vmax.f32 v1, v0  }
0x637: {  	s19 =	sadd.s32 $0x2, s19;
	[tilespmem:$0x1FF80] =	vst v0  }
0x638: {  	v0 =	vld [tilespmem:$0x19D00]  }
0x639: {  	v1 =	vld [tilespmem:$0x1A000]  }
0x63a: {  	v2 =	vld [tilespmem:$0x1FFD0]  }
0x63b: {  	v4 =	vld [tilespmem:$0x1FFE0];
	_ =	sdelay $0x1  }
0x63c: {  	v0 =	vmul.u32 $0xE3, v0  }
0x63d: {  	v1 =	vmul.u32 $0xE3, v1  }
0x63e: {  	s18 =	simm.s32 $0x0;
	v7 =	vadd.s32 v2, v0  }
0x63f: {  	v8 =	vadd.s32 v4, v1;
	v0 =	vadd.s32 s18, v7  }
0x640: {  	v4 =	vadd.s32 s18, v8  }
0x641: {  	v61 =	vadd.s32 $0x2, v0  }
0x642: {  	s19 =	simm.s32 $0x1A080;
	v3 =	vadd.s32 $0x8, v0  }
0x643: {  	v5 =	vld [tilespmem:s19+$0x0];
	v62 =	vadd.s32 $0x7, v0  }
0x644: {  	v9 =	vadd.s32 $0xB, v0;
	v6 =	vld.idx.msk [tilespmem:v0+s3+$0x0], $0xffff  }
0x645: {  	v10 =	vadd.s32 $0xF, v0;
	v14 =	vld.idx.msk [tilespmem:v4+s3+$0x0], $0xffff  }
0x646: {  	v11 =	vadd.s32 $0xF, v4;
	v2 =	vld.idx.msk [tilespmem:v61+s3+$0x0], $0xffff  }
0x647: {  	v12 =	vadd.s32 $0xE, v0;
	v3 =	vld.idx.msk [tilespmem:v3+s3+$0x0], $0xffff  }
0x648: {  	v15 =	vadd.s32 $0x9, v4;
	v1 =	vld.idx.msk [tilespmem:v62+s3+$0x0], $0xffff  }
0x649: {  	v18 =	vadd.s32 $0x5, v4;
	v16 =	vld.idx.msk [tilespmem:v9+s3+$0x0], $0xffff  }
0x64a: {  	v31 =	vbroadcast v5, $0x0;
	v41 =	vbroadcast v5, $0xA;
	v19 =	vadd.s32 $0xB, v4;
	v10 =	vld.idx.msk [tilespmem:v10+s3+$0x0], $0xffff  }
0x64b: {  	v42 =	vbroadcast v5, $0x4;
	v43 =	vbroadcast v5, $0x7;
	v21 =	vadd.s32 $0xE, v4;
	v11 =	vld.idx.msk [tilespmem:v11+s3+$0x0], $0xffff  }
0x64c: {  	v44 =	vbroadcast v5, $0x6;
	v63 =	vbroadcast v5, $0x9;
	v28 =	vadd.s32 $0x8, v4;
	v12 =	vld.idx.msk [tilespmem:v12+s3+$0x0], $0xffff  }
0x64d: {  	v59 =	vbroadcast v5, $0x1;
	v45 =	vbroadcast v5, $0x2;
	v23 =	vadd.s32 $0x5, v0;
	v22 =	vld.idx.msk [tilespmem:v15+s3+$0x0], $0xffff  }
0x64e: {  	v60 =	vbroadcast v5, $0x5;
	v13 =	vadd.s32 $0xA, v0;
	v27 =	vadd.s32 $0x7, v4;
	v18 =	vld.idx.msk [tilespmem:v18+s3+$0x0], $0xffff  }
0x64f: {  	v17 =	vadd.s32 $0xC, v4;
	v20 =	vadd.s32 $0xC, v0;
	v25 =	vadd.s32 $0x3, v0;
	v19 =	vld.idx.msk [tilespmem:v19+s3+$0x0], $0xffff  }
0x650: {  	v26 =	vadd.s32 $0x6, v4;
	v29 =	vadd.s32 $0x1, v0;
	v15 =	vadd.s32 $0xD, v4;
	v34 =	vld.idx.msk [tilespmem:v21+s3+$0x0], $0xffff  }
0x651: {  	v30 =	vadd.s32 $0xA, v4;
	v32 =	vadd.s32 $0x1, v4;
	v33 =	vadd.s32 $0xD, v0;
	v39 =	vld.idx.msk [tilespmem:v28+s3+$0x0], $0xffff  }
0x652: {  	v35 =	vadd.s32 $0x4, v0;
	v36 =	vadd.s32 $0x4, v4;
	v38 =	vld.idx.msk [tilespmem:v23+s3+$0x0], $0xffff;
	v23 =	vbroadcast v5, $0xD  }
0x653: {  	v9 =	vimm.f32 $0.0e+00;
	v28 =	vbroadcast v5, $0xE;
	v27 =	vld.idx.msk [tilespmem:v27+s3+$0x0], $0xffff;
	v21 =	vbroadcast v5, $0x3  }
0x654: {  	v6 =	vadd.f32 v14, v6;
	v14 =	vld.idx.msk [tilespmem:v17+s3+$0x0], $0xffff;
	v17 =	vadd.s32 $0x6, v0;
	v0 =	vadd.s32 $0x9, v0  }
0x655: {  	v37 =	vld.idx.msk [tilespmem:v15+s3+$0x0], $0xffff;
	v15 =	vbroadcast v5, $0xC;
	v10 =	vadd.f32 v11, v10;
	v11 =	vadd.s32 $0x2, v4  }
0x656: {  	v20 =	vld.idx.msk [tilespmem:v20+s3+$0x0], $0xffff;
	v4 =	vadd.s32 $0x3, v4;
	v3 =	vadd.f32 v39, v3;
	v16 =	vadd.f32 v19, v16  }
0x657: {  	v19 =	vld.idx.msk [tilespmem:v30+s3+$0x0], $0xffff;
	v30 =	vbroadcast v5, $0xB;
	v12 =	vadd.f32 v34, v12;
	v24 =	vmul.f32 $2.000000030e-01, v6  }
0x658: {  	v33 =	vld.idx.msk [tilespmem:v33+s3+$0x0], $0xffff;
	v1 =	vadd.f32 v27, v1;
	v40 =	vmul.f32 $2.000000030e-01, v10;
	v27 =	vmul.f32 $2.000000030e-01, v3  }
0x659: {  	v13 =	vld.idx.msk [tilespmem:v13+s3+$0x0], $0xffff;
	v61 =	vmul.f32 $2.000000030e-01, v16;
	v6 =	vmax.f32 v6, v24;
	v24 =	vbroadcast v5, $0x8  }
0x65a: {  	v25 =	vld.idx.msk [tilespmem:v25+s3+$0x0], $0xffff;
	v18 =	vadd.f32 v18, v38;
	v5 =	vbroadcast v5, $0xF;
	v6 =	vmul.f32 v6, v31  }
0x65b: {  	s31 =	simm.s32 $0x10;
	v10 =	vmax.f32 v10, v40;
	v0 =	vld.idx.msk [tilespmem:v0+s3+$0x0], $0xffff;
	v3 =	vmax.f32 v3, v27;
	v39 =	vadd.f32 v14, v20  }
0x65c: {  	v16 =	vmax.f32 v16, v61;
	v40 =	vadd.s32 s31, v8;
	v11 =	vld.idx.msk [tilespmem:v11+s3+$0x0], $0xffff;
	v10 =	vmul.f32 v10, v5  }
0x65d: {  	v33 =	vadd.f32 v37, v33;
	v4 =	vld.idx.msk [tilespmem:v4+s3+$0x0], $0xffff;
	v5 =	vmul.f32 $2.000000030e-01, v1;
	v50 =	vmul.f32 v16, v30  }
0x65e: {  	v53 =	vadd.s32 $0x9, v40;
	v54 =	vadd.s32 $0xC, v40;
	v31 =	vadd.f32 v6, v9;
	v6 =	vld.idx.msk [tilespmem:v29+s3+$0x0], $0xffff  }
0x65f: {  	v37 =	vadd.s32 $0x7, v40;
	v57 =	vadd.s32 $0xB, v40;
	v3 =	vmul.f32 v3, v24;
	v29 =	vld.idx.msk [tilespmem:v32+s3+$0x0], $0xffff  }
0x660: {  	v14 =	vld.idx.msk [tilespmem:v35+s3+$0x0], $0xffff;
	v58 =	vadd.s32 $0x8, v40;
	v46 =	vmul.f32 $2.000000030e-01, v39;
	v38 =	vmul.f32 $2.000000030e-01, v33  }
0x661: {  	v32 =	vadd.s32 $0x5, v40;
	v1 =	vmax.f32 v1, v5;
	v5 =	vld.idx.msk [tilespmem:v36+s3+$0x0], $0xffff;
	v36 =	vadd.s32 $0x1, v40  }
0x662: {  	v1 =	vmul.f32 v1, v43;
	v0 =	vadd.f32 v22, v0;
	v38 =	vmax.f32 v33, v38  }
0x663: {  	v2 =	vadd.f32 v11, v2;
	v11 =	vld.idx.msk [tilespmem:v26+s3+$0x0], $0xffff;
	v26 =	vadd.f32 v19, v13;
	v19 =	vmul.f32 $2.000000030e-01, v18  }
0x664: {  	v33 =	vadd.s32 $0x3, v40;
	v4 =	vadd.f32 v4, v25;
	v6 =	vadd.f32 v29, v6  }
0x665: {  	v17 =	vld.idx.msk [tilespmem:v17+s3+$0x0], $0xffff;
	v25 =	vadd.s32 $0xA, v40;
	v20 =	vmul.f32 $2.000000030e-01, v2;
	v18 =	vmax.f32 v18, v19  }
0x666: {  	v5 =	vadd.f32 v5, v14;
	v22 =	vmul.f32 $2.000000030e-01, v26;
	v13 =	vmul.f32 $2.000000030e-01, v6  }
0x667: {  	v34 =	vmul.f32 v18, v60;
	v18 =	vadd.s32 s31, v7;
	v2 =	vmax.f32 v2, v20  }
0x668: {  	v14 =	vadd.s32 $0x2, v18;
	v19 =	vadd.s32 $0x8, v18;
	v35 =	vadd.s32 $0xE, v18  }
0x669: {  	v55 =	vld.idx.msk [tilespmem:v40+s3+$0x0], $0xffff;
	v30 =	vadd.s32 $0xF, v18;
	v6 =	vmax.f32 v6, v13;
	v13 =	vmul.f32 $2.000000030e-01, v12  }
0x66a: {  	v27 =	vadd.s32 $0xB, v18;
	v62 =	vmax.f32 v26, v22;
	v26 =	vld.idx.msk [tilespmem:v54+s3+$0x0], $0xffff;
	v16 =	vadd.f32 v11, v17  }
0x66b: {  	v43 =	vmul.f32 v62, v41;
	v41 =	vld.idx.msk [tilespmem:v32+s3+$0x0], $0xffff;
	v48 =	vmax.f32 v12, v13;
	v13 =	vmul.f32 $2.000000030e-01, v4  }
0x66c: {  	s18 =	simm.s32 $0x1A090;
	v47 =	vadd.s32 $0x6, v18;
	v49 =	vadd.s32 $0xC, v18;
	v12 =	vmul.f32 $2.000000030e-01, v0;
	v51 =	vld.idx.msk [tilespmem:v18+s3+$0x0], $0xffff  }
0x66d: {  	v52 =	vadd.s32 $0xA, v18;
	v20 =	vmul.f32 $2.000000030e-01, v16;
	v4 =	vmax.f32 v4, v13;
	v13 =	vld [tilespmem:s18+$0x0]  }
0x66e: {  	v29 =	vadd.s32 $0x1, v18;
	v17 =	vadd.s32 $0x7, v18;
	v0 =	vmax.f32 v0, v12;
	v12 =	vld.idx.msk [tilespmem:v14+s3+$0x0], $0xffff  }
0x66f: {  	v2 =	vmul.f32 v2, v45;
	v6 =	vmul.f32 v6, v59;
	v16 =	vmax.f32 v16, v20;
	v20 =	vld.idx.msk [tilespmem:v19+s3+$0x0], $0xffff  }
0x670: {  	v56 =	vadd.s32 $0x5, v18;
	v45 =	vadd.s32 $0xF, v40;
	v59 =	vmul.f32 $2.000000030e-01, v5;
	v27 =	vld.idx.msk [tilespmem:v27+s3+$0x0], $0xffff  }
0x671: {  	v11 =	vadd.s32 $0x3, v18;
	v2 =	vadd.f32 v2, v9;
	v6 =	vadd.f32 v6, v9;
	v60 =	vld.idx.msk [tilespmem:v30+s3+$0x0], $0xffff  }
0x672: {  	v5 =	vmax.f32 v5, v59;
	v59 =	vadd.s32 $0xE, v40;
	v14 =	vadd.s32 $0x6, v40;
	v35 =	vld.idx.msk [tilespmem:v35+s3+$0x0], $0xffff  }
0x673: {  	v30 =	vadd.s32 $0x9, v18;
	v22 =	vld.idx.msk [tilespmem:v52+s3+$0x0], $0xffff;
	v52 =	vadd.s32 $0xD, v40;
	v5 =	vmul.f32 v5, v42  }
0x674: {  	v19 =	vld.idx.msk [tilespmem:v17+s3+$0x0], $0xffff;
	v44 =	vmul.f32 v16, v44;
	v0 =	vmul.f32 v0, v63;
	v17 =	vadd.s32 $0x4, v18  }
0x675: {  	v16 =	vadd.s32 $0x4, v40;
	v61 =	vld.idx.msk [tilespmem:v45+s3+$0x0], $0xffff;
	v4 =	vmul.f32 v4, v21;
	v6 =	vadd.f32 v34, v6  }
0x676: {  	v45 =	vadd.s32 $0xD, v18;
	v18 =	vld.idx.msk [tilespmem:v53+s3+$0x0], $0xffff;
	v5 =	vadd.f32 v5, v31;
	v2 =	vadd.f32 v44, v2  }
0x677: {  	v21 =	vld.idx.msk [tilespmem:v47+s3+$0x0], $0xffff;
	v4 =	vadd.f32 v4, v9;
	v9 =	vmul.f32 v48, v28;
	v0 =	vadd.f32 v0, v6  }
0x678: {  	v47 =	vld.idx.msk [tilespmem:v57+s3+$0x0], $0xffff;
	v42 =	vadd.f32 v55, v51;
	v51 =	vmax.f32 v39, v46;
	v46 =	vadd.s32 $0x2, v40  }
0x679: {  	v39 =	vld.idx.msk [tilespmem:v49+s3+$0x0], $0xffff;
	v3 =	vadd.f32 v3, v5;
	v62 =	vbroadcast v13, $0x0;
	v2 =	vadd.f32 v43, v2  }
0x67a: {  	v44 =	vld.idx.msk [tilespmem:v59+s3+$0x0], $0xffff;
	v1 =	vadd.f32 v1, v4;
	v4 =	vmul.f32 v38, v23;
	v63 =	vmul.f32 $2.000000030e-01, v42  }
0x67b: {  	v49 =	vld.idx.msk [tilespmem:v56+s3+$0x0], $0xffff;
	v5 =	vmul.f32 v51, v15;
	v51 =	vadd.f32 v61, v60;
	v15 =	vadd.f32 v9, v2  }
0x67c: {  	v48 =	vld.idx.msk [tilespmem:v52+s3+$0x0], $0xffff;
	v31 =	vadd.f32 v50, v1;
	v23 =	vadd.f32 v4, v0;
	v28 =	vmax.f32 v42, v63  }
0x67d: {  	s19 =	simm.s32 $0x20;
	v50 =	vld.idx.msk [tilespmem:v58+s3+$0x0], $0xffff;
	v9 =	vbroadcast v13, $0xC;
	v38 =	vadd.f32 v5, v3;
	v34 =	vmul.f32 v28, v62  }
.LBB2_28:
0x67e: {  	p0 =	sne.s32 s19, $0x60  }
0x67f: {  	v0 =	vld.idx.msk [tilespmem:v37+s3+$0x0], $0xffff;
	v28 =	vbroadcast v13, $0x8;
	v24 =	vbroadcast v13, $0xD;
	s18 =	sadd.s32 $0x10, s18;
	v31 =	vadd.f32 v10, v31;
	s20 =	smov.u32 s19;
	s19 =	sadd.s32 $0x10, s19  }
0x680: {  	v32 =	vbroadcast v13, $0xE;
	v1 =	vld.idx.msk [tilespmem:v45+s3+$0x0], $0xffff;
	v2 =	vmul.f32 $2.000000030e-01, v51  }
0x681: {  	v40 =	vbroadcast v13, $0xA;
	v34 =	vadd.f32 v34, v38;
	v38 =	vbroadcast v13, $0x3;
	v3 =	vld.idx.msk [tilespmem:v25+s3+$0x0], $0xffff  }
0x682: {  	v43 =	vbroadcast v13, $0x4;
	v42 =	vbroadcast v13, $0x7;
	v4 =	vld.idx.msk [tilespmem:v29+s3+$0x0], $0xffff;
	v2 =	vmax.f32 v51, v2  }
0x683: {  	v6 =	vbroadcast v13, $0x6;
	v5 =	vld.idx.msk [tilespmem:v36+s3+$0x0], $0xffff;
	v36 =	vbroadcast v13, $0x9  }
0x684: {  	v37 =	vbroadcast v13, $0x2;
	v25 =	vbroadcast v13, $0x1;
	v10 =	vadd.f32 v50, v20;
	v29 =	vld.idx.msk [tilespmem:v46+s3+$0x0], $0xffff  }
0x685: {  	v27 =	vadd.f32 v47, v27;
	v35 =	vadd.f32 v44, v35;
	v20 =	vld.idx.msk [tilespmem:v30+s3+$0x0], $0xffff;
	v30 =	vbroadcast v13, $0xB  }
0x686: {  	v0 =	vadd.f32 v0, v19;
	v19 =	vmul.f32 $2.000000030e-01, v10;
	v1 =	vadd.f32 v48, v1  }
0x687: {  	v45 =	vbroadcast v13, $0x5;
	v41 =	vadd.f32 v41, v49;
	v13 =	vbroadcast v13, $0xF;
	v11 =	vld.idx.msk [tilespmem:v11+s3+$0x0], $0xffff  }
0x688: {  	v46 =	vmul.f32 $2.000000030e-01, v27;
	v47 =	vmul.f32 $2.000000030e-01, v1;
	v14 =	vld.idx.msk [tilespmem:v14+s3+$0x0], $0xffff  }
0x689: {  	v44 =	vmax.f32 v10, v19;
	v10 =	vmul.f32 v2, v13;
	v4 =	vadd.f32 v5, v4;
	v5 =	vld.idx.msk [tilespmem:v33+s3+$0x0], $0xffff  }
0x68a: {  	v3 =	vadd.f32 v3, v22;
	v13 =	vmul.f32 $2.000000030e-01, v0;
	v2 =	vadd.f32 v29, v12;
	v12 =	vld.idx.msk [tilespmem:v17+s3+$0x0], $0xffff  }
0x68b: {  	v39 =	vadd.f32 v26, v39;
	v19 =	vmul.f32 $2.000000030e-01, v41;
	v17 =	vmul.f32 $2.000000030e-01, v4;
	v16 =	vld.idx.msk [tilespmem:v16+s3+$0x0], $0xffff  }
0x68c: {  	v0 =	vmax.f32 v0, v13;
	v13 =	vmax.f32 v27, v46;
	v22 =	vmul.f32 $2.000000030e-01, v2  }
0x68d: {  	v46 =	vmul.f32 $2.000000030e-01, v39;
	v4 =	vmax.f32 v4, v17;
	v17 =	vmul.f32 $2.000000030e-01, v35  }
0x68e: {  	v19 =	vmax.f32 v41, v19;
	v18 =	vadd.f32 v18, v20;
	v2 =	vmax.f32 v2, v22  }
0x68f: {  	v48 =	vmul.f32 v19, v45;
	v5 =	vadd.f32 v5, v11;
	v49 =	vmax.f32 v35, v17  }
0x690: {  	v50 =	vmul.f32 v13, v30;
	v14 =	vadd.f32 v14, v21;
	v17 =	vmul.f32 $2.000000030e-01, v18  }
0x691: {  	v4 =	vmul.f32 v4, v25;
	v13 =	vmul.f32 $2.000000030e-01, v5;
	v21 =	vadd.f32 v16, v12  }
0x692: {  	v26 =	vmul.f32 $2.000000030e-01, v3;
	v41 =	vadd.s32 s20, v8;
	v22 =	vadd.s32 s20, v7  }
0x693: {  	v11 =	vadd.s32 $0x3, v22;
	v12 =	vadd.s32 $0x2, v22;
	v5 =	vmax.f32 v5, v13  }
0x694: {  	v19 =	vadd.s32 $0x8, v22;
	v16 =	vadd.s32 $0x7, v22;
	v17 =	vmax.f32 v18, v17  }
0x695: {  	v30 =	vadd.s32 $0xF, v22;
	v20 =	vmul.f32 $2.000000030e-01, v14;
	v18 =	vadd.s32 $0xE, v22  }
0x696: {  	v51 =	vadd.s32 $0x6, v22;
	v52 =	vadd.s32 $0xC, v22;
	v2 =	vmul.f32 v2, v37;
	v13 =	vld [tilespmem:s18+$0x0]  }
0x697: {  	v53 =	vadd.s32 $0xA, v22;
	v27 =	vadd.s32 $0xB, v22;
	v4 =	vadd.f32 v4, v23;
	v33 =	vld.idx.msk [tilespmem:v22+s3+$0x0], $0xffff  }
0x698: {  	v54 =	vadd.s32 $0xC, v41;
	v23 =	vadd.s32 $0x9, v41;
	v35 =	vmax.f32 v14, v20;
	v12 =	vld.idx.msk [tilespmem:v12+s3+$0x0], $0xffff  }
0x699: {  	v45 =	vadd.s32 $0xF, v41;
	v37 =	vadd.s32 $0x7, v41;
	v14 =	vadd.s32 $0x6, v41;
	v20 =	vld.idx.msk [tilespmem:v19+s3+$0x0], $0xffff  }
0x69a: {  	v25 =	vadd.s32 $0xA, v41;
	v29 =	vadd.s32 $0x1, v22;
	v6 =	vmul.f32 v35, v6;
	v19 =	vld.idx.msk [tilespmem:v16+s3+$0x0], $0xffff  }
0x69b: {  	v57 =	vadd.s32 $0xB, v41;
	v56 =	vadd.s32 $0x5, v22;
	v58 =	vmul.f32 v17, v36;
	v55 =	vld.idx.msk [tilespmem:v41+s3+$0x0], $0xffff  }
0x69c: {  	v59 =	vadd.s32 $0x5, v41;
	v60 =	vadd.s32 $0x8, v41;
	v61 =	vmul.f32 $2.000000030e-01, v21;
	v27 =	vld.idx.msk [tilespmem:v27+s3+$0x0], $0xffff  }
0x69d: {  	v2 =	vadd.f32 v2, v15;
	v36 =	vadd.s32 $0x1, v41;
	v17 =	vadd.s32 $0x4, v22;
	v62 =	vld.idx.msk [tilespmem:v30+s3+$0x0], $0xffff  }
0x69e: {  	v3 =	vmax.f32 v3, v26;
	v16 =	vadd.s32 $0x4, v41;
	v30 =	vadd.s32 $0x9, v22;
	v63 =	vld.idx.msk [tilespmem:v45+s3+$0x0], $0xffff  }
0x69f: {  	v15 =	vadd.s32 $0xE, v41;
	v45 =	vadd.s32 $0xD, v22;
	v35 =	vld.idx.msk [tilespmem:v18+s3+$0x0], $0xffff;
	v18 =	vmax.f32 v21, v61  }
0x6a0: {  	v1 =	vmax.f32 v1, v47;
	v22 =	vld.idx.msk [tilespmem:v53+s3+$0x0], $0xffff;
	v53 =	vadd.s32 $0xD, v41;
	v43 =	vmul.f32 v18, v43  }
0x6a1: {  	v0 =	vmul.f32 v0, v42;
	v2 =	vadd.f32 v6, v2;
	v55 =	vadd.f32 v55, v33;
	v18 =	vld.idx.msk [tilespmem:v23+s3+$0x0], $0xffff  }
0x6a2: {  	v3 =	vmul.f32 v3, v40;
	v6 =	vmax.f32 v39, v46;
	v33 =	vadd.s32 $0x3, v41;
	v26 =	vld.idx.msk [tilespmem:v54+s3+$0x0], $0xffff  }
0x6a3: {  	v5 =	vmul.f32 v5, v38;
	v46 =	vadd.s32 $0x2, v41;
	v23 =	vbroadcast v13, $0x0;
	v41 =	vld.idx.msk [tilespmem:v59+s3+$0x0], $0xffff  }
0x6a4: {  	v4 =	vadd.f32 v48, v4;
	v2 =	vadd.f32 v3, v2;
	v38 =	vmul.f32 $2.000000030e-01, v55;
	v21 =	vld.idx.msk [tilespmem:v51+s3+$0x0], $0xffff  }
0x6a5: {  	v3 =	vadd.f32 v5, v31;
	v31 =	vmul.f32 v49, v32;
	v5 =	vadd.f32 v43, v34;
	v47 =	vld.idx.msk [tilespmem:v57+s3+$0x0], $0xffff  }
.Ltmp13:
0x6a6: {  	v28 =	vmul.f32 v44, v28;
	v4 =	vadd.f32 v58, v4;
	v32 =	vmax.f32 v55, v38;
	v39 =	vld.idx.msk [tilespmem:v52+s3+$0x0], $0xffff;
	(pc) =	sbr.rel @p0 .LBB2_28-.Ltmp13, $4  }
0x6a7: {  	v1 =	vmul.f32 v1, v24;
	v0 =	vadd.f32 v0, v3;
	v34 =	vmul.f32 v32, v23;
	v44 =	vld.idx.msk [tilespmem:v15+s3+$0x0], $0xffff  }
0x6a8: {  	v3 =	vadd.f32 v28, v5;
	v5 =	vmul.f32 v6, v9;
	v15 =	vadd.f32 v31, v2;
	v48 =	vld.idx.msk [tilespmem:v53+s3+$0x0], $0xffff  }
0x6a9: {  	v23 =	vadd.f32 v1, v4;
	v31 =	vadd.f32 v50, v0;
	v49 =	vld.idx.msk [tilespmem:v56+s3+$0x0], $0xffff  }
0x6aa: {  	v9 =	vbroadcast v13, $0xC;
	v51 =	vadd.f32 v63, v62;
	v38 =	vadd.f32 v5, v3;
	v50 =	vld.idx.msk [tilespmem:v60+s3+$0x0], $0xffff  }
0x6ab: {  	_ =	sdelay $0x2  }
0x6ac: {  	v0 =	vbroadcast v13, $0x8  }
0x6ad: {  	v1 =	vbroadcast v13, $0xD;
	v2 =	vbroadcast v13, $0xE;
	v3 =	vld.idx.msk [tilespmem:v37+s3+$0x0], $0xffff  }
0x6ae: {  	v5 =	vbroadcast v13, $0x3;
	v7 =	vld.idx.msk [tilespmem:v45+s3+$0x0], $0xffff;
	v8 =	vbroadcast v13, $0xA  }
0x6af: {  	v6 =	vadd.f32 v10, v31;
	v10 =	vbroadcast v13, $0x4;
	v28 =	vld.idx.msk [tilespmem:v29+s3+$0x0], $0xffff;
	v53 =	vbroadcast v13, $0x7  }
0x6b0: {  	v54 =	vbroadcast v13, $0x6;
	v32 =	vld.idx.msk [tilespmem:v36+s3+$0x0], $0xffff;
	v55 =	vbroadcast v13, $0x9  }
0x6b1: {  	v56 =	vbroadcast v13, $0x1;
	v57 =	vld.idx.msk [tilespmem:v46+s3+$0x0], $0xffff;
	v58 =	vbroadcast v13, $0x2  }
0x6b2: {  	v27 =	vadd.f32 v47, v27;
	v25 =	vld.idx.msk [tilespmem:v25+s3+$0x0], $0xffff;
	v40 =	vbroadcast v13, $0xB;
	v42 =	vbroadcast v13, $0x5  }
0x6b3: {  	v30 =	vld.idx.msk [tilespmem:v30+s3+$0x0], $0xffff;
	v26 =	vadd.f32 v26, v39;
	v4 =	vmul.f32 $2.000000030e-01, v51;
	v35 =	vadd.f32 v44, v35  }
0x6b4: {  	v13 =	vbroadcast v13, $0xF;
	v11 =	vld.idx.msk [tilespmem:v11+s3+$0x0], $0xffff;
	v24 =	vadd.f32 v34, v38;
	v3 =	vadd.f32 v3, v19  }
0x6b5: {  	v61 =	vld.idx.msk [tilespmem:v33+s3+$0x0], $0xffff;
	v43 =	vmul.f32 $2.000000030e-01, v27;
	v4 =	vmax.f32 v51, v4;
	v45 =	vmul.f32 $2.000000030e-01, v35  }
0x6b6: {  	v14 =	vld.idx.msk [tilespmem:v14+s3+$0x0], $0xffff;
	v41 =	vadd.f32 v41, v49;
	v4 =	vmul.f32 v4, v13;
	v13 =	vmul.f32 $2.000000030e-01, v3  }
0x6b7: {  	v17 =	vld.idx.msk [tilespmem:v17+s3+$0x0], $0xffff;
	v20 =	vadd.f32 v50, v20;
	v39 =	vmax.f32 v27, v43;
	v43 =	vmul.f32 $2.000000030e-01, v26  }
0x6b8: {  	v7 =	vadd.f32 v48, v7;
	v28 =	vadd.f32 v32, v28;
	v3 =	vmax.f32 v3, v13;
	v13 =	vld.idx.msk [tilespmem:v16+s3+$0x0], $0xffff  }
0x6b9: {  	v12 =	vadd.f32 v57, v12;
	v22 =	vadd.f32 v25, v22;
	v63 =	vmul.f32 $2.000000030e-01, v41  }
0x6ba: {  	v18 =	vadd.f32 v18, v30;
	v11 =	vadd.f32 v61, v11;
	v59 =	vmul.f32 $2.000000030e-01, v20  }
0x6bb: {  	v14 =	vadd.f32 v14, v21;
	v60 =	vmul.f32 $2.000000030e-01, v7;
	v62 =	vmul.f32 $2.000000030e-01, v28  }
0x6bc: {  	v37 =	vmul.f32 $2.000000030e-01, v12;
	v32 =	vmax.f32 v41, v63;
	v47 =	vmul.f32 $2.000000030e-01, v18  }
0x6bd: {  	v48 =	vmul.f32 $2.000000030e-01, v11;
	v49 =	vmul.f32 $2.000000030e-01, v22;
	v13 =	vadd.f32 v13, v17  }
0x6be: {  	v50 =	vmul.f32 $2.000000030e-01, v14;
	v19 =	vmax.f32 v20, v59;
	v46 =	vmul.f32 v32, v42  }
0x6bf: {  	v25 =	vmax.f32 v28, v62;
	v12 =	vmax.f32 v12, v37;
	v52 =	vmul.f32 $2.000000030e-01, v13  }
0x6c0: {  	v16 =	vmul.f32 v39, v40;
	v28 =	vmax.f32 v35, v45;
	v11 =	vmax.f32 v11, v48  }
0x6c1: {  	v14 =	vmax.f32 v14, v50;
	v0 =	vmul.f32 v19, v0;
	v13 =	vmax.f32 v13, v52  }
0x6c2: {  	v25 =	vmul.f32 v25, v56;
	v10 =	vmul.f32 v13, v10;
	v13 =	vimm.f32 $0.0e+00  }
0x6c3: {  	v18 =	vmax.f32 v18, v47;
	v12 =	vmul.f32 v12, v58;
	v14 =	vmul.f32 v14, v54;
	[tilespmem:$0x1A700] =	vst v13  }
0x6c4: {  	v7 =	vmax.f32 v7, v60;
	v18 =	vmul.f32 v18, v55;
	v5 =	vmul.f32 v11, v5;
	[tilespmem:$0x1A710] =	vst v13  }
0x6c5: {  	v3 =	vmul.f32 v3, v53;
	v51 =	vadd.f32 v25, v23;
	v12 =	vadd.f32 v12, v15;
	[tilespmem:$0x1A720] =	vst v13  }
0x6c6: {  	v2 =	vmul.f32 v28, v2;
	v15 =	vmax.f32 v22, v49;
	v5 =	vadd.f32 v5, v6;
	[tilespmem:$0x1A730] =	vst v13  }
0x6c7: {  	v8 =	vmul.f32 v15, v8;
	v11 =	vadd.f32 v14, v12;
	v12 =	vadd.f32 v46, v51;
	[tilespmem:$0x1A740] =	vst v13  }
0x6c8: {  	v1 =	vmul.f32 v7, v1;
	v3 =	vadd.f32 v3, v5;
	[tilespmem:$0x1A750] =	vst v13;
	v10 =	vadd.f32 v10, v24  }
0x6c9: {  	v6 =	vmax.f32 v26, v43;
	v8 =	vadd.f32 v8, v11;
	v5 =	vadd.f32 v18, v12;
	[tilespmem:$0x1A760] =	vst v13  }
0x6ca: {  	v6 =	vmul.f32 v6, v9;
	v3 =	vadd.f32 v16, v3;
	[tilespmem:$0x1A770] =	vst v13;
	v0 =	vadd.f32 v0, v10  }
0x6cb: {  	v2 =	vadd.f32 v2, v8;
	v1 =	vadd.f32 v1, v5;
	[tilespmem:$0x1A780] =	vst v13  }
0x6cc: {  	v3 =	vadd.f32 v4, v3;
	[tilespmem:$0x1A790] =	vst v13;
	v0 =	vadd.f32 v6, v0  }
0x6cd: {  	[tilespmem:$0x1A7A0] =	vst v13  }
0x6ce: {  	v54 =	vld [tilespmem:$0x1FF80];
	v53 =	vadd.f32 v3, v2;
	[tilespmem:$0x1A7B0] =	vst v13;
	v0 =	vadd.f32 v1, v0  }
0x6cf: {  	[tilespmem:$0x1A7C0] =	vst v13  }
0x6d0: {  	[tilespmem:$0x1A7D0] =	vst v13;
	v0 =	vadd.f32 v53, v0  }
0x6d1: {  	[tilespmem:$0x1A7E0] =	vst v13  }
0x6d2: {  	[tilespmem:$0x1A7F0] =	vst v13;
	v0 =	vnsel vm0, $0xF149F2CA, v0  }
0x6d3: {  	[tilespmem:$0x1A380] =	vst v0;
	v0 =	vmax.f32 v54, v0  }
0x6d4: {  	[tilespmem:$0x1A800] =	vst v13;
	(xrf0) =	vmax.scan.msk.f32 $0xffff, v0  }
0x6d5: {  	[tilespmem:$0x1A810] =	vst v13  }
0x6d6: {  	[tilespmem:$0x1A820] =	vst v13  }
0x6d7: {  	s18 =	simm.s32 $0x1A110;
	[tilespmem:$0x1A830] =	vst v13  }
0x6d8: {  	v55 =	vld [tilespmem:s18+$0x0]  }
0x6d9: {  	v56 =	vld [tilespmem:s18+$0xFFFFFFF0]  }
0x6da: {  	v57, _, _ =	vpop (xrf0)  }
0x6db: {  	v6 =	vbroadcast v57, $0xF;
	_ =	sdelay $0x1  }
0x6dc: {  	v0 =	vsub.f32 v55, v6  }
0x6dd: {  	v1 =	vsub.f32 v56, v6  }
0x6de: {  	v0 =	vmul.f32 $1.442695020e+00, v0  }
0x6df: {  	s30 =	simm.s32 $0x1A130;
	v1 =	vmul.f32 $1.442695020e+00, v1  }
0x6e0: {  	v58 =	vld [tilespmem:s30+$0x0];
	(erf) = vpow2.f32 v0  }
0x6e1: {  	v59 =	vld [tilespmem:s30+$0xFFFFFFF0];
	(erf) = vpow2.f32 v1;
	_ =	sdelay $0x3  }
0x6e2: {  	v0 =	vsub.f32 v58, v6  }
0x6e3: {  	v1 =	vsub.f32 v59, v6  }
0x6e4: {  	v0 =	vmul.f32 $1.442695020e+00, v0  }
0x6e5: {  	s31 =	simm.s32 $0x1A150;
	v1 =	vmul.f32 $1.442695020e+00, v1  }
0x6e6: {  	v60 =	vld [tilespmem:s31+$0x0];
	v7 =	vpop (erf);
	(erf) = vpow2.f32 v0  }
0x6e7: {  	v61 =	vld [tilespmem:s31+$0xFFFFFFF0];
	s18 =	simm.s32 $0x1A410;
	v8 =	vpop (erf);
	(erf) = vpow2.f32 v1  }
0x6e8: {  	s19 =	simm.s32 $0x19D90;
	[tilespmem:s18+$0x0] =	vst v7  }
0x6e9: {  	[tilespmem:s18+$0xFFFFFFF0] =	vst v8;
	v9 =	vld [tilespmem:s19+$0x0]  }
0x6ea: {  	v10 =	vld [tilespmem:s19+$0xFFFFFFF0]  }
0x6eb: {  	v62 =	vsub.f32 v60, v6  }
0x6ec: {  	v63 =	vsub.f32 v61, v6  }
0x6ed: {  	v12 =	vmul.f32 $1.442695020e+00, v62  }
0x6ee: {  	s20 =	simm.s32 $0x4;
	s21 =	simm.s32 $0x1A170;
	v11 =	vmul.f32 $1.442695020e+00, v63  }
.LBB2_30:
0x6ef: {  	v0 =	vld [tilespmem:s21+$0x0];
	(erf) = vpow2.f32 v12;
	v1 =	vpop (erf);
	s18 =	sadd.s32 $0x20, s18;
	v2 =	vmov v10  }
0x6f0: {  	s20 =	sadd.s32 $0x2, s20;
	v3 =	vld [tilespmem:s21+$0xFFFFFFF0];
	(erf) = vpow2.f32 v11;
	[tilespmem:s18+$0x0] =	vst v1;
	v4 =	vpop (erf)  }
0x6f1: {  	s19 =	sadd.s32 $0x20, s19;
	p0 =	slt.u32 s20, $0x26;
	[tilespmem:v9+s15+$0x0] =	vst.idx.add.f32.msk $0xffff, v7;
	v7 =	vmov v1  }
0x6f2: {  	[tilespmem:s18+$0xFFFFFFF0] =	vst v4;
	v9 =	vld [tilespmem:s19+$0x0]  }
.Ltmp14:
0x6f3: {  	v10 =	vld [tilespmem:s19+$0xFFFFFFF0];
	(pc) =	sbr.rel @p0 .LBB2_30-.Ltmp14, $4  }
0x6f4: {  	v0 =	vsub.f32 v0, v6;
	[tilespmem:v2+s15+$0x0] =	vst.idx.add.f32.msk $0xffff, v8;
	v8 =	vmov v4  }
0x6f5: {  	v1 =	vsub.f32 v3, v6  }
0x6f6: {  	v12 =	vmul.f32 $1.442695020e+00, v0  }
0x6f7: {  	s21 =	sadd.s32 $0x20, s21;
	v11 =	vmul.f32 $1.442695020e+00, v1  }
0x6f8: {  	(erf) = vpow2.f32 v12  }
0x6f9: {  	(erf) = vpow2.f32 v11;
	_ =	sdelay $0x5  }
0x6fa: {  	v0 =	vpop (erf);
	s18 =	sadd.s32 $0x20, s18  }
0x6fb: {  	s19 =	sadd.s32 $0x20, s19;
	[tilespmem:s18+$0x0] =	vst v0;
	v1 =	vpop (erf)  }
0x6fc: {  	[tilespmem:s18+$0xFFFFFFF0] =	vst v1;
	v2 =	vld [tilespmem:s19+$0x0];
	s18 =	sadd.s32 $0x20, s18;
	v3 =	vpop (erf)  }
0x6fd: {  	v4 =	vld [tilespmem:s19+$0xFFFFFFF0];
	s19 =	sadd.s32 $0x20, s19;
	[tilespmem:s18+$0x0] =	vst v3;
	v5 =	vpop (erf)  }
0x6fe: {  	[tilespmem:s18+$0xFFFFFFF0] =	vst v5;
	v61 =	vld [tilespmem:s19+$0x0]  }
0x6ff: {  	v12 =	vld [tilespmem:s19+$0xFFFFFFF0];
	_ =	sdelay $0x2  }
0x700: {  	[tilespmem:v9+s15+$0x0] =	vst.idx.add.f32.msk $0xffff, v7  }
0x701: {  	[tilespmem:v10+s15+$0x0] =	vst.idx.add.f32.msk $0xffff, v8  }
0x702: {  	[tilespmem:v2+s15+$0x0] =	vst.idx.add.f32.msk $0xffff, v0  }
0x703: {  	[tilespmem:v4+s15+$0x0] =	vst.idx.add.f32.msk $0xffff, v1  }
0x704: {  	[tilespmem:v61+s15+$0x0] =	vst.idx.add.f32.msk $0xffff, v3  }
0x705: {  	[tilespmem:v12+s15+$0x0] =	vst.idx.add.f32.msk $0xffff, v5  }
0x706: {  	v0 =	vld [tilespmem:$0x1A380];
	_ =	sdelay $0x4  }
0x707: {  	v0 =	vsub.f32 v0, v6;
	_ =	sdelay $0x1  }
0x708: {  	v0 =	vmul.f32 $1.442695020e+00, v0;
	_ =	sdelay $0x1  }
0x709: {  	(erf) = vpow2.f32 v0;
	_ =	sdelay $0x2  }
0x70a: {  	v62 =	vld [tilespmem:$0x1A000];
	_ =	sdelay $0x5  }
0x70b: {  	v63 =	vpop (erf)  }
0x70c: {  	[tilespmem:$0x1A680] =	vst v63  }
0x70d: {  	s18 =	simm.s32 $0x110C0;
	[tilespmem:v62+s15+$0x0] =	vst.idx.add.f32.msk $0xffff, v63  }
0x70e: {  	[tilespmem:s18+$0xFFFFFFC0] =	vst v13  }
0x70f: {  	[tilespmem:s18+$0x30] =	vst v13  }
0x710: {  	[tilespmem:s18+$0x20] =	vst v13  }
0x711: {  	[tilespmem:s18+$0x10] =	vst v13  }
0x712: {  	[tilespmem:s18+$0x0] =	vst v13  }
0x713: {  	[tilespmem:s18+$0xFFFFFFF0] =	vst v13  }
0x714: {  	s19 =	simm.s32 $0x0;
	[tilespmem:s18+$0xFFFFFFE0] =	vst v13  }
.LBB2_32:
0x715: {  	s19 =	sadd.s32 $0x2, s19;
	[tilespmem:s18+$0xFFFFFFD0] =	vst v13;
	s18 =	sadd.s32 $0x80, s18  }
0x716: {  	[tilespmem:s18+$0xFFFFFFC0] =	vst v13;
	p0 =	slt.u32 s19, $0x21E  }
0x717: {  	[tilespmem:s18+$0x30] =	vst v13  }
.Ltmp15:
0x718: {  	[tilespmem:s18+$0x20] =	vst v13;
	(pc) =	sbr.rel @p0 .LBB2_32-.Ltmp15, $4  }
0x719: {  	[tilespmem:s18+$0x10] =	vst v13  }
0x71a: {  	[tilespmem:s18+$0x0] =	vst v13  }
0x71b: {  	[tilespmem:s18+$0xFFFFFFF0] =	vst v13  }
0x71c: {  	[tilespmem:s18+$0xFFFFFFE0] =	vst v13  }
0x71d: {  	[tilespmem:s18+$0xFFFFFFD0] =	vst v13;
	s18 =	simm.s32 $0x0;
	s19 =	simm.s32 $0x0  }
.LBB2_34:
0x71e: {  	s20 =	sshll.u32 s19, $0x4  }
0x71f: {  	v0 =	vld [tilespmem:s20+$0x19D80];
	_ =	sdelay $0x7  }
0x720: {  	v1 =	vld.idx.msk [tilespmem:v0+s15+$0x0], $0xffff  }
0x721: {  	v2 =	vld [tilespmem:s20+$0x19A80];
	_ =	sdelay $0x1  }
0x722: {  	v52 =	vld [tilespmem:$0x1FFD0];
	_ =	sdelay $0x1  }
0x723: {  	v1 =	vadd.f32 $1.000000020e-16, v1  }
0x724: {  	v2 =	vmul.u32 $0xE3, v2  }
0x725: {  	(erf) = vrcp.f32 v1  }
0x726: {  	v15 =	vadd.s32 v52, v2  }
0x727: {  	v14 =	vadd.s32 s18, v15;
	_ =	sdelay $0x2  }
0x728: {  	v53 =	vld [tilespmem:s20+$0x1A400];
	_ =	sdelay $0x1  }
0x729: {  	v18 =	vmul.u32 $0x71, v0;
	v54 =	vld.idx.msk [tilespmem:v14+s3+$0x0], $0xffff;
	_ =	sdelay $0x1  }
0x72a: {  	v11 =	vadd.s32 s18, v18;
	v55 =	vpop (erf)  }
0x72b: {  	v56 =	vadd.s32 $0x1, v14;
	v6 =	vmul.f32 v55, v53;
	_ =	sdelay $0x1  }
0x72c: {  	v0 =	vmul.f32 v54, v6;
	_ =	sdelay $0x1  }
0x72d: {  	[tilespmem:v11+s16+$0x0] =	vst.idx.add.f32.msk $0xffff, v0  }
0x72e: {  	v0 =	vld.idx.msk [tilespmem:v56+s3+$0x0], $0xffff;
	_ =	sdelay $0x1  }
0x72f: {  	v57 =	vadd.s32 $0x1, v11  }
0x730: {  	v58 =	vadd.s32 $0x2, v14;
	_ =	sdelay $0x1  }
0x731: {  	v0 =	vmul.f32 v0, v6;
	_ =	sdelay $0x1  }
0x732: {  	[tilespmem:v57+s16+$0x0] =	vst.idx.add.f32.msk $0xffff, v0  }
0x733: {  	v0 =	vld.idx.msk [tilespmem:v58+s3+$0x0], $0xffff;
	_ =	sdelay $0x1  }
0x734: {  	v59 =	vadd.s32 $0x2, v11  }
0x735: {  	v60 =	vadd.s32 $0x3, v14  }
0x736: {  	s21 =	simm.s32 $0x10  }
0x737: {  	v8 =	vadd.s32 s21, v15;
	v0 =	vmul.f32 v0, v6;
	_ =	sdelay $0x1  }
0x738: {  	[tilespmem:v59+s16+$0x0] =	vst.idx.add.f32.msk $0xffff, v0  }
0x739: {  	v0 =	vld.idx.msk [tilespmem:v60+s3+$0x0], $0xffff;
	_ =	sdelay $0x1  }
0x73a: {  	v61 =	vadd.s32 $0x3, v11;
	v3 =	vld.idx.msk [tilespmem:v8+s3+$0x0], $0xffff  }
0x73b: {  	v62 =	vadd.s32 $0x4, v14  }
0x73c: {  	v7 =	vadd.s32 s21, v18  }
0x73d: {  	v4 =	vadd.s32 $0x1, v8;
	v0 =	vmul.f32 v0, v6;
	_ =	sdelay $0x1  }
0x73e: {  	v63 =	vmul.f32 v3, v6;
	[tilespmem:v61+s16+$0x0] =	vst.idx.add.f32.msk $0xffff, v0  }
0x73f: {  	v0 =	vld.idx.msk [tilespmem:v62+s3+$0x0], $0xffff  }
0x740: {  	[tilespmem:v7+s16+$0x0] =	vst.idx.add.f32.msk $0xffff, v63  }
0x741: {  	v28 =	vadd.s32 $0x4, v11;
	v30 =	vld.idx.msk [tilespmem:v4+s3+$0x0], $0xffff  }
0x742: {  	v29 =	vadd.s32 $0x5, v14  }
0x743: {  	v4 =	vadd.s32 $0x1, v7  }
0x744: {  	v5 =	vadd.s32 $0x2, v8;
	v0 =	vmul.f32 v0, v6;
	_ =	sdelay $0x1  }
0x745: {  	v31 =	vmul.f32 v30, v6;
	[tilespmem:v28+s16+$0x0] =	vst.idx.add.f32.msk $0xffff, v0  }
0x746: {  	v0 =	vld.idx.msk [tilespmem:v29+s3+$0x0], $0xffff  }
0x747: {  	[tilespmem:v4+s16+$0x0] =	vst.idx.add.f32.msk $0xffff, v31  }
0x748: {  	v32 =	vadd.s32 $0x5, v11;
	v34 =	vld.idx.msk [tilespmem:v5+s3+$0x0], $0xffff  }
0x749: {  	v33 =	vadd.s32 $0x6, v14  }
0x74a: {  	v4 =	vadd.s32 $0x2, v7  }
0x74b: {  	v35 =	vadd.s32 $0x3, v8;
	v0 =	vmul.f32 v0, v6  }
0x74c: {  	s29 =	simm.s32 $0x20  }
0x74d: {  	v10 =	vadd.s32 s29, v15;
	v36 =	vmul.f32 v34, v6;
	[tilespmem:v32+s16+$0x0] =	vst.idx.add.f32.msk $0xffff, v0  }
0x74e: {  	v1 =	vld.idx.msk [tilespmem:v33+s3+$0x0], $0xffff  }
0x74f: {  	[tilespmem:v4+s16+$0x0] =	vst.idx.add.f32.msk $0xffff, v36  }
0x750: {  	v37 =	vadd.s32 $0x6, v11;
	v0 =	vld.idx.msk [tilespmem:v35+s3+$0x0], $0xffff  }
0x751: {  	v38 =	vadd.s32 $0x7, v14  }
0x752: {  	v5 =	vadd.s32 $0x3, v7;
	v4 =	vld.idx.msk [tilespmem:v10+s3+$0x0], $0xffff  }
0x753: {  	v39 =	vadd.s32 $0x4, v8;
	v1 =	vmul.f32 v1, v6  }
0x754: {  	v9 =	vadd.s32 s29, v18  }
0x755: {  	v40 =	vadd.s32 $0x1, v10;
	v0 =	vmul.f32 v0, v6;
	[tilespmem:v37+s16+$0x0] =	vst.idx.add.f32.msk $0xffff, v1  }
0x756: {  	v2 =	vld.idx.msk [tilespmem:v38+s3+$0x0], $0xffff  }
0x757: {  	v4 =	vmul.f32 v4, v6;
	[tilespmem:v5+s16+$0x0] =	vst.idx.add.f32.msk $0xffff, v0  }
0x758: {  	v12 =	vadd.s32 $0x7, v11;
	v1 =	vld.idx.msk [tilespmem:v39+s3+$0x0], $0xffff  }
0x759: {  	v41 =	vadd.s32 $0x8, v14;
	[tilespmem:v9+s16+$0x0] =	vst.idx.add.f32.msk $0xffff, v4  }
0x75a: {  	v4 =	vadd.s32 $0x4, v7;
	v3 =	vld.idx.msk [tilespmem:v40+s3+$0x0], $0xffff  }
0x75b: {  	v5 =	vadd.s32 $0x5, v8;
	v2 =	vmul.f32 v2, v6  }
0x75c: {  	v42 =	vadd.s32 $0x1, v9  }
0x75d: {  	v1 =	vmul.f32 v1, v6;
	[tilespmem:v12+s16+$0x0] =	vst.idx.add.f32.msk $0xffff, v2;
	v12 =	vadd.s32 $0x2, v10  }
0x75e: {  	v0 =	vld.idx.msk [tilespmem:v41+s3+$0x0], $0xffff  }
0x75f: {  	v43 =	vmul.f32 v3, v6;
	[tilespmem:v4+s16+$0x0] =	vst.idx.add.f32.msk $0xffff, v1  }
0x760: {  	v13 =	vadd.s32 $0x8, v11;
	v4 =	vld.idx.msk [tilespmem:v5+s3+$0x0], $0xffff  }
0x761: {  	v44 =	vadd.s32 $0x9, v14;
	[tilespmem:v42+s16+$0x0] =	vst.idx.add.f32.msk $0xffff, v43  }
0x762: {  	v45 =	vadd.s32 $0x5, v7;
	v2 =	vld.idx.msk [tilespmem:v12+s3+$0x0], $0xffff  }
0x763: {  	v5 =	vadd.s32 $0x6, v8;
	v0 =	vmul.f32 v0, v6  }
0x764: {  	v46 =	vadd.s32 $0x2, v9  }
0x765: {  	v4 =	vmul.f32 v4, v6;
	v12 =	vadd.s32 $0x3, v10;
	[tilespmem:v13+s16+$0x0] =	vst.idx.add.f32.msk $0xffff, v0  }
0x766: {  	s30 =	simm.s32 $0x30;
	v0 =	vld.idx.msk [tilespmem:v44+s3+$0x0], $0xffff  }
0x767: {  	[tilespmem:v45+s16+$0x0] =	vst.idx.add.f32.msk $0xffff, v4;
	v13 =	vadd.s32 s30, v15;
	v47 =	vmul.f32 v2, v6  }
0x768: {  	v16 =	vadd.s32 $0x9, v11;
	v4 =	vld.idx.msk [tilespmem:v5+s3+$0x0], $0xffff  }
0x769: {  	v48 =	vadd.s32 $0xA, v14;
	[tilespmem:v46+s16+$0x0] =	vst.idx.add.f32.msk $0xffff, v47  }
0x76a: {  	v49 =	vadd.s32 $0x6, v7;
	v3 =	vld.idx.msk [tilespmem:v12+s3+$0x0], $0xffff  }
0x76b: {  	v5 =	vadd.s32 $0x7, v8;
	v0 =	vmul.f32 v0, v6  }
0x76c: {  	v50 =	vadd.s32 $0x3, v9;
	v17 =	vld.idx.msk [tilespmem:v13+s3+$0x0], $0xffff  }
0x76d: {  	v4 =	vmul.f32 v4, v6;
	[tilespmem:v16+s16+$0x0] =	vst.idx.add.f32.msk $0xffff, v0;
	v16 =	vadd.s32 $0x4, v10  }
0x76e: {  	v0 =	vld.idx.msk [tilespmem:v48+s3+$0x0], $0xffff  }
0x76f: {  	v12 =	vadd.s32 s30, v18;
	[tilespmem:v49+s16+$0x0] =	vst.idx.add.f32.msk $0xffff, v4;
	v51 =	vmul.f32 v3, v6  }
0x770: {  	v19 =	vadd.s32 $0xA, v11;
	v4 =	vld.idx.msk [tilespmem:v5+s3+$0x0], $0xffff  }
0x771: {  	v5 =	vadd.s32 $0x1, v13;
	[tilespmem:v50+s16+$0x0] =	vst.idx.add.f32.msk $0xffff, v51  }
0x772: {  	v52 =	vadd.s32 $0xB, v14;
	v2 =	vld.idx.msk [tilespmem:v16+s3+$0x0], $0xffff;
	v16 =	vmul.f32 v17, v6  }
0x773: {  	v53 =	vadd.s32 $0x7, v7;
	v0 =	vmul.f32 v0, v6  }
0x774: {  	[tilespmem:v12+s16+$0x0] =	vst.idx.add.f32.msk $0xffff, v16  }
0x775: {  	v54 =	vadd.s32 $0x8, v8;
	[tilespmem:v19+s16+$0x0] =	vst.idx.add.f32.msk $0xffff, v0  }
0x776: {  	v17 =	vadd.s32 $0x4, v9;
	v4 =	vmul.f32 v4, v6;
	v5 =	vld.idx.msk [tilespmem:v5+s3+$0x0], $0xffff  }
0x777: {  	v16 =	vadd.s32 $0x5, v10;
	v3 =	vld.idx.msk [tilespmem:v52+s3+$0x0], $0xffff  }
0x778: {  	[tilespmem:v53+s16+$0x0] =	vst.idx.add.f32.msk $0xffff, v4;
	v4 =	vadd.s32 $0x1, v12  }
0x779: {  	v19 =	vadd.s32 $0xB, v11;
	v55 =	vmul.f32 v2, v6  }
0x77a: {  	v20 =	vadd.s32 $0x2, v13;
	v0 =	vld.idx.msk [tilespmem:v54+s3+$0x0], $0xffff  }
0x77b: {  	v56 =	vadd.s32 $0xC, v14;
	[tilespmem:v17+s16+$0x0] =	vst.idx.add.f32.msk $0xffff, v55;
	v5 =	vmul.f32 v5, v6  }
0x77c: {  	v58 =	vld.idx.msk [tilespmem:v16+s3+$0x0], $0xffff;
	v57 =	vmul.f32 v3, v6  }
0x77d: {  	v16 =	vadd.s32 $0x8, v7;
	[tilespmem:v4+s16+$0x0] =	vst.idx.add.f32.msk $0xffff, v5  }
0x77e: {  	v59 =	vadd.s32 $0x9, v8;
	[tilespmem:v19+s16+$0x0] =	vst.idx.add.f32.msk $0xffff, v57  }
0x77f: {  	v17 =	vadd.s32 $0x5, v9;
	v5 =	vld.idx.msk [tilespmem:v20+s3+$0x0], $0xffff  }
0x780: {  	v0 =	vmul.f32 v0, v6;
	v4 =	vadd.s32 $0x6, v10;
	v2 =	vld.idx.msk [tilespmem:v56+s3+$0x0], $0xffff  }
0x781: {  	v20 =	vadd.s32 $0x2, v12  }
0x782: {  	v19 =	vadd.s32 $0xC, v11;
	v3 =	vmul.f32 v58, v6;
	[tilespmem:v16+s16+$0x0] =	vst.idx.add.f32.msk $0xffff, v0  }
0x783: {  	s31 =	simm.s32 $0x40;
	v60 =	vadd.s32 $0xD, v14;
	v1 =	vld.idx.msk [tilespmem:v59+s3+$0x0], $0xffff  }
0x784: {  	v16 =	vadd.s32 s31, v15;
	[tilespmem:v17+s16+$0x0] =	vst.idx.add.f32.msk $0xffff, v3;
	v62 =	vmul.f32 v5, v6  }
0x785: {  	v61 =	vadd.s32 $0x3, v13;
	v4 =	vld.idx.msk [tilespmem:v4+s3+$0x0], $0xffff;
	v2 =	vmul.f32 v2, v6  }
0x786: {  	v17 =	vadd.s32 $0x9, v7;
	[tilespmem:v20+s16+$0x0] =	vst.idx.add.f32.msk $0xffff, v62  }
0x787: {  	v5 =	vadd.s32 $0xA, v8;
	[tilespmem:v19+s16+$0x0] =	vst.idx.add.f32.msk $0xffff, v2  }
0x788: {  	v26 =	vadd.s32 $0x6, v9;
	v0 =	vld.idx.msk [tilespmem:v60+s3+$0x0], $0xffff  }
0x789: {  	v25 =	vadd.s32 $0x7, v10;
	v19 =	vld.idx.msk [tilespmem:v16+s3+$0x0], $0xffff;
	v1 =	vmul.f32 v1, v6  }
0x78a: {  	v23 =	vadd.s32 $0xD, v11;
	v21 =	vld.idx.msk [tilespmem:v61+s3+$0x0], $0xffff  }
0x78b: {  	v22 =	vadd.s32 $0xE, v14;
	v63 =	vmul.f32 v4, v6;
	[tilespmem:v17+s16+$0x0] =	vst.idx.add.f32.msk $0xffff, v1  }
0x78c: {  	v17 =	vadd.s32 s31, v18;
	v20 =	vld.idx.msk [tilespmem:v5+s3+$0x0], $0xffff  }
0x78d: {  	s21 =	simm.s32 $0x50;
	v24 =	vadd.s32 $0x3, v12;
	[tilespmem:v26+s16+$0x0] =	vst.idx.add.f32.msk $0xffff, v63;
	v26 =	vmul.f32 v0, v6  }
.LBB2_35:
0x78e: {  	p0 =	sne.s32 s21, $0x60;
	v0 =	vadd.s32 $0x4, v13;
	v1 =	vld.idx.msk [tilespmem:v25+s3+$0x0], $0xffff  }
0x78f: {  	v2 =	vmul.f32 v19, v6;
	v3 =	vadd.s32 $0xA, v7;
	[tilespmem:v23+s16+$0x0] =	vst.idx.add.f32.msk $0xffff, v26  }
0x790: {  	v5 =	vadd.s32 $0xB, v8;
	v4 =	vmul.f32 v21, v6;
	v19 =	vld.idx.msk [tilespmem:v22+s3+$0x0], $0xffff  }
0x791: {  	[tilespmem:v17+s16+$0x0] =	vst.idx.add.f32.msk $0xffff, v2;
	v2 =	vadd.s32 $0x1, v16  }
0x792: {  	v20 =	vmul.f32 v20, v6;
	[tilespmem:v24+s16+$0x0] =	vst.idx.add.f32.msk $0xffff, v4;
	v4 =	vadd.s32 $0x7, v9  }
0x793: {  	v21 =	vadd.s32 $0xE, v11;
	v0 =	vld.idx.msk [tilespmem:v0+s3+$0x0], $0xffff  }
0x794: {  	[tilespmem:v3+s16+$0x0] =	vst.idx.add.f32.msk $0xffff, v20;
	v3 =	vadd.s32 $0xF, v14;
	v14 =	vmovc v8;
	v8 =	vmovc v10;
	v10 =	vmov v13;
	v13 =	vmov v16  }
0x795: {  	v1 =	vmul.f32 v1, v6;
	v16 =	vadd.s32 $0x8, v8;
	v5 =	vld.idx.msk [tilespmem:v5+s3+$0x0], $0xffff  }
0x796: {  	v20 =	vadd.s32 $0x4, v12;
	v19 =	vmul.f32 v19, v6;
	v2 =	vld.idx.msk [tilespmem:v2+s3+$0x0], $0xffff  }
0x797: {  	v22 =	vadd.s32 $0x5, v10;
	[tilespmem:v4+s16+$0x0] =	vst.idx.add.f32.msk $0xffff, v1  }
0x798: {  	v1 =	vadd.s32 $0xB, v7;
	[tilespmem:v21+s16+$0x0] =	vst.idx.add.f32.msk $0xffff, v19  }
0x799: {  	v4 =	vadd.s32 $0xC, v14;
	v0 =	vmul.f32 v0, v6;
	v3 =	vld.idx.msk [tilespmem:v3+s3+$0x0], $0xffff  }
0x79a: {  	v19 =	vadd.s32 $0x1, v17;
	v16 =	vld.idx.msk [tilespmem:v16+s3+$0x0], $0xffff  }
0x79b: {  	v21 =	vadd.s32 $0x2, v13;
	[tilespmem:v20+s16+$0x0] =	vst.idx.add.f32.msk $0xffff, v0;
	v0 =	vmul.f32 v5, v6  }
0x79c: {  	v20 =	vadd.s32 $0xF, v11;
	v11 =	vmovc v7;
	v7 =	vmovc v9;
	v9 =	vmov v12;
	v12 =	vmov v17;
	v5 =	vld.idx.msk [tilespmem:v22+s3+$0x0], $0xffff  }
0x79d: {  	v2 =	vmul.f32 v2, v6;
	v17 =	vadd.s32 $0x8, v7;
	[tilespmem:v1+s16+$0x0] =	vst.idx.add.f32.msk $0xffff, v0  }
0x79e: {  	v0 =	vadd.s32 $0x9, v8;
	v1 =	vld.idx.msk [tilespmem:v4+s3+$0x0], $0xffff  }
0x79f: {  	v3 =	vmul.f32 v3, v6;
	[tilespmem:v19+s16+$0x0] =	vst.idx.add.f32.msk $0xffff, v2;
	v2 =	vadd.s32 $0x5, v9  }
0x7a0: {  	v19 =	vadd.s32 $0x6, v10;
	v16 =	vmul.f32 v16, v6;
	v4 =	vld.idx.msk [tilespmem:v21+s3+$0x0], $0xffff  }
0x7a1: {  	v21 =	vadd.s32 $0xC, v11;
	[tilespmem:v20+s16+$0x0] =	vst.idx.add.f32.msk $0xffff, v3  }
0x7a2: {  	v3 =	vmul.f32 v5, v6;
	v5 =	vadd.s32 $0xD, v14;
	[tilespmem:v17+s16+$0x0] =	vst.idx.add.f32.msk $0xffff, v16  }
0x7a3: {  	v16 =	vadd.s32 s21, v15;
	v0 =	vld.idx.msk [tilespmem:v0+s3+$0x0], $0xffff  }
0x7a4: {  	v17 =	vadd.s32 $0x2, v12;
	v1 =	vmul.f32 v1, v6;
	[tilespmem:v2+s16+$0x0] =	vst.idx.add.f32.msk $0xffff, v3  }
0x7a5: {  	v2 =	vadd.s32 $0x3, v13;
	v3 =	vld.idx.msk [tilespmem:v19+s3+$0x0], $0xffff  }
0x7a6: {  	v20 =	vadd.s32 $0x9, v7;
	[tilespmem:v21+s16+$0x0] =	vst.idx.add.f32.msk $0xffff, v1  }
0x7a7: {  	v1 =	vmul.f32 v4, v6;
	v4 =	vadd.s32 $0xA, v8;
	v5 =	vld.idx.msk [tilespmem:v5+s3+$0x0], $0xffff  }
0x7a8: {  	v26 =	vadd.s32 $0x6, v9;
	v19 =	vld.idx.msk [tilespmem:v16+s3+$0x0], $0xffff  }
.Ltmp16:
0x7a9: {  	v25 =	vadd.s32 $0x7, v10;
	v0 =	vmul.f32 v0, v6;
	[tilespmem:v17+s16+$0x0] =	vst.idx.add.f32.msk $0xffff, v1;
	(pc) =	sbr.rel @p0 .LBB2_35-.Ltmp16, $4  }
0x7aa: {  	v23 =	vadd.s32 $0xD, v11;
	v21 =	vld.idx.msk [tilespmem:v2+s3+$0x0], $0xffff  }
0x7ab: {  	v22 =	vadd.s32 $0xE, v14;
	v1 =	vmul.f32 v3, v6;
	[tilespmem:v20+s16+$0x0] =	vst.idx.add.f32.msk $0xffff, v0  }
0x7ac: {  	v17 =	vadd.s32 s21, v18;
	v20 =	vld.idx.msk [tilespmem:v4+s3+$0x0], $0xffff  }
0x7ad: {  	v24 =	vadd.s32 $0x3, v12;
	s21 =	sadd.s32 $0x10, s21;
	[tilespmem:v26+s16+$0x0] =	vst.idx.add.f32.msk $0xffff, v1;
	v26 =	vmul.f32 v5, v6  }
0x7ae: {  	_ =	sdelay $0x3  }
0x7af: {  	v0 =	vadd.s32 $0x4, v13;
	v1 =	vld.idx.msk [tilespmem:v25+s3+$0x0], $0xffff  }
0x7b0: {  	v2 =	vmul.f32 v19, v6;
	v3 =	vadd.s32 $0xA, v7;
	[tilespmem:v23+s16+$0x0] =	vst.idx.add.f32.msk $0xffff, v26  }
0x7b1: {  	v56 =	vadd.s32 $0x1, v16;
	v4 =	vmul.f32 v21, v6;
	v15 =	vld.idx.msk [tilespmem:v22+s3+$0x0], $0xffff  }
0x7b2: {  	v5 =	vadd.s32 $0xB, v8;
	[tilespmem:v17+s16+$0x0] =	vst.idx.add.f32.msk $0xffff, v2  }
0x7b3: {  	[tilespmem:v24+s16+$0x0] =	vst.idx.add.f32.msk $0xffff, v4;
	v4 =	vadd.s32 $0x7, v9;
	v18 =	vmul.f32 v20, v6  }
0x7b4: {  	v19 =	vadd.s32 $0xE, v11;
	v0 =	vld.idx.msk [tilespmem:v0+s3+$0x0], $0xffff  }
0x7b5: {  	v57 =	vadd.s32 $0xF, v14;
	v14 =	vadd.s32 $0x8, v10;
	[tilespmem:v3+s16+$0x0] =	vst.idx.add.f32.msk $0xffff, v18  }
0x7b6: {  	v1 =	vmul.f32 v1, v6;
	v2 =	vld.idx.msk [tilespmem:v56+s3+$0x0], $0xffff  }
0x7b7: {  	v18 =	vadd.s32 $0x4, v12;
	v5 =	vld.idx.msk [tilespmem:v5+s3+$0x0], $0xffff;
	v15 =	vmul.f32 v15, v6  }
0x7b8: {  	v20 =	vadd.s32 $0x5, v13;
	[tilespmem:v4+s16+$0x0] =	vst.idx.add.f32.msk $0xffff, v1  }
0x7b9: {  	v58 =	vadd.s32 $0xB, v7;
	[tilespmem:v19+s16+$0x0] =	vst.idx.add.f32.msk $0xffff, v15  }
0x7ba: {  	v4 =	vadd.s32 $0xC, v8;
	v14 =	vld.idx.msk [tilespmem:v14+s3+$0x0], $0xffff;
	v0 =	vmul.f32 v0, v6  }
0x7bb: {  	v15 =	vadd.s32 $0x1, v17;
	v3 =	vld.idx.msk [tilespmem:v57+s3+$0x0], $0xffff  }
0x7bc: {  	v19 =	vadd.s32 $0x2, v16;
	v59 =	vmul.f32 v5, v6;
	[tilespmem:v18+s16+$0x0] =	vst.idx.add.f32.msk $0xffff, v0  }
0x7bd: {  	v11 =	vadd.s32 $0xF, v11;
	v5 =	vld.idx.msk [tilespmem:v20+s3+$0x0], $0xffff  }
0x7be: {  	v2 =	vmul.f32 v2, v6;
	v18 =	vadd.s32 $0x8, v9;
	[tilespmem:v58+s16+$0x0] =	vst.idx.add.f32.msk $0xffff, v59  }
0x7bf: {  	v60 =	vadd.s32 $0x9, v10;
	v1 =	vld.idx.msk [tilespmem:v4+s3+$0x0], $0xffff  }
0x7c0: {  	v61 =	vadd.s32 $0x5, v12;
	[tilespmem:v15+s16+$0x0] =	vst.idx.add.f32.msk $0xffff, v2;
	v3 =	vmul.f32 v3, v6  }
0x7c1: {  	v15 =	vadd.s32 $0x6, v13;
	v14 =	vmul.f32 v14, v6;
	v4 =	vld.idx.msk [tilespmem:v19+s3+$0x0], $0xffff  }
0x7c2: {  	v19 =	vadd.s32 $0xC, v7;
	[tilespmem:v11+s16+$0x0] =	vst.idx.add.f32.msk $0xffff, v3  }
0x7c3: {  	[tilespmem:v18+s16+$0x0] =	vst.idx.add.f32.msk $0xffff, v14;
	v62 =	vmul.f32 v5, v6  }
0x7c4: {  	v11 =	vadd.s32 $0x2, v17;
	v0 =	vld.idx.msk [tilespmem:v60+s3+$0x0], $0xffff  }
0x7c5: {  	v5 =	vadd.s32 $0xD, v8;
	v1 =	vmul.f32 v1, v6;
	[tilespmem:v61+s16+$0x0] =	vst.idx.add.f32.msk $0xffff, v62  }
0x7c6: {  	v63 =	vadd.s32 $0x3, v16;
	v3 =	vld.idx.msk [tilespmem:v15+s3+$0x0], $0xffff  }
0x7c7: {  	v14 =	vadd.s32 $0x9, v9;
	v28 =	vmul.f32 v4, v6;
	[tilespmem:v19+s16+$0x0] =	vst.idx.add.f32.msk $0xffff, v1  }
0x7c8: {  	v4 =	vadd.s32 $0xA, v10;
	v19 =	vld [tilespmem:s20+$0x19A90]  }
0x7c9: {  	v15 =	vadd.s32 $0x6, v12;
	[tilespmem:v11+s16+$0x0] =	vst.idx.add.f32.msk $0xffff, v28  }
0x7ca: {  	v5 =	vld.idx.msk [tilespmem:v5+s3+$0x0], $0xffff;
	v0 =	vmul.f32 v0, v6  }
0x7cb: {  	v29 =	vadd.s32 $0x7, v13;
	v2 =	vld.idx.msk [tilespmem:v63+s3+$0x0], $0xffff  }
0x7cc: {  	v11 =	vadd.s32 $0xD, v7;
	[tilespmem:v14+s16+$0x0] =	vst.idx.add.f32.msk $0xffff, v0;
	v3 =	vmul.f32 v3, v6  }
0x7cd: {  	v14 =	vadd.s32 $0x3, v17;
	v4 =	vld.idx.msk [tilespmem:v4+s3+$0x0], $0xffff  }
0x7ce: {  	v30 =	vadd.s32 $0xE, v8;
	[tilespmem:v15+s16+$0x0] =	vst.idx.add.f32.msk $0xffff, v3  }
0x7cf: {  	v31 =	vmul.f32 v5, v6;
	v5 =	vadd.s32 $0x4, v16;
	v15 =	vld [tilespmem:s20+$0x19D90]  }
0x7d0: {  	v18 =	vadd.s32 $0xA, v9;
	v2 =	vmul.f32 v2, v6;
	v1 =	vld.idx.msk [tilespmem:v29+s3+$0x0], $0xffff  }
0x7d1: {  	v32 =	vadd.s32 $0xB, v10;
	[tilespmem:v11+s16+$0x0] =	vst.idx.add.f32.msk $0xffff, v31  }
0x7d2: {  	[tilespmem:v14+s16+$0x0] =	vst.idx.add.f32.msk $0xffff, v2  }
0x7d3: {  	v0 =	vld.idx.msk [tilespmem:v30+s3+$0x0], $0xffff;
	v33 =	vmul.f32 v4, v6;
	v4 =	vadd.s32 $0x7, v12  }
0x7d4: {  	v34 =	vadd.s32 $0x8, v13;
	v5 =	vld.idx.msk [tilespmem:v5+s3+$0x0], $0xffff  }
0x7d5: {  	v11 =	vadd.s32 $0xE, v7;
	[tilespmem:v18+s16+$0x0] =	vst.idx.add.f32.msk $0xffff, v33  }
0x7d6: {  	v8 =	vadd.s32 $0xF, v8;
	v3 =	vld.idx.msk [tilespmem:v32+s3+$0x0], $0xffff;
	v1 =	vmul.f32 v1, v6  }
0x7d7: {  	v18 =	vadd.s32 $0x4, v17;
	v14 =	vld.idx.msk [tilespmem:v15+s15+$0x0], $0xffff  }
0x7d8: {  	v20 =	vadd.s32 $0x5, v16;
	v0 =	vmul.f32 v0, v6;
	[tilespmem:v4+s16+$0x0] =	vst.idx.add.f32.msk $0xffff, v1  }
0x7d9: {  	v2 =	vld.idx.msk [tilespmem:v34+s3+$0x0], $0xffff  }
0x7da: {  	[tilespmem:v11+s16+$0x0] =	vst.idx.add.f32.msk $0xffff, v0;
	v36 =	vmul.f32 v5, v6  }
0x7db: {  	v35 =	vadd.s32 $0xB, v9;
	v5 =	vld.idx.msk [tilespmem:v8+s3+$0x0], $0xffff  }
0x7dc: {  	v4 =	vadd.s32 $0xC, v10;
	[tilespmem:v18+s16+$0x0] =	vst.idx.add.f32.msk $0xffff, v36  }
0x7dd: {  	v37 =	vadd.s32 $0x8, v12;
	v8 =	vadd.f32 $1.000000020e-16, v14;
	v18 =	vld.idx.msk [tilespmem:v20+s3+$0x0], $0xffff  }
0x7de: {  	v11 =	vmul.u32 $0xE3, v19;
	v19 =	vadd.s32 $0x9, v13;
	v3 =	vmul.f32 v3, v6;
	v20 =	vld [tilespmem:s20+$0x1A410]  }
0x7df: {  	v7 =	vadd.s32 $0xF, v7;
	(erf) = vrcp.f32 v8;
	v8 =	vld [tilespmem:$0x1FFD0]  }
0x7e0: {  	v38 =	vmul.f32 v2, v6;
	[tilespmem:v35+s16+$0x0] =	vst.idx.add.f32.msk $0xffff, v3  }
0x7e1: {  	v40 =	vadd.s32 $0x5, v17;
	v39 =	vld.idx.msk [tilespmem:v4+s3+$0x0], $0xffff  }
0x7e2: {  	v4 =	vmul.f32 v5, v6;
	v5 =	vadd.s32 $0x6, v16;
	[tilespmem:v37+s16+$0x0] =	vst.idx.add.f32.msk $0xffff, v38  }
0x7e3: {  	v41 =	vadd.s32 $0xC, v9;
	v1 =	vld.idx.msk [tilespmem:v19+s3+$0x0], $0xffff  }
0x7e4: {  	s26 =	simm.s32 $0x0;
	[tilespmem:v7+s16+$0x0] =	vst.idx.add.f32.msk $0xffff, v4;
	v4 =	vmul.f32 v18, v6;
	v18 =	vadd.s32 $0xD, v10;
	v14 =	vadd.s32 v8, v11  }
0x7e5: {  	v11 =	vadd.s32 s26, v14  }
0x7e6: {  	v19 =	vadd.s32 $0x9, v12;
	[tilespmem:v40+s16+$0x0] =	vst.idx.add.f32.msk $0xffff, v4;
	v2 =	vmul.f32 v39, v6  }
0x7e7: {  	v4 =	vld.idx.msk [tilespmem:v5+s3+$0x0], $0xffff  }
0x7e8: {  	v42 =	vadd.s32 $0xA, v13;
	[tilespmem:v41+s16+$0x0] =	vst.idx.add.f32.msk $0xffff, v2;
	v5 =	vpop (erf)  }
0x7e9: {  	v43 =	vmul.f32 v1, v6;
	v2 =	vld.idx.msk [tilespmem:v18+s3+$0x0], $0xffff;
	v7 =	vmul.f32 v5, v20;
	v5 =	vadd.s32 $0x6, v17  }
0x7ea: {  	v15 =	vmul.u32 $0x71, v15;
	v18 =	vadd.s32 $0x7, v16;
	v21 =	vld.idx.msk [tilespmem:v11+s3+$0x0], $0xffff  }
0x7eb: {  	[tilespmem:v19+s16+$0x0] =	vst.idx.add.f32.msk $0xffff, v43;
	v19 =	vadd.s32 $0xD, v9  }
0x7ec: {  	v8 =	vadd.s32 s26, v15;
	v4 =	vmul.f32 v4, v6  }
0x7ed: {  	v44 =	vadd.s32 $0x1, v11;
	v3 =	vld.idx.msk [tilespmem:v42+s3+$0x0], $0xffff  }
0x7ee: {  	v20 =	vadd.s32 $0xE, v10;
	v2 =	vmul.f32 v2, v6;
	[tilespmem:v5+s16+$0x0] =	vst.idx.add.f32.msk $0xffff, v4  }
0x7ef: {  	v46 =	vadd.s32 $0xA, v12;
	v45 =	vmul.f32 v21, v7;
	v5 =	vld.idx.msk [tilespmem:v18+s3+$0x0], $0xffff  }
0x7f0: {  	v4 =	vadd.s32 $0xB, v13;
	[tilespmem:v19+s16+$0x0] =	vst.idx.add.f32.msk $0xffff, v2  }
0x7f1: {  	[tilespmem:v8+s16+$0x0] =	vst.idx.add.f32.msk $0xffff, v45  }
0x7f2: {  	v47 =	vmul.f32 v3, v6;
	v1 =	vld.idx.msk [tilespmem:v44+s3+$0x0], $0xffff  }
0x7f3: {  	v19 =	vld.idx.msk [tilespmem:v20+s3+$0x0], $0xffff;
	v20 =	vadd.s32 $0x7, v17  }
0x7f4: {  	v18 =	vadd.s32 $0x1, v8;
	[tilespmem:v46+s16+$0x0] =	vst.idx.add.f32.msk $0xffff, v47  }
0x7f5: {  	v48 =	vadd.s32 $0x2, v11;
	v4 =	vld.idx.msk [tilespmem:v4+s3+$0x0], $0xffff  }
0x7f6: {  	v49 =	vadd.s32 $0x8, v16;
	v5 =	vmul.f32 v5, v6  }
0x7f7: {  	v51 =	vadd.s32 $0xB, v12;
	v1 =	vmul.f32 v1, v7  }
0x7f8: {  	v50 =	vadd.s32 $0xE, v9;
	[tilespmem:v20+s16+$0x0] =	vst.idx.add.f32.msk $0xffff, v5  }
0x7f9: {  	v5 =	vadd.s32 $0xC, v13;
	[tilespmem:v18+s16+$0x0] =	vst.idx.add.f32.msk $0xffff, v1  }
0x7fa: {  	v10 =	vadd.s32 $0xF, v10;
	v52 =	vmul.f32 v4, v6;
	v3 =	vld.idx.msk [tilespmem:v48+s3+$0x0], $0xffff  }
0x7fb: {  	v0 =	vld.idx.msk [tilespmem:v49+s3+$0x0], $0xffff;
	v18 =	vmul.f32 v19, v6  }
0x7fc: {  	v19 =	vadd.s32 $0x2, v8;
	[tilespmem:v51+s16+$0x0] =	vst.idx.add.f32.msk $0xffff, v52  }
0x7fd: {  	v4 =	vadd.s32 $0x3, v11;
	[tilespmem:v50+s16+$0x0] =	vst.idx.add.f32.msk $0xffff, v18  }
0x7fe: {  	v20 =	vadd.s32 $0x8, v17;
	v5 =	vld.idx.msk [tilespmem:v5+s3+$0x0], $0xffff  }
0x7ff: {  	v53 =	vadd.s32 $0x9, v16;
	s28 =	simm.s32 $0x10;
	v18 =	vld.idx.msk [tilespmem:v10+s3+$0x0], $0xffff;
	v54 =	vmul.f32 v3, v7  }
0x800: {  	v10 =	vadd.s32 s28, v14  }
0x801: {  	v56 =	vadd.s32 $0xC, v12;
	v0 =	vmul.f32 v0, v6;
	[tilespmem:v19+s16+$0x0] =	vst.idx.add.f32.msk $0xffff, v54  }
0x802: {  	v55 =	vadd.s32 $0xF, v9;
	v4 =	vld.idx.msk [tilespmem:v4+s3+$0x0], $0xffff  }
0x803: {  	v57 =	vadd.s32 $0xD, v13;
	[tilespmem:v20+s16+$0x0] =	vst.idx.add.f32.msk $0xffff, v0  }
0x804: {  	v1 =	vld.idx.msk [tilespmem:v53+s3+$0x0], $0xffff;
	v58 =	vmul.f32 v5, v6;
	v9 =	vmul.f32 v18, v6;
	v18 =	vadd.s32 $0x3, v8  }
0x805: {  	v5 =	vadd.s32 $0x4, v11;
	v20 =	vld.idx.msk [tilespmem:v10+s3+$0x0], $0xffff  }
0x806: {  	v19 =	vadd.s32 $0x9, v17;
	[tilespmem:v56+s16+$0x0] =	vst.idx.add.f32.msk $0xffff, v58  }
0x807: {  	v59 =	vadd.s32 $0xA, v16;
	[tilespmem:v55+s16+$0x0] =	vst.idx.add.f32.msk $0xffff, v9;
	v60 =	vmul.f32 v4, v7  }
0x808: {  	v0 =	vld.idx.msk [tilespmem:v57+s3+$0x0], $0xffff;
	v9 =	vadd.s32 s28, v15  }
0x809: {  	v1 =	vmul.f32 v1, v6;
	v4 =	vadd.s32 $0x1, v10;
	[tilespmem:v18+s16+$0x0] =	vst.idx.add.f32.msk $0xffff, v60  }
0x80a: {  	v61 =	vadd.s32 $0xD, v12;
	v5 =	vld.idx.msk [tilespmem:v5+s3+$0x0], $0xffff  }
0x80b: {  	v62 =	vadd.s32 $0xE, v13;
	[tilespmem:v19+s16+$0x0] =	vst.idx.add.f32.msk $0xffff, v1;
	v18 =	vmul.f32 v20, v7  }
0x80c: {  	v19 =	vadd.s32 $0x4, v8;
	v2 =	vld.idx.msk [tilespmem:v59+s3+$0x0], $0xffff  }
0x80d: {  	v0 =	vmul.f32 v0, v6;
	[tilespmem:v9+s16+$0x0] =	vst.idx.add.f32.msk $0xffff, v18;
	v18 =	vadd.s32 $0x5, v11  }
0x80e: {  	v20 =	vadd.s32 $0xA, v17;
	v4 =	vld.idx.msk [tilespmem:v4+s3+$0x0], $0xffff  }
0x80f: {  	v63 =	vadd.s32 $0xB, v16;
	[tilespmem:v61+s16+$0x0] =	vst.idx.add.f32.msk $0xffff, v0;
	v28 =	vmul.f32 v5, v7  }
0x810: {  	v1 =	vld.idx.msk [tilespmem:v62+s3+$0x0], $0xffff;
	v5 =	vadd.s32 $0x1, v9  }
0x811: {  	v21 =	vadd.s32 $0x2, v10;
	v2 =	vmul.f32 v2, v6;
	[tilespmem:v19+s16+$0x0] =	vst.idx.add.f32.msk $0xffff, v28  }
0x812: {  	v29 =	vadd.s32 $0xE, v12;
	v18 =	vld.idx.msk [tilespmem:v18+s3+$0x0], $0xffff  }
0x813: {  	v30 =	vadd.s32 $0xF, v13;
	[tilespmem:v20+s16+$0x0] =	vst.idx.add.f32.msk $0xffff, v2;
	v4 =	vmul.f32 v4, v7  }
0x814: {  	v13 =	vadd.s32 $0x5, v8;
	v0 =	vld.idx.msk [tilespmem:v63+s3+$0x0], $0xffff  }
0x815: {  	v1 =	vmul.f32 v1, v6;
	[tilespmem:v5+s16+$0x0] =	vst.idx.add.f32.msk $0xffff, v4;
	v4 =	vadd.s32 $0x6, v11  }
0x816: {  	v5 =	vadd.s32 $0xB, v17;
	v19 =	vld.idx.msk [tilespmem:v21+s3+$0x0], $0xffff  }
0x817: {  	v31 =	vadd.s32 $0xC, v16;
	[tilespmem:v29+s16+$0x0] =	vst.idx.add.f32.msk $0xffff, v1;
	v32 =	vmul.f32 v18, v7  }
0x818: {  	v2 =	vld.idx.msk [tilespmem:v30+s3+$0x0], $0xffff;
	v18 =	vadd.s32 $0x2, v9  }
0x819: {  	v33 =	vadd.s32 $0x3, v10;
	v0 =	vmul.f32 v0, v6;
	[tilespmem:v13+s16+$0x0] =	vst.idx.add.f32.msk $0xffff, v32  }
0x81a: {  	s29 =	simm.s32 $0x20;
	v12 =	vadd.s32 $0xF, v12;
	v4 =	vld.idx.msk [tilespmem:v4+s3+$0x0], $0xffff  }
0x81b: {  	[tilespmem:v5+s16+$0x0] =	vst.idx.add.f32.msk $0xffff, v0;
	v13 =	vadd.s32 s29, v14;
	v34 =	vmul.f32 v19, v7  }
0x81c: {  	v5 =	vadd.s32 $0x6, v8;
	v1 =	vld.idx.msk [tilespmem:v31+s3+$0x0], $0xffff  }
0x81d: {  	v35 =	vadd.s32 $0x7, v11;
	v2 =	vmul.f32 v2, v6;
	[tilespmem:v18+s16+$0x0] =	vst.idx.add.f32.msk $0xffff, v34  }
0x81e: {  	v18 =	vadd.s32 $0xC, v17;
	v3 =	vld.idx.msk [tilespmem:v33+s3+$0x0], $0xffff  }
0x81f: {  	v36 =	vadd.s32 $0xD, v16;
	[tilespmem:v12+s16+$0x0] =	vst.idx.add.f32.msk $0xffff, v2;
	v4 =	vmul.f32 v4, v7  }
0x820: {  	v20 =	vadd.s32 $0x3, v9;
	v19 =	vld.idx.msk [tilespmem:v13+s3+$0x0], $0xffff  }
0x821: {  	v1 =	vmul.f32 v1, v6;
	[tilespmem:v5+s16+$0x0] =	vst.idx.add.f32.msk $0xffff, v4;
	v4 =	vadd.s32 $0x4, v10  }
0x822: {  	v12 =	vadd.s32 s29, v15;
	v0 =	vld.idx.msk [tilespmem:v35+s3+$0x0], $0xffff  }
0x823: {  	v38 =	vadd.s32 $0x1, v13;
	[tilespmem:v18+s16+$0x0] =	vst.idx.add.f32.msk $0xffff, v1;
	v37 =	vmul.f32 v3, v7  }
0x824: {  	v5 =	vadd.s32 $0x7, v8;
	v2 =	vld.idx.msk [tilespmem:v36+s3+$0x0], $0xffff  }
0x825: {  	v39 =	vadd.s32 $0x8, v11;
	v18 =	vmul.f32 v19, v7;
	[tilespmem:v20+s16+$0x0] =	vst.idx.add.f32.msk $0xffff, v37  }
0x826: {  	v19 =	vadd.s32 $0xD, v17;
	v4 =	vld.idx.msk [tilespmem:v4+s3+$0x0], $0xffff  }
0x827: {  	v20 =	vadd.s32 $0xE, v16;
	[tilespmem:v12+s16+$0x0] =	vst.idx.add.f32.msk $0xffff, v18;
	v0 =	vmul.f32 v0, v7  }
0x828: {  	v18 =	vadd.s32 $0x4, v9;
	v3 =	vld.idx.msk [tilespmem:v38+s3+$0x0], $0xffff  }
0x829: {  	v21 =	vadd.s32 $0x5, v10;
	v2 =	vmul.f32 v2, v6;
	[tilespmem:v5+s16+$0x0] =	vst.idx.add.f32.msk $0xffff, v0  }
0x82a: {  	v40 =	vadd.s32 $0x1, v12;
	v1 =	vld.idx.msk [tilespmem:v39+s3+$0x0], $0xffff  }
0x82b: {  	[tilespmem:v19+s16+$0x0] =	vst.idx.add.f32.msk $0xffff, v2;
	v41 =	vmul.f32 v4, v7;
	v4 =	vadd.s32 $0x2, v13  }
0x82c: {  	v19 =	vadd.s32 $0x8, v8;
	v5 =	vld.idx.msk [tilespmem:v20+s3+$0x0], $0xffff  }
0x82d: {  	v43 =	vadd.s32 $0x9, v11;
	v42 =	vmul.f32 v3, v7;
	[tilespmem:v18+s16+$0x0] =	vst.idx.add.f32.msk $0xffff, v41  }
0x82e: {  	v18 =	vadd.s32 $0xE, v17;
	v20 =	vld.idx.msk [tilespmem:v21+s3+$0x0], $0xffff  }
0x82f: {  	v16 =	vadd.s32 $0xF, v16;
	[tilespmem:v40+s16+$0x0] =	vst.idx.add.f32.msk $0xffff, v42;
	v44 =	vmul.f32 v1, v7  }
0x830: {  	v45 =	vadd.s32 $0x5, v9;
	v2 =	vld.idx.msk [tilespmem:v4+s3+$0x0], $0xffff  }
0x831: {  	v4 =	vmul.f32 v5, v6;
	v5 =	vadd.s32 $0x6, v10;
	[tilespmem:v19+s16+$0x0] =	vst.idx.add.f32.msk $0xffff, v44  }
0x832: {  	v46 =	vadd.s32 $0x2, v12;
	v0 =	vld.idx.msk [tilespmem:v43+s3+$0x0], $0xffff  }
0x833: {  	[tilespmem:v18+s16+$0x0] =	vst.idx.add.f32.msk $0xffff, v4;
	v18 =	vadd.s32 $0x3, v13;
	v4 =	vmul.f32 v20, v7  }
0x834: {  	v19 =	vld.idx.msk [tilespmem:v16+s3+$0x0], $0xffff;
	v20 =	vadd.s32 $0x9, v8  }
0x835: {  	v48 =	vadd.s32 $0xA, v11;
	[tilespmem:v45+s16+$0x0] =	vst.idx.add.f32.msk $0xffff, v4;
	v47 =	vmul.f32 v2, v7  }
0x836: {  	s30 =	simm.s32 $0x30;
	v4 =	vadd.s32 $0xF, v17;
	v5 =	vld.idx.msk [tilespmem:v5+s3+$0x0], $0xffff  }
0x837: {  	v16 =	vadd.s32 s30, v14;
	[tilespmem:v46+s16+$0x0] =	vst.idx.add.f32.msk $0xffff, v47;
	v0 =	vmul.f32 v0, v7  }
0x838: {  	v49 =	vadd.s32 $0x6, v9;
	v3 =	vld.idx.msk [tilespmem:v18+s3+$0x0], $0xffff  }
0x839: {  	v17 =	vadd.s32 $0x7, v10;
	v6 =	vmul.f32 v19, v6;
	[tilespmem:v20+s16+$0x0] =	vst.idx.add.f32.msk $0xffff, v0  }
0x83a: {  	v50 =	vadd.s32 $0x3, v12;
	v0 =	vld.idx.msk [tilespmem:v48+s3+$0x0], $0xffff  }
0x83b: {  	[tilespmem:v4+s16+$0x0] =	vst.idx.add.f32.msk $0xffff, v6;
	v4 =	vmul.f32 v5, v7;
	v5 =	vadd.s32 $0x4, v13  }
0x83c: {  	v18 =	vld.idx.msk [tilespmem:v16+s3+$0x0], $0xffff;
	v19 =	vadd.s32 $0xA, v8  }
0x83d: {  	v52 =	vadd.s32 $0xB, v11;
	[tilespmem:v49+s16+$0x0] =	vst.idx.add.f32.msk $0xffff, v4;
	v51 =	vmul.f32 v3, v7  }
0x83e: {  	v6 =	vadd.s32 s30, v15;
	v4 =	vld.idx.msk [tilespmem:v17+s3+$0x0], $0xffff  }
0x83f: {  	v17 =	vadd.s32 $0x1, v16;
	[tilespmem:v50+s16+$0x0] =	vst.idx.add.f32.msk $0xffff, v51;
	v0 =	vmul.f32 v0, v7  }
0x840: {  	v53 =	vadd.s32 $0x7, v9;
	v2 =	vld.idx.msk [tilespmem:v5+s3+$0x0], $0xffff  }
0x841: {  	v54 =	vadd.s32 $0x8, v10;
	v5 =	vmul.f32 v18, v7;
	[tilespmem:v19+s16+$0x0] =	vst.idx.add.f32.msk $0xffff, v0  }
0x842: {  	v18 =	vadd.s32 $0x4, v12;
	v3 =	vld.idx.msk [tilespmem:v52+s3+$0x0], $0xffff  }
0x843: {  	[tilespmem:v6+s16+$0x0] =	vst.idx.add.f32.msk $0xffff, v5;
	v5 =	vadd.s32 $0x5, v13;
	v4 =	vmul.f32 v4, v7  }
0x844: {  	v19 =	vadd.s32 $0xB, v8;
	v17 =	vld.idx.msk [tilespmem:v17+s3+$0x0], $0xffff  }
0x845: {  	v56 =	vadd.s32 $0xC, v11;
	[tilespmem:v53+s16+$0x0] =	vst.idx.add.f32.msk $0xffff, v4;
	v55 =	vmul.f32 v2, v7  }
0x846: {  	v4 =	vadd.s32 $0x1, v6;
	v0 =	vld.idx.msk [tilespmem:v54+s3+$0x0], $0xffff  }
0x847: {  	v20 =	vadd.s32 $0x2, v16;
	[tilespmem:v18+s16+$0x0] =	vst.idx.add.f32.msk $0xffff, v55;
	v57 =	vmul.f32 v3, v7  }
0x848: {  	v58 =	vld.idx.msk [tilespmem:v5+s3+$0x0], $0xffff;
	v5 =	vadd.s32 $0x8, v9  }
0x849: {  	v59 =	vadd.s32 $0x9, v10;
	v17 =	vmul.f32 v17, v7;
	[tilespmem:v19+s16+$0x0] =	vst.idx.add.f32.msk $0xffff, v57  }
0x84a: {  	s31 =	simm.s32 $0x40;
	v18 =	vadd.s32 $0x5, v12;
	v2 =	vld.idx.msk [tilespmem:v56+s3+$0x0], $0xffff  }
0x84b: {  	[tilespmem:v4+s16+$0x0] =	vst.idx.add.f32.msk $0xffff, v17;
	v17 =	vadd.s32 s31, v14;
	v0 =	vmul.f32 v0, v7  }
0x84c: {  	v4 =	vadd.s32 $0x6, v13;
	v19 =	vld.idx.msk [tilespmem:v20+s3+$0x0], $0xffff  }
0x84d: {  	v20 =	vadd.s32 $0xC, v8;
	v3 =	vmul.f32 v58, v7;
	[tilespmem:v5+s16+$0x0] =	vst.idx.add.f32.msk $0xffff, v0  }
0x84e: {  	v60 =	vadd.s32 $0xD, v11;
	v1 =	vld.idx.msk [tilespmem:v59+s3+$0x0], $0xffff  }
0x84f: {  	v5 =	vadd.s32 $0x2, v6;
	[tilespmem:v18+s16+$0x0] =	vst.idx.add.f32.msk $0xffff, v3  }
0x850: {  	v61 =	vadd.s32 $0x3, v16;
	v2 =	vmul.f32 v2, v7;
	v25 =	vld.idx.msk [tilespmem:v17+s3+$0x0], $0xffff  }
0x851: {  	v18 =	vadd.s32 $0x9, v9;
	v4 =	vld.idx.msk [tilespmem:v4+s3+$0x0], $0xffff  }
0x852: {  	v62 =	vmul.f32 v19, v7;
	v19 =	vadd.s32 $0xA, v10;
	[tilespmem:v20+s16+$0x0] =	vst.idx.add.f32.msk $0xffff, v2  }
0x853: {  	v22 =	vadd.s32 $0x6, v12;
	v0 =	vld.idx.msk [tilespmem:v60+s3+$0x0], $0xffff  }
0x854: {  	v23 =	vadd.s32 $0x7, v13;
	[tilespmem:v5+s16+$0x0] =	vst.idx.add.f32.msk $0xffff, v62;
	v1 =	vmul.f32 v1, v7  }
0x855: {  	v21 =	vadd.s32 $0xD, v8;
	v24 =	vld.idx.msk [tilespmem:v61+s3+$0x0], $0xffff  }
0x856: {  	v20 =	vadd.s32 $0xE, v11;
	v63 =	vmul.f32 v4, v7;
	[tilespmem:v18+s16+$0x0] =	vst.idx.add.f32.msk $0xffff, v1  }
0x857: {  	v18 =	vadd.s32 s31, v15;
	v19 =	vld.idx.msk [tilespmem:v19+s3+$0x0], $0xffff  }
0x858: {  	s20 =	simm.s32 $0x50;
	v26 =	vadd.s32 $0x3, v6;
	[tilespmem:v22+s16+$0x0] =	vst.idx.add.f32.msk $0xffff, v63;
	v22 =	vmul.f32 v0, v7  }
.LBB2_37:
0x859: {  	p0 =	sne.s32 s20, $0x60;
	v0 =	vadd.s32 $0x4, v16;
	v1 =	vld.idx.msk [tilespmem:v23+s3+$0x0], $0xffff  }
0x85a: {  	v2 =	vmul.f32 v25, v7;
	v3 =	vadd.s32 $0xA, v9;
	[tilespmem:v21+s16+$0x0] =	vst.idx.add.f32.msk $0xffff, v22  }
0x85b: {  	v5 =	vadd.s32 $0xB, v10;
	v4 =	vmul.f32 v24, v7;
	v20 =	vld.idx.msk [tilespmem:v20+s3+$0x0], $0xffff  }
0x85c: {  	[tilespmem:v18+s16+$0x0] =	vst.idx.add.f32.msk $0xffff, v2;
	v2 =	vadd.s32 $0x1, v17  }
0x85d: {  	v19 =	vmul.f32 v19, v7;
	[tilespmem:v26+s16+$0x0] =	vst.idx.add.f32.msk $0xffff, v4;
	v4 =	vadd.s32 $0x7, v12  }
0x85e: {  	v21 =	vadd.s32 $0xE, v8;
	v0 =	vld.idx.msk [tilespmem:v0+s3+$0x0], $0xffff  }
0x85f: {  	[tilespmem:v3+s16+$0x0] =	vst.idx.add.f32.msk $0xffff, v19;
	v3 =	vadd.s32 $0xF, v11;
	v11 =	vmovc v10;
	v10 =	vmovc v13;
	v13 =	vmov v16;
	v16 =	vmov v17  }
0x860: {  	v1 =	vmul.f32 v1, v7;
	v17 =	vadd.s32 $0x8, v10;
	v5 =	vld.idx.msk [tilespmem:v5+s3+$0x0], $0xffff  }
0x861: {  	v19 =	vadd.s32 $0x4, v6;
	v20 =	vmul.f32 v20, v7;
	v2 =	vld.idx.msk [tilespmem:v2+s3+$0x0], $0xffff  }
0x862: {  	v22 =	vadd.s32 $0x5, v13;
	[tilespmem:v4+s16+$0x0] =	vst.idx.add.f32.msk $0xffff, v1  }
0x863: {  	v1 =	vadd.s32 $0xB, v9;
	[tilespmem:v21+s16+$0x0] =	vst.idx.add.f32.msk $0xffff, v20  }
0x864: {  	v4 =	vadd.s32 $0xC, v11;
	v0 =	vmul.f32 v0, v7;
	v3 =	vld.idx.msk [tilespmem:v3+s3+$0x0], $0xffff  }
0x865: {  	v20 =	vadd.s32 $0x1, v18;
	v17 =	vld.idx.msk [tilespmem:v17+s3+$0x0], $0xffff  }
0x866: {  	v21 =	vadd.s32 $0x2, v16;
	[tilespmem:v19+s16+$0x0] =	vst.idx.add.f32.msk $0xffff, v0;
	v0 =	vmul.f32 v5, v7  }
0x867: {  	v19 =	vadd.s32 $0xF, v8;
	v8 =	vmovc v9;
	v9 =	vmovc v12;
	v12 =	vmov v6;
	v6 =	vmov v18;
	v5 =	vld.idx.msk [tilespmem:v22+s3+$0x0], $0xffff  }
0x868: {  	v2 =	vmul.f32 v2, v7;
	v18 =	vadd.s32 $0x8, v9;
	[tilespmem:v1+s16+$0x0] =	vst.idx.add.f32.msk $0xffff, v0  }
0x869: {  	v0 =	vadd.s32 $0x9, v10;
	v1 =	vld.idx.msk [tilespmem:v4+s3+$0x0], $0xffff  }
0x86a: {  	v3 =	vmul.f32 v3, v7;
	[tilespmem:v20+s16+$0x0] =	vst.idx.add.f32.msk $0xffff, v2;
	v2 =	vadd.s32 $0x5, v12  }
0x86b: {  	v20 =	vadd.s32 $0x6, v13;
	v17 =	vmul.f32 v17, v7;
	v4 =	vld.idx.msk [tilespmem:v21+s3+$0x0], $0xffff  }
0x86c: {  	v21 =	vadd.s32 $0xC, v8;
	[tilespmem:v19+s16+$0x0] =	vst.idx.add.f32.msk $0xffff, v3  }
0x86d: {  	v3 =	vmul.f32 v5, v7;
	v5 =	vadd.s32 $0xD, v11;
	[tilespmem:v18+s16+$0x0] =	vst.idx.add.f32.msk $0xffff, v17  }
0x86e: {  	v17 =	vadd.s32 s20, v14;
	v0 =	vld.idx.msk [tilespmem:v0+s3+$0x0], $0xffff  }
0x86f: {  	v18 =	vadd.s32 $0x2, v6;
	v1 =	vmul.f32 v1, v7;
	[tilespmem:v2+s16+$0x0] =	vst.idx.add.f32.msk $0xffff, v3  }
0x870: {  	v2 =	vadd.s32 $0x3, v16;
	v3 =	vld.idx.msk [tilespmem:v20+s3+$0x0], $0xffff  }
0x871: {  	v19 =	vadd.s32 $0x9, v9;
	[tilespmem:v21+s16+$0x0] =	vst.idx.add.f32.msk $0xffff, v1  }
0x872: {  	v1 =	vmul.f32 v4, v7;
	v4 =	vadd.s32 $0xA, v10;
	v5 =	vld.idx.msk [tilespmem:v5+s3+$0x0], $0xffff  }
0x873: {  	v22 =	vadd.s32 $0x6, v12;
	v25 =	vld.idx.msk [tilespmem:v17+s3+$0x0], $0xffff  }
.Ltmp17:
0x874: {  	v23 =	vadd.s32 $0x7, v13;
	v0 =	vmul.f32 v0, v7;
	[tilespmem:v18+s16+$0x0] =	vst.idx.add.f32.msk $0xffff, v1;
	(pc) =	sbr.rel @p0 .LBB2_37-.Ltmp17, $4  }
0x875: {  	v21 =	vadd.s32 $0xD, v8;
	v24 =	vld.idx.msk [tilespmem:v2+s3+$0x0], $0xffff  }
0x876: {  	v20 =	vadd.s32 $0xE, v11;
	v1 =	vmul.f32 v3, v7;
	[tilespmem:v19+s16+$0x0] =	vst.idx.add.f32.msk $0xffff, v0  }
0x877: {  	v18 =	vadd.s32 s20, v15;
	v19 =	vld.idx.msk [tilespmem:v4+s3+$0x0], $0xffff  }
0x878: {  	v26 =	vadd.s32 $0x3, v6;
	s20 =	sadd.s32 $0x10, s20;
	[tilespmem:v22+s16+$0x0] =	vst.idx.add.f32.msk $0xffff, v1;
	v22 =	vmul.f32 v5, v7  }
0x879: {  	v0 =	vadd.s32 $0x1, v17;
	_ =	sdelay $0x1  }
0x87a: {  	v1 =	vmul.f32 v25, v7;
	_ =	sdelay $0x1  }
0x87b: {  	[tilespmem:v18+s16+$0x0] =	vst.idx.add.f32.msk $0xffff, v1  }
0x87c: {  	v0 =	vld.idx.msk [tilespmem:v0+s3+$0x0], $0xffff;
	_ =	sdelay $0x1  }
0x87d: {  	v14 =	vadd.s32 $0x1, v18  }
0x87e: {  	v2 =	vadd.s32 $0x2, v17;
	_ =	sdelay $0x1  }
0x87f: {  	v0 =	vmul.f32 v0, v7;
	_ =	sdelay $0x1  }
0x880: {  	[tilespmem:v14+s16+$0x0] =	vst.idx.add.f32.msk $0xffff, v0  }
0x881: {  	v0 =	vld.idx.msk [tilespmem:v2+s3+$0x0], $0xffff;
	_ =	sdelay $0x1  }
0x882: {  	v15 =	vadd.s32 $0x2, v18  }
0x883: {  	v25 =	vadd.s32 $0x3, v17;
	_ =	sdelay $0x1  }
0x884: {  	v0 =	vmul.f32 v0, v7;
	_ =	sdelay $0x1  }
0x885: {  	[tilespmem:v15+s16+$0x0] =	vst.idx.add.f32.msk $0xffff, v0  }
0x886: {  	v1 =	vld.idx.msk [tilespmem:v25+s3+$0x0], $0xffff  }
0x887: {  	v27 =	vadd.s32 $0x4, v16  }
0x888: {  	v3 =	vadd.s32 $0x3, v18  }
0x889: {  	v4 =	vadd.s32 $0x4, v17;
	v28 =	vmul.f32 v24, v7;
	_ =	sdelay $0x1  }
0x88a: {  	[tilespmem:v26+s16+$0x0] =	vst.idx.add.f32.msk $0xffff, v28;
	v1 =	vmul.f32 v1, v7  }
0x88b: {  	v0 =	vld.idx.msk [tilespmem:v27+s3+$0x0], $0xffff  }
0x88c: {  	[tilespmem:v3+s16+$0x0] =	vst.idx.add.f32.msk $0xffff, v1  }
0x88d: {  	v29 =	vadd.s32 $0x4, v6;
	v3 =	vld.idx.msk [tilespmem:v4+s3+$0x0], $0xffff  }
0x88e: {  	v30 =	vadd.s32 $0x5, v16  }
0x88f: {  	v31 =	vadd.s32 $0x4, v18  }
0x890: {  	v5 =	vadd.s32 $0x5, v17;
	v0 =	vmul.f32 v0, v7;
	_ =	sdelay $0x1  }
0x891: {  	[tilespmem:v29+s16+$0x0] =	vst.idx.add.f32.msk $0xffff, v0;
	v32 =	vmul.f32 v3, v7  }
0x892: {  	v0 =	vld.idx.msk [tilespmem:v30+s3+$0x0], $0xffff  }
0x893: {  	[tilespmem:v31+s16+$0x0] =	vst.idx.add.f32.msk $0xffff, v32  }
0x894: {  	v33 =	vadd.s32 $0x5, v6;
	v35 =	vld.idx.msk [tilespmem:v5+s3+$0x0], $0xffff  }
0x895: {  	v34 =	vadd.s32 $0x6, v16  }
0x896: {  	v36 =	vadd.s32 $0x5, v18  }
0x897: {  	v37 =	vadd.s32 $0x6, v17;
	v0 =	vmul.f32 v0, v7;
	_ =	sdelay $0x1  }
0x898: {  	[tilespmem:v33+s16+$0x0] =	vst.idx.add.f32.msk $0xffff, v0;
	v38 =	vmul.f32 v35, v7  }
0x899: {  	v0 =	vld.idx.msk [tilespmem:v34+s3+$0x0], $0xffff  }
0x89a: {  	[tilespmem:v36+s16+$0x0] =	vst.idx.add.f32.msk $0xffff, v38  }
0x89b: {  	v39 =	vadd.s32 $0x6, v6;
	v41 =	vld.idx.msk [tilespmem:v37+s3+$0x0], $0xffff  }
0x89c: {  	v40 =	vadd.s32 $0x7, v16  }
0x89d: {  	v42 =	vadd.s32 $0x6, v18  }
0x89e: {  	v14 =	vadd.s32 $0x7, v17;
	v0 =	vmul.f32 v0, v7  }
0x89f: {  	v43 =	vld.idx.msk [tilespmem:v23+s3+$0x0], $0xffff  }
0x8a0: {  	[tilespmem:v39+s16+$0x0] =	vst.idx.add.f32.msk $0xffff, v0;
	v45 =	vmul.f32 v41, v7  }
0x8a1: {  	v44 =	vadd.s32 $0x7, v12;
	v1 =	vld.idx.msk [tilespmem:v40+s3+$0x0], $0xffff  }
0x8a2: {  	v46 =	vadd.s32 $0x8, v13;
	[tilespmem:v42+s16+$0x0] =	vst.idx.add.f32.msk $0xffff, v45  }
0x8a3: {  	v47 =	vadd.s32 $0x7, v6;
	v14 =	vld.idx.msk [tilespmem:v14+s3+$0x0], $0xffff  }
0x8a4: {  	v49 =	vadd.s32 $0x8, v16;
	v48 =	vmul.f32 v43, v7  }
0x8a5: {  	v51 =	vadd.s32 $0x7, v18  }
0x8a6: {  	v52 =	vadd.s32 $0x8, v17;
	[tilespmem:v44+s16+$0x0] =	vst.idx.add.f32.msk $0xffff, v48;
	v50 =	vmul.f32 v1, v7  }
0x8a7: {  	v3 =	vld.idx.msk [tilespmem:v46+s3+$0x0], $0xffff  }
0x8a8: {  	[tilespmem:v47+s16+$0x0] =	vst.idx.add.f32.msk $0xffff, v50;
	v54 =	vmul.f32 v14, v7  }
0x8a9: {  	v53 =	vadd.s32 $0x8, v12;
	v2 =	vld.idx.msk [tilespmem:v49+s3+$0x0], $0xffff  }
0x8aa: {  	v55 =	vadd.s32 $0x9, v13;
	[tilespmem:v51+s16+$0x0] =	vst.idx.add.f32.msk $0xffff, v54  }
0x8ab: {  	v56 =	vadd.s32 $0x8, v6;
	v4 =	vld.idx.msk [tilespmem:v52+s3+$0x0], $0xffff  }
0x8ac: {  	v57 =	vadd.s32 $0x9, v16;
	[tilespmem:v21+s16+$0x0] =	vst.idx.add.f32.msk $0xffff, v22;
	v3 =	vmul.f32 v3, v7  }
0x8ad: {  	v59 =	vadd.s32 $0x8, v18;
	v62 =	vld.idx.msk [tilespmem:v20+s3+$0x0], $0xffff  }
0x8ae: {  	v60 =	vadd.s32 $0x9, v17;
	[tilespmem:v53+s16+$0x0] =	vst.idx.add.f32.msk $0xffff, v3;
	v58 =	vmul.f32 v2, v7  }
0x8af: {  	v15 =	vadd.s32 $0xA, v9;
	v3 =	vld.idx.msk [tilespmem:v55+s3+$0x0], $0xffff  }
0x8b0: {  	v61 =	vadd.s32 $0xB, v10;
	[tilespmem:v56+s16+$0x0] =	vst.idx.add.f32.msk $0xffff, v58;
	v4 =	vmul.f32 v4, v7  }
0x8b1: {  	v63 =	vadd.s32 $0x9, v12;
	v5 =	vld.idx.msk [tilespmem:v57+s3+$0x0], $0xffff  }
0x8b2: {  	v24 =	vadd.s32 $0xA, v13;
	v19 =	vmul.f32 v19, v7;
	[tilespmem:v59+s16+$0x0] =	vst.idx.add.f32.msk $0xffff, v4  }
0x8b3: {  	v25 =	vadd.s32 $0x9, v6;
	v14 =	vld.idx.msk [tilespmem:v60+s3+$0x0], $0xffff  }
0x8b4: {  	v26 =	vadd.s32 $0xA, v16;
	[tilespmem:v15+s16+$0x0] =	vst.idx.add.f32.msk $0xffff, v19;
	v3 =	vmul.f32 v3, v7  }
0x8b5: {  	v27 =	vadd.s32 $0x9, v18;
	v0 =	vld.idx.msk [tilespmem:v61+s3+$0x0], $0xffff  }
0x8b6: {  	v29 =	vadd.s32 $0xA, v17;
	[tilespmem:v63+s16+$0x0] =	vst.idx.add.f32.msk $0xffff, v3;
	v28 =	vmul.f32 v5, v7  }
0x8b7: {  	v30 =	vadd.s32 $0xE, v8;
	v2 =	vld.idx.msk [tilespmem:v24+s3+$0x0], $0xffff  }
0x8b8: {  	v11 =	vadd.s32 $0xF, v11;
	[tilespmem:v25+s16+$0x0] =	vst.idx.add.f32.msk $0xffff, v28;
	v31 =	vmul.f32 v14, v7  }
0x8b9: {  	v32 =	vadd.s32 $0xA, v12;
	v33 =	vld.idx.msk [tilespmem:v26+s3+$0x0], $0xffff  }
0x8ba: {  	v34 =	vadd.s32 $0xB, v13;
	v1 =	vmul.f32 v62, v7;
	[tilespmem:v27+s16+$0x0] =	vst.idx.add.f32.msk $0xffff, v31  }
0x8bb: {  	v35 =	vadd.s32 $0xA, v6;
	v5 =	vld.idx.msk [tilespmem:v29+s3+$0x0], $0xffff  }
0x8bc: {  	v37 =	vadd.s32 $0xB, v16;
	[tilespmem:v30+s16+$0x0] =	vst.idx.add.f32.msk $0xffff, v1;
	v36 =	vmul.f32 v2, v7  }
0x8bd: {  	v38 =	vadd.s32 $0xA, v18;
	v11 =	vld.idx.msk [tilespmem:v11+s3+$0x0], $0xffff  }
0x8be: {  	v40 =	vadd.s32 $0xB, v17;
	[tilespmem:v32+s16+$0x0] =	vst.idx.add.f32.msk $0xffff, v36;
	v39 =	vmul.f32 v33, v7  }
0x8bf: {  	v41 =	vadd.s32 $0xB, v9;
	v15 =	vld.idx.msk [tilespmem:v34+s3+$0x0], $0xffff  }
0x8c0: {  	v42 =	vadd.s32 $0xC, v10;
	[tilespmem:v35+s16+$0x0] =	vst.idx.add.f32.msk $0xffff, v39;
	v43 =	vmul.f32 v5, v7  }
0x8c1: {  	v44 =	vadd.s32 $0xB, v12;
	v2 =	vld.idx.msk [tilespmem:v37+s3+$0x0], $0xffff  }
0x8c2: {  	v0 =	vmul.f32 v0, v7;
	v45 =	vadd.s32 $0xC, v13;
	[tilespmem:v38+s16+$0x0] =	vst.idx.add.f32.msk $0xffff, v43  }
0x8c3: {  	v46 =	vadd.s32 $0xB, v6;
	v4 =	vld.idx.msk [tilespmem:v40+s3+$0x0], $0xffff  }
0x8c4: {  	v48 =	vadd.s32 $0xC, v16;
	[tilespmem:v41+s16+$0x0] =	vst.idx.add.f32.msk $0xffff, v0;
	v47 =	vmul.f32 v15, v7  }
0x8c5: {  	v50 =	vadd.s32 $0xB, v18;
	v49 =	vld.idx.msk [tilespmem:v42+s3+$0x0], $0xffff  }
0x8c6: {  	v52 =	vadd.s32 $0xC, v17;
	[tilespmem:v44+s16+$0x0] =	vst.idx.add.f32.msk $0xffff, v47;
	v51 =	vmul.f32 v2, v7  }
0x8c7: {  	v53 =	vadd.s32 $0xC, v9;
	v5 =	vld.idx.msk [tilespmem:v45+s3+$0x0], $0xffff  }
0x8c8: {  	v54 =	vadd.s32 $0xD, v10;
	[tilespmem:v46+s16+$0x0] =	vst.idx.add.f32.msk $0xffff, v51;
	v55 =	vmul.f32 v4, v7  }
0x8c9: {  	v56 =	vadd.s32 $0xC, v12;
	v57 =	vld.idx.msk [tilespmem:v48+s3+$0x0], $0xffff  }
0x8ca: {  	v58 =	vmul.f32 v49, v7;
	v59 =	vadd.s32 $0xD, v13;
	[tilespmem:v50+s16+$0x0] =	vst.idx.add.f32.msk $0xffff, v55  }
0x8cb: {  	v60 =	vadd.s32 $0xC, v6;
	v2 =	vld.idx.msk [tilespmem:v52+s3+$0x0], $0xffff  }
0x8cc: {  	v62 =	vadd.s32 $0xD, v16;
	[tilespmem:v53+s16+$0x0] =	vst.idx.add.f32.msk $0xffff, v58;
	v61 =	vmul.f32 v5, v7  }
0x8cd: {  	v63 =	vadd.s32 $0xC, v18;
	v14 =	vld.idx.msk [tilespmem:v54+s3+$0x0], $0xffff  }
0x8ce: {  	v25 =	vadd.s32 $0xD, v17;
	[tilespmem:v56+s16+$0x0] =	vst.idx.add.f32.msk $0xffff, v61;
	v24 =	vmul.f32 v57, v7  }
0x8cf: {  	v26 =	vadd.s32 $0xD, v9;
	v15 =	vld.idx.msk [tilespmem:v59+s3+$0x0], $0xffff  }
0x8d0: {  	v27 =	vadd.s32 $0xE, v10;
	[tilespmem:v60+s16+$0x0] =	vst.idx.add.f32.msk $0xffff, v24;
	v28 =	vmul.f32 v2, v7  }
0x8d1: {  	v29 =	vadd.s32 $0xD, v12;
	v30 =	vld.idx.msk [tilespmem:v62+s3+$0x0], $0xffff  }
0x8d2: {  	v32 =	vadd.s32 $0xE, v13;
	v31 =	vmul.f32 v14, v7;
	[tilespmem:v63+s16+$0x0] =	vst.idx.add.f32.msk $0xffff, v28  }
0x8d3: {  	v33 =	vadd.s32 $0xD, v6;
	v3 =	vld.idx.msk [tilespmem:v25+s3+$0x0], $0xffff  }
0x8d4: {  	v35 =	vadd.s32 $0xE, v16;
	[tilespmem:v26+s16+$0x0] =	vst.idx.add.f32.msk $0xffff, v31;
	v34 =	vmul.f32 v15, v7  }
0x8d5: {  	v37 =	vadd.s32 $0xD, v18;
	v36 =	vld.idx.msk [tilespmem:v27+s3+$0x0], $0xffff  }
0x8d6: {  	v39 =	vadd.s32 $0xE, v17;
	[tilespmem:v29+s16+$0x0] =	vst.idx.add.f32.msk $0xffff, v34;
	v38 =	vmul.f32 v30, v7  }
0x8d7: {  	v40 =	vadd.s32 $0xE, v9;
	v14 =	vld.idx.msk [tilespmem:v32+s3+$0x0], $0xffff  }
0x8d8: {  	v41 =	vadd.s32 $0xF, v10;
	[tilespmem:v33+s16+$0x0] =	vst.idx.add.f32.msk $0xffff, v38;
	v42 =	vmul.f32 v3, v7  }
0x8d9: {  	v43 =	vadd.s32 $0xE, v12;
	v44 =	vld.idx.msk [tilespmem:v35+s3+$0x0], $0xffff  }
0x8da: {  	v46 =	vadd.s32 $0xF, v13;
	v45 =	vmul.f32 v36, v7;
	[tilespmem:v37+s16+$0x0] =	vst.idx.add.f32.msk $0xffff, v42  }
0x8db: {  	v47 =	vadd.s32 $0xE, v6;
	v2 =	vld.idx.msk [tilespmem:v39+s3+$0x0], $0xffff  }
0x8dc: {  	v49 =	vadd.s32 $0xF, v16;
	[tilespmem:v40+s16+$0x0] =	vst.idx.add.f32.msk $0xffff, v45;
	v48 =	vmul.f32 v14, v7  }
0x8dd: {  	v10 =	vld.idx.msk [tilespmem:v41+s3+$0x0], $0xffff;
	v50 =	vadd.s32 $0xE, v18  }
0x8de: {  	v52 =	vadd.s32 $0xF, v17;
	[tilespmem:v43+s16+$0x0] =	vst.idx.add.f32.msk $0xffff, v48;
	v51 =	vmul.f32 v44, v7  }
0x8df: {  	v4 =	vld.idx.msk [tilespmem:v46+s3+$0x0], $0xffff  }
0x8e0: {  	[tilespmem:v47+s16+$0x0] =	vst.idx.add.f32.msk $0xffff, v51;
	v53 =	vmul.f32 v2, v7  }
0x8e1: {  	v54 =	vadd.s32 $0xF, v8;
	v55 =	vld.idx.msk [tilespmem:v49+s3+$0x0], $0xffff  }
0x8e2: {  	v56 =	vadd.s32 $0xF, v9;
	[tilespmem:v50+s16+$0x0] =	vst.idx.add.f32.msk $0xffff, v53  }
0x8e3: {  	v57 =	vadd.s32 $0xF, v12;
	v3 =	vld.idx.msk [tilespmem:v52+s3+$0x0], $0xffff  }
0x8e4: {  	v58 =	vmul.f32 v11, v7;
	v59 =	vadd.s32 $0xF, v6  }
0x8e5: {  	p0 =	slt.u32 s19, $0x26;
	v61 =	vadd.s32 $0xF, v18;
	v60 =	vmul.f32 v10, v7  }
.Ltmp18:
0x8e6: {  	[tilespmem:v54+s16+$0x0] =	vst.idx.add.f32.msk $0xffff, v58;
	v62 =	vmul.f32 v4, v7;
	(pc) =	sbr.rel @p0 .LBB2_34-.Ltmp18, $4  }
0x8e7: {  	[tilespmem:v56+s16+$0x0] =	vst.idx.add.f32.msk $0xffff, v60;
	v2 =	vmul.f32 v55, v7  }
0x8e8: {  	[tilespmem:v57+s16+$0x0] =	vst.idx.add.f32.msk $0xffff, v62;
	v63 =	vmul.f32 v3, v7  }
0x8e9: {  	s20 =	sadd.s32 $0x2, s19;
	[tilespmem:v59+s16+$0x0] =	vst.idx.add.f32.msk $0xffff, v2  }
0x8ea: {  	s19 =	smov.u32 s20;
	[tilespmem:v61+s16+$0x0] =	vst.idx.add.f32.msk $0xffff, v63  }
0x8eb: {  	v0 =	vld [tilespmem:$0x1A000];
	_ =	sdelay $0x7  }
0x8ec: {  	v1 =	vld.idx.msk [tilespmem:v0+s15+$0x0], $0xffff  }
0x8ed: {  	v2 =	vld [tilespmem:$0x19D00];
	_ =	sdelay $0x1  }
0x8ee: {  	v52 =	vld [tilespmem:$0x1FFD0];
	_ =	sdelay $0x1  }
0x8ef: {  	v1 =	vadd.f32 $1.000000020e-16, v1  }
0x8f0: {  	v2 =	vmul.u32 $0xE3, v2  }
0x8f1: {  	(erf) = vrcp.f32 v1  }
0x8f2: {  	s18 =	simm.s32 $0x0;
	v15 =	vadd.s32 v52, v2  }
0x8f3: {  	v12 =	vadd.s32 s18, v15;
	_ =	sdelay $0x2  }
0x8f4: {  	v53 =	vld [tilespmem:$0x1A680];
	_ =	sdelay $0x1  }
0x8f5: {  	v16 =	vmul.u32 $0x71, v0;
	v54 =	vld.idx.msk [tilespmem:v12+s3+$0x0], $0xffff;
	_ =	sdelay $0x1  }
0x8f6: {  	v7 =	vadd.s32 s18, v16;
	v55 =	vpop (erf)  }
0x8f7: {  	v56 =	vadd.s32 $0x1, v12;
	v6 =	vmul.f32 v55, v53;
	_ =	sdelay $0x1  }
0x8f8: {  	v0 =	vmul.f32 v54, v6;
	_ =	sdelay $0x1  }
0x8f9: {  	[tilespmem:v7+s16+$0x0] =	vst.idx.add.f32.msk $0xffff, v0  }
0x8fa: {  	v0 =	vld.idx.msk [tilespmem:v56+s3+$0x0], $0xffff;
	_ =	sdelay $0x1  }
0x8fb: {  	v57 =	vadd.s32 $0x1, v7  }
0x8fc: {  	v58 =	vadd.s32 $0x2, v12;
	_ =	sdelay $0x1  }
0x8fd: {  	v0 =	vmul.f32 v0, v6;
	_ =	sdelay $0x1  }
0x8fe: {  	[tilespmem:v57+s16+$0x0] =	vst.idx.add.f32.msk $0xffff, v0  }
0x8ff: {  	v0 =	vld.idx.msk [tilespmem:v58+s3+$0x0], $0xffff;
	_ =	sdelay $0x1  }
0x900: {  	v59 =	vadd.s32 $0x2, v7  }
0x901: {  	v60 =	vadd.s32 $0x3, v12  }
0x902: {  	s28 =	simm.s32 $0x10  }
0x903: {  	v9 =	vadd.s32 s28, v15;
	v0 =	vmul.f32 v0, v6;
	_ =	sdelay $0x1  }
0x904: {  	[tilespmem:v59+s16+$0x0] =	vst.idx.add.f32.msk $0xffff, v0  }
0x905: {  	v0 =	vld.idx.msk [tilespmem:v60+s3+$0x0], $0xffff;
	_ =	sdelay $0x1  }
0x906: {  	v61 =	vadd.s32 $0x3, v7;
	v3 =	vld.idx.msk [tilespmem:v9+s3+$0x0], $0xffff  }
0x907: {  	v62 =	vadd.s32 $0x4, v12  }
0x908: {  	v8 =	vadd.s32 s28, v16  }
0x909: {  	v4 =	vadd.s32 $0x1, v9;
	v0 =	vmul.f32 v0, v6;
	_ =	sdelay $0x1  }
0x90a: {  	v63 =	vmul.f32 v3, v6;
	[tilespmem:v61+s16+$0x0] =	vst.idx.add.f32.msk $0xffff, v0  }
0x90b: {  	v0 =	vld.idx.msk [tilespmem:v62+s3+$0x0], $0xffff  }
0x90c: {  	[tilespmem:v8+s16+$0x0] =	vst.idx.add.f32.msk $0xffff, v63  }
0x90d: {  	v28 =	vadd.s32 $0x4, v7;
	v30 =	vld.idx.msk [tilespmem:v4+s3+$0x0], $0xffff  }
0x90e: {  	v29 =	vadd.s32 $0x5, v12  }
0x90f: {  	v4 =	vadd.s32 $0x1, v8  }
0x910: {  	v5 =	vadd.s32 $0x2, v9;
	v0 =	vmul.f32 v0, v6;
	_ =	sdelay $0x1  }
0x911: {  	v31 =	vmul.f32 v30, v6;
	[tilespmem:v28+s16+$0x0] =	vst.idx.add.f32.msk $0xffff, v0  }
0x912: {  	v0 =	vld.idx.msk [tilespmem:v29+s3+$0x0], $0xffff  }
0x913: {  	[tilespmem:v4+s16+$0x0] =	vst.idx.add.f32.msk $0xffff, v31  }
0x914: {  	v32 =	vadd.s32 $0x5, v7;
	v34 =	vld.idx.msk [tilespmem:v5+s3+$0x0], $0xffff  }
0x915: {  	v33 =	vadd.s32 $0x6, v12  }
0x916: {  	v4 =	vadd.s32 $0x2, v8  }
0x917: {  	v35 =	vadd.s32 $0x3, v9;
	v0 =	vmul.f32 v0, v6  }
0x918: {  	s29 =	simm.s32 $0x20  }
0x919: {  	v11 =	vadd.s32 s29, v15;
	v36 =	vmul.f32 v34, v6;
	[tilespmem:v32+s16+$0x0] =	vst.idx.add.f32.msk $0xffff, v0  }
0x91a: {  	v1 =	vld.idx.msk [tilespmem:v33+s3+$0x0], $0xffff  }
0x91b: {  	[tilespmem:v4+s16+$0x0] =	vst.idx.add.f32.msk $0xffff, v36  }
0x91c: {  	v37 =	vadd.s32 $0x6, v7;
	v0 =	vld.idx.msk [tilespmem:v35+s3+$0x0], $0xffff  }
0x91d: {  	v38 =	vadd.s32 $0x7, v12  }
0x91e: {  	v5 =	vadd.s32 $0x3, v8;
	v4 =	vld.idx.msk [tilespmem:v11+s3+$0x0], $0xffff  }
0x91f: {  	v39 =	vadd.s32 $0x4, v9;
	v1 =	vmul.f32 v1, v6  }
0x920: {  	v10 =	vadd.s32 s29, v16  }
0x921: {  	v40 =	vadd.s32 $0x1, v11;
	v0 =	vmul.f32 v0, v6;
	[tilespmem:v37+s16+$0x0] =	vst.idx.add.f32.msk $0xffff, v1  }
0x922: {  	v2 =	vld.idx.msk [tilespmem:v38+s3+$0x0], $0xffff  }
0x923: {  	v4 =	vmul.f32 v4, v6;
	[tilespmem:v5+s16+$0x0] =	vst.idx.add.f32.msk $0xffff, v0  }
0x924: {  	v13 =	vadd.s32 $0x7, v7;
	v1 =	vld.idx.msk [tilespmem:v39+s3+$0x0], $0xffff  }
0x925: {  	v41 =	vadd.s32 $0x8, v12;
	[tilespmem:v10+s16+$0x0] =	vst.idx.add.f32.msk $0xffff, v4  }
0x926: {  	v4 =	vadd.s32 $0x4, v8;
	v3 =	vld.idx.msk [tilespmem:v40+s3+$0x0], $0xffff  }
0x927: {  	v5 =	vadd.s32 $0x5, v9;
	v2 =	vmul.f32 v2, v6  }
0x928: {  	v42 =	vadd.s32 $0x1, v10  }
0x929: {  	v1 =	vmul.f32 v1, v6;
	[tilespmem:v13+s16+$0x0] =	vst.idx.add.f32.msk $0xffff, v2;
	v13 =	vadd.s32 $0x2, v11  }
0x92a: {  	v0 =	vld.idx.msk [tilespmem:v41+s3+$0x0], $0xffff  }
0x92b: {  	v43 =	vmul.f32 v3, v6;
	[tilespmem:v4+s16+$0x0] =	vst.idx.add.f32.msk $0xffff, v1  }
0x92c: {  	v14 =	vadd.s32 $0x8, v7;
	v4 =	vld.idx.msk [tilespmem:v5+s3+$0x0], $0xffff  }
0x92d: {  	v44 =	vadd.s32 $0x9, v12;
	[tilespmem:v42+s16+$0x0] =	vst.idx.add.f32.msk $0xffff, v43  }
0x92e: {  	v45 =	vadd.s32 $0x5, v8;
	v2 =	vld.idx.msk [tilespmem:v13+s3+$0x0], $0xffff  }
0x92f: {  	v5 =	vadd.s32 $0x6, v9;
	v0 =	vmul.f32 v0, v6  }
0x930: {  	v46 =	vadd.s32 $0x2, v10  }
0x931: {  	v4 =	vmul.f32 v4, v6;
	[tilespmem:v14+s16+$0x0] =	vst.idx.add.f32.msk $0xffff, v0;
	v14 =	vadd.s32 $0x3, v11  }
0x932: {  	s30 =	simm.s32 $0x30;
	v0 =	vld.idx.msk [tilespmem:v44+s3+$0x0], $0xffff  }
0x933: {  	v13 =	vadd.s32 s30, v15;
	[tilespmem:v45+s16+$0x0] =	vst.idx.add.f32.msk $0xffff, v4;
	v47 =	vmul.f32 v2, v6  }
0x934: {  	v17 =	vadd.s32 $0x9, v7;
	v4 =	vld.idx.msk [tilespmem:v5+s3+$0x0], $0xffff  }
0x935: {  	v48 =	vadd.s32 $0xA, v12;
	[tilespmem:v46+s16+$0x0] =	vst.idx.add.f32.msk $0xffff, v47  }
0x936: {  	v49 =	vadd.s32 $0x6, v8;
	v3 =	vld.idx.msk [tilespmem:v14+s3+$0x0], $0xffff  }
0x937: {  	v5 =	vadd.s32 $0x7, v9;
	v0 =	vmul.f32 v0, v6  }
0x938: {  	v50 =	vadd.s32 $0x3, v10;
	v18 =	vld.idx.msk [tilespmem:v13+s3+$0x0], $0xffff  }
0x939: {  	v4 =	vmul.f32 v4, v6;
	[tilespmem:v17+s16+$0x0] =	vst.idx.add.f32.msk $0xffff, v0;
	v17 =	vadd.s32 $0x4, v11  }
0x93a: {  	v0 =	vld.idx.msk [tilespmem:v48+s3+$0x0], $0xffff  }
0x93b: {  	v14 =	vadd.s32 s30, v16;
	[tilespmem:v49+s16+$0x0] =	vst.idx.add.f32.msk $0xffff, v4;
	v51 =	vmul.f32 v3, v6  }
0x93c: {  	v19 =	vadd.s32 $0xA, v7;
	v4 =	vld.idx.msk [tilespmem:v5+s3+$0x0], $0xffff  }
0x93d: {  	v5 =	vadd.s32 $0x1, v13;
	[tilespmem:v50+s16+$0x0] =	vst.idx.add.f32.msk $0xffff, v51  }
0x93e: {  	v52 =	vadd.s32 $0xB, v12;
	v2 =	vld.idx.msk [tilespmem:v17+s3+$0x0], $0xffff;
	v17 =	vmul.f32 v18, v6  }
0x93f: {  	v53 =	vadd.s32 $0x7, v8;
	v0 =	vmul.f32 v0, v6  }
0x940: {  	v54 =	vadd.s32 $0x8, v9;
	[tilespmem:v14+s16+$0x0] =	vst.idx.add.f32.msk $0xffff, v17  }
0x941: {  	v18 =	vadd.s32 $0x4, v10;
	[tilespmem:v19+s16+$0x0] =	vst.idx.add.f32.msk $0xffff, v0  }
0x942: {  	v4 =	vmul.f32 v4, v6;
	v17 =	vadd.s32 $0x5, v11;
	v5 =	vld.idx.msk [tilespmem:v5+s3+$0x0], $0xffff  }
0x943: {  	v3 =	vld.idx.msk [tilespmem:v52+s3+$0x0], $0xffff  }
0x944: {  	[tilespmem:v53+s16+$0x0] =	vst.idx.add.f32.msk $0xffff, v4;
	v4 =	vadd.s32 $0x1, v14;
	v55 =	vmul.f32 v2, v6  }
0x945: {  	v19 =	vadd.s32 $0xB, v7;
	v0 =	vld.idx.msk [tilespmem:v54+s3+$0x0], $0xffff  }
0x946: {  	v56 =	vadd.s32 $0xC, v12;
	[tilespmem:v18+s16+$0x0] =	vst.idx.add.f32.msk $0xffff, v55  }
0x947: {  	v58 =	vld.idx.msk [tilespmem:v17+s3+$0x0], $0xffff;
	v17 =	vadd.s32 $0x8, v8;
	v5 =	vmul.f32 v5, v6  }
0x948: {  	v20 =	vadd.s32 $0x2, v13;
	v57 =	vmul.f32 v3, v6  }
0x949: {  	v59 =	vadd.s32 $0x9, v9;
	[tilespmem:v4+s16+$0x0] =	vst.idx.add.f32.msk $0xffff, v5  }
0x94a: {  	v18 =	vadd.s32 $0x5, v10;
	v0 =	vmul.f32 v0, v6;
	[tilespmem:v19+s16+$0x0] =	vst.idx.add.f32.msk $0xffff, v57  }
0x94b: {  	s31 =	simm.s32 $0x40;
	v4 =	vadd.s32 $0x6, v11;
	v2 =	vld.idx.msk [tilespmem:v56+s3+$0x0], $0xffff  }
0x94c: {  	[tilespmem:v17+s16+$0x0] =	vst.idx.add.f32.msk $0xffff, v0;
	v17 =	vadd.s32 s31, v15  }
0x94d: {  	v5 =	vld.idx.msk [tilespmem:v20+s3+$0x0], $0xffff;
	v19 =	vadd.s32 $0xC, v7;
	v3 =	vmul.f32 v58, v6  }
0x94e: {  	v60 =	vadd.s32 $0xD, v12;
	v1 =	vld.idx.msk [tilespmem:v59+s3+$0x0], $0xffff  }
0x94f: {  	v20 =	vadd.s32 $0x2, v14;
	[tilespmem:v18+s16+$0x0] =	vst.idx.add.f32.msk $0xffff, v3  }
0x950: {  	v61 =	vadd.s32 $0x3, v13;
	v4 =	vld.idx.msk [tilespmem:v4+s3+$0x0], $0xffff;
	v2 =	vmul.f32 v2, v6  }
0x951: {  	v18 =	vadd.s32 $0x9, v8;
	v25 =	vld.idx.msk [tilespmem:v17+s3+$0x0], $0xffff  }
0x952: {  	v62 =	vmul.f32 v5, v6;
	v5 =	vadd.s32 $0xA, v9;
	[tilespmem:v19+s16+$0x0] =	vst.idx.add.f32.msk $0xffff, v2  }
0x953: {  	v22 =	vadd.s32 $0x6, v10;
	v0 =	vld.idx.msk [tilespmem:v60+s3+$0x0], $0xffff  }
0x954: {  	v23 =	vadd.s32 $0x7, v11;
	[tilespmem:v20+s16+$0x0] =	vst.idx.add.f32.msk $0xffff, v62;
	v1 =	vmul.f32 v1, v6  }
0x955: {  	v21 =	vadd.s32 $0xD, v7;
	v24 =	vld.idx.msk [tilespmem:v61+s3+$0x0], $0xffff  }
0x956: {  	v20 =	vadd.s32 $0xE, v12;
	v63 =	vmul.f32 v4, v6;
	[tilespmem:v18+s16+$0x0] =	vst.idx.add.f32.msk $0xffff, v1  }
0x957: {  	v18 =	vadd.s32 s31, v16;
	v19 =	vld.idx.msk [tilespmem:v5+s3+$0x0], $0xffff  }
0x958: {  	s18 =	simm.s32 $0x50;
	v26 =	vadd.s32 $0x3, v14;
	[tilespmem:v22+s16+$0x0] =	vst.idx.add.f32.msk $0xffff, v63;
	v22 =	vmul.f32 v0, v6  }
.LBB2_40:
0x959: {  	p0 =	sne.s32 s18, $0x60;
	v0 =	vadd.s32 $0x4, v13;
	v1 =	vld.idx.msk [tilespmem:v23+s3+$0x0], $0xffff  }
0x95a: {  	v2 =	vmul.f32 v25, v6;
	v3 =	vadd.s32 $0xA, v8;
	[tilespmem:v21+s16+$0x0] =	vst.idx.add.f32.msk $0xffff, v22  }
0x95b: {  	v5 =	vadd.s32 $0xB, v9;
	v4 =	vmul.f32 v24, v6;
	v20 =	vld.idx.msk [tilespmem:v20+s3+$0x0], $0xffff  }
0x95c: {  	[tilespmem:v18+s16+$0x0] =	vst.idx.add.f32.msk $0xffff, v2;
	v2 =	vadd.s32 $0x1, v17  }
0x95d: {  	v19 =	vmul.f32 v19, v6;
	[tilespmem:v26+s16+$0x0] =	vst.idx.add.f32.msk $0xffff, v4;
	v4 =	vadd.s32 $0x7, v10  }
0x95e: {  	v21 =	vadd.s32 $0xE, v7;
	v0 =	vld.idx.msk [tilespmem:v0+s3+$0x0], $0xffff  }
0x95f: {  	[tilespmem:v3+s16+$0x0] =	vst.idx.add.f32.msk $0xffff, v19;
	v3 =	vadd.s32 $0xF, v12;
	v12 =	vmovc v9;
	v9 =	vmovc v11;
	v11 =	vmov v13;
	v13 =	vmov v17  }
0x960: {  	v1 =	vmul.f32 v1, v6;
	v17 =	vadd.s32 $0x8, v9;
	v5 =	vld.idx.msk [tilespmem:v5+s3+$0x0], $0xffff  }
0x961: {  	v19 =	vadd.s32 $0x4, v14;
	v20 =	vmul.f32 v20, v6;
	v2 =	vld.idx.msk [tilespmem:v2+s3+$0x0], $0xffff  }
0x962: {  	v22 =	vadd.s32 $0x5, v11;
	[tilespmem:v4+s16+$0x0] =	vst.idx.add.f32.msk $0xffff, v1  }
0x963: {  	v1 =	vadd.s32 $0xB, v8;
	[tilespmem:v21+s16+$0x0] =	vst.idx.add.f32.msk $0xffff, v20  }
0x964: {  	v4 =	vadd.s32 $0xC, v12;
	v0 =	vmul.f32 v0, v6;
	v3 =	vld.idx.msk [tilespmem:v3+s3+$0x0], $0xffff  }
0x965: {  	v20 =	vadd.s32 $0x1, v18;
	v17 =	vld.idx.msk [tilespmem:v17+s3+$0x0], $0xffff  }
0x966: {  	v21 =	vadd.s32 $0x2, v13;
	[tilespmem:v19+s16+$0x0] =	vst.idx.add.f32.msk $0xffff, v0;
	v0 =	vmul.f32 v5, v6  }
0x967: {  	v19 =	vadd.s32 $0xF, v7;
	v7 =	vmovc v8;
	v8 =	vmovc v10;
	v10 =	vmov v14;
	v14 =	vmov v18;
	v5 =	vld.idx.msk [tilespmem:v22+s3+$0x0], $0xffff  }
0x968: {  	v2 =	vmul.f32 v2, v6;
	v18 =	vadd.s32 $0x8, v8;
	[tilespmem:v1+s16+$0x0] =	vst.idx.add.f32.msk $0xffff, v0  }
0x969: {  	v0 =	vadd.s32 $0x9, v9;
	v1 =	vld.idx.msk [tilespmem:v4+s3+$0x0], $0xffff  }
0x96a: {  	v3 =	vmul.f32 v3, v6;
	[tilespmem:v20+s16+$0x0] =	vst.idx.add.f32.msk $0xffff, v2;
	v2 =	vadd.s32 $0x5, v10  }
0x96b: {  	v20 =	vadd.s32 $0x6, v11;
	v17 =	vmul.f32 v17, v6;
	v4 =	vld.idx.msk [tilespmem:v21+s3+$0x0], $0xffff  }
0x96c: {  	v21 =	vadd.s32 $0xC, v7;
	[tilespmem:v19+s16+$0x0] =	vst.idx.add.f32.msk $0xffff, v3  }
0x96d: {  	v3 =	vmul.f32 v5, v6;
	v5 =	vadd.s32 $0xD, v12;
	[tilespmem:v18+s16+$0x0] =	vst.idx.add.f32.msk $0xffff, v17  }
0x96e: {  	v17 =	vadd.s32 s18, v15;
	v0 =	vld.idx.msk [tilespmem:v0+s3+$0x0], $0xffff  }
0x96f: {  	v18 =	vadd.s32 $0x2, v14;
	v1 =	vmul.f32 v1, v6;
	[tilespmem:v2+s16+$0x0] =	vst.idx.add.f32.msk $0xffff, v3  }
0x970: {  	v2 =	vadd.s32 $0x3, v13;
	v3 =	vld.idx.msk [tilespmem:v20+s3+$0x0], $0xffff  }
0x971: {  	v19 =	vadd.s32 $0x9, v8;
	[tilespmem:v21+s16+$0x0] =	vst.idx.add.f32.msk $0xffff, v1  }
0x972: {  	v1 =	vmul.f32 v4, v6;
	v4 =	vadd.s32 $0xA, v9;
	v5 =	vld.idx.msk [tilespmem:v5+s3+$0x0], $0xffff  }
0x973: {  	v22 =	vadd.s32 $0x6, v10;
	v25 =	vld.idx.msk [tilespmem:v17+s3+$0x0], $0xffff  }
.Ltmp19:
0x974: {  	v23 =	vadd.s32 $0x7, v11;
	v0 =	vmul.f32 v0, v6;
	[tilespmem:v18+s16+$0x0] =	vst.idx.add.f32.msk $0xffff, v1;
	(pc) =	sbr.rel @p0 .LBB2_40-.Ltmp19, $4  }
0x975: {  	v21 =	vadd.s32 $0xD, v7;
	v24 =	vld.idx.msk [tilespmem:v2+s3+$0x0], $0xffff  }
0x976: {  	v20 =	vadd.s32 $0xE, v12;
	v1 =	vmul.f32 v3, v6;
	[tilespmem:v19+s16+$0x0] =	vst.idx.add.f32.msk $0xffff, v0  }
0x977: {  	v18 =	vadd.s32 s18, v16;
	v19 =	vld.idx.msk [tilespmem:v4+s3+$0x0], $0xffff  }
0x978: {  	v26 =	vadd.s32 $0x3, v14;
	s18 =	sadd.s32 $0x10, s18;
	[tilespmem:v22+s16+$0x0] =	vst.idx.add.f32.msk $0xffff, v1;
	v22 =	vmul.f32 v5, v6  }
0x979: {  	v0 =	vadd.s32 $0x1, v17;
	_ =	sdelay $0x1  }
0x97a: {  	v1 =	vmul.f32 v25, v6;
	_ =	sdelay $0x1  }
0x97b: {  	[tilespmem:v18+s16+$0x0] =	vst.idx.add.f32.msk $0xffff, v1  }
0x97c: {  	v0 =	vld.idx.msk [tilespmem:v0+s3+$0x0], $0xffff;
	_ =	sdelay $0x1  }
0x97d: {  	v16 =	vadd.s32 $0x1, v18  }
0x97e: {  	v2 =	vadd.s32 $0x2, v17;
	_ =	sdelay $0x1  }
0x97f: {  	v0 =	vmul.f32 v0, v6;
	_ =	sdelay $0x1  }
0x980: {  	[tilespmem:v16+s16+$0x0] =	vst.idx.add.f32.msk $0xffff, v0  }
0x981: {  	v0 =	vld.idx.msk [tilespmem:v2+s3+$0x0], $0xffff;
	_ =	sdelay $0x1  }
0x982: {  	v25 =	vadd.s32 $0x2, v18  }
0x983: {  	v27 =	vadd.s32 $0x3, v17;
	_ =	sdelay $0x1  }
0x984: {  	v0 =	vmul.f32 v0, v6;
	_ =	sdelay $0x1  }
0x985: {  	[tilespmem:v25+s16+$0x0] =	vst.idx.add.f32.msk $0xffff, v0  }
0x986: {  	v1 =	vld.idx.msk [tilespmem:v27+s3+$0x0], $0xffff  }
0x987: {  	v28 =	vadd.s32 $0x4, v13  }
0x988: {  	v3 =	vadd.s32 $0x3, v18  }
0x989: {  	v4 =	vadd.s32 $0x4, v17;
	v29 =	vmul.f32 v24, v6;
	_ =	sdelay $0x1  }
0x98a: {  	[tilespmem:v26+s16+$0x0] =	vst.idx.add.f32.msk $0xffff, v29;
	v1 =	vmul.f32 v1, v6  }
0x98b: {  	v0 =	vld.idx.msk [tilespmem:v28+s3+$0x0], $0xffff  }
0x98c: {  	[tilespmem:v3+s16+$0x0] =	vst.idx.add.f32.msk $0xffff, v1  }
0x98d: {  	v30 =	vadd.s32 $0x4, v14;
	v3 =	vld.idx.msk [tilespmem:v4+s3+$0x0], $0xffff  }
0x98e: {  	v31 =	vadd.s32 $0x5, v13  }
0x98f: {  	v32 =	vadd.s32 $0x4, v18  }
0x990: {  	v5 =	vadd.s32 $0x5, v17;
	v0 =	vmul.f32 v0, v6;
	_ =	sdelay $0x1  }
0x991: {  	[tilespmem:v30+s16+$0x0] =	vst.idx.add.f32.msk $0xffff, v0;
	v33 =	vmul.f32 v3, v6  }
0x992: {  	v0 =	vld.idx.msk [tilespmem:v31+s3+$0x0], $0xffff  }
0x993: {  	[tilespmem:v32+s16+$0x0] =	vst.idx.add.f32.msk $0xffff, v33  }
0x994: {  	v34 =	vadd.s32 $0x5, v14;
	v36 =	vld.idx.msk [tilespmem:v5+s3+$0x0], $0xffff  }
0x995: {  	v35 =	vadd.s32 $0x6, v13  }
0x996: {  	v37 =	vadd.s32 $0x5, v18  }
0x997: {  	v38 =	vadd.s32 $0x6, v17;
	v0 =	vmul.f32 v0, v6;
	_ =	sdelay $0x1  }
0x998: {  	[tilespmem:v34+s16+$0x0] =	vst.idx.add.f32.msk $0xffff, v0;
	v39 =	vmul.f32 v36, v6  }
0x999: {  	v0 =	vld.idx.msk [tilespmem:v35+s3+$0x0], $0xffff  }
0x99a: {  	[tilespmem:v37+s16+$0x0] =	vst.idx.add.f32.msk $0xffff, v39  }
0x99b: {  	v40 =	vadd.s32 $0x6, v14;
	v42 =	vld.idx.msk [tilespmem:v38+s3+$0x0], $0xffff  }
0x99c: {  	v41 =	vadd.s32 $0x7, v13  }
0x99d: {  	v43 =	vadd.s32 $0x6, v18  }
0x99e: {  	v15 =	vadd.s32 $0x7, v17;
	v0 =	vmul.f32 v0, v6  }
0x99f: {  	v44 =	vld.idx.msk [tilespmem:v23+s3+$0x0], $0xffff  }
0x9a0: {  	[tilespmem:v40+s16+$0x0] =	vst.idx.add.f32.msk $0xffff, v0;
	v46 =	vmul.f32 v42, v6  }
0x9a1: {  	v45 =	vadd.s32 $0x7, v10;
	v1 =	vld.idx.msk [tilespmem:v41+s3+$0x0], $0xffff  }
0x9a2: {  	v47 =	vadd.s32 $0x8, v11;
	[tilespmem:v43+s16+$0x0] =	vst.idx.add.f32.msk $0xffff, v46  }
0x9a3: {  	v48 =	vadd.s32 $0x7, v14;
	v15 =	vld.idx.msk [tilespmem:v15+s3+$0x0], $0xffff  }
0x9a4: {  	v50 =	vadd.s32 $0x8, v13;
	v49 =	vmul.f32 v44, v6  }
0x9a5: {  	v52 =	vadd.s32 $0x7, v18  }
0x9a6: {  	v53 =	vadd.s32 $0x8, v17;
	[tilespmem:v45+s16+$0x0] =	vst.idx.add.f32.msk $0xffff, v49;
	v51 =	vmul.f32 v1, v6  }
0x9a7: {  	v3 =	vld.idx.msk [tilespmem:v47+s3+$0x0], $0xffff  }
0x9a8: {  	[tilespmem:v48+s16+$0x0] =	vst.idx.add.f32.msk $0xffff, v51;
	v55 =	vmul.f32 v15, v6  }
0x9a9: {  	v54 =	vadd.s32 $0x8, v10;
	v2 =	vld.idx.msk [tilespmem:v50+s3+$0x0], $0xffff  }
0x9aa: {  	v56 =	vadd.s32 $0x9, v11;
	[tilespmem:v52+s16+$0x0] =	vst.idx.add.f32.msk $0xffff, v55  }
0x9ab: {  	v57 =	vadd.s32 $0x8, v14;
	v4 =	vld.idx.msk [tilespmem:v53+s3+$0x0], $0xffff  }
0x9ac: {  	v58 =	vadd.s32 $0x9, v13;
	[tilespmem:v21+s16+$0x0] =	vst.idx.add.f32.msk $0xffff, v22;
	v3 =	vmul.f32 v3, v6  }
0x9ad: {  	v60 =	vadd.s32 $0x8, v18;
	v63 =	vld.idx.msk [tilespmem:v20+s3+$0x0], $0xffff  }
0x9ae: {  	v61 =	vadd.s32 $0x9, v17;
	[tilespmem:v54+s16+$0x0] =	vst.idx.add.f32.msk $0xffff, v3;
	v59 =	vmul.f32 v2, v6  }
0x9af: {  	v16 =	vadd.s32 $0xA, v8;
	v3 =	vld.idx.msk [tilespmem:v56+s3+$0x0], $0xffff  }
0x9b0: {  	v62 =	vadd.s32 $0xB, v9;
	[tilespmem:v57+s16+$0x0] =	vst.idx.add.f32.msk $0xffff, v59;
	v4 =	vmul.f32 v4, v6  }
0x9b1: {  	v24 =	vadd.s32 $0x9, v10;
	v5 =	vld.idx.msk [tilespmem:v58+s3+$0x0], $0xffff  }
0x9b2: {  	v19 =	vmul.f32 v19, v6;
	v25 =	vadd.s32 $0xA, v11;
	[tilespmem:v60+s16+$0x0] =	vst.idx.add.f32.msk $0xffff, v4  }
0x9b3: {  	v26 =	vadd.s32 $0x9, v14;
	v15 =	vld.idx.msk [tilespmem:v61+s3+$0x0], $0xffff  }
0x9b4: {  	[tilespmem:v16+s16+$0x0] =	vst.idx.add.f32.msk $0xffff, v19;
	v27 =	vadd.s32 $0xA, v13;
	v3 =	vmul.f32 v3, v6  }
0x9b5: {  	v28 =	vadd.s32 $0x9, v18;
	v0 =	vld.idx.msk [tilespmem:v62+s3+$0x0], $0xffff  }
0x9b6: {  	v30 =	vadd.s32 $0xA, v17;
	[tilespmem:v24+s16+$0x0] =	vst.idx.add.f32.msk $0xffff, v3;
	v29 =	vmul.f32 v5, v6  }
0x9b7: {  	v31 =	vadd.s32 $0xE, v7;
	v2 =	vld.idx.msk [tilespmem:v25+s3+$0x0], $0xffff  }
0x9b8: {  	v12 =	vadd.s32 $0xF, v12;
	[tilespmem:v26+s16+$0x0] =	vst.idx.add.f32.msk $0xffff, v29;
	v32 =	vmul.f32 v15, v6  }
0x9b9: {  	v33 =	vadd.s32 $0xA, v10;
	v34 =	vld.idx.msk [tilespmem:v27+s3+$0x0], $0xffff  }
0x9ba: {  	v35 =	vadd.s32 $0xB, v11;
	v1 =	vmul.f32 v63, v6;
	[tilespmem:v28+s16+$0x0] =	vst.idx.add.f32.msk $0xffff, v32  }
0x9bb: {  	v36 =	vadd.s32 $0xA, v14;
	v5 =	vld.idx.msk [tilespmem:v30+s3+$0x0], $0xffff  }
0x9bc: {  	v38 =	vadd.s32 $0xB, v13;
	[tilespmem:v31+s16+$0x0] =	vst.idx.add.f32.msk $0xffff, v1;
	v37 =	vmul.f32 v2, v6  }
0x9bd: {  	v39 =	vadd.s32 $0xA, v18;
	v12 =	vld.idx.msk [tilespmem:v12+s3+$0x0], $0xffff  }
0x9be: {  	v41 =	vadd.s32 $0xB, v17;
	[tilespmem:v33+s16+$0x0] =	vst.idx.add.f32.msk $0xffff, v37;
	v40 =	vmul.f32 v34, v6  }
0x9bf: {  	v42 =	vadd.s32 $0xB, v8;
	v16 =	vld.idx.msk [tilespmem:v35+s3+$0x0], $0xffff  }
0x9c0: {  	v43 =	vadd.s32 $0xC, v9;
	[tilespmem:v36+s16+$0x0] =	vst.idx.add.f32.msk $0xffff, v40;
	v44 =	vmul.f32 v5, v6  }
0x9c1: {  	v45 =	vadd.s32 $0xB, v10;
	v2 =	vld.idx.msk [tilespmem:v38+s3+$0x0], $0xffff  }
0x9c2: {  	v0 =	vmul.f32 v0, v6;
	v46 =	vadd.s32 $0xC, v11;
	[tilespmem:v39+s16+$0x0] =	vst.idx.add.f32.msk $0xffff, v44  }
0x9c3: {  	v47 =	vadd.s32 $0xB, v14;
	v4 =	vld.idx.msk [tilespmem:v41+s3+$0x0], $0xffff  }
0x9c4: {  	v49 =	vadd.s32 $0xC, v13;
	[tilespmem:v42+s16+$0x0] =	vst.idx.add.f32.msk $0xffff, v0;
	v48 =	vmul.f32 v16, v6  }
0x9c5: {  	v51 =	vadd.s32 $0xB, v18;
	v50 =	vld.idx.msk [tilespmem:v43+s3+$0x0], $0xffff  }
0x9c6: {  	v53 =	vadd.s32 $0xC, v17;
	[tilespmem:v45+s16+$0x0] =	vst.idx.add.f32.msk $0xffff, v48;
	v52 =	vmul.f32 v2, v6  }
0x9c7: {  	v54 =	vadd.s32 $0xC, v8;
	v5 =	vld.idx.msk [tilespmem:v46+s3+$0x0], $0xffff  }
0x9c8: {  	v55 =	vadd.s32 $0xD, v9;
	[tilespmem:v47+s16+$0x0] =	vst.idx.add.f32.msk $0xffff, v52;
	v56 =	vmul.f32 v4, v6  }
0x9c9: {  	v57 =	vadd.s32 $0xC, v10;
	v58 =	vld.idx.msk [tilespmem:v49+s3+$0x0], $0xffff  }
0x9ca: {  	v59 =	vmul.f32 v50, v6;
	v60 =	vadd.s32 $0xD, v11;
	[tilespmem:v51+s16+$0x0] =	vst.idx.add.f32.msk $0xffff, v56  }
0x9cb: {  	v61 =	vadd.s32 $0xC, v14;
	v2 =	vld.idx.msk [tilespmem:v53+s3+$0x0], $0xffff  }
0x9cc: {  	v63 =	vadd.s32 $0xD, v13;
	[tilespmem:v54+s16+$0x0] =	vst.idx.add.f32.msk $0xffff, v59;
	v62 =	vmul.f32 v5, v6  }
0x9cd: {  	v24 =	vadd.s32 $0xC, v18;
	v15 =	vld.idx.msk [tilespmem:v55+s3+$0x0], $0xffff  }
0x9ce: {  	v26 =	vadd.s32 $0xD, v17;
	[tilespmem:v57+s16+$0x0] =	vst.idx.add.f32.msk $0xffff, v62;
	v25 =	vmul.f32 v58, v6  }
0x9cf: {  	v27 =	vadd.s32 $0xD, v8;
	v16 =	vld.idx.msk [tilespmem:v60+s3+$0x0], $0xffff  }
0x9d0: {  	v28 =	vadd.s32 $0xE, v9;
	[tilespmem:v61+s16+$0x0] =	vst.idx.add.f32.msk $0xffff, v25;
	v29 =	vmul.f32 v2, v6  }
0x9d1: {  	v30 =	vadd.s32 $0xD, v10;
	v31 =	vld.idx.msk [tilespmem:v63+s3+$0x0], $0xffff  }
0x9d2: {  	v33 =	vadd.s32 $0xE, v11;
	v32 =	vmul.f32 v15, v6;
	[tilespmem:v24+s16+$0x0] =	vst.idx.add.f32.msk $0xffff, v29  }
0x9d3: {  	v34 =	vadd.s32 $0xD, v14;
	v3 =	vld.idx.msk [tilespmem:v26+s3+$0x0], $0xffff  }
0x9d4: {  	v36 =	vadd.s32 $0xE, v13;
	[tilespmem:v27+s16+$0x0] =	vst.idx.add.f32.msk $0xffff, v32;
	v35 =	vmul.f32 v16, v6  }
0x9d5: {  	v38 =	vadd.s32 $0xD, v18;
	v37 =	vld.idx.msk [tilespmem:v28+s3+$0x0], $0xffff  }
0x9d6: {  	v40 =	vadd.s32 $0xE, v17;
	[tilespmem:v30+s16+$0x0] =	vst.idx.add.f32.msk $0xffff, v35;
	v39 =	vmul.f32 v31, v6  }
0x9d7: {  	v41 =	vadd.s32 $0xE, v8;
	v15 =	vld.idx.msk [tilespmem:v33+s3+$0x0], $0xffff  }
0x9d8: {  	v42 =	vadd.s32 $0xF, v9;
	[tilespmem:v34+s16+$0x0] =	vst.idx.add.f32.msk $0xffff, v39;
	v43 =	vmul.f32 v3, v6  }
0x9d9: {  	v44 =	vadd.s32 $0xE, v10;
	v45 =	vld.idx.msk [tilespmem:v36+s3+$0x0], $0xffff  }
0x9da: {  	v47 =	vadd.s32 $0xF, v11;
	v46 =	vmul.f32 v37, v6;
	[tilespmem:v38+s16+$0x0] =	vst.idx.add.f32.msk $0xffff, v43  }
0x9db: {  	v48 =	vadd.s32 $0xE, v14;
	v2 =	vld.idx.msk [tilespmem:v40+s3+$0x0], $0xffff  }
0x9dc: {  	v50 =	vadd.s32 $0xF, v13;
	[tilespmem:v41+s16+$0x0] =	vst.idx.add.f32.msk $0xffff, v46;
	v49 =	vmul.f32 v15, v6  }
0x9dd: {  	v9 =	vld.idx.msk [tilespmem:v42+s3+$0x0], $0xffff;
	v51 =	vadd.s32 $0xE, v18  }
0x9de: {  	v53 =	vadd.s32 $0xF, v17;
	[tilespmem:v44+s16+$0x0] =	vst.idx.add.f32.msk $0xffff, v49;
	v52 =	vmul.f32 v45, v6  }
0x9df: {  	v4 =	vld.idx.msk [tilespmem:v47+s3+$0x0], $0xffff  }
0x9e0: {  	[tilespmem:v48+s16+$0x0] =	vst.idx.add.f32.msk $0xffff, v52;
	v54 =	vmul.f32 v2, v6  }
0x9e1: {  	v55 =	vadd.s32 $0xF, v7;
	v56 =	vld.idx.msk [tilespmem:v50+s3+$0x0], $0xffff  }
0x9e2: {  	v57 =	vadd.s32 $0xF, v8;
	[tilespmem:v51+s16+$0x0] =	vst.idx.add.f32.msk $0xffff, v54  }
0x9e3: {  	v58 =	vadd.s32 $0xF, v10;
	v3 =	vld.idx.msk [tilespmem:v53+s3+$0x0], $0xffff  }
0x9e4: {  	v59 =	vmul.f32 v12, v6;
	v60 =	vadd.s32 $0xF, v14  }
0x9e5: {  	v61 =	vadd.s32 $0xF, v18;
	v9 =	vmul.f32 v9, v6  }
0x9e6: {  	[tilespmem:v55+s16+$0x0] =	vst.idx.add.f32.msk $0xffff, v59;
	v62 =	vmul.f32 v4, v6  }
0x9e7: {  	[tilespmem:v57+s16+$0x0] =	vst.idx.add.f32.msk $0xffff, v9;
	v2 =	vmul.f32 v56, v6  }
0x9e8: {  	s17 =	sadd.s32 $0x1, s17;
	[tilespmem:v58+s16+$0x0] =	vst.idx.add.f32.msk $0xffff, v62;
	v63 =	vmul.f32 v3, v6  }
0x9e9: {  	p0 =	sne.s32 s17, s10;
	[tilespmem:v60+s16+$0x0] =	vst.idx.add.f32.msk $0xffff, v2  }
.Ltmp20:
0x9ea: {  	[tilespmem:v61+s16+$0x0] =	vst.idx.add.f32.msk $0xffff, v63;
	(pc) =	sbr.rel @p0 .LBB2_1-.Ltmp20, $4  }
0x9eb: {  	[hbm4b:s9+s3] =	stream.linear.scatter [tilespmem:s16], [sflag:$0x1], $0x89B8, $0x38;
	[tilespmem:$0x1A880] =	vst v63  }
0x9ec: {  	_ =	swait.ge [sflag:s12], $0x89B8  }
0x9ed: {  	[sflag:s12] =	ssyncset.done $0x0  }
0x9ee: {  	[sflag:s12] =	ssyncadd.s32 $0xFFFF7648  }
0x9ef: {  	_ =	sfence.sel $0x180000  }
0x9f0: {  	[bflag:$0x0] =	sbarrier.arrive $0xFFFF  }
0x9f1: {  	p0 =	sne.s32 s2, $0x0;
	_ =	strace $0x90000047  }
0x9f2: {  	s0 =	sadd.s32 @!p0 $0x100000, s0;
	[bflag:$0x2] =	sbarrier.arrive $0xFFFF  }
0x9f3: {  	[sflag:s0] =	ssyncadd.tile.s32 @!p0 $0x1;
	_ =	shalt  }
.Lfunc_end2:
_tile_overlayer_lowered:
.L_overlay_start_2:
0x9f4: {  	(tag) =	ssettag $0x2  }
0x9f5: {  	s0 =	rddreg [dreg:$0x0];
	s2 =	stileid.u32  }
0x9f6: {  	s1 =	rddreg [dreg:$0x1];
	p0 =	sne.s32 s2, $0x0  }
0x9f7: {  	s3 =	rddreg [dreg:$0x2];
	[bflag:$0x3] =	sbarrier.arrive $0xFFFF;
	s2 =	simm.s32 @!p0 $0x1C01  }
0x9f8: {  	[timem:s3], [sflag:s2] =	dma.local @!p0 [hbm:s0], s1  }
0x9f9: {  	s0 =	simm.s32 @!p0 $0x1  }
0x9fa: {  	_ =	swait.ge @!p0 [sflag:s0], s1  }
0x9fb: {  	s1 =	ssub.s32 @!p0 $0x0, s1;
	[sflag:s0] =	ssyncset.done @!p0 $0x0  }
0x9fc: {  	[sflag:s0] =	ssyncadd.s32 @!p0 s1  }
0x9fd: {  	[bflag:$0x3] =	sbarrier.arrive $0xFFFF  }
0x9fe: {  	_ =	shalt  }

</sc_bundles>
